<compile_context>
chip_gen: v7x
topology: tpu7x:2x2x1
jax: 0.10.2.dev20260603
libtpu: 0.0.44.dev20260713+nightly
codegen_flags: <defaults>
</compile_context>

<pallas_src>
import functools

import jax
import jax.numpy as jnp
from jax import lax
from jax.experimental import pallas as pl
from jax.experimental.pallas import tpu as pltpu
from jax.experimental.pallas import tpu_sc as plsc

_V = 65
_B, _L = 4096, 200
_T = _B * _L
_NC, _NS, _LN = 2, 16, 16
_NW = _NC * _NS
_RPW = _B // _NW
_TPW = _T // _NW
_HA, _HB = 104, 96


def _head_kernel(table_ref, w_ref, b_ref, m_ref, lse_ref):
    m = jnp.dot(table_ref[...], w_ref[...],
                preferred_element_type=jnp.float32) + b_ref[...]
    m_ref[...] = m
    lanes = jax.lax.broadcasted_iota(jnp.int32, (_V, 128), 1)
    mm = jnp.where(lanes < _V, m, -jnp.inf)
    mx = jnp.max(mm, axis=1, keepdims=True)
    lse_ref[...] = mx + jnp.log(
        jnp.sum(jnp.where(lanes < _V, jnp.exp(mm - mx), 0.0),
                axis=1, keepdims=True))


_mesh = plsc.VectorSubcoreMesh(core_axis_name="c", subcore_axis_name="s",
                               num_cores=_NC, num_subcores=_NS)


@functools.partial(
    pl.kernel,
    compiler_params=pltpu.CompilerParams(needs_layout_passes=False),
    out_type=(
        jax.ShapeDtypeStruct((_B, _L, _V), jnp.float32),
        jax.ShapeDtypeStruct((_NW, _LN), jnp.float32),
    ),
    mesh=_mesh,
    scratch_types=[
        pltpu.VMEM((_TPW,), jnp.int32),
        pltpu.VMEM((_TPW,), jnp.int32),
        pltpu.VMEM((80,), jnp.float32),
        pltpu.VMEM((_V, 128), jnp.float32),
        pltpu.VMEM((8, _L), jnp.int32),
        pltpu.VMEM((_HA, 128), jnp.float32),
        pltpu.VMEM((_HB, 128), jnp.float32),
        pltpu.VMEM((_HA, _V), jnp.float32),
        pltpu.VMEM((_HB, _V), jnp.float32),
        pltpu.VMEM((_LN,), jnp.float32),
        pltpu.VMEM_SHARED((_V, 128), jnp.float32),
        pltpu.SemaphoreType.DMA,
        pltpu.SemaphoreType.DMA,
        pltpu.SemaphoreType.DMA,
        pltpu.SemaphoreType.DMA,
        pltpu.SemaphoreType.DMA,
    ],
)
def _sc_gather(m_hbm, lse_hbm, x_hbm, t_hbm, out_hbm, parts_hbm,
               xf_v, tf_v, lse_v, m_v, stage_v, rowsa, rowsb, cmpa, cmpb,
               acc_v, m_sh, ssem, gsa, gsb, wsa, wsb):
    sid = lax.axis_index("s")
    wid = sid * _NC + lax.axis_index("c")
    rbase = wid * _RPW

    @pl.when(sid == 0)
    def _():
        pltpu.sync_copy(m_hbm, m_sh)
    plsc.subcore_barrier()

    pltpu.sync_copy(lse_hbm, lse_v)
    pltpu.sync_copy(m_hbm, m_v)

    def stage_slab(src_hbm, dst_flat):
        def slab_body(r8, carry):
            pltpu.sync_copy(src_hbm.at[wid, pl.ds(r8 * 8, 8)], stage_v)
            for j in range(8):
                dst0 = (r8 * 8 + j) * _L
                for s in range(12):
                    dst_flat[pl.ds(dst0 + s * _LN, _LN)] = (
                        stage_v[j, pl.ds(s * _LN, _LN)])
                dst_flat[pl.ds(dst0 + _L - _LN, _LN)] = (
                    stage_v[j, pl.ds(_L - _LN, _LN)])
            return carry
        lax.fori_loop(0, _RPW // 8, slab_body, 0)

    stage_slab(x_hbm, xf_v)
    stage_slab(t_hbm, tf_v)

    def loss_body(k, acc):
        off = k * _LN
        xv = xf_v[pl.ds(off, _LN)]
        tv = tf_v[pl.ds(off, _LN)]
        return acc + (plsc.load_gather(lse_v, [xv])
                      - plsc.load_gather(m_v, [xv, tv]))
    acc = lax.fori_loop(0, _TPW // _LN, loss_body,
                        jnp.zeros((_LN,), jnp.float32))
    acc_v[...] = acc
    pltpu.sync_copy(acc_v, parts_hbm.at[wid])

    def gather_half(r, off, n, rows, sem):
        return pltpu.async_copy(
            m_sh.at[xf_v.at[pl.ds(r * _L + off, n)]], rows, sem)

    def write_half(r, off, n, cmp, sem):
        return pltpu.make_async_copy(
            cmp, out_hbm.at[rbase + r, pl.ds(off, n)], sem)

    def compact(rows, cmp, n):
        ngrp, tail = n // _LN, n % _LN
        def grp(g, carry):
            jb = g * _LN
            for j in range(_LN):
                for o in (0, 16, 32, 48, 49):
                    cmp[jb + j, pl.ds(o, _LN)] = rows[jb + j, pl.ds(o, _LN)]
            return carry
        lax.fori_loop(0, ngrp, grp, 0)
        for j in range(ngrp * _LN, ngrp * _LN + tail):
            for o in (0, 16, 32, 48, 49):
                cmp[j, pl.ds(o, _LN)] = rows[j, pl.ds(o, _LN)]

    gather_half(0, 0, _HA, rowsa, gsa)
    gather_half(0, _HA, _HB, rowsb, gsb)

    def row_body(i, carry):
        @pl.when(i > 0)
        def _():
            write_half(i - 1, 0, _HA, cmpa, wsa).wait()
            write_half(i - 1, _HA, _HB, cmpb, wsb).wait()
        pltpu.make_async_copy(
            m_sh.at[xf_v.at[pl.ds(i * _L, _HA)]], rowsa, gsa).wait()
        compact(rowsa, cmpa, _HA)
        write_half(i, 0, _HA, cmpa, wsa).start()
        @pl.when(i < _RPW - 1)
        def _():
            gather_half(i + 1, 0, _HA, rowsa, gsa)
        pltpu.make_async_copy(
            m_sh.at[xf_v.at[pl.ds(i * _L + _HA, _HB)]], rowsb, gsb).wait()
        compact(rowsb, cmpb, _HB)
        write_half(i, _HA, _HB, cmpb, wsb).start()
        @pl.when(i < _RPW - 1)
        def _():
            gather_half(i + 1, _HA, _HB, rowsb, gsb)
        return carry

    lax.fori_loop(0, _RPW, row_body, 0)
    write_half(_RPW - 1, 0, _HA, cmpa, wsa).wait()
    write_half(_RPW - 1, _HA, _HB, cmpb, wsb).wait()


def kernel(x, targets, table, W, b):
    w128 = jnp.pad(W, ((0, 0), (0, 128 - _V)))
    b128 = jnp.pad(b, (0, 128 - _V)).reshape(1, 128)
    m, lse = pl.pallas_call(
        _head_kernel,
        out_shape=(
            jax.ShapeDtypeStruct((_V, 128), jnp.float32),
            jax.ShapeDtypeStruct((_V, 1), jnp.float32),
        ),
    )(table, w128, b128)

    lse80 = jnp.pad(lse[:, 0], (0, 80 - _V))
    x3 = x.reshape(_NW, _RPW, _L)
    t3 = targets.reshape(_NW, _RPW, _L)
    logits, parts = _sc_gather(m, lse80, x3, t3)
    loss = jnp.sum(parts) / _T
    return (logits, loss)

# --- scband reference (transcript-rebuilt; emitter-appended) ---
"""Pipeline reference for scband-bigram-lm-6116033430086 (READ-ONLY COPY).

The authoritative reference and input builder live on the scoring server;
editing this copy changes nothing except your own understanding.
"""

import jax, jax.numpy as jnp
import numpy as np

VOCAB_SIZE = 65
N_EMBD = 32
B, L = 4096, 200

def setup_inputs(seed: int = 0):
    key = jax.random.key(seed)
    kx, kt, ke, kw = jax.random.split(key, 4)
    x = jax.random.randint(kx, (B, L), 0, VOCAB_SIZE)
    targets = jax.random.randint(kt, (B, L), 0, VOCAB_SIZE)
    table = jax.random.normal(ke, (VOCAB_SIZE, N_EMBD), dtype=jnp.float32)
    W = jax.random.normal(kw, (N_EMBD, VOCAB_SIZE), dtype=jnp.float32) * (1.0 / np.sqrt(N_EMBD))
    b = jnp.zeros((VOCAB_SIZE,), dtype=jnp.float32)
    return {"x": x, "targets": targets, "table": table, "W": W, "b": b}

def reference(x, targets, table, W, b):
    # tok_emb = nn.Embedding lookup
    tok_emb = jnp.take(table, x, axis=0)              # [B, L, n_embd]
    # lm_head linear
    logits = jnp.einsum('bld,dv->blv', tok_emb, W) + b  # [B, L, vocab]
    # F.cross_entropy(logits.transpose(-1,-2), targets) == mean NLL over B*L
    logp = jax.nn.log_softmax(logits, axis=-1)
    nll = -jnp.take_along_axis(logp, targets[..., None], axis=-1).squeeze(-1)
    loss = jnp.mean(nll)
    return (logits, loss)

if __name__ == "__main__":
    import jax
    _d = setup_inputs()
    print(jax.jit(kernel)(*tuple(_d.values())))

</pallas_src>

<mosaic_0001>
#map = affine_map<(d0, d1) -> (0, 0)>
#map1 = affine_map<(d0, d1) -> (0)>
#map2 = affine_map<(d0, d1) -> (0, 0, 0)>
module attributes {stable_mosaic.version = 14 : i64} {
  func.func @_sc_gather(%arg0: i32, %arg1: i32, %arg2: memref<65x128xf32, #tpu.memory_space<hbm>>, %arg3: memref<80xf32, #tpu.memory_space<hbm>>, %arg4: memref<32x128x200xi32, #tpu.memory_space<hbm>>, %arg5: memref<32x128x200xi32, #tpu.memory_space<hbm>>, %arg6: memref<4096x200x65xf32, #tpu.memory_space<hbm>>, %arg7: memref<32x16xf32, #tpu.memory_space<hbm>>, %arg8: memref<25600xi32, #tpu.memory_space<vmem>>, %arg9: memref<25600xi32, #tpu.memory_space<vmem>>, %arg10: memref<80xf32, #tpu.memory_space<vmem>>, %arg11: memref<65x128xf32, #tpu.memory_space<vmem>>, %arg12: memref<8x200xi32, #tpu.memory_space<vmem>>, %arg13: memref<104x128xf32, #tpu.memory_space<vmem>>, %arg14: memref<96x128xf32, #tpu.memory_space<vmem>>, %arg15: memref<104x65xf32, #tpu.memory_space<vmem>>, %arg16: memref<96x65xf32, #tpu.memory_space<vmem>>, %arg17: memref<16xf32, #tpu.memory_space<vmem>>, %arg18: memref<65x128xf32, #tpu.memory_space<vmem_shared>>, %arg19: memref<!tpu.dma_semaphore, #tpu.memory_space<semaphore_mem>>, %arg20: memref<!tpu.dma_semaphore, #tpu.memory_space<semaphore_mem>>, %arg21: memref<!tpu.dma_semaphore, #tpu.memory_space<semaphore_mem>>, %arg22: memref<!tpu.dma_semaphore, #tpu.memory_space<semaphore_mem>>, %arg23: memref<!tpu.dma_semaphore, #tpu.memory_space<semaphore_mem>>) attributes {dimension_semantics = [#tpu.dimension_semantics<core_parallel>, #tpu.dimension_semantics<subcore_parallel>], iteration_bounds = array<i64: 2, 16>, scalar_prefetch = 0 : i64, scratch_operands = 16 : i64, tpu.core_type = #tpu.core_type<sc_vector_subcore>, window_params = [{transform_indices = #map}, {transform_indices = #map1}, {transform_indices = #map2}, {transform_indices = #map2}, {transform_indices = #map2}, {transform_indices = #map}]} {
    %mul3A = arith.constant 2 : i32
    %mul3A_0 = arith.muli %arg1, %mul3A : i32
    %add3A = arith.addi %mul3A_0, %arg0 : i32
    %mul3A_1 = arith.constant 128 : i32
    %mul3A_2 = arith.muli %add3A, %mul3A_1 : i32
    %eq3A = arith.constant 0 : i32
    %eq3A_3 = arith.cmpi eq, %arg1, %eq3A : i32
    %convert_element_type3A = arith.extui %eq3A_3 : i1 to i32
    %cond3A = arith.constant 0 : i32
    %cond3A_4 = arith.cmpi ne, %convert_element_type3A, %cond3A : i32
    scf.if %cond3A_4 {
      "tpu.region"() ({
        %run_scoped3A = tpu.sem_alloc : memref<!tpu.dma_semaphore, #tpu.memory_space<semaphore_mem>>
        tpu.enqueue_dma source(%arg2 : memref<65x128xf32, #tpu.memory_space<hbm>>) target(%arg18 : memref<65x128xf32, #tpu.memory_space<vmem_shared>>) target_semaphore(%run_scoped3A : memref<!tpu.dma_semaphore, #tpu.memory_space<semaphore_mem>>)
        tpu.wait_dma2 semaphore(%run_scoped3A : memref<!tpu.dma_semaphore, #tpu.memory_space<semaphore_mem>>) src(%arg2 : memref<65x128xf32, #tpu.memory_space<hbm>>) dst(%arg18 : memref<65x128xf32, #tpu.memory_space<vmem_shared>>)
        tpu.yield
      }) : () -> ()
    } else {
    }
    %barrier3A = arith.constant 0 : index
    tpu.barrier barrier_id(%barrier3A)
    "tpu.region"() ({
      %run_scoped3A = tpu.sem_alloc : memref<!tpu.dma_semaphore, #tpu.memory_space<semaphore_mem>>
      tpu.enqueue_dma source(%arg3 : memref<80xf32, #tpu.memory_space<hbm>>) target(%arg10 : memref<80xf32, #tpu.memory_space<vmem>>) target_semaphore(%run_scoped3A : memref<!tpu.dma_semaphore, #tpu.memory_space<semaphore_mem>>)
      tpu.wait_dma2 semaphore(%run_scoped3A : memref<!tpu.dma_semaphore, #tpu.memory_space<semaphore_mem>>) src(%arg3 : memref<80xf32, #tpu.memory_space<hbm>>) dst(%arg10 : memref<80xf32, #tpu.memory_space<vmem>>)
      tpu.yield
    }) : () -> ()
    "tpu.region"() ({
      %run_scoped3A = tpu.sem_alloc : memref<!tpu.dma_semaphore, #tpu.memory_space<semaphore_mem>>
      tpu.enqueue_dma source(%arg2 : memref<65x128xf32, #tpu.memory_space<hbm>>) target(%arg11 : memref<65x128xf32, #tpu.memory_space<vmem>>) target_semaphore(%run_scoped3A : memref<!tpu.dma_semaphore, #tpu.memory_space<semaphore_mem>>)
      tpu.wait_dma2 semaphore(%run_scoped3A : memref<!tpu.dma_semaphore, #tpu.memory_space<semaphore_mem>>) src(%arg2 : memref<65x128xf32, #tpu.memory_space<hbm>>) dst(%arg11 : memref<65x128xf32, #tpu.memory_space<vmem>>)
      tpu.yield
    }) : () -> ()
    %scan3A = arith.constant 0 : i32
    %scan3A_5 = arith.constant 0 : i32
    %scan3A_6 = arith.constant 16 : i32
    %scan3A_7 = arith.addi %scan3A_5, %scan3A_6 : i32
    %scan3A_8 = arith.constant 1 : i32
    scf.for %scan3A_58 = %scan3A_5 to %scan3A_7 step %scan3A_8  : i32 {
      %mul3A_59 = arith.constant 8 : i32
      %mul3A_60 = arith.muli %scan3A_58, %mul3A_59 : i32
      "tpu.region"() ({
        %run_scoped3A = tpu.sem_alloc : memref<!tpu.dma_semaphore, #tpu.memory_space<semaphore_mem>>
        %dma_start3A_955 = arith.constant 0 : i32
        %dma_start3A_956 = tpu.memref_slice %arg4[%add3A, %mul3A_60, %dma_start3A_955] : memref<32x128x200xi32, #tpu.memory_space<hbm>> -> memref<1x8x200xi32, #tpu.memory_space<hbm>>
        %dma_start3A_957 = tpu.memref_squeeze %dma_start3A_956 : memref<1x8x200xi32, #tpu.memory_space<hbm>> -> memref<8x200xi32, #tpu.memory_space<hbm>>
        %dma_start3A_958 = arith.constant 0 : i32
        %dma_start3A_959 = tpu.memref_slice %arg4[%add3A, %mul3A_60, %dma_start3A_958] : memref<32x128x200xi32, #tpu.memory_space<hbm>> -> memref<1x8x200xi32, #tpu.memory_space<hbm>>
        %dma_start3A_960 = tpu.memref_squeeze %dma_start3A_959 : memref<1x8x200xi32, #tpu.memory_space<hbm>> -> memref<8x200xi32, #tpu.memory_space<hbm>>
        tpu.enqueue_dma source(%dma_start3A_960 : memref<8x200xi32, #tpu.memory_space<hbm>>) target(%arg12 : memref<8x200xi32, #tpu.memory_space<vmem>>) target_semaphore(%run_scoped3A : memref<!tpu.dma_semaphore, #tpu.memory_space<semaphore_mem>>)
        %dma_wait3A_961 = arith.constant 0 : i32
        %dma_wait3A_962 = tpu.memref_slice %arg4[%add3A, %mul3A_60, %dma_wait3A_961] : memref<32x128x200xi32, #tpu.memory_space<hbm>> -> memref<1x8x200xi32, #tpu.memory_space<hbm>>
        %dma_wait3A_963 = tpu.memref_squeeze %dma_wait3A_962 : memref<1x8x200xi32, #tpu.memory_space<hbm>> -> memref<8x200xi32, #tpu.memory_space<hbm>>
        %dma_wait3A_964 = arith.constant 0 : i32
        %dma_wait3A_965 = tpu.memref_slice %arg4[%add3A, %mul3A_60, %dma_wait3A_964] : memref<32x128x200xi32, #tpu.memory_space<hbm>> -> memref<1x8x200xi32, #tpu.memory_space<hbm>>
        %dma_wait3A_966 = tpu.memref_squeeze %dma_wait3A_965 : memref<1x8x200xi32, #tpu.memory_space<hbm>> -> memref<8x200xi32, #tpu.memory_space<hbm>>
        tpu.wait_dma2 semaphore(%run_scoped3A : memref<!tpu.dma_semaphore, #tpu.memory_space<semaphore_mem>>) src(%dma_wait3A_966 : memref<8x200xi32, #tpu.memory_space<hbm>>) dst(%arg12 : memref<8x200xi32, #tpu.memory_space<vmem>>)
        tpu.yield
      }) : () -> ()
      %mul3A_61 = arith.constant 8 : i32
      %mul3A_62 = arith.muli %scan3A_58, %mul3A_61 : i32
      %add3A_63 = arith.constant 0 : i32
      %add3A_64 = arith.addi %mul3A_62, %add3A_63 : i32
      %mul3A_65 = arith.constant 200 : i32
      %mul3A_66 = arith.muli %add3A_64, %mul3A_65 : i32
      %get3A = arith.constant 0 : i32
      %get3A_67 = arith.index_cast %get3A : i32 to index
      %get3A_68 = arith.constant 0 : index
      %get3A_69 = tpu.vector_load %arg12[%get3A_67, %get3A_68] {strides = array<i32>} : memref<8x200xi32, #tpu.memory_space<vmem>>, vector<16xi32>,
      %add3A_70 = arith.constant 0 : i32
      %add3A_71 = arith.addi %mul3A_66, %add3A_70 : i32
      %swap3A_72 = arith.index_cast %add3A_71 : i32 to index
      %swap3A_73 = tpu.vector_load %arg8[%swap3A_72] {strides = array<i32>} : memref<25600xi32, #tpu.memory_space<vmem>>, vector<16xi32>,
      tpu.vector_store %arg8[%swap3A_72], %get3A_69 {strides = array<i32>} : memref<25600xi32, #tpu.memory_space<vmem>>, vector<16xi32>,
      %get3A_74 = arith.constant 0 : i32
      %get3A_75 = arith.index_cast %get3A_74 : i32 to index
      %get3A_76 = arith.constant 16 : index
      %get3A_77 = tpu.vector_load %arg12[%get3A_75, %get3A_76] {strides = array<i32>} : memref<8x200xi32, #tpu.memory_space<vmem>>, vector<16xi32>,
      %add3A_78 = arith.constant 16 : i32
      %add3A_79 = arith.addi %mul3A_66, %add3A_78 : i32
      %swap3A_80 = arith.index_cast %add3A_79 : i32 to index
      %swap3A_81 = tpu.vector_load %arg8[%swap3A_80] {strides = array<i32>} : memref<25600xi32, #tpu.memory_space<vmem>>, vector<16xi32>,
      tpu.vector_store %arg8[%swap3A_80], %get3A_77 {strides = array<i32>} : memref<25600xi32, #tpu.memory_space<vmem>>, vector<16xi32>,
      %get3A_82 = arith.constant 0 : i32
      %get3A_83 = arith.index_cast %get3A_82 : i32 to index
      %get3A_84 = arith.constant 32 : index
      %get3A_85 = tpu.vector_load %arg12[%get3A_83, %get3A_84] {strides = array<i32>} : memref<8x200xi32, #tpu.memory_space<vmem>>, vector<16xi32>,
      %add3A_86 = arith.constant 32 : i32
      %add3A_87 = arith.addi %mul3A_66, %add3A_86 : i32
      %swap3A_88 = arith.index_cast %add3A_87 : i32 to index
      %swap3A_89 = tpu.vector_load %arg8[%swap3A_88] {strides = array<i32>} : memref<25600xi32, #tpu.memory_space<vmem>>, vector<16xi32>,
      tpu.vector_store %arg8[%swap3A_88], %get3A_85 {strides = array<i32>} : memref<25600xi32, #tpu.memory_space<vmem>>, vector<16xi32>,
      %get3A_90 = arith.constant 0 : i32
      %get3A_91 = arith.index_cast %get3A_90 : i32 to index
      %get3A_92 = arith.constant 48 : index
      %get3A_93 = tpu.vector_load %arg12[%get3A_91, %get3A_92] {strides = array<i32>} : memref<8x200xi32, #tpu.memory_space<vmem>>, vector<16xi32>,
      %add3A_94 = arith.constant 48 : i32
      %add3A_95 = arith.addi %mul3A_66, %add3A_94 : i32
      %swap3A_96 = arith.index_cast %add3A_95 : i32 to index
      %swap3A_97 = tpu.vector_load %arg8[%swap3A_96] {strides = array<i32>} : memref<25600xi32, #tpu.memory_space<vmem>>, vector<16xi32>,
      tpu.vector_store %arg8[%swap3A_96], %get3A_93 {strides = array<i32>} : memref<25600xi32, #tpu.memory_space<vmem>>, vector<16xi32>,
      %get3A_98 = arith.constant 0 : i32
      %get3A_99 = arith.index_cast %get3A_98 : i32 to index
      %get3A_100 = arith.constant 64 : index
      %get3A_101 = tpu.vector_load %arg12[%get3A_99, %get3A_100] {strides = array<i32>} : memref<8x200xi32, #tpu.memory_space<vmem>>, vector<16xi32>,
      %add3A_102 = arith.constant 64 : i32
      %add3A_103 = arith.addi %mul3A_66, %add3A_102 : i32
      %swap3A_104 = arith.index_cast %add3A_103 : i32 to index
      %swap3A_105 = tpu.vector_load %arg8[%swap3A_104] {strides = array<i32>} : memref<25600xi32, #tpu.memory_space<vmem>>, vector<16xi32>,
      tpu.vector_store %arg8[%swap3A_104], %get3A_101 {strides = array<i32>} : memref<25600xi32, #tpu.memory_space<vmem>>, vector<16xi32>,
      %get3A_106 = arith.constant 0 : i32
      %get3A_107 = arith.index_cast %get3A_106 : i32 to index
      %get3A_108 = arith.constant 80 : index
      %get3A_109 = tpu.vector_load %arg12[%get3A_107, %get3A_108] {strides = array<i32>} : memref<8x200xi32, #tpu.memory_space<vmem>>, vector<16xi32>,
      %add3A_110 = arith.constant 80 : i32
      %add3A_111 = arith.addi %mul3A_66, %add3A_110 : i32
      %swap3A_112 = arith.index_cast %add3A_111 : i32 to index
      %swap3A_113 = tpu.vector_load %arg8[%swap3A_112] {strides = array<i32>} : memref<25600xi32, #tpu.memory_space<vmem>>, vector<16xi32>,
      tpu.vector_store %arg8[%swap3A_112], %get3A_109 {strides = array<i32>} : memref<25600xi32, #tpu.memory_space<vmem>>, vector<16xi32>,
      %get3A_114 = arith.constant 0 : i32
      %get3A_115 = arith.index_cast %get3A_114 : i32 to index
      %get3A_116 = arith.constant 96 : index
      %get3A_117 = tpu.vector_load %arg12[%get3A_115, %get3A_116] {strides = array<i32>} : memref<8x200xi32, #tpu.memory_space<vmem>>, vector<16xi32>,
      %add3A_118 = arith.constant 96 : i32
      %add3A_119 = arith.addi %mul3A_66, %add3A_118 : i32
      %swap3A_120 = arith.index_cast %add3A_119 : i32 to index
      %swap3A_121 = tpu.vector_load %arg8[%swap3A_120] {strides = array<i32>} : memref<25600xi32, #tpu.memory_space<vmem>>, vector<16xi32>,
      tpu.vector_store %arg8[%swap3A_120], %get3A_117 {strides = array<i32>} : memref<25600xi32, #tpu.memory_space<vmem>>, vector<16xi32>,
      %get3A_122 = arith.constant 0 : i32
      %get3A_123 = arith.index_cast %get3A_122 : i32 to index
      %get3A_124 = arith.constant 112 : index
      %get3A_125 = tpu.vector_load %arg12[%get3A_123, %get3A_124] {strides = array<i32>} : memref<8x200xi32, #tpu.memory_space<vmem>>, vector<16xi32>,
      %add3A_126 = arith.constant 112 : i32
      %add3A_127 = arith.addi %mul3A_66, %add3A_126 : i32
      %swap3A_128 = arith.index_cast %add3A_127 : i32 to index
      %swap3A_129 = tpu.vector_load %arg8[%swap3A_128] {strides = array<i32>} : memref<25600xi32, #tpu.memory_space<vmem>>, vector<16xi32>,
      tpu.vector_store %arg8[%swap3A_128], %get3A_125 {strides = array<i32>} : memref<25600xi32, #tpu.memory_space<vmem>>, vector<16xi32>,
      %get3A_130 = arith.constant 0 : i32
      %get3A_131 = arith.index_cast %get3A_130 : i32 to index
      %get3A_132 = arith.constant 128 : index
      %get3A_133 = tpu.vector_load %arg12[%get3A_131, %get3A_132] {strides = array<i32>} : memref<8x200xi32, #tpu.memory_space<vmem>>, vector<16xi32>,
      %add3A_134 = arith.constant 128 : i32
      %add3A_135 = arith.addi %mul3A_66, %add3A_134 : i32
      %swap3A_136 = arith.index_cast %add3A_135 : i32 to index
      %swap3A_137 = tpu.vector_load %arg8[%swap3A_136] {strides = array<i32>} : memref<25600xi32, #tpu.memory_space<vmem>>, vector<16xi32>,
      tpu.vector_store %arg8[%swap3A_136], %get3A_133 {strides = array<i32>} : memref<25600xi32, #tpu.memory_space<vmem>>, vector<16xi32>,
      %get3A_138 = arith.constant 0 : i32
      %get3A_139 = arith.index_cast %get3A_138 : i32 to index
      %get3A_140 = arith.constant 144 : index
      %get3A_141 = tpu.vector_load %arg12[%get3A_139, %get3A_140] {strides = array<i32>} : memref<8x200xi32, #tpu.memory_space<vmem>>, vector<16xi32>,
      %add3A_142 = arith.constant 144 : i32
      %add3A_143 = arith.addi %mul3A_66, %add3A_142 : i32
      %swap3A_144 = arith.index_cast %add3A_143 : i32 to index
      %swap3A_145 = tpu.vector_load %arg8[%swap3A_144] {strides = array<i32>} : memref<25600xi32, #tpu.memory_space<vmem>>, vector<16xi32>,
      tpu.vector_store %arg8[%swap3A_144], %get3A_141 {strides = array<i32>} : memref<25600xi32, #tpu.memory_space<vmem>>, vector<16xi32>,
      %get3A_146 = arith.constant 0 : i32
      %get3A_147 = arith.index_cast %get3A_146 : i32 to index
      %get3A_148 = arith.constant 160 : index
      %get3A_149 = tpu.vector_load %arg12[%get3A_147, %get3A_148] {strides = array<i32>} : memref<8x200xi32, #tpu.memory_space<vmem>>, vector<16xi32>,
      %add3A_150 = arith.constant 160 : i32
      %add3A_151 = arith.addi %mul3A_66, %add3A_150 : i32
      %swap3A_152 = arith.index_cast %add3A_151 : i32 to index
      %swap3A_153 = tpu.vector_load %arg8[%swap3A_152] {strides = array<i32>} : memref<25600xi32, #tpu.memory_space<vmem>>, vector<16xi32>,
      tpu.vector_store %arg8[%swap3A_152], %get3A_149 {strides = array<i32>} : memref<25600xi32, #tpu.memory_space<vmem>>, vector<16xi32>,
      %get3A_154 = arith.constant 0 : i32
      %get3A_155 = arith.index_cast %get3A_154 : i32 to index
      %get3A_156 = arith.constant 176 : index
      %get3A_157 = tpu.vector_load %arg12[%get3A_155, %get3A_156] {strides = array<i32>} : memref<8x200xi32, #tpu.memory_space<vmem>>, vector<16xi32>,
      %add3A_158 = arith.constant 176 : i32
      %add3A_159 = arith.addi %mul3A_66, %add3A_158 : i32
      %swap3A_160 = arith.index_cast %add3A_159 : i32 to index
      %swap3A_161 = tpu.vector_load %arg8[%swap3A_160] {strides = array<i32>} : memref<25600xi32, #tpu.memory_space<vmem>>, vector<16xi32>,
      tpu.vector_store %arg8[%swap3A_160], %get3A_157 {strides = array<i32>} : memref<25600xi32, #tpu.memory_space<vmem>>, vector<16xi32>,
      %get3A_162 = arith.constant 0 : i32
      %get3A_163 = arith.index_cast %get3A_162 : i32 to index
      %get3A_164 = arith.constant 184 : index
      %get3A_165 = tpu.vector_load %arg12[%get3A_163, %get3A_164] {strides = array<i32>} : memref<8x200xi32, #tpu.memory_space<vmem>>, vector<16xi32>,
      %add3A_166 = arith.constant 200 : i32
      %add3A_167 = arith.addi %mul3A_66, %add3A_166 : i32
      %sub3A = arith.constant 16 : i32
      %sub3A_168 = arith.subi %add3A_167, %sub3A : i32
      %swap3A_169 = arith.index_cast %sub3A_168 : i32 to index
      %swap3A_170 = tpu.vector_load %arg8[%swap3A_169] {strides = array<i32>} : memref<25600xi32, #tpu.memory_space<vmem>>, vector<16xi32>,
      tpu.vector_store %arg8[%swap3A_169], %get3A_165 {strides = array<i32>} : memref<25600xi32, #tpu.memory_space<vmem>>, vector<16xi32>,
      %mul3A_171 = arith.constant 8 : i32
      %mul3A_172 = arith.muli %scan3A_58, %mul3A_171 : i32
      %add3A_173 = arith.constant 1 : i32
      %add3A_174 = arith.addi %mul3A_172, %add3A_173 : i32
      %mul3A_175 = arith.constant 200 : i32
      %mul3A_176 = arith.muli %add3A_174, %mul3A_175 : i32
      %get3A_177 = arith.constant 1 : i32
      %get3A_178 = arith.index_cast %get3A_177 : i32 to index
      %get3A_179 = arith.constant 0 : index
      %get3A_180 = tpu.vector_load %arg12[%get3A_178, %get3A_179] {strides = array<i32>} : memref<8x200xi32, #tpu.memory_space<vmem>>, vector<16xi32>,
      %add3A_181 = arith.constant 0 : i32
      %add3A_182 = arith.addi %mul3A_176, %add3A_181 : i32
      %swap3A_183 = arith.index_cast %add3A_182 : i32 to index
      %swap3A_184 = tpu.vector_load %arg8[%swap3A_183] {strides = array<i32>} : memref<25600xi32, #tpu.memory_space<vmem>>, vector<16xi32>,
      tpu.vector_store %arg8[%swap3A_183], %get3A_180 {strides = array<i32>} : memref<25600xi32, #tpu.memory_space<vmem>>, vector<16xi32>,
      %get3A_185 = arith.constant 1 : i32
      %get3A_186 = arith.index_cast %get3A_185 : i32 to index
      %get3A_187 = arith.constant 16 : index
      %get3A_188 = tpu.vector_load %arg12[%get3A_186, %get3A_187] {strides = array<i32>} : memref<8x200xi32, #tpu.memory_space<vmem>>, vector<16xi32>,
      %add3A_189 = arith.constant 16 : i32
      %add3A_190 = arith.addi %mul3A_176, %add3A_189 : i32
      %swap3A_191 = arith.index_cast %add3A_190 : i32 to index
      %swap3A_192 = tpu.vector_load %arg8[%swap3A_191] {strides = array<i32>} : memref<25600xi32, #tpu.memory_space<vmem>>, vector<16xi32>,
      tpu.vector_store %arg8[%swap3A_191], %get3A_188 {strides = array<i32>} : memref<25600xi32, #tpu.memory_space<vmem>>, vector<16xi32>,
      %get3A_193 = arith.constant 1 : i32
      %get3A_194 = arith.index_cast %get3A_193 : i32 to index
      %get3A_195 = arith.constant 32 : index
      %get3A_196 = tpu.vector_load %arg12[%get3A_194, %get3A_195] {strides = array<i32>} : memref<8x200xi32, #tpu.memory_space<vmem>>, vector<16xi32>,
      %add3A_197 = arith.constant 32 : i32
      %add3A_198 = arith.addi %mul3A_176, %add3A_197 : i32
      %swap3A_199 = arith.index_cast %add3A_198 : i32 to index
      %swap3A_200 = tpu.vector_load %arg8[%swap3A_199] {strides = array<i32>} : memref<25600xi32, #tpu.memory_space<vmem>>, vector<16xi32>,
      tpu.vector_store %arg8[%swap3A_199], %get3A_196 {strides = array<i32>} : memref<25600xi32, #tpu.memory_space<vmem>>, vector<16xi32>,
      %get3A_201 = arith.constant 1 : i32
      %get3A_202 = arith.index_cast %get3A_201 : i32 to index
      %get3A_203 = arith.constant 48 : index
      %get3A_204 = tpu.vector_load %arg12[%get3A_202, %get3A_203] {strides = array<i32>} : memref<8x200xi32, #tpu.memory_space<vmem>>, vector<16xi32>,
      %add3A_205 = arith.constant 48 : i32
      %add3A_206 = arith.addi %mul3A_176, %add3A_205 : i32
      %swap3A_207 = arith.index_cast %add3A_206 : i32 to index
      %swap3A_208 = tpu.vector_load %arg8[%swap3A_207] {strides = array<i32>} : memref<25600xi32, #tpu.memory_space<vmem>>, vector<16xi32>,
      tpu.vector_store %arg8[%swap3A_207], %get3A_204 {strides = array<i32>} : memref<25600xi32, #tpu.memory_space<vmem>>, vector<16xi32>,
      %get3A_209 = arith.constant 1 : i32
      %get3A_210 = arith.index_cast %get3A_209 : i32 to index
      %get3A_211 = arith.constant 64 : index
      %get3A_212 = tpu.vector_load %arg12[%get3A_210, %get3A_211] {strides = array<i32>} : memref<8x200xi32, #tpu.memory_space<vmem>>, vector<16xi32>,
      %add3A_213 = arith.constant 64 : i32
      %add3A_214 = arith.addi %mul3A_176, %add3A_213 : i32
      %swap3A_215 = arith.index_cast %add3A_214 : i32 to index
      %swap3A_216 = tpu.vector_load %arg8[%swap3A_215] {strides = array<i32>} : memref<25600xi32, #tpu.memory_space<vmem>>, vector<16xi32>,
      tpu.vector_store %arg8[%swap3A_215], %get3A_212 {strides = array<i32>} : memref<25600xi32, #tpu.memory_space<vmem>>, vector<16xi32>,
      %get3A_217 = arith.constant 1 : i32
      %get3A_218 = arith.index_cast %get3A_217 : i32 to index
      %get3A_219 = arith.constant 80 : index
      %get3A_220 = tpu.vector_load %arg12[%get3A_218, %get3A_219] {strides = array<i32>} : memref<8x200xi32, #tpu.memory_space<vmem>>, vector<16xi32>,
      %add3A_221 = arith.constant 80 : i32
      %add3A_222 = arith.addi %mul3A_176, %add3A_221 : i32
      %swap3A_223 = arith.index_cast %add3A_222 : i32 to index
      %swap3A_224 = tpu.vector_load %arg8[%swap3A_223] {strides = array<i32>} : memref<25600xi32, #tpu.memory_space<vmem>>, vector<16xi32>,
      tpu.vector_store %arg8[%swap3A_223], %get3A_220 {strides = array<i32>} : memref<25600xi32, #tpu.memory_space<vmem>>, vector<16xi32>,
      %get3A_225 = arith.constant 1 : i32
      %get3A_226 = arith.index_cast %get3A_225 : i32 to index
      %get3A_227 = arith.constant 96 : index
      %get3A_228 = tpu.vector_load %arg12[%get3A_226, %get3A_227] {strides = array<i32>} : memref<8x200xi32, #tpu.memory_space<vmem>>, vector<16xi32>,
      %add3A_229 = arith.constant 96 : i32
      %add3A_230 = arith.addi %mul3A_176, %add3A_229 : i32
      %swap3A_231 = arith.index_cast %add3A_230 : i32 to index
      %swap3A_232 = tpu.vector_load %arg8[%swap3A_231] {strides = array<i32>} : memref<25600xi32, #tpu.memory_space<vmem>>, vector<16xi32>,
      tpu.vector_store %arg8[%swap3A_231], %get3A_228 {strides = array<i32>} : memref<25600xi32, #tpu.memory_space<vmem>>, vector<16xi32>,
      %get3A_233 = arith.constant 1 : i32
      %get3A_234 = arith.index_cast %get3A_233 : i32 to index
      %get3A_235 = arith.constant 112 : index
      %get3A_236 = tpu.vector_load %arg12[%get3A_234, %get3A_235] {strides = array<i32>} : memref<8x200xi32, #tpu.memory_space<vmem>>, vector<16xi32>,
      %add3A_237 = arith.constant 112 : i32
      %add3A_238 = arith.addi %mul3A_176, %add3A_237 : i32
      %swap3A_239 = arith.index_cast %add3A_238 : i32 to index
      %swap3A_240 = tpu.vector_load %arg8[%swap3A_239] {strides = array<i32>} : memref<25600xi32, #tpu.memory_space<vmem>>, vector<16xi32>,
      tpu.vector_store %arg8[%swap3A_239], %get3A_236 {strides = array<i32>} : memref<25600xi32, #tpu.memory_space<vmem>>, vector<16xi32>,
      %get3A_241 = arith.constant 1 : i32
      %get3A_242 = arith.index_cast %get3A_241 : i32 to index
      %get3A_243 = arith.constant 128 : index
      %get3A_244 = tpu.vector_load %arg12[%get3A_242, %get3A_243] {strides = array<i32>} : memref<8x200xi32, #tpu.memory_space<vmem>>, vector<16xi32>,
      %add3A_245 = arith.constant 128 : i32
      %add3A_246 = arith.addi %mul3A_176, %add3A_245 : i32
      %swap3A_247 = arith.index_cast %add3A_246 : i32 to index
      %swap3A_248 = tpu.vector_load %arg8[%swap3A_247] {strides = array<i32>} : memref<25600xi32, #tpu.memory_space<vmem>>, vector<16xi32>,
      tpu.vector_store %arg8[%swap3A_247], %get3A_244 {strides = array<i32>} : memref<25600xi32, #tpu.memory_space<vmem>>, vector<16xi32>,
      %get3A_249 = arith.constant 1 : i32
      %get3A_250 = arith.index_cast %get3A_249 : i32 to index
      %get3A_251 = arith.constant 144 : index
      %get3A_252 = tpu.vector_load %arg12[%get3A_250, %get3A_251] {strides = array<i32>} : memref<8x200xi32, #tpu.memory_space<vmem>>, vector<16xi32>,
      %add3A_253 = arith.constant 144 : i32
      %add3A_254 = arith.addi %mul3A_176, %add3A_253 : i32
      %swap3A_255 = arith.index_cast %add3A_254 : i32 to index
      %swap3A_256 = tpu.vector_load %arg8[%swap3A_255] {strides = array<i32>} : memref<25600xi32, #tpu.memory_space<vmem>>, vector<16xi32>,
      tpu.vector_store %arg8[%swap3A_255], %get3A_252 {strides = array<i32>} : memref<25600xi32, #tpu.memory_space<vmem>>, vector<16xi32>,
      %get3A_257 = arith.constant 1 : i32
      %get3A_258 = arith.index_cast %get3A_257 : i32 to index
      %get3A_259 = arith.constant 160 : index
      %get3A_260 = tpu.vector_load %arg12[%get3A_258, %get3A_259] {strides = array<i32>} : memref<8x200xi32, #tpu.memory_space<vmem>>, vector<16xi32>,
      %add3A_261 = arith.constant 160 : i32
      %add3A_262 = arith.addi %mul3A_176, %add3A_261 : i32
      %swap3A_263 = arith.index_cast %add3A_262 : i32 to index
      %swap3A_264 = tpu.vector_load %arg8[%swap3A_263] {strides = array<i32>} : memref<25600xi32, #tpu.memory_space<vmem>>, vector<16xi32>,
      tpu.vector_store %arg8[%swap3A_263], %get3A_260 {strides = array<i32>} : memref<25600xi32, #tpu.memory_space<vmem>>, vector<16xi32>,
      %get3A_265 = arith.constant 1 : i32
      %get3A_266 = arith.index_cast %get3A_265 : i32 to index
      %get3A_267 = arith.constant 176 : index
      %get3A_268 = tpu.vector_load %arg12[%get3A_266, %get3A_267] {strides = array<i32>} : memref<8x200xi32, #tpu.memory_space<vmem>>, vector<16xi32>,
      %add3A_269 = arith.constant 176 : i32
      %add3A_270 = arith.addi %mul3A_176, %add3A_269 : i32
      %swap3A_271 = arith.index_cast %add3A_270 : i32 to index
      %swap3A_272 = tpu.vector_load %arg8[%swap3A_271] {strides = array<i32>} : memref<25600xi32, #tpu.memory_space<vmem>>, vector<16xi32>,
      tpu.vector_store %arg8[%swap3A_271], %get3A_268 {strides = array<i32>} : memref<25600xi32, #tpu.memory_space<vmem>>, vector<16xi32>,
      %get3A_273 = arith.constant 1 : i32
      %get3A_274 = arith.index_cast %get3A_273 : i32 to index
      %get3A_275 = arith.constant 184 : index
      %get3A_276 = tpu.vector_load %arg12[%get3A_274, %get3A_275] {strides = array<i32>} : memref<8x200xi32, #tpu.memory_space<vmem>>, vector<16xi32>,
      %add3A_277 = arith.constant 200 : i32
      %add3A_278 = arith.addi %mul3A_176, %add3A_277 : i32
      %sub3A_279 = arith.constant 16 : i32
      %sub3A_280 = arith.subi %add3A_278, %sub3A_279 : i32
      %swap3A_281 = arith.index_cast %sub3A_280 : i32 to index
      %swap3A_282 = tpu.vector_load %arg8[%swap3A_281] {strides = array<i32>} : memref<25600xi32, #tpu.memory_space<vmem>>, vector<16xi32>,
      tpu.vector_store %arg8[%swap3A_281], %get3A_276 {strides = array<i32>} : memref<25600xi32, #tpu.memory_space<vmem>>, vector<16xi32>,
      %mul3A_283 = arith.constant 8 : i32
      %mul3A_284 = arith.muli %scan3A_58, %mul3A_283 : i32
      %add3A_285 = arith.constant 2 : i32
      %add3A_286 = arith.addi %mul3A_284, %add3A_285 : i32
      %mul3A_287 = arith.constant 200 : i32
      %mul3A_288 = arith.muli %add3A_286, %mul3A_287 : i32
      %get3A_289 = arith.constant 2 : i32
      %get3A_290 = arith.index_cast %get3A_289 : i32 to index
      %get3A_291 = arith.constant 0 : index
      %get3A_292 = tpu.vector_load %arg12[%get3A_290, %get3A_291] {strides = array<i32>} : memref<8x200xi32, #tpu.memory_space<vmem>>, vector<16xi32>,
      %add3A_293 = arith.constant 0 : i32
      %add3A_294 = arith.addi %mul3A_288, %add3A_293 : i32
      %swap3A_295 = arith.index_cast %add3A_294 : i32 to index
      %swap3A_296 = tpu.vector_load %arg8[%swap3A_295] {strides = array<i32>} : memref<25600xi32, #tpu.memory_space<vmem>>, vector<16xi32>,
      tpu.vector_store %arg8[%swap3A_295], %get3A_292 {strides = array<i32>} : memref<25600xi32, #tpu.memory_space<vmem>>, vector<16xi32>,
      %get3A_297 = arith.constant 2 : i32
      %get3A_298 = arith.index_cast %get3A_297 : i32 to index
      %get3A_299 = arith.constant 16 : index
      %get3A_300 = tpu.vector_load %arg12[%get3A_298, %get3A_299] {strides = array<i32>} : memref<8x200xi32, #tpu.memory_space<vmem>>, vector<16xi32>,
      %add3A_301 = arith.constant 16 : i32
      %add3A_302 = arith.addi %mul3A_288, %add3A_301 : i32
      %swap3A_303 = arith.index_cast %add3A_302 : i32 to index
      %swap3A_304 = tpu.vector_load %arg8[%swap3A_303] {strides = array<i32>} : memref<25600xi32, #tpu.memory_space<vmem>>, vector<16xi32>,
      tpu.vector_store %arg8[%swap3A_303], %get3A_300 {strides = array<i32>} : memref<25600xi32, #tpu.memory_space<vmem>>, vector<16xi32>,
      %get3A_305 = arith.constant 2 : i32
      %get3A_306 = arith.index_cast %get3A_305 : i32 to index
      %get3A_307 = arith.constant 32 : index
      %get3A_308 = tpu.vector_load %arg12[%get3A_306, %get3A_307] {strides = array<i32>} : memref<8x200xi32, #tpu.memory_space<vmem>>, vector<16xi32>,
      %add3A_309 = arith.constant 32 : i32
      %add3A_310 = arith.addi %mul3A_288, %add3A_309 : i32
      %swap3A_311 = arith.index_cast %add3A_310 : i32 to index
      %swap3A_312 = tpu.vector_load %arg8[%swap3A_311] {strides = array<i32>} : memref<25600xi32, #tpu.memory_space<vmem>>, vector<16xi32>,
      tpu.vector_store %arg8[%swap3A_311], %get3A_308 {strides = array<i32>} : memref<25600xi32, #tpu.memory_space<vmem>>, vector<16xi32>,
      %get3A_313 = arith.constant 2 : i32
      %get3A_314 = arith.index_cast %get3A_313 : i32 to index
      %get3A_315 = arith.constant 48 : index
      %get3A_316 = tpu.vector_load %arg12[%get3A_314, %get3A_315] {strides = array<i32>} : memref<8x200xi32, #tpu.memory_space<vmem>>, vector<16xi32>,
      %add3A_317 = arith.constant 48 : i32
      %add3A_318 = arith.addi %mul3A_288, %add3A_317 : i32
      %swap3A_319 = arith.index_cast %add3A_318 : i32 to index
      %swap3A_320 = tpu.vector_load %arg8[%swap3A_319] {strides = array<i32>} : memref<25600xi32, #tpu.memory_space<vmem>>, vector<16xi32>,
      tpu.vector_store %arg8[%swap3A_319], %get3A_316 {strides = array<i32>} : memref<25600xi32, #tpu.memory_space<vmem>>, vector<16xi32>,
      %get3A_321 = arith.constant 2 : i32
      %get3A_322 = arith.index_cast %get3A_321 : i32 to index
      %get3A_323 = arith.constant 64 : index
      %get3A_324 = tpu.vector_load %arg12[%get3A_322, %get3A_323] {strides = array<i32>} : memref<8x200xi32, #tpu.memory_space<vmem>>, vector<16xi32>,
      %add3A_325 = arith.constant 64 : i32
      %add3A_326 = arith.addi %mul3A_288, %add3A_325 : i32
      %swap3A_327 = arith.index_cast %add3A_326 : i32 to index
      %swap3A_328 = tpu.vector_load %arg8[%swap3A_327] {strides = array<i32>} : memref<25600xi32, #tpu.memory_space<vmem>>, vector<16xi32>,
      tpu.vector_store %arg8[%swap3A_327], %get3A_324 {strides = array<i32>} : memref<25600xi32, #tpu.memory_space<vmem>>, vector<16xi32>,
      %get3A_329 = arith.constant 2 : i32
      %get3A_330 = arith.index_cast %get3A_329 : i32 to index
      %get3A_331 = arith.constant 80 : index
      %get3A_332 = tpu.vector_load %arg12[%get3A_330, %get3A_331] {strides = array<i32>} : memref<8x200xi32, #tpu.memory_space<vmem>>, vector<16xi32>,
      %add3A_333 = arith.constant 80 : i32
      %add3A_334 = arith.addi %mul3A_288, %add3A_333 : i32
      %swap3A_335 = arith.index_cast %add3A_334 : i32 to index
      %swap3A_336 = tpu.vector_load %arg8[%swap3A_335] {strides = array<i32>} : memref<25600xi32, #tpu.memory_space<vmem>>, vector<16xi32>,
      tpu.vector_store %arg8[%swap3A_335], %get3A_332 {strides = array<i32>} : memref<25600xi32, #tpu.memory_space<vmem>>, vector<16xi32>,
      %get3A_337 = arith.constant 2 : i32
      %get3A_338 = arith.index_cast %get3A_337 : i32 to index
      %get3A_339 = arith.constant 96 : index
      %get3A_340 = tpu.vector_load %arg12[%get3A_338, %get3A_339] {strides = array<i32>} : memref<8x200xi32, #tpu.memory_space<vmem>>, vector<16xi32>,
      %add3A_341 = arith.constant 96 : i32
      %add3A_342 = arith.addi %mul3A_288, %add3A_341 : i32
      %swap3A_343 = arith.index_cast %add3A_342 : i32 to index
      %swap3A_344 = tpu.vector_load %arg8[%swap3A_343] {strides = array<i32>} : memref<25600xi32, #tpu.memory_space<vmem>>, vector<16xi32>,
      tpu.vector_store %arg8[%swap3A_343], %get3A_340 {strides = array<i32>} : memref<25600xi32, #tpu.memory_space<vmem>>, vector<16xi32>,
      %get3A_345 = arith.constant 2 : i32
      %get3A_346 = arith.index_cast %get3A_345 : i32 to index
      %get3A_347 = arith.constant 112 : index
      %get3A_348 = tpu.vector_load %arg12[%get3A_346, %get3A_347] {strides = array<i32>} : memref<8x200xi32, #tpu.memory_space<vmem>>, vector<16xi32>,
      %add3A_349 = arith.constant 112 : i32
      %add3A_350 = arith.addi %mul3A_288, %add3A_349 : i32
      %swap3A_351 = arith.index_cast %add3A_350 : i32 to index
      %swap3A_352 = tpu.vector_load %arg8[%swap3A_351] {strides = array<i32>} : memref<25600xi32, #tpu.memory_space<vmem>>, vector<16xi32>,
      tpu.vector_store %arg8[%swap3A_351], %get3A_348 {strides = array<i32>} : memref<25600xi32, #tpu.memory_space<vmem>>, vector<16xi32>,
      %get3A_353 = arith.constant 2 : i32
      %get3A_354 = arith.index_cast %get3A_353 : i32 to index
      %get3A_355 = arith.constant 128 : index
      %get3A_356 = tpu.vector_load %arg12[%get3A_354, %get3A_355] {strides = array<i32>} : memref<8x200xi32, #tpu.memory_space<vmem>>, vector<16xi32>,
      %add3A_357 = arith.constant 128 : i32
      %add3A_358 = arith.addi %mul3A_288, %add3A_357 : i32
      %swap3A_359 = arith.index_cast %add3A_358 : i32 to index
      %swap3A_360 = tpu.vector_load %arg8[%swap3A_359] {strides = array<i32>} : memref<25600xi32, #tpu.memory_space<vmem>>, vector<16xi32>,
      tpu.vector_store %arg8[%swap3A_359], %get3A_356 {strides = array<i32>} : memref<25600xi32, #tpu.memory_space<vmem>>, vector<16xi32>,
      %get3A_361 = arith.constant 2 : i32
      %get3A_362 = arith.index_cast %get3A_361 : i32 to index
      %get3A_363 = arith.constant 144 : index
      %get3A_364 = tpu.vector_load %arg12[%get3A_362, %get3A_363] {strides = array<i32>} : memref<8x200xi32, #tpu.memory_space<vmem>>, vector<16xi32>,
      %add3A_365 = arith.constant 144 : i32
      %add3A_366 = arith.addi %mul3A_288, %add3A_365 : i32
      %swap3A_367 = arith.index_cast %add3A_366 : i32 to index
      %swap3A_368 = tpu.vector_load %arg8[%swap3A_367] {strides = array<i32>} : memref<25600xi32, #tpu.memory_space<vmem>>, vector<16xi32>,
      tpu.vector_store %arg8[%swap3A_367], %get3A_364 {strides = array<i32>} : memref<25600xi32, #tpu.memory_space<vmem>>, vector<16xi32>,
      %get3A_369 = arith.constant 2 : i32
      %get3A_370 = arith.index_cast %get3A_369 : i32 to index
      %get3A_371 = arith.constant 160 : index
      %get3A_372 = tpu.vector_load %arg12[%get3A_370, %get3A_371] {strides = array<i32>} : memref<8x200xi32, #tpu.memory_space<vmem>>, vector<16xi32>,
      %add3A_373 = arith.constant 160 : i32
      %add3A_374 = arith.addi %mul3A_288, %add3A_373 : i32
      %swap3A_375 = arith.index_cast %add3A_374 : i32 to index
      %swap3A_376 = tpu.vector_load %arg8[%swap3A_375] {strides = array<i32>} : memref<25600xi32, #tpu.memory_space<vmem>>, vector<16xi32>,
      tpu.vector_store %arg8[%swap3A_375], %get3A_372 {strides = array<i32>} : memref<25600xi32, #tpu.memory_space<vmem>>, vector<16xi32>,
      %get3A_377 = arith.constant 2 : i32
      %get3A_378 = arith.index_cast %get3A_377 : i32 to index
      %get3A_379 = arith.constant 176 : index
      %get3A_380 = tpu.vector_load %arg12[%get3A_378, %get3A_379] {strides = array<i32>} : memref<8x200xi32, #tpu.memory_space<vmem>>, vector<16xi32>,
      %add3A_381 = arith.constant 176 : i32
      %add3A_382 = arith.addi %mul3A_288, %add3A_381 : i32
      %swap3A_383 = arith.index_cast %add3A_382 : i32 to index
      %swap3A_384 = tpu.vector_load %arg8[%swap3A_383] {strides = array<i32>} : memref<25600xi32, #tpu.memory_space<vmem>>, vector<16xi32>,
      tpu.vector_store %arg8[%swap3A_383], %get3A_380 {strides = array<i32>} : memref<25600xi32, #tpu.memory_space<vmem>>, vector<16xi32>,
      %get3A_385 = arith.constant 2 : i32
      %get3A_386 = arith.index_cast %get3A_385 : i32 to index
      %get3A_387 = arith.constant 184 : index
      %get3A_388 = tpu.vector_load %arg12[%get3A_386, %get3A_387] {strides = array<i32>} : memref<8x200xi32, #tpu.memory_space<vmem>>, vector<16xi32>,
      %add3A_389 = arith.constant 200 : i32
      %add3A_390 = arith.addi %mul3A_288, %add3A_389 : i32
      %sub3A_391 = arith.constant 16 : i32
      %sub3A_392 = arith.subi %add3A_390, %sub3A_391 : i32
      %swap3A_393 = arith.index_cast %sub3A_392 : i32 to index
      %swap3A_394 = tpu.vector_load %arg8[%swap3A_393] {strides = array<i32>} : memref<25600xi32, #tpu.memory_space<vmem>>, vector<16xi32>,
      tpu.vector_store %arg8[%swap3A_393], %get3A_388 {strides = array<i32>} : memref<25600xi32, #tpu.memory_space<vmem>>, vector<16xi32>,
      %mul3A_395 = arith.constant 8 : i32
      %mul3A_396 = arith.muli %scan3A_58, %mul3A_395 : i32
      %add3A_397 = arith.constant 3 : i32
      %add3A_398 = arith.addi %mul3A_396, %add3A_397 : i32
      %mul3A_399 = arith.constant 200 : i32
      %mul3A_400 = arith.muli %add3A_398, %mul3A_399 : i32
      %get3A_401 = arith.constant 3 : i32
      %get3A_402 = arith.index_cast %get3A_401 : i32 to index
      %get3A_403 = arith.constant 0 : index
      %get3A_404 = tpu.vector_load %arg12[%get3A_402, %get3A_403] {strides = array<i32>} : memref<8x200xi32, #tpu.memory_space<vmem>>, vector<16xi32>,
      %add3A_405 = arith.constant 0 : i32
      %add3A_406 = arith.addi %mul3A_400, %add3A_405 : i32
      %swap3A_407 = arith.index_cast %add3A_406 : i32 to index
      %swap3A_408 = tpu.vector_load %arg8[%swap3A_407] {strides = array<i32>} : memref<25600xi32, #tpu.memory_space<vmem>>, vector<16xi32>,
      tpu.vector_store %arg8[%swap3A_407], %get3A_404 {strides = array<i32>} : memref<25600xi32, #tpu.memory_space<vmem>>, vector<16xi32>,
      %get3A_409 = arith.constant 3 : i32
      %get3A_410 = arith.index_cast %get3A_409 : i32 to index
      %get3A_411 = arith.constant 16 : index
      %get3A_412 = tpu.vector_load %arg12[%get3A_410, %get3A_411] {strides = array<i32>} : memref<8x200xi32, #tpu.memory_space<vmem>>, vector<16xi32>,
      %add3A_413 = arith.constant 16 : i32
      %add3A_414 = arith.addi %mul3A_400, %add3A_413 : i32
      %swap3A_415 = arith.index_cast %add3A_414 : i32 to index
      %swap3A_416 = tpu.vector_load %arg8[%swap3A_415] {strides = array<i32>} : memref<25600xi32, #tpu.memory_space<vmem>>, vector<16xi32>,
      tpu.vector_store %arg8[%swap3A_415], %get3A_412 {strides = array<i32>} : memref<25600xi32, #tpu.memory_space<vmem>>, vector<16xi32>,
      %get3A_417 = arith.constant 3 : i32
      %get3A_418 = arith.index_cast %get3A_417 : i32 to index
      %get3A_419 = arith.constant 32 : index
      %get3A_420 = tpu.vector_load %arg12[%get3A_418, %get3A_419] {strides = array<i32>} : memref<8x200xi32, #tpu.memory_space<vmem>>, vector<16xi32>,
      %add3A_421 = arith.constant 32 : i32
      %add3A_422 = arith.addi %mul3A_400, %add3A_421 : i32
      %swap3A_423 = arith.index_cast %add3A_422 : i32 to index
      %swap3A_424 = tpu.vector_load %arg8[%swap3A_423] {strides = array<i32>} : memref<25600xi32, #tpu.memory_space<vmem>>, vector<16xi32>,
      tpu.vector_store %arg8[%swap3A_423], %get3A_420 {strides = array<i32>} : memref<25600xi32, #tpu.memory_space<vmem>>, vector<16xi32>,
      %get3A_425 = arith.constant 3 : i32
      %get3A_426 = arith.index_cast %get3A_425 : i32 to index
      %get3A_427 = arith.constant 48 : index
      %get3A_428 = tpu.vector_load %arg12[%get3A_426, %get3A_427] {strides = array<i32>} : memref<8x200xi32, #tpu.memory_space<vmem>>, vector<16xi32>,
      %add3A_429 = arith.constant 48 : i32
      %add3A_430 = arith.addi %mul3A_400, %add3A_429 : i32
      %swap3A_431 = arith.index_cast %add3A_430 : i32 to index
      %swap3A_432 = tpu.vector_load %arg8[%swap3A_431] {strides = array<i32>} : memref<25600xi32, #tpu.memory_space<vmem>>, vector<16xi32>,
      tpu.vector_store %arg8[%swap3A_431], %get3A_428 {strides = array<i32>} : memref<25600xi32, #tpu.memory_space<vmem>>, vector<16xi32>,
      %get3A_433 = arith.constant 3 : i32
      %get3A_434 = arith.index_cast %get3A_433 : i32 to index
      %get3A_435 = arith.constant 64 : index
      %get3A_436 = tpu.vector_load %arg12[%get3A_434, %get3A_435] {strides = array<i32>} : memref<8x200xi32, #tpu.memory_space<vmem>>, vector<16xi32>,
      %add3A_437 = arith.constant 64 : i32
      %add3A_438 = arith.addi %mul3A_400, %add3A_437 : i32
      %swap3A_439 = arith.index_cast %add3A_438 : i32 to index
      %swap3A_440 = tpu.vector_load %arg8[%swap3A_439] {strides = array<i32>} : memref<25600xi32, #tpu.memory_space<vmem>>, vector<16xi32>,
      tpu.vector_store %arg8[%swap3A_439], %get3A_436 {strides = array<i32>} : memref<25600xi32, #tpu.memory_space<vmem>>, vector<16xi32>,
      %get3A_441 = arith.constant 3 : i32
      %get3A_442 = arith.index_cast %get3A_441 : i32 to index
      %get3A_443 = arith.constant 80 : index
      %get3A_444 = tpu.vector_load %arg12[%get3A_442, %get3A_443] {strides = array<i32>} : memref<8x200xi32, #tpu.memory_space<vmem>>, vector<16xi32>,
      %add3A_445 = arith.constant 80 : i32
      %add3A_446 = arith.addi %mul3A_400, %add3A_445 : i32
      %swap3A_447 = arith.index_cast %add3A_446 : i32 to index
      %swap3A_448 = tpu.vector_load %arg8[%swap3A_447] {strides = array<i32>} : memref<25600xi32, #tpu.memory_space<vmem>>, vector<16xi32>,
      tpu.vector_store %arg8[%swap3A_447], %get3A_444 {strides = array<i32>} : memref<25600xi32, #tpu.memory_space<vmem>>, vector<16xi32>,
      %get3A_449 = arith.constant 3 : i32
      %get3A_450 = arith.index_cast %get3A_449 : i32 to index
      %get3A_451 = arith.constant 96 : index
      %get3A_452 = tpu.vector_load %arg12[%get3A_450, %get3A_451] {strides = array<i32>} : memref<8x200xi32, #tpu.memory_space<vmem>>, vector<16xi32>,
      %add3A_453 = arith.constant 96 : i32
      %add3A_454 = arith.addi %mul3A_400, %add3A_453 : i32
      %swap3A_455 = arith.index_cast %add3A_454 : i32 to index
      %swap3A_456 = tpu.vector_load %arg8[%swap3A_455] {strides = array<i32>} : memref<25600xi32, #tpu.memory_space<vmem>>, vector<16xi32>,
      tpu.vector_store %arg8[%swap3A_455], %get3A_452 {strides = array<i32>} : memref<25600xi32, #tpu.memory_space<vmem>>, vector<16xi32>,
      %get3A_457 = arith.constant 3 : i32
      %get3A_458 = arith.index_cast %get3A_457 : i32 to index
      %get3A_459 = arith.constant 112 : index
      %get3A_460 = tpu.vector_load %arg12[%get3A_458, %get3A_459] {strides = array<i32>} : memref<8x200xi32, #tpu.memory_space<vmem>>, vector<16xi32>,
      %add3A_461 = arith.constant 112 : i32
      %add3A_462 = arith.addi %mul3A_400, %add3A_461 : i32
      %swap3A_463 = arith.index_cast %add3A_462 : i32 to index
      %swap3A_464 = tpu.vector_load %arg8[%swap3A_463] {strides = array<i32>} : memref<25600xi32, #tpu.memory_space<vmem>>, vector<16xi32>,
      tpu.vector_store %arg8[%swap3A_463], %get3A_460 {strides = array<i32>} : memref<25600xi32, #tpu.memory_space<vmem>>, vector<16xi32>,
      %get3A_465 = arith.constant 3 : i32
      %get3A_466 = arith.index_cast %get3A_465 : i32 to index
      %get3A_467 = arith.constant 128 : index
      %get3A_468 = tpu.vector_load %arg12[%get3A_466, %get3A_467] {strides = array<i32>} : memref<8x200xi32, #tpu.memory_space<vmem>>, vector<16xi32>,
      %add3A_469 = arith.constant 128 : i32
      %add3A_470 = arith.addi %mul3A_400, %add3A_469 : i32
      %swap3A_471 = arith.index_cast %add3A_470 : i32 to index
      %swap3A_472 = tpu.vector_load %arg8[%swap3A_471] {strides = array<i32>} : memref<25600xi32, #tpu.memory_space<vmem>>, vector<16xi32>,
      tpu.vector_store %arg8[%swap3A_471], %get3A_468 {strides = array<i32>} : memref<25600xi32, #tpu.memory_space<vmem>>, vector<16xi32>,
      %get3A_473 = arith.constant 3 : i32
      %get3A_474 = arith.index_cast %get3A_473 : i32 to index
      %get3A_475 = arith.constant 144 : index
      %get3A_476 = tpu.vector_load %arg12[%get3A_474, %get3A_475] {strides = array<i32>} : memref<8x200xi32, #tpu.memory_space<vmem>>, vector<16xi32>,
      %add3A_477 = arith.constant 144 : i32
      %add3A_478 = arith.addi %mul3A_400, %add3A_477 : i32
      %swap3A_479 = arith.index_cast %add3A_478 : i32 to index
      %swap3A_480 = tpu.vector_load %arg8[%swap3A_479] {strides = array<i32>} : memref<25600xi32, #tpu.memory_space<vmem>>, vector<16xi32>,
      tpu.vector_store %arg8[%swap3A_479], %get3A_476 {strides = array<i32>} : memref<25600xi32, #tpu.memory_space<vmem>>, vector<16xi32>,
      %get3A_481 = arith.constant 3 : i32
      %get3A_482 = arith.index_cast %get3A_481 : i32 to index
      %get3A_483 = arith.constant 160 : index
      %get3A_484 = tpu.vector_load %arg12[%get3A_482, %get3A_483] {strides = array<i32>} : memref<8x200xi32, #tpu.memory_space<vmem>>, vector<16xi32>,
      %add3A_485 = arith.constant 160 : i32
      %add3A_486 = arith.addi %mul3A_400, %add3A_485 : i32
      %swap3A_487 = arith.index_cast %add3A_486 : i32 to index
      %swap3A_488 = tpu.vector_load %arg8[%swap3A_487] {strides = array<i32>} : memref<25600xi32, #tpu.memory_space<vmem>>, vector<16xi32>,
      tpu.vector_store %arg8[%swap3A_487], %get3A_484 {strides = array<i32>} : memref<25600xi32, #tpu.memory_space<vmem>>, vector<16xi32>,
      %get3A_489 = arith.constant 3 : i32
      %get3A_490 = arith.index_cast %get3A_489 : i32 to index
      %get3A_491 = arith.constant 176 : index
      %get3A_492 = tpu.vector_load %arg12[%get3A_490, %get3A_491] {strides = array<i32>} : memref<8x200xi32, #tpu.memory_space<vmem>>, vector<16xi32>,
      %add3A_493 = arith.constant 176 : i32
      %add3A_494 = arith.addi %mul3A_400, %add3A_493 : i32
      %swap3A_495 = arith.index_cast %add3A_494 : i32 to index
      %swap3A_496 = tpu.vector_load %arg8[%swap3A_495] {strides = array<i32>} : memref<25600xi32, #tpu.memory_space<vmem>>, vector<16xi32>,
      tpu.vector_store %arg8[%swap3A_495], %get3A_492 {strides = array<i32>} : memref<25600xi32, #tpu.memory_space<vmem>>, vector<16xi32>,
      %get3A_497 = arith.constant 3 : i32
      %get3A_498 = arith.index_cast %get3A_497 : i32 to index
      %get3A_499 = arith.constant 184 : index
      %get3A_500 = tpu.vector_load %arg12[%get3A_498, %get3A_499] {strides = array<i32>} : memref<8x200xi32, #tpu.memory_space<vmem>>, vector<16xi32>,
      %add3A_501 = arith.constant 200 : i32
      %add3A_502 = arith.addi %mul3A_400, %add3A_501 : i32
      %sub3A_503 = arith.constant 16 : i32
      %sub3A_504 = arith.subi %add3A_502, %sub3A_503 : i32
      %swap3A_505 = arith.index_cast %sub3A_504 : i32 to index
      %swap3A_506 = tpu.vector_load %arg8[%swap3A_505] {strides = array<i32>} : memref<25600xi32, #tpu.memory_space<vmem>>, vector<16xi32>,
      tpu.vector_store %arg8[%swap3A_505], %get3A_500 {strides = array<i32>} : memref<25600xi32, #tpu.memory_space<vmem>>, vector<16xi32>,
      %mul3A_507 = arith.constant 8 : i32
      %mul3A_508 = arith.muli %scan3A_58, %mul3A_507 : i32
      %add3A_509 = arith.constant 4 : i32
      %add3A_510 = arith.addi %mul3A_508, %add3A_509 : i32
      %mul3A_511 = arith.constant 200 : i32
      %mul3A_512 = arith.muli %add3A_510, %mul3A_511 : i32
      %get3A_513 = arith.constant 4 : i32
      %get3A_514 = arith.index_cast %get3A_513 : i32 to index
      %get3A_515 = arith.constant 0 : index
      %get3A_516 = tpu.vector_load %arg12[%get3A_514, %get3A_515] {strides = array<i32>} : memref<8x200xi32, #tpu.memory_space<vmem>>, vector<16xi32>,
      %add3A_517 = arith.constant 0 : i32
      %add3A_518 = arith.addi %mul3A_512, %add3A_517 : i32
      %swap3A_519 = arith.index_cast %add3A_518 : i32 to index
      %swap3A_520 = tpu.vector_load %arg8[%swap3A_519] {strides = array<i32>} : memref<25600xi32, #tpu.memory_space<vmem>>, vector<16xi32>,
      tpu.vector_store %arg8[%swap3A_519], %get3A_516 {strides = array<i32>} : memref<25600xi32, #tpu.memory_space<vmem>>, vector<16xi32>,
      %get3A_521 = arith.constant 4 : i32
      %get3A_522 = arith.index_cast %get3A_521 : i32 to index
      %get3A_523 = arith.constant 16 : index
      %get3A_524 = tpu.vector_load %arg12[%get3A_522, %get3A_523] {strides = array<i32>} : memref<8x200xi32, #tpu.memory_space<vmem>>, vector<16xi32>,
      %add3A_525 = arith.constant 16 : i32
      %add3A_526 = arith.addi %mul3A_512, %add3A_525 : i32
      %swap3A_527 = arith.index_cast %add3A_526 : i32 to index
      %swap3A_528 = tpu.vector_load %arg8[%swap3A_527] {strides = array<i32>} : memref<25600xi32, #tpu.memory_space<vmem>>, vector<16xi32>,
      tpu.vector_store %arg8[%swap3A_527], %get3A_524 {strides = array<i32>} : memref<25600xi32, #tpu.memory_space<vmem>>, vector<16xi32>,
      %get3A_529 = arith.constant 4 : i32
      %get3A_530 = arith.index_cast %get3A_529 : i32 to index
      %get3A_531 = arith.constant 32 : index
      %get3A_532 = tpu.vector_load %arg12[%get3A_530, %get3A_531] {strides = array<i32>} : memref<8x200xi32, #tpu.memory_space<vmem>>, vector<16xi32>,
      %add3A_533 = arith.constant 32 : i32
      %add3A_534 = arith.addi %mul3A_512, %add3A_533 : i32
      %swap3A_535 = arith.index_cast %add3A_534 : i32 to index
      %swap3A_536 = tpu.vector_load %arg8[%swap3A_535] {strides = array<i32>} : memref<25600xi32, #tpu.memory_space<vmem>>, vector<16xi32>,
      tpu.vector_store %arg8[%swap3A_535], %get3A_532 {strides = array<i32>} : memref<25600xi32, #tpu.memory_space<vmem>>, vector<16xi32>,
      %get3A_537 = arith.constant 4 : i32
      %get3A_538 = arith.index_cast %get3A_537 : i32 to index
      %get3A_539 = arith.constant 48 : index
      %get3A_540 = tpu.vector_load %arg12[%get3A_538, %get3A_539] {strides = array<i32>} : memref<8x200xi32, #tpu.memory_space<vmem>>, vector<16xi32>,
      %add3A_541 = arith.constant 48 : i32
      %add3A_542 = arith.addi %mul3A_512, %add3A_541 : i32
      %swap3A_543 = arith.index_cast %add3A_542 : i32 to index
      %swap3A_544 = tpu.vector_load %arg8[%swap3A_543] {strides = array<i32>} : memref<25600xi32, #tpu.memory_space<vmem>>, vector<16xi32>,
      tpu.vector_store %arg8[%swap3A_543], %get3A_540 {strides = array<i32>} : memref<25600xi32, #tpu.memory_space<vmem>>, vector<16xi32>,
      %get3A_545 = arith.constant 4 : i32
      %get3A_546 = arith.index_cast %get3A_545 : i32 to index
      %get3A_547 = arith.constant 64 : index
      %get3A_548 = tpu.vector_load %arg12[%get3A_546, %get3A_547] {strides = array<i32>} : memref<8x200xi32, #tpu.memory_space<vmem>>, vector<16xi32>,
      %add3A_549 = arith.constant 64 : i32
      %add3A_550 = arith.addi %mul3A_512, %add3A_549 : i32
      %swap3A_551 = arith.index_cast %add3A_550 : i32 to index
      %swap3A_552 = tpu.vector_load %arg8[%swap3A_551] {strides = array<i32>} : memref<25600xi32, #tpu.memory_space<vmem>>, vector<16xi32>,
      tpu.vector_store %arg8[%swap3A_551], %get3A_548 {strides = array<i32>} : memref<25600xi32, #tpu.memory_space<vmem>>, vector<16xi32>,
      %get3A_553 = arith.constant 4 : i32
      %get3A_554 = arith.index_cast %get3A_553 : i32 to index
      %get3A_555 = arith.constant 80 : index
      %get3A_556 = tpu.vector_load %arg12[%get3A_554, %get3A_555] {strides = array<i32>} : memref<8x200xi32, #tpu.memory_space<vmem>>, vector<16xi32>,
      %add3A_557 = arith.constant 80 : i32
      %add3A_558 = arith.addi %mul3A_512, %add3A_557 : i32
      %swap3A_559 = arith.index_cast %add3A_558 : i32 to index
      %swap3A_560 = tpu.vector_load %arg8[%swap3A_559] {strides = array<i32>} : memref<25600xi32, #tpu.memory_space<vmem>>, vector<16xi32>,
      tpu.vector_store %arg8[%swap3A_559], %get3A_556 {strides = array<i32>} : memref<25600xi32, #tpu.memory_space<vmem>>, vector<16xi32>,
      %get3A_561 = arith.constant 4 : i32
      %get3A_562 = arith.index_cast %get3A_561 : i32 to index
      %get3A_563 = arith.constant 96 : index
      %get3A_564 = tpu.vector_load %arg12[%get3A_562, %get3A_563] {strides = array<i32>} : memref<8x200xi32, #tpu.memory_space<vmem>>, vector<16xi32>,
      %add3A_565 = arith.constant 96 : i32
      %add3A_566 = arith.addi %mul3A_512, %add3A_565 : i32
      %swap3A_567 = arith.index_cast %add3A_566 : i32 to index
      %swap3A_568 = tpu.vector_load %arg8[%swap3A_567] {strides = array<i32>} : memref<25600xi32, #tpu.memory_space<vmem>>, vector<16xi32>,
      tpu.vector_store %arg8[%swap3A_567], %get3A_564 {strides = array<i32>} : memref<25600xi32, #tpu.memory_space<vmem>>, vector<16xi32>,
      %get3A_569 = arith.constant 4 : i32
      %get3A_570 = arith.index_cast %get3A_569 : i32 to index
      %get3A_571 = arith.constant 112 : index
      %get3A_572 = tpu.vector_load %arg12[%get3A_570, %get3A_571] {strides = array<i32>} : memref<8x200xi32, #tpu.memory_space<vmem>>, vector<16xi32>,
      %add3A_573 = arith.constant 112 : i32
      %add3A_574 = arith.addi %mul3A_512, %add3A_573 : i32
      %swap3A_575 = arith.index_cast %add3A_574 : i32 to index
      %swap3A_576 = tpu.vector_load %arg8[%swap3A_575] {strides = array<i32>} : memref<25600xi32, #tpu.memory_space<vmem>>, vector<16xi32>,
      tpu.vector_store %arg8[%swap3A_575], %get3A_572 {strides = array<i32>} : memref<25600xi32, #tpu.memory_space<vmem>>, vector<16xi32>,
      %get3A_577 = arith.constant 4 : i32
      %get3A_578 = arith.index_cast %get3A_577 : i32 to index
      %get3A_579 = arith.constant 128 : index
      %get3A_580 = tpu.vector_load %arg12[%get3A_578, %get3A_579] {strides = array<i32>} : memref<8x200xi32, #tpu.memory_space<vmem>>, vector<16xi32>,
      %add3A_581 = arith.constant 128 : i32
      %add3A_582 = arith.addi %mul3A_512, %add3A_581 : i32
      %swap3A_583 = arith.index_cast %add3A_582 : i32 to index
      %swap3A_584 = tpu.vector_load %arg8[%swap3A_583] {strides = array<i32>} : memref<25600xi32, #tpu.memory_space<vmem>>, vector<16xi32>,
      tpu.vector_store %arg8[%swap3A_583], %get3A_580 {strides = array<i32>} : memref<25600xi32, #tpu.memory_space<vmem>>, vector<16xi32>,
      %get3A_585 = arith.constant 4 : i32
      %get3A_586 = arith.index_cast %get3A_585 : i32 to index
      %get3A_587 = arith.constant 144 : index
      %get3A_588 = tpu.vector_load %arg12[%get3A_586, %get3A_587] {strides = array<i32>} : memref<8x200xi32, #tpu.memory_space<vmem>>, vector<16xi32>,
      %add3A_589 = arith.constant 144 : i32
      %add3A_590 = arith.addi %mul3A_512, %add3A_589 : i32
      %swap3A_591 = arith.index_cast %add3A_590 : i32 to index
      %swap3A_592 = tpu.vector_load %arg8[%swap3A_591] {strides = array<i32>} : memref<25600xi32, #tpu.memory_space<vmem>>, vector<16xi32>,
      tpu.vector_store %arg8[%swap3A_591], %get3A_588 {strides = array<i32>} : memref<25600xi32, #tpu.memory_space<vmem>>, vector<16xi32>,
      %get3A_593 = arith.constant 4 : i32
      %get3A_594 = arith.index_cast %get3A_593 : i32 to index
      %get3A_595 = arith.constant 160 : index
      %get3A_596 = tpu.vector_load %arg12[%get3A_594, %get3A_595] {strides = array<i32>} : memref<8x200xi32, #tpu.memory_space<vmem>>, vector<16xi32>,
      %add3A_597 = arith.constant 160 : i32
      %add3A_598 = arith.addi %mul3A_512, %add3A_597 : i32
      %swap3A_599 = arith.index_cast %add3A_598 : i32 to index
      %swap3A_600 = tpu.vector_load %arg8[%swap3A_599] {strides = array<i32>} : memref<25600xi32, #tpu.memory_space<vmem>>, vector<16xi32>,
      tpu.vector_store %arg8[%swap3A_599], %get3A_596 {strides = array<i32>} : memref<25600xi32, #tpu.memory_space<vmem>>, vector<16xi32>,
      %get3A_601 = arith.constant 4 : i32
      %get3A_602 = arith.index_cast %get3A_601 : i32 to index
      %get3A_603 = arith.constant 176 : index
      %get3A_604 = tpu.vector_load %arg12[%get3A_602, %get3A_603] {strides = array<i32>} : memref<8x200xi32, #tpu.memory_space<vmem>>, vector<16xi32>,
      %add3A_605 = arith.constant 176 : i32
      %add3A_606 = arith.addi %mul3A_512, %add3A_605 : i32
      %swap3A_607 = arith.index_cast %add3A_606 : i32 to index
      %swap3A_608 = tpu.vector_load %arg8[%swap3A_607] {strides = array<i32>} : memref<25600xi32, #tpu.memory_space<vmem>>, vector<16xi32>,
      tpu.vector_store %arg8[%swap3A_607], %get3A_604 {strides = array<i32>} : memref<25600xi32, #tpu.memory_space<vmem>>, vector<16xi32>,
      %get3A_609 = arith.constant 4 : i32
      %get3A_610 = arith.index_cast %get3A_609 : i32 to index
      %get3A_611 = arith.constant 184 : index
      %get3A_612 = tpu.vector_load %arg12[%get3A_610, %get3A_611] {strides = array<i32>} : memref<8x200xi32, #tpu.memory_space<vmem>>, vector<16xi32>,
      %add3A_613 = arith.constant 200 : i32
      %add3A_614 = arith.addi %mul3A_512, %add3A_613 : i32
      %sub3A_615 = arith.constant 16 : i32
      %sub3A_616 = arith.subi %add3A_614, %sub3A_615 : i32
      %swap3A_617 = arith.index_cast %sub3A_616 : i32 to index
      %swap3A_618 = tpu.vector_load %arg8[%swap3A_617] {strides = array<i32>} : memref<25600xi32, #tpu.memory_space<vmem>>, vector<16xi32>,
      tpu.vector_store %arg8[%swap3A_617], %get3A_612 {strides = array<i32>} : memref<25600xi32, #tpu.memory_space<vmem>>, vector<16xi32>,
      %mul3A_619 = arith.constant 8 : i32
      %mul3A_620 = arith.muli %scan3A_58, %mul3A_619 : i32
      %add3A_621 = arith.constant 5 : i32
      %add3A_622 = arith.addi %mul3A_620, %add3A_621 : i32
      %mul3A_623 = arith.constant 200 : i32
      %mul3A_624 = arith.muli %add3A_622, %mul3A_623 : i32
      %get3A_625 = arith.constant 5 : i32
      %get3A_626 = arith.index_cast %get3A_625 : i32 to index
      %get3A_627 = arith.constant 0 : index
      %get3A_628 = tpu.vector_load %arg12[%get3A_626, %get3A_627] {strides = array<i32>} : memref<8x200xi32, #tpu.memory_space<vmem>>, vector<16xi32>,
      %add3A_629 = arith.constant 0 : i32
      %add3A_630 = arith.addi %mul3A_624, %add3A_629 : i32
      %swap3A_631 = arith.index_cast %add3A_630 : i32 to index
      %swap3A_632 = tpu.vector_load %arg8[%swap3A_631] {strides = array<i32>} : memref<25600xi32, #tpu.memory_space<vmem>>, vector<16xi32>,
      tpu.vector_store %arg8[%swap3A_631], %get3A_628 {strides = array<i32>} : memref<25600xi32, #tpu.memory_space<vmem>>, vector<16xi32>,
      %get3A_633 = arith.constant 5 : i32
      %get3A_634 = arith.index_cast %get3A_633 : i32 to index
      %get3A_635 = arith.constant 16 : index
      %get3A_636 = tpu.vector_load %arg12[%get3A_634, %get3A_635] {strides = array<i32>} : memref<8x200xi32, #tpu.memory_space<vmem>>, vector<16xi32>,
      %add3A_637 = arith.constant 16 : i32
      %add3A_638 = arith.addi %mul3A_624, %add3A_637 : i32
      %swap3A_639 = arith.index_cast %add3A_638 : i32 to index
      %swap3A_640 = tpu.vector_load %arg8[%swap3A_639] {strides = array<i32>} : memref<25600xi32, #tpu.memory_space<vmem>>, vector<16xi32>,
      tpu.vector_store %arg8[%swap3A_639], %get3A_636 {strides = array<i32>} : memref<25600xi32, #tpu.memory_space<vmem>>, vector<16xi32>,
      %get3A_641 = arith.constant 5 : i32
      %get3A_642 = arith.index_cast %get3A_641 : i32 to index
      %get3A_643 = arith.constant 32 : index
      %get3A_644 = tpu.vector_load %arg12[%get3A_642, %get3A_643] {strides = array<i32>} : memref<8x200xi32, #tpu.memory_space<vmem>>, vector<16xi32>,
      %add3A_645 = arith.constant 32 : i32
      %add3A_646 = arith.addi %mul3A_624, %add3A_645 : i32
      %swap3A_647 = arith.index_cast %add3A_646 : i32 to index
      %swap3A_648 = tpu.vector_load %arg8[%swap3A_647] {strides = array<i32>} : memref<25600xi32, #tpu.memory_space<vmem>>, vector<16xi32>,
      tpu.vector_store %arg8[%swap3A_647], %get3A_644 {strides = array<i32>} : memref<25600xi32, #tpu.memory_space<vmem>>, vector<16xi32>,
      %get3A_649 = arith.constant 5 : i32
      %get3A_650 = arith.index_cast %get3A_649 : i32 to index
      %get3A_651 = arith.constant 48 : index
      %get3A_652 = tpu.vector_load %arg12[%get3A_650, %get3A_651] {strides = array<i32>} : memref<8x200xi32, #tpu.memory_space<vmem>>, vector<16xi32>,
      %add3A_653 = arith.constant 48 : i32
      %add3A_654 = arith.addi %mul3A_624, %add3A_653 : i32
      %swap3A_655 = arith.index_cast %add3A_654 : i32 to index
      %swap3A_656 = tpu.vector_load %arg8[%swap3A_655] {strides = array<i32>} : memref<25600xi32, #tpu.memory_space<vmem>>, vector<16xi32>,
      tpu.vector_store %arg8[%swap3A_655], %get3A_652 {strides = array<i32>} : memref<25600xi32, #tpu.memory_space<vmem>>, vector<16xi32>,
      %get3A_657 = arith.constant 5 : i32
      %get3A_658 = arith.index_cast %get3A_657 : i32 to index
      %get3A_659 = arith.constant 64 : index
      %get3A_660 = tpu.vector_load %arg12[%get3A_658, %get3A_659] {strides = array<i32>} : memref<8x200xi32, #tpu.memory_space<vmem>>, vector<16xi32>,
      %add3A_661 = arith.constant 64 : i32
      %add3A_662 = arith.addi %mul3A_624, %add3A_661 : i32
      %swap3A_663 = arith.index_cast %add3A_662 : i32 to index
      %swap3A_664 = tpu.vector_load %arg8[%swap3A_663] {strides = array<i32>} : memref<25600xi32, #tpu.memory_space<vmem>>, vector<16xi32>,
      tpu.vector_store %arg8[%swap3A_663], %get3A_660 {strides = array<i32>} : memref<25600xi32, #tpu.memory_space<vmem>>, vector<16xi32>,
      %get3A_665 = arith.constant 5 : i32
      %get3A_666 = arith.index_cast %get3A_665 : i32 to index
      %get3A_667 = arith.constant 80 : index
      %get3A_668 = tpu.vector_load %arg12[%get3A_666, %get3A_667] {strides = array<i32>} : memref<8x200xi32, #tpu.memory_space<vmem>>, vector<16xi32>,
      %add3A_669 = arith.constant 80 : i32
      %add3A_670 = arith.addi %mul3A_624, %add3A_669 : i32
      %swap3A_671 = arith.index_cast %add3A_670 : i32 to index
      %swap3A_672 = tpu.vector_load %arg8[%swap3A_671] {strides = array<i32>} : memref<25600xi32, #tpu.memory_space<vmem>>, vector<16xi32>,
      tpu.vector_store %arg8[%swap3A_671], %get3A_668 {strides = array<i32>} : memref<25600xi32, #tpu.memory_space<vmem>>, vector<16xi32>,
      %get3A_673 = arith.constant 5 : i32
      %get3A_674 = arith.index_cast %get3A_673 : i32 to index
      %get3A_675 = arith.constant 96 : index
      %get3A_676 = tpu.vector_load %arg12[%get3A_674, %get3A_675] {strides = array<i32>} : memref<8x200xi32, #tpu.memory_space<vmem>>, vector<16xi32>,
      %add3A_677 = arith.constant 96 : i32
      %add3A_678 = arith.addi %mul3A_624, %add3A_677 : i32
      %swap3A_679 = arith.index_cast %add3A_678 : i32 to index
      %swap3A_680 = tpu.vector_load %arg8[%swap3A_679] {strides = array<i32>} : memref<25600xi32, #tpu.memory_space<vmem>>, vector<16xi32>,
      tpu.vector_store %arg8[%swap3A_679], %get3A_676 {strides = array<i32>} : memref<25600xi32, #tpu.memory_space<vmem>>, vector<16xi32>,
      %get3A_681 = arith.constant 5 : i32
      %get3A_682 = arith.index_cast %get3A_681 : i32 to index
      %get3A_683 = arith.constant 112 : index
      %get3A_684 = tpu.vector_load %arg12[%get3A_682, %get3A_683] {strides = array<i32>} : memref<8x200xi32, #tpu.memory_space<vmem>>, vector<16xi32>,
      %add3A_685 = arith.constant 112 : i32
      %add3A_686 = arith.addi %mul3A_624, %add3A_685 : i32
      %swap3A_687 = arith.index_cast %add3A_686 : i32 to index
      %swap3A_688 = tpu.vector_load %arg8[%swap3A_687] {strides = array<i32>} : memref<25600xi32, #tpu.memory_space<vmem>>, vector<16xi32>,
      tpu.vector_store %arg8[%swap3A_687], %get3A_684 {strides = array<i32>} : memref<25600xi32, #tpu.memory_space<vmem>>, vector<16xi32>,
      %get3A_689 = arith.constant 5 : i32
      %get3A_690 = arith.index_cast %get3A_689 : i32 to index
      %get3A_691 = arith.constant 128 : index
      %get3A_692 = tpu.vector_load %arg12[%get3A_690, %get3A_691] {strides = array<i32>} : memref<8x200xi32, #tpu.memory_space<vmem>>, vector<16xi32>,
      %add3A_693 = arith.constant 128 : i32
      %add3A_694 = arith.addi %mul3A_624, %add3A_693 : i32
      %swap3A_695 = arith.index_cast %add3A_694 : i32 to index
      %swap3A_696 = tpu.vector_load %arg8[%swap3A_695] {strides = array<i32>} : memref<25600xi32, #tpu.memory_space<vmem>>, vector<16xi32>,
      tpu.vector_store %arg8[%swap3A_695], %get3A_692 {strides = array<i32>} : memref<25600xi32, #tpu.memory_space<vmem>>, vector<16xi32>,
      %get3A_697 = arith.constant 5 : i32
      %get3A_698 = arith.index_cast %get3A_697 : i32 to index
      %get3A_699 = arith.constant 144 : index
      %get3A_700 = tpu.vector_load %arg12[%get3A_698, %get3A_699] {strides = array<i32>} : memref<8x200xi32, #tpu.memory_space<vmem>>, vector<16xi32>,
      %add3A_701 = arith.constant 144 : i32
      %add3A_702 = arith.addi %mul3A_624, %add3A_701 : i32
      %swap3A_703 = arith.index_cast %add3A_702 : i32 to index
      %swap3A_704 = tpu.vector_load %arg8[%swap3A_703] {strides = array<i32>} : memref<25600xi32, #tpu.memory_space<vmem>>, vector<16xi32>,
      tpu.vector_store %arg8[%swap3A_703], %get3A_700 {strides = array<i32>} : memref<25600xi32, #tpu.memory_space<vmem>>, vector<16xi32>,
      %get3A_705 = arith.constant 5 : i32
      %get3A_706 = arith.index_cast %get3A_705 : i32 to index
      %get3A_707 = arith.constant 160 : index
      %get3A_708 = tpu.vector_load %arg12[%get3A_706, %get3A_707] {strides = array<i32>} : memref<8x200xi32, #tpu.memory_space<vmem>>, vector<16xi32>,
      %add3A_709 = arith.constant 160 : i32
      %add3A_710 = arith.addi %mul3A_624, %add3A_709 : i32
      %swap3A_711 = arith.index_cast %add3A_710 : i32 to index
      %swap3A_712 = tpu.vector_load %arg8[%swap3A_711] {strides = array<i32>} : memref<25600xi32, #tpu.memory_space<vmem>>, vector<16xi32>,
      tpu.vector_store %arg8[%swap3A_711], %get3A_708 {strides = array<i32>} : memref<25600xi32, #tpu.memory_space<vmem>>, vector<16xi32>,
      %get3A_713 = arith.constant 5 : i32
      %get3A_714 = arith.index_cast %get3A_713 : i32 to index
      %get3A_715 = arith.constant 176 : index
      %get3A_716 = tpu.vector_load %arg12[%get3A_714, %get3A_715] {strides = array<i32>} : memref<8x200xi32, #tpu.memory_space<vmem>>, vector<16xi32>,
      %add3A_717 = arith.constant 176 : i32
      %add3A_718 = arith.addi %mul3A_624, %add3A_717 : i32
      %swap3A_719 = arith.index_cast %add3A_718 : i32 to index
      %swap3A_720 = tpu.vector_load %arg8[%swap3A_719] {strides = array<i32>} : memref<25600xi32, #tpu.memory_space<vmem>>, vector<16xi32>,
      tpu.vector_store %arg8[%swap3A_719], %get3A_716 {strides = array<i32>} : memref<25600xi32, #tpu.memory_space<vmem>>, vector<16xi32>,
      %get3A_721 = arith.constant 5 : i32
      %get3A_722 = arith.index_cast %get3A_721 : i32 to index
      %get3A_723 = arith.constant 184 : index
      %get3A_724 = tpu.vector_load %arg12[%get3A_722, %get3A_723] {strides = array<i32>} : memref<8x200xi32, #tpu.memory_space<vmem>>, vector<16xi32>,
      %add3A_725 = arith.constant 200 : i32
      %add3A_726 = arith.addi %mul3A_624, %add3A_725 : i32
      %sub3A_727 = arith.constant 16 : i32
      %sub3A_728 = arith.subi %add3A_726, %sub3A_727 : i32
      %swap3A_729 = arith.index_cast %sub3A_728 : i32 to index
      %swap3A_730 = tpu.vector_load %arg8[%swap3A_729] {strides = array<i32>} : memref<25600xi32, #tpu.memory_space<vmem>>, vector<16xi32>,
      tpu.vector_store %arg8[%swap3A_729], %get3A_724 {strides = array<i32>} : memref<25600xi32, #tpu.memory_space<vmem>>, vector<16xi32>,
      %mul3A_731 = arith.constant 8 : i32
      %mul3A_732 = arith.muli %scan3A_58, %mul3A_731 : i32
      %add3A_733 = arith.constant 6 : i32
      %add3A_734 = arith.addi %mul3A_732, %add3A_733 : i32
      %mul3A_735 = arith.constant 200 : i32
      %mul3A_736 = arith.muli %add3A_734, %mul3A_735 : i32
      %get3A_737 = arith.constant 6 : i32
      %get3A_738 = arith.index_cast %get3A_737 : i32 to index
      %get3A_739 = arith.constant 0 : index
      %get3A_740 = tpu.vector_load %arg12[%get3A_738, %get3A_739] {strides = array<i32>} : memref<8x200xi32, #tpu.memory_space<vmem>>, vector<16xi32>,
      %add3A_741 = arith.constant 0 : i32
      %add3A_742 = arith.addi %mul3A_736, %add3A_741 : i32
      %swap3A_743 = arith.index_cast %add3A_742 : i32 to index
      %swap3A_744 = tpu.vector_load %arg8[%swap3A_743] {strides = array<i32>} : memref<25600xi32, #tpu.memory_space<vmem>>, vector<16xi32>,
      tpu.vector_store %arg8[%swap3A_743], %get3A_740 {strides = array<i32>} : memref<25600xi32, #tpu.memory_space<vmem>>, vector<16xi32>,
      %get3A_745 = arith.constant 6 : i32
      %get3A_746 = arith.index_cast %get3A_745 : i32 to index
      %get3A_747 = arith.constant 16 : index
      %get3A_748 = tpu.vector_load %arg12[%get3A_746, %get3A_747] {strides = array<i32>} : memref<8x200xi32, #tpu.memory_space<vmem>>, vector<16xi32>,
      %add3A_749 = arith.constant 16 : i32
      %add3A_750 = arith.addi %mul3A_736, %add3A_749 : i32
      %swap3A_751 = arith.index_cast %add3A_750 : i32 to index
      %swap3A_752 = tpu.vector_load %arg8[%swap3A_751] {strides = array<i32>} : memref<25600xi32, #tpu.memory_space<vmem>>, vector<16xi32>,
      tpu.vector_store %arg8[%swap3A_751], %get3A_748 {strides = array<i32>} : memref<25600xi32, #tpu.memory_space<vmem>>, vector<16xi32>,
      %get3A_753 = arith.constant 6 : i32
      %get3A_754 = arith.index_cast %get3A_753 : i32 to index
      %get3A_755 = arith.constant 32 : index
      %get3A_756 = tpu.vector_load %arg12[%get3A_754, %get3A_755] {strides = array<i32>} : memref<8x200xi32, #tpu.memory_space<vmem>>, vector<16xi32>,
      %add3A_757 = arith.constant 32 : i32
      %add3A_758 = arith.addi %mul3A_736, %add3A_757 : i32
      %swap3A_759 = arith.index_cast %add3A_758 : i32 to index
      %swap3A_760 = tpu.vector_load %arg8[%swap3A_759] {strides = array<i32>} : memref<25600xi32, #tpu.memory_space<vmem>>, vector<16xi32>,
      tpu.vector_store %arg8[%swap3A_759], %get3A_756 {strides = array<i32>} : memref<25600xi32, #tpu.memory_space<vmem>>, vector<16xi32>,
      %get3A_761 = arith.constant 6 : i32
      %get3A_762 = arith.index_cast %get3A_761 : i32 to index
      %get3A_763 = arith.constant 48 : index
      %get3A_764 = tpu.vector_load %arg12[%get3A_762, %get3A_763] {strides = array<i32>} : memref<8x200xi32, #tpu.memory_space<vmem>>, vector<16xi32>,
      %add3A_765 = arith.constant 48 : i32
      %add3A_766 = arith.addi %mul3A_736, %add3A_765 : i32
      %swap3A_767 = arith.index_cast %add3A_766 : i32 to index
      %swap3A_768 = tpu.vector_load %arg8[%swap3A_767] {strides = array<i32>} : memref<25600xi32, #tpu.memory_space<vmem>>, vector<16xi32>,
      tpu.vector_store %arg8[%swap3A_767], %get3A_764 {strides = array<i32>} : memref<25600xi32, #tpu.memory_space<vmem>>, vector<16xi32>,
      %get3A_769 = arith.constant 6 : i32
      %get3A_770 = arith.index_cast %get3A_769 : i32 to index
      %get3A_771 = arith.constant 64 : index
      %get3A_772 = tpu.vector_load %arg12[%get3A_770, %get3A_771] {strides = array<i32>} : memref<8x200xi32, #tpu.memory_space<vmem>>, vector<16xi32>,
      %add3A_773 = arith.constant 64 : i32
      %add3A_774 = arith.addi %mul3A_736, %add3A_773 : i32
      %swap3A_775 = arith.index_cast %add3A_774 : i32 to index
      %swap3A_776 = tpu.vector_load %arg8[%swap3A_775] {strides = array<i32>} : memref<25600xi32, #tpu.memory_space<vmem>>, vector<16xi32>,
      tpu.vector_store %arg8[%swap3A_775], %get3A_772 {strides = array<i32>} : memref<25600xi32, #tpu.memory_space<vmem>>, vector<16xi32>,
      %get3A_777 = arith.constant 6 : i32
      %get3A_778 = arith.index_cast %get3A_777 : i32 to index
      %get3A_779 = arith.constant 80 : index
      %get3A_780 = tpu.vector_load %arg12[%get3A_778, %get3A_779] {strides = array<i32>} : memref<8x200xi32, #tpu.memory_space<vmem>>, vector<16xi32>,
      %add3A_781 = arith.constant 80 : i32
      %add3A_782 = arith.addi %mul3A_736, %add3A_781 : i32
      %swap3A_783 = arith.index_cast %add3A_782 : i32 to index
      %swap3A_784 = tpu.vector_load %arg8[%swap3A_783] {strides = array<i32>} : memref<25600xi32, #tpu.memory_space<vmem>>, vector<16xi32>,
      tpu.vector_store %arg8[%swap3A_783], %get3A_780 {strides = array<i32>} : memref<25600xi32, #tpu.memory_space<vmem>>, vector<16xi32>,
      %get3A_785 = arith.constant 6 : i32
      %get3A_786 = arith.index_cast %get3A_785 : i32 to index
      %get3A_787 = arith.constant 96 : index
      %get3A_788 = tpu.vector_load %arg12[%get3A_786, %get3A_787] {strides = array<i32>} : memref<8x200xi32, #tpu.memory_space<vmem>>, vector<16xi32>,
      %add3A_789 = arith.constant 96 : i32
      %add3A_790 = arith.addi %mul3A_736, %add3A_789 : i32
      %swap3A_791 = arith.index_cast %add3A_790 : i32 to index
      %swap3A_792 = tpu.vector_load %arg8[%swap3A_791] {strides = array<i32>} : memref<25600xi32, #tpu.memory_space<vmem>>, vector<16xi32>,
      tpu.vector_store %arg8[%swap3A_791], %get3A_788 {strides = array<i32>} : memref<25600xi32, #tpu.memory_space<vmem>>, vector<16xi32>,
      %get3A_793 = arith.constant 6 : i32
      %get3A_794 = arith.index_cast %get3A_793 : i32 to index
      %get3A_795 = arith.constant 112 : index
      %get3A_796 = tpu.vector_load %arg12[%get3A_794, %get3A_795] {strides = array<i32>} : memref<8x200xi32, #tpu.memory_space<vmem>>, vector<16xi32>,
      %add3A_797 = arith.constant 112 : i32
      %add3A_798 = arith.addi %mul3A_736, %add3A_797 : i32
      %swap3A_799 = arith.index_cast %add3A_798 : i32 to index
      %swap3A_800 = tpu.vector_load %arg8[%swap3A_799] {strides = array<i32>} : memref<25600xi32, #tpu.memory_space<vmem>>, vector<16xi32>,
      tpu.vector_store %arg8[%swap3A_799], %get3A_796 {strides = array<i32>} : memref<25600xi32, #tpu.memory_space<vmem>>, vector<16xi32>,
      %get3A_801 = arith.constant 6 : i32
      %get3A_802 = arith.index_cast %get3A_801 : i32 to index
      %get3A_803 = arith.constant 128 : index
      %get3A_804 = tpu.vector_load %arg12[%get3A_802, %get3A_803] {strides = array<i32>} : memref<8x200xi32, #tpu.memory_space<vmem>>, vector<16xi32>,
      %add3A_805 = arith.constant 128 : i32
      %add3A_806 = arith.addi %mul3A_736, %add3A_805 : i32
      %swap3A_807 = arith.index_cast %add3A_806 : i32 to index
      %swap3A_808 = tpu.vector_load %arg8[%swap3A_807] {strides = array<i32>} : memref<25600xi32, #tpu.memory_space<vmem>>, vector<16xi32>,
      tpu.vector_store %arg8[%swap3A_807], %get3A_804 {strides = array<i32>} : memref<25600xi32, #tpu.memory_space<vmem>>, vector<16xi32>,
      %get3A_809 = arith.constant 6 : i32
      %get3A_810 = arith.index_cast %get3A_809 : i32 to index
      %get3A_811 = arith.constant 144 : index
      %get3A_812 = tpu.vector_load %arg12[%get3A_810, %get3A_811] {strides = array<i32>} : memref<8x200xi32, #tpu.memory_space<vmem>>, vector<16xi32>,
      %add3A_813 = arith.constant 144 : i32
      %add3A_814 = arith.addi %mul3A_736, %add3A_813 : i32
      %swap3A_815 = arith.index_cast %add3A_814 : i32 to index
      %swap3A_816 = tpu.vector_load %arg8[%swap3A_815] {strides = array<i32>} : memref<25600xi32, #tpu.memory_space<vmem>>, vector<16xi32>,
      tpu.vector_store %arg8[%swap3A_815], %get3A_812 {strides = array<i32>} : memref<25600xi32, #tpu.memory_space<vmem>>, vector<16xi32>,
      %get3A_817 = arith.constant 6 : i32
      %get3A_818 = arith.index_cast %get3A_817 : i32 to index
      %get3A_819 = arith.constant 160 : index
      %get3A_820 = tpu.vector_load %arg12[%get3A_818, %get3A_819] {strides = array<i32>} : memref<8x200xi32, #tpu.memory_space<vmem>>, vector<16xi32>,
      %add3A_821 = arith.constant 160 : i32
      %add3A_822 = arith.addi %mul3A_736, %add3A_821 : i32
      %swap3A_823 = arith.index_cast %add3A_822 : i32 to index
      %swap3A_824 = tpu.vector_load %arg8[%swap3A_823] {strides = array<i32>} : memref<25600xi32, #tpu.memory_space<vmem>>, vector<16xi32>,
      tpu.vector_store %arg8[%swap3A_823], %get3A_820 {strides = array<i32>} : memref<25600xi32, #tpu.memory_space<vmem>>, vector<16xi32>,
      %get3A_825 = arith.constant 6 : i32
      %get3A_826 = arith.index_cast %get3A_825 : i32 to index
      %get3A_827 = arith.constant 176 : index
      %get3A_828 = tpu.vector_load %arg12[%get3A_826, %get3A_827] {strides = array<i32>} : memref<8x200xi32, #tpu.memory_space<vmem>>, vector<16xi32>,
      %add3A_829 = arith.constant 176 : i32
      %add3A_830 = arith.addi %mul3A_736, %add3A_829 : i32
      %swap3A_831 = arith.index_cast %add3A_830 : i32 to index
      %swap3A_832 = tpu.vector_load %arg8[%swap3A_831] {strides = array<i32>} : memref<25600xi32, #tpu.memory_space<vmem>>, vector<16xi32>,
      tpu.vector_store %arg8[%swap3A_831], %get3A_828 {strides = array<i32>} : memref<25600xi32, #tpu.memory_space<vmem>>, vector<16xi32>,
      %get3A_833 = arith.constant 6 : i32
      %get3A_834 = arith.index_cast %get3A_833 : i32 to index
      %get3A_835 = arith.constant 184 : index
      %get3A_836 = tpu.vector_load %arg12[%get3A_834, %get3A_835] {strides = array<i32>} : memref<8x200xi32, #tpu.memory_space<vmem>>, vector<16xi32>,
      %add3A_837 = arith.constant 200 : i32
      %add3A_838 = arith.addi %mul3A_736, %add3A_837 : i32
      %sub3A_839 = arith.constant 16 : i32
      %sub3A_840 = arith.subi %add3A_838, %sub3A_839 : i32
      %swap3A_841 = arith.index_cast %sub3A_840 : i32 to index
      %swap3A_842 = tpu.vector_load %arg8[%swap3A_841] {strides = array<i32>} : memref<25600xi32, #tpu.memory_space<vmem>>, vector<16xi32>,
      tpu.vector_store %arg8[%swap3A_841], %get3A_836 {strides = array<i32>} : memref<25600xi32, #tpu.memory_space<vmem>>, vector<16xi32>,
      %mul3A_843 = arith.constant 8 : i32
      %mul3A_844 = arith.muli %scan3A_58, %mul3A_843 : i32
      %add3A_845 = arith.constant 7 : i32
      %add3A_846 = arith.addi %mul3A_844, %add3A_845 : i32
      %mul3A_847 = arith.constant 200 : i32
      %mul3A_848 = arith.muli %add3A_846, %mul3A_847 : i32
      %get3A_849 = arith.constant 7 : i32
      %get3A_850 = arith.index_cast %get3A_849 : i32 to index
      %get3A_851 = arith.constant 0 : index
      %get3A_852 = tpu.vector_load %arg12[%get3A_850, %get3A_851] {strides = array<i32>} : memref<8x200xi32, #tpu.memory_space<vmem>>, vector<16xi32>,
      %add3A_853 = arith.constant 0 : i32
      %add3A_854 = arith.addi %mul3A_848, %add3A_853 : i32
      %swap3A_855 = arith.index_cast %add3A_854 : i32 to index
      %swap3A_856 = tpu.vector_load %arg8[%swap3A_855] {strides = array<i32>} : memref<25600xi32, #tpu.memory_space<vmem>>, vector<16xi32>,
      tpu.vector_store %arg8[%swap3A_855], %get3A_852 {strides = array<i32>} : memref<25600xi32, #tpu.memory_space<vmem>>, vector<16xi32>,
      %get3A_857 = arith.constant 7 : i32
      %get3A_858 = arith.index_cast %get3A_857 : i32 to index
      %get3A_859 = arith.constant 16 : index
      %get3A_860 = tpu.vector_load %arg12[%get3A_858, %get3A_859] {strides = array<i32>} : memref<8x200xi32, #tpu.memory_space<vmem>>, vector<16xi32>,
      %add3A_861 = arith.constant 16 : i32
      %add3A_862 = arith.addi %mul3A_848, %add3A_861 : i32
      %swap3A_863 = arith.index_cast %add3A_862 : i32 to index
      %swap3A_864 = tpu.vector_load %arg8[%swap3A_863] {strides = array<i32>} : memref<25600xi32, #tpu.memory_space<vmem>>, vector<16xi32>,
      tpu.vector_store %arg8[%swap3A_863], %get3A_860 {strides = array<i32>} : memref<25600xi32, #tpu.memory_space<vmem>>, vector<16xi32>,
      %get3A_865 = arith.constant 7 : i32
      %get3A_866 = arith.index_cast %get3A_865 : i32 to index
      %get3A_867 = arith.constant 32 : index
      %get3A_868 = tpu.vector_load %arg12[%get3A_866, %get3A_867] {strides = array<i32>} : memref<8x200xi32, #tpu.memory_space<vmem>>, vector<16xi32>,
      %add3A_869 = arith.constant 32 : i32
      %add3A_870 = arith.addi %mul3A_848, %add3A_869 : i32
      %swap3A_871 = arith.index_cast %add3A_870 : i32 to index
      %swap3A_872 = tpu.vector_load %arg8[%swap3A_871] {strides = array<i32>} : memref<25600xi32, #tpu.memory_space<vmem>>, vector<16xi32>,
      tpu.vector_store %arg8[%swap3A_871], %get3A_868 {strides = array<i32>} : memref<25600xi32, #tpu.memory_space<vmem>>, vector<16xi32>,
      %get3A_873 = arith.constant 7 : i32
      %get3A_874 = arith.index_cast %get3A_873 : i32 to index
      %get3A_875 = arith.constant 48 : index
      %get3A_876 = tpu.vector_load %arg12[%get3A_874, %get3A_875] {strides = array<i32>} : memref<8x200xi32, #tpu.memory_space<vmem>>, vector<16xi32>,
      %add3A_877 = arith.constant 48 : i32
      %add3A_878 = arith.addi %mul3A_848, %add3A_877 : i32
      %swap3A_879 = arith.index_cast %add3A_878 : i32 to index
      %swap3A_880 = tpu.vector_load %arg8[%swap3A_879] {strides = array<i32>} : memref<25600xi32, #tpu.memory_space<vmem>>, vector<16xi32>,
      tpu.vector_store %arg8[%swap3A_879], %get3A_876 {strides = array<i32>} : memref<25600xi32, #tpu.memory_space<vmem>>, vector<16xi32>,
      %get3A_881 = arith.constant 7 : i32
      %get3A_882 = arith.index_cast %get3A_881 : i32 to index
      %get3A_883 = arith.constant 64 : index
      %get3A_884 = tpu.vector_load %arg12[%get3A_882, %get3A_883] {strides = array<i32>} : memref<8x200xi32, #tpu.memory_space<vmem>>, vector<16xi32>,
      %add3A_885 = arith.constant 64 : i32
      %add3A_886 = arith.addi %mul3A_848, %add3A_885 : i32
      %swap3A_887 = arith.index_cast %add3A_886 : i32 to index
      %swap3A_888 = tpu.vector_load %arg8[%swap3A_887] {strides = array<i32>} : memref<25600xi32, #tpu.memory_space<vmem>>, vector<16xi32>,
      tpu.vector_store %arg8[%swap3A_887], %get3A_884 {strides = array<i32>} : memref<25600xi32, #tpu.memory_space<vmem>>, vector<16xi32>,
      %get3A_889 = arith.constant 7 : i32
      %get3A_890 = arith.index_cast %get3A_889 : i32 to index
      %get3A_891 = arith.constant 80 : index
      %get3A_892 = tpu.vector_load %arg12[%get3A_890, %get3A_891] {strides = array<i32>} : memref<8x200xi32, #tpu.memory_space<vmem>>, vector<16xi32>,
      %add3A_893 = arith.constant 80 : i32
      %add3A_894 = arith.addi %mul3A_848, %add3A_893 : i32
      %swap3A_895 = arith.index_cast %add3A_894 : i32 to index
      %swap3A_896 = tpu.vector_load %arg8[%swap3A_895] {strides = array<i32>} : memref<25600xi32, #tpu.memory_space<vmem>>, vector<16xi32>,
      tpu.vector_store %arg8[%swap3A_895], %get3A_892 {strides = array<i32>} : memref<25600xi32, #tpu.memory_space<vmem>>, vector<16xi32>,
      %get3A_897 = arith.constant 7 : i32
      %get3A_898 = arith.index_cast %get3A_897 : i32 to index
      %get3A_899 = arith.constant 96 : index
      %get3A_900 = tpu.vector_load %arg12[%get3A_898, %get3A_899] {strides = array<i32>} : memref<8x200xi32, #tpu.memory_space<vmem>>, vector<16xi32>,
      %add3A_901 = arith.constant 96 : i32
      %add3A_902 = arith.addi %mul3A_848, %add3A_901 : i32
      %swap3A_903 = arith.index_cast %add3A_902 : i32 to index
      %swap3A_904 = tpu.vector_load %arg8[%swap3A_903] {strides = array<i32>} : memref<25600xi32, #tpu.memory_space<vmem>>, vector<16xi32>,
      tpu.vector_store %arg8[%swap3A_903], %get3A_900 {strides = array<i32>} : memref<25600xi32, #tpu.memory_space<vmem>>, vector<16xi32>,
      %get3A_905 = arith.constant 7 : i32
      %get3A_906 = arith.index_cast %get3A_905 : i32 to index
      %get3A_907 = arith.constant 112 : index
      %get3A_908 = tpu.vector_load %arg12[%get3A_906, %get3A_907] {strides = array<i32>} : memref<8x200xi32, #tpu.memory_space<vmem>>, vector<16xi32>,
      %add3A_909 = arith.constant 112 : i32
      %add3A_910 = arith.addi %mul3A_848, %add3A_909 : i32
      %swap3A_911 = arith.index_cast %add3A_910 : i32 to index
      %swap3A_912 = tpu.vector_load %arg8[%swap3A_911] {strides = array<i32>} : memref<25600xi32, #tpu.memory_space<vmem>>, vector<16xi32>,
      tpu.vector_store %arg8[%swap3A_911], %get3A_908 {strides = array<i32>} : memref<25600xi32, #tpu.memory_space<vmem>>, vector<16xi32>,
      %get3A_913 = arith.constant 7 : i32
      %get3A_914 = arith.index_cast %get3A_913 : i32 to index
      %get3A_915 = arith.constant 128 : index
      %get3A_916 = tpu.vector_load %arg12[%get3A_914, %get3A_915] {strides = array<i32>} : memref<8x200xi32, #tpu.memory_space<vmem>>, vector<16xi32>,
      %add3A_917 = arith.constant 128 : i32
      %add3A_918 = arith.addi %mul3A_848, %add3A_917 : i32
      %swap3A_919 = arith.index_cast %add3A_918 : i32 to index
      %swap3A_920 = tpu.vector_load %arg8[%swap3A_919] {strides = array<i32>} : memref<25600xi32, #tpu.memory_space<vmem>>, vector<16xi32>,
      tpu.vector_store %arg8[%swap3A_919], %get3A_916 {strides = array<i32>} : memref<25600xi32, #tpu.memory_space<vmem>>, vector<16xi32>,
      %get3A_921 = arith.constant 7 : i32
      %get3A_922 = arith.index_cast %get3A_921 : i32 to index
      %get3A_923 = arith.constant 144 : index
      %get3A_924 = tpu.vector_load %arg12[%get3A_922, %get3A_923] {strides = array<i32>} : memref<8x200xi32, #tpu.memory_space<vmem>>, vector<16xi32>,
      %add3A_925 = arith.constant 144 : i32
      %add3A_926 = arith.addi %mul3A_848, %add3A_925 : i32
      %swap3A_927 = arith.index_cast %add3A_926 : i32 to index
      %swap3A_928 = tpu.vector_load %arg8[%swap3A_927] {strides = array<i32>} : memref<25600xi32, #tpu.memory_space<vmem>>, vector<16xi32>,
      tpu.vector_store %arg8[%swap3A_927], %get3A_924 {strides = array<i32>} : memref<25600xi32, #tpu.memory_space<vmem>>, vector<16xi32>,
      %get3A_929 = arith.constant 7 : i32
      %get3A_930 = arith.index_cast %get3A_929 : i32 to index
      %get3A_931 = arith.constant 160 : index
      %get3A_932 = tpu.vector_load %arg12[%get3A_930, %get3A_931] {strides = array<i32>} : memref<8x200xi32, #tpu.memory_space<vmem>>, vector<16xi32>,
      %add3A_933 = arith.constant 160 : i32
      %add3A_934 = arith.addi %mul3A_848, %add3A_933 : i32
      %swap3A_935 = arith.index_cast %add3A_934 : i32 to index
      %swap3A_936 = tpu.vector_load %arg8[%swap3A_935] {strides = array<i32>} : memref<25600xi32, #tpu.memory_space<vmem>>, vector<16xi32>,
      tpu.vector_store %arg8[%swap3A_935], %get3A_932 {strides = array<i32>} : memref<25600xi32, #tpu.memory_space<vmem>>, vector<16xi32>,
      %get3A_937 = arith.constant 7 : i32
      %get3A_938 = arith.index_cast %get3A_937 : i32 to index
      %get3A_939 = arith.constant 176 : index
      %get3A_940 = tpu.vector_load %arg12[%get3A_938, %get3A_939] {strides = array<i32>} : memref<8x200xi32, #tpu.memory_space<vmem>>, vector<16xi32>,
      %add3A_941 = arith.constant 176 : i32
      %add3A_942 = arith.addi %mul3A_848, %add3A_941 : i32
      %swap3A_943 = arith.index_cast %add3A_942 : i32 to index
      %swap3A_944 = tpu.vector_load %arg8[%swap3A_943] {strides = array<i32>} : memref<25600xi32, #tpu.memory_space<vmem>>, vector<16xi32>,
      tpu.vector_store %arg8[%swap3A_943], %get3A_940 {strides = array<i32>} : memref<25600xi32, #tpu.memory_space<vmem>>, vector<16xi32>,
      %get3A_945 = arith.constant 7 : i32
      %get3A_946 = arith.index_cast %get3A_945 : i32 to index
      %get3A_947 = arith.constant 184 : index
      %get3A_948 = tpu.vector_load %arg12[%get3A_946, %get3A_947] {strides = array<i32>} : memref<8x200xi32, #tpu.memory_space<vmem>>, vector<16xi32>,
      %add3A_949 = arith.constant 200 : i32
      %add3A_950 = arith.addi %mul3A_848, %add3A_949 : i32
      %sub3A_951 = arith.constant 16 : i32
      %sub3A_952 = arith.subi %add3A_950, %sub3A_951 : i32
      %swap3A_953 = arith.index_cast %sub3A_952 : i32 to index
      %swap3A_954 = tpu.vector_load %arg8[%swap3A_953] {strides = array<i32>} : memref<25600xi32, #tpu.memory_space<vmem>>, vector<16xi32>,
      tpu.vector_store %arg8[%swap3A_953], %get3A_948 {strides = array<i32>} : memref<25600xi32, #tpu.memory_space<vmem>>, vector<16xi32>,
    }
    %scan3A_9 = arith.constant 16 : i32
    %scan3A_10 = arith.constant 0 : i32
    %scan3A_11 = arith.constant 0 : i32
    %scan3A_12 = arith.constant 16 : i32
    %scan3A_13 = arith.addi %scan3A_11, %scan3A_12 : i32
    %scan3A_14 = arith.constant 1 : i32
    scf.for %scan3A_58 = %scan3A_11 to %scan3A_13 step %scan3A_14  : i32 {
      %mul3A_59 = arith.constant 8 : i32
      %mul3A_60 = arith.muli %scan3A_58, %mul3A_59 : i32
      "tpu.region"() ({
        %run_scoped3A = tpu.sem_alloc : memref<!tpu.dma_semaphore, #tpu.memory_space<semaphore_mem>>
        %dma_start3A_955 = arith.constant 0 : i32
        %dma_start3A_956 = tpu.memref_slice %arg5[%add3A, %mul3A_60, %dma_start3A_955] : memref<32x128x200xi32, #tpu.memory_space<hbm>> -> memref<1x8x200xi32, #tpu.memory_space<hbm>>
        %dma_start3A_957 = tpu.memref_squeeze %dma_start3A_956 : memref<1x8x200xi32, #tpu.memory_space<hbm>> -> memref<8x200xi32, #tpu.memory_space<hbm>>
        %dma_start3A_958 = arith.constant 0 : i32
        %dma_start3A_959 = tpu.memref_slice %arg5[%add3A, %mul3A_60, %dma_start3A_958] : memref<32x128x200xi32, #tpu.memory_space<hbm>> -> memref<1x8x200xi32, #tpu.memory_space<hbm>>
        %dma_start3A_960 = tpu.memref_squeeze %dma_start3A_959 : memref<1x8x200xi32, #tpu.memory_space<hbm>> -> memref<8x200xi32, #tpu.memory_space<hbm>>
        tpu.enqueue_dma source(%dma_start3A_960 : memref<8x200xi32, #tpu.memory_space<hbm>>) target(%arg12 : memref<8x200xi32, #tpu.memory_space<vmem>>) target_semaphore(%run_scoped3A : memref<!tpu.dma_semaphore, #tpu.memory_space<semaphore_mem>>)
        %dma_wait3A_961 = arith.constant 0 : i32
        %dma_wait3A_962 = tpu.memref_slice %arg5[%add3A, %mul3A_60, %dma_wait3A_961] : memref<32x128x200xi32, #tpu.memory_space<hbm>> -> memref<1x8x200xi32, #tpu.memory_space<hbm>>
        %dma_wait3A_963 = tpu.memref_squeeze %dma_wait3A_962 : memref<1x8x200xi32, #tpu.memory_space<hbm>> -> memref<8x200xi32, #tpu.memory_space<hbm>>
        %dma_wait3A_964 = arith.constant 0 : i32
        %dma_wait3A_965 = tpu.memref_slice %arg5[%add3A, %mul3A_60, %dma_wait3A_964] : memref<32x128x200xi32, #tpu.memory_space<hbm>> -> memref<1x8x200xi32, #tpu.memory_space<hbm>>
        %dma_wait3A_966 = tpu.memref_squeeze %dma_wait3A_965 : memref<1x8x200xi32, #tpu.memory_space<hbm>> -> memref<8x200xi32, #tpu.memory_space<hbm>>
        tpu.wait_dma2 semaphore(%run_scoped3A : memref<!tpu.dma_semaphore, #tpu.memory_space<semaphore_mem>>) src(%dma_wait3A_966 : memref<8x200xi32, #tpu.memory_space<hbm>>) dst(%arg12 : memref<8x200xi32, #tpu.memory_space<vmem>>)
        tpu.yield
      }) : () -> ()
      %mul3A_61 = arith.constant 8 : i32
      %mul3A_62 = arith.muli %scan3A_58, %mul3A_61 : i32
      %add3A_63 = arith.constant 0 : i32
      %add3A_64 = arith.addi %mul3A_62, %add3A_63 : i32
      %mul3A_65 = arith.constant 200 : i32
      %mul3A_66 = arith.muli %add3A_64, %mul3A_65 : i32
      %get3A = arith.constant 0 : i32
      %get3A_67 = arith.index_cast %get3A : i32 to index
      %get3A_68 = arith.constant 0 : index
      %get3A_69 = tpu.vector_load %arg12[%get3A_67, %get3A_68] {strides = array<i32>} : memref<8x200xi32, #tpu.memory_space<vmem>>, vector<16xi32>,
      %add3A_70 = arith.constant 0 : i32
      %add3A_71 = arith.addi %mul3A_66, %add3A_70 : i32
      %swap3A_72 = arith.index_cast %add3A_71 : i32 to index
      %swap3A_73 = tpu.vector_load %arg9[%swap3A_72] {strides = array<i32>} : memref<25600xi32, #tpu.memory_space<vmem>>, vector<16xi32>,
      tpu.vector_store %arg9[%swap3A_72], %get3A_69 {strides = array<i32>} : memref<25600xi32, #tpu.memory_space<vmem>>, vector<16xi32>,
      %get3A_74 = arith.constant 0 : i32
      %get3A_75 = arith.index_cast %get3A_74 : i32 to index
      %get3A_76 = arith.constant 16 : index
      %get3A_77 = tpu.vector_load %arg12[%get3A_75, %get3A_76] {strides = array<i32>} : memref<8x200xi32, #tpu.memory_space<vmem>>, vector<16xi32>,
      %add3A_78 = arith.constant 16 : i32
      %add3A_79 = arith.addi %mul3A_66, %add3A_78 : i32
      %swap3A_80 = arith.index_cast %add3A_79 : i32 to index
      %swap3A_81 = tpu.vector_load %arg9[%swap3A_80] {strides = array<i32>} : memref<25600xi32, #tpu.memory_space<vmem>>, vector<16xi32>,
      tpu.vector_store %arg9[%swap3A_80], %get3A_77 {strides = array<i32>} : memref<25600xi32, #tpu.memory_space<vmem>>, vector<16xi32>,
      %get3A_82 = arith.constant 0 : i32
      %get3A_83 = arith.index_cast %get3A_82 : i32 to index
      %get3A_84 = arith.constant 32 : index
      %get3A_85 = tpu.vector_load %arg12[%get3A_83, %get3A_84] {strides = array<i32>} : memref<8x200xi32, #tpu.memory_space<vmem>>, vector<16xi32>,
      %add3A_86 = arith.constant 32 : i32
      %add3A_87 = arith.addi %mul3A_66, %add3A_86 : i32
      %swap3A_88 = arith.index_cast %add3A_87 : i32 to index
      %swap3A_89 = tpu.vector_load %arg9[%swap3A_88] {strides = array<i32>} : memref<25600xi32, #tpu.memory_space<vmem>>, vector<16xi32>,
      tpu.vector_store %arg9[%swap3A_88], %get3A_85 {strides = array<i32>} : memref<25600xi32, #tpu.memory_space<vmem>>, vector<16xi32>,
      %get3A_90 = arith.constant 0 : i32
      %get3A_91 = arith.index_cast %get3A_90 : i32 to index
      %get3A_92 = arith.constant 48 : index
      %get3A_93 = tpu.vector_load %arg12[%get3A_91, %get3A_92] {strides = array<i32>} : memref<8x200xi32, #tpu.memory_space<vmem>>, vector<16xi32>,
      %add3A_94 = arith.constant 48 : i32
      %add3A_95 = arith.addi %mul3A_66, %add3A_94 : i32
      %swap3A_96 = arith.index_cast %add3A_95 : i32 to index
      %swap3A_97 = tpu.vector_load %arg9[%swap3A_96] {strides = array<i32>} : memref<25600xi32, #tpu.memory_space<vmem>>, vector<16xi32>,
      tpu.vector_store %arg9[%swap3A_96], %get3A_93 {strides = array<i32>} : memref<25600xi32, #tpu.memory_space<vmem>>, vector<16xi32>,
      %get3A_98 = arith.constant 0 : i32
      %get3A_99 = arith.index_cast %get3A_98 : i32 to index
      %get3A_100 = arith.constant 64 : index
      %get3A_101 = tpu.vector_load %arg12[%get3A_99, %get3A_100] {strides = array<i32>} : memref<8x200xi32, #tpu.memory_space<vmem>>, vector<16xi32>,
      %add3A_102 = arith.constant 64 : i32
      %add3A_103 = arith.addi %mul3A_66, %add3A_102 : i32
      %swap3A_104 = arith.index_cast %add3A_103 : i32 to index
      %swap3A_105 = tpu.vector_load %arg9[%swap3A_104] {strides = array<i32>} : memref<25600xi32, #tpu.memory_space<vmem>>, vector<16xi32>,
      tpu.vector_store %arg9[%swap3A_104], %get3A_101 {strides = array<i32>} : memref<25600xi32, #tpu.memory_space<vmem>>, vector<16xi32>,
      %get3A_106 = arith.constant 0 : i32
      %get3A_107 = arith.index_cast %get3A_106 : i32 to index
      %get3A_108 = arith.constant 80 : index
      %get3A_109 = tpu.vector_load %arg12[%get3A_107, %get3A_108] {strides = array<i32>} : memref<8x200xi32, #tpu.memory_space<vmem>>, vector<16xi32>,
      %add3A_110 = arith.constant 80 : i32
      %add3A_111 = arith.addi %mul3A_66, %add3A_110 : i32
      %swap3A_112 = arith.index_cast %add3A_111 : i32 to index
      %swap3A_113 = tpu.vector_load %arg9[%swap3A_112] {strides = array<i32>} : memref<25600xi32, #tpu.memory_space<vmem>>, vector<16xi32>,
      tpu.vector_store %arg9[%swap3A_112], %get3A_109 {strides = array<i32>} : memref<25600xi32, #tpu.memory_space<vmem>>, vector<16xi32>,
      %get3A_114 = arith.constant 0 : i32
      %get3A_115 = arith.index_cast %get3A_114 : i32 to index
      %get3A_116 = arith.constant 96 : index
      %get3A_117 = tpu.vector_load %arg12[%get3A_115, %get3A_116] {strides = array<i32>} : memref<8x200xi32, #tpu.memory_space<vmem>>, vector<16xi32>,
      %add3A_118 = arith.constant 96 : i32
      %add3A_119 = arith.addi %mul3A_66, %add3A_118 : i32
      %swap3A_120 = arith.index_cast %add3A_119 : i32 to index
      %swap3A_121 = tpu.vector_load %arg9[%swap3A_120] {strides = array<i32>} : memref<25600xi32, #tpu.memory_space<vmem>>, vector<16xi32>,
      tpu.vector_store %arg9[%swap3A_120], %get3A_117 {strides = array<i32>} : memref<25600xi32, #tpu.memory_space<vmem>>, vector<16xi32>,
      %get3A_122 = arith.constant 0 : i32
      %get3A_123 = arith.index_cast %get3A_122 : i32 to index
      %get3A_124 = arith.constant 112 : index
      %get3A_125 = tpu.vector_load %arg12[%get3A_123, %get3A_124] {strides = array<i32>} : memref<8x200xi32, #tpu.memory_space<vmem>>, vector<16xi32>,
      %add3A_126 = arith.constant 112 : i32
      %add3A_127 = arith.addi %mul3A_66, %add3A_126 : i32
      %swap3A_128 = arith.index_cast %add3A_127 : i32 to index
      %swap3A_129 = tpu.vector_load %arg9[%swap3A_128] {strides = array<i32>} : memref<25600xi32, #tpu.memory_space<vmem>>, vector<16xi32>,
      tpu.vector_store %arg9[%swap3A_128], %get3A_125 {strides = array<i32>} : memref<25600xi32, #tpu.memory_space<vmem>>, vector<16xi32>,
      %get3A_130 = arith.constant 0 : i32
      %get3A_131 = arith.index_cast %get3A_130 : i32 to index
      %get3A_132 = arith.constant 128 : index
      %get3A_133 = tpu.vector_load %arg12[%get3A_131, %get3A_132] {strides = array<i32>} : memref<8x200xi32, #tpu.memory_space<vmem>>, vector<16xi32>,
      %add3A_134 = arith.constant 128 : i32
      %add3A_135 = arith.addi %mul3A_66, %add3A_134 : i32
      %swap3A_136 = arith.index_cast %add3A_135 : i32 to index
      %swap3A_137 = tpu.vector_load %arg9[%swap3A_136] {strides = array<i32>} : memref<25600xi32, #tpu.memory_space<vmem>>, vector<16xi32>,
      tpu.vector_store %arg9[%swap3A_136], %get3A_133 {strides = array<i32>} : memref<25600xi32, #tpu.memory_space<vmem>>, vector<16xi32>,
      %get3A_138 = arith.constant 0 : i32
      %get3A_139 = arith.index_cast %get3A_138 : i32 to index
      %get3A_140 = arith.constant 144 : index
      %get3A_141 = tpu.vector_load %arg12[%get3A_139, %get3A_140] {strides = array<i32>} : memref<8x200xi32, #tpu.memory_space<vmem>>, vector<16xi32>,
      %add3A_142 = arith.constant 144 : i32
      %add3A_143 = arith.addi %mul3A_66, %add3A_142 : i32
      %swap3A_144 = arith.index_cast %add3A_143 : i32 to index
      %swap3A_145 = tpu.vector_load %arg9[%swap3A_144] {strides = array<i32>} : memref<25600xi32, #tpu.memory_space<vmem>>, vector<16xi32>,
      tpu.vector_store %arg9[%swap3A_144], %get3A_141 {strides = array<i32>} : memref<25600xi32, #tpu.memory_space<vmem>>, vector<16xi32>,
      %get3A_146 = arith.constant 0 : i32
      %get3A_147 = arith.index_cast %get3A_146 : i32 to index
      %get3A_148 = arith.constant 160 : index
      %get3A_149 = tpu.vector_load %arg12[%get3A_147, %get3A_148] {strides = array<i32>} : memref<8x200xi32, #tpu.memory_space<vmem>>, vector<16xi32>,
      %add3A_150 = arith.constant 160 : i32
      %add3A_151 = arith.addi %mul3A_66, %add3A_150 : i32
      %swap3A_152 = arith.index_cast %add3A_151 : i32 to index
      %swap3A_153 = tpu.vector_load %arg9[%swap3A_152] {strides = array<i32>} : memref<25600xi32, #tpu.memory_space<vmem>>, vector<16xi32>,
      tpu.vector_store %arg9[%swap3A_152], %get3A_149 {strides = array<i32>} : memref<25600xi32, #tpu.memory_space<vmem>>, vector<16xi32>,
      %get3A_154 = arith.constant 0 : i32
      %get3A_155 = arith.index_cast %get3A_154 : i32 to index
      %get3A_156 = arith.constant 176 : index
      %get3A_157 = tpu.vector_load %arg12[%get3A_155, %get3A_156] {strides = array<i32>} : memref<8x200xi32, #tpu.memory_space<vmem>>, vector<16xi32>,
      %add3A_158 = arith.constant 176 : i32
      %add3A_159 = arith.addi %mul3A_66, %add3A_158 : i32
      %swap3A_160 = arith.index_cast %add3A_159 : i32 to index
      %swap3A_161 = tpu.vector_load %arg9[%swap3A_160] {strides = array<i32>} : memref<25600xi32, #tpu.memory_space<vmem>>, vector<16xi32>,
      tpu.vector_store %arg9[%swap3A_160], %get3A_157 {strides = array<i32>} : memref<25600xi32, #tpu.memory_space<vmem>>, vector<16xi32>,
      %get3A_162 = arith.constant 0 : i32
      %get3A_163 = arith.index_cast %get3A_162 : i32 to index
      %get3A_164 = arith.constant 184 : index
      %get3A_165 = tpu.vector_load %arg12[%get3A_163, %get3A_164] {strides = array<i32>} : memref<8x200xi32, #tpu.memory_space<vmem>>, vector<16xi32>,
      %add3A_166 = arith.constant 200 : i32
      %add3A_167 = arith.addi %mul3A_66, %add3A_166 : i32
      %sub3A = arith.constant 16 : i32
      %sub3A_168 = arith.subi %add3A_167, %sub3A : i32
      %swap3A_169 = arith.index_cast %sub3A_168 : i32 to index
      %swap3A_170 = tpu.vector_load %arg9[%swap3A_169] {strides = array<i32>} : memref<25600xi32, #tpu.memory_space<vmem>>, vector<16xi32>,
      tpu.vector_store %arg9[%swap3A_169], %get3A_165 {strides = array<i32>} : memref<25600xi32, #tpu.memory_space<vmem>>, vector<16xi32>,
      %mul3A_171 = arith.constant 8 : i32
      %mul3A_172 = arith.muli %scan3A_58, %mul3A_171 : i32
      %add3A_173 = arith.constant 1 : i32
      %add3A_174 = arith.addi %mul3A_172, %add3A_173 : i32
      %mul3A_175 = arith.constant 200 : i32
      %mul3A_176 = arith.muli %add3A_174, %mul3A_175 : i32
      %get3A_177 = arith.constant 1 : i32
      %get3A_178 = arith.index_cast %get3A_177 : i32 to index
      %get3A_179 = arith.constant 0 : index
      %get3A_180 = tpu.vector_load %arg12[%get3A_178, %get3A_179] {strides = array<i32>} : memref<8x200xi32, #tpu.memory_space<vmem>>, vector<16xi32>,
      %add3A_181 = arith.constant 0 : i32
      %add3A_182 = arith.addi %mul3A_176, %add3A_181 : i32
      %swap3A_183 = arith.index_cast %add3A_182 : i32 to index
      %swap3A_184 = tpu.vector_load %arg9[%swap3A_183] {strides = array<i32>} : memref<25600xi32, #tpu.memory_space<vmem>>, vector<16xi32>,
      tpu.vector_store %arg9[%swap3A_183], %get3A_180 {strides = array<i32>} : memref<25600xi32, #tpu.memory_space<vmem>>, vector<16xi32>,
      %get3A_185 = arith.constant 1 : i32
      %get3A_186 = arith.index_cast %get3A_185 : i32 to index
      %get3A_187 = arith.constant 16 : index
      %get3A_188 = tpu.vector_load %arg12[%get3A_186, %get3A_187] {strides = array<i32>} : memref<8x200xi32, #tpu.memory_space<vmem>>, vector<16xi32>,
      %add3A_189 = arith.constant 16 : i32
      %add3A_190 = arith.addi %mul3A_176, %add3A_189 : i32
      %swap3A_191 = arith.index_cast %add3A_190 : i32 to index
      %swap3A_192 = tpu.vector_load %arg9[%swap3A_191] {strides = array<i32>} : memref<25600xi32, #tpu.memory_space<vmem>>, vector<16xi32>,
      tpu.vector_store %arg9[%swap3A_191], %get3A_188 {strides = array<i32>} : memref<25600xi32, #tpu.memory_space<vmem>>, vector<16xi32>,
      %get3A_193 = arith.constant 1 : i32
      %get3A_194 = arith.index_cast %get3A_193 : i32 to index
      %get3A_195 = arith.constant 32 : index
      %get3A_196 = tpu.vector_load %arg12[%get3A_194, %get3A_195] {strides = array<i32>} : memref<8x200xi32, #tpu.memory_space<vmem>>, vector<16xi32>,
      %add3A_197 = arith.constant 32 : i32
      %add3A_198 = arith.addi %mul3A_176, %add3A_197 : i32
      %swap3A_199 = arith.index_cast %add3A_198 : i32 to index
      %swap3A_200 = tpu.vector_load %arg9[%swap3A_199] {strides = array<i32>} : memref<25600xi32, #tpu.memory_space<vmem>>, vector<16xi32>,
      tpu.vector_store %arg9[%swap3A_199], %get3A_196 {strides = array<i32>} : memref<25600xi32, #tpu.memory_space<vmem>>, vector<16xi32>,
      %get3A_201 = arith.constant 1 : i32
      %get3A_202 = arith.index_cast %get3A_201 : i32 to index
      %get3A_203 = arith.constant 48 : index
      %get3A_204 = tpu.vector_load %arg12[%get3A_202, %get3A_203] {strides = array<i32>} : memref<8x200xi32, #tpu.memory_space<vmem>>, vector<16xi32>,
      %add3A_205 = arith.constant 48 : i32
      %add3A_206 = arith.addi %mul3A_176, %add3A_205 : i32
      %swap3A_207 = arith.index_cast %add3A_206 : i32 to index
      %swap3A_208 = tpu.vector_load %arg9[%swap3A_207] {strides = array<i32>} : memref<25600xi32, #tpu.memory_space<vmem>>, vector<16xi32>,
      tpu.vector_store %arg9[%swap3A_207], %get3A_204 {strides = array<i32>} : memref<25600xi32, #tpu.memory_space<vmem>>, vector<16xi32>,
      %get3A_209 = arith.constant 1 : i32
      %get3A_210 = arith.index_cast %get3A_209 : i32 to index
      %get3A_211 = arith.constant 64 : index
      %get3A_212 = tpu.vector_load %arg12[%get3A_210, %get3A_211] {strides = array<i32>} : memref<8x200xi32, #tpu.memory_space<vmem>>, vector<16xi32>,
      %add3A_213 = arith.constant 64 : i32
      %add3A_214 = arith.addi %mul3A_176, %add3A_213 : i32
      %swap3A_215 = arith.index_cast %add3A_214 : i32 to index
      %swap3A_216 = tpu.vector_load %arg9[%swap3A_215] {strides = array<i32>} : memref<25600xi32, #tpu.memory_space<vmem>>, vector<16xi32>,
      tpu.vector_store %arg9[%swap3A_215], %get3A_212 {strides = array<i32>} : memref<25600xi32, #tpu.memory_space<vmem>>, vector<16xi32>,
      %get3A_217 = arith.constant 1 : i32
      %get3A_218 = arith.index_cast %get3A_217 : i32 to index
      %get3A_219 = arith.constant 80 : index
      %get3A_220 = tpu.vector_load %arg12[%get3A_218, %get3A_219] {strides = array<i32>} : memref<8x200xi32, #tpu.memory_space<vmem>>, vector<16xi32>,
      %add3A_221 = arith.constant 80 : i32
      %add3A_222 = arith.addi %mul3A_176, %add3A_221 : i32
      %swap3A_223 = arith.index_cast %add3A_222 : i32 to index
      %swap3A_224 = tpu.vector_load %arg9[%swap3A_223] {strides = array<i32>} : memref<25600xi32, #tpu.memory_space<vmem>>, vector<16xi32>,
      tpu.vector_store %arg9[%swap3A_223], %get3A_220 {strides = array<i32>} : memref<25600xi32, #tpu.memory_space<vmem>>, vector<16xi32>,
      %get3A_225 = arith.constant 1 : i32
      %get3A_226 = arith.index_cast %get3A_225 : i32 to index
      %get3A_227 = arith.constant 96 : index
      %get3A_228 = tpu.vector_load %arg12[%get3A_226, %get3A_227] {strides = array<i32>} : memref<8x200xi32, #tpu.memory_space<vmem>>, vector<16xi32>,
      %add3A_229 = arith.constant 96 : i32
      %add3A_230 = arith.addi %mul3A_176, %add3A_229 : i32
      %swap3A_231 = arith.index_cast %add3A_230 : i32 to index
      %swap3A_232 = tpu.vector_load %arg9[%swap3A_231] {strides = array<i32>} : memref<25600xi32, #tpu.memory_space<vmem>>, vector<16xi32>,
      tpu.vector_store %arg9[%swap3A_231], %get3A_228 {strides = array<i32>} : memref<25600xi32, #tpu.memory_space<vmem>>, vector<16xi32>,
      %get3A_233 = arith.constant 1 : i32
      %get3A_234 = arith.index_cast %get3A_233 : i32 to index
      %get3A_235 = arith.constant 112 : index
      %get3A_236 = tpu.vector_load %arg12[%get3A_234, %get3A_235] {strides = array<i32>} : memref<8x200xi32, #tpu.memory_space<vmem>>, vector<16xi32>,
      %add3A_237 = arith.constant 112 : i32
      %add3A_238 = arith.addi %mul3A_176, %add3A_237 : i32
      %swap3A_239 = arith.index_cast %add3A_238 : i32 to index
      %swap3A_240 = tpu.vector_load %arg9[%swap3A_239] {strides = array<i32>} : memref<25600xi32, #tpu.memory_space<vmem>>, vector<16xi32>,
      tpu.vector_store %arg9[%swap3A_239], %get3A_236 {strides = array<i32>} : memref<25600xi32, #tpu.memory_space<vmem>>, vector<16xi32>,
      %get3A_241 = arith.constant 1 : i32
      %get3A_242 = arith.index_cast %get3A_241 : i32 to index
      %get3A_243 = arith.constant 128 : index
      %get3A_244 = tpu.vector_load %arg12[%get3A_242, %get3A_243] {strides = array<i32>} : memref<8x200xi32, #tpu.memory_space<vmem>>, vector<16xi32>,
      %add3A_245 = arith.constant 128 : i32
      %add3A_246 = arith.addi %mul3A_176, %add3A_245 : i32
      %swap3A_247 = arith.index_cast %add3A_246 : i32 to index
      %swap3A_248 = tpu.vector_load %arg9[%swap3A_247] {strides = array<i32>} : memref<25600xi32, #tpu.memory_space<vmem>>, vector<16xi32>,
      tpu.vector_store %arg9[%swap3A_247], %get3A_244 {strides = array<i32>} : memref<25600xi32, #tpu.memory_space<vmem>>, vector<16xi32>,
      %get3A_249 = arith.constant 1 : i32
      %get3A_250 = arith.index_cast %get3A_249 : i32 to index
      %get3A_251 = arith.constant 144 : index
      %get3A_252 = tpu.vector_load %arg12[%get3A_250, %get3A_251] {strides = array<i32>} : memref<8x200xi32, #tpu.memory_space<vmem>>, vector<16xi32>,
      %add3A_253 = arith.constant 144 : i32
      %add3A_254 = arith.addi %mul3A_176, %add3A_253 : i32
      %swap3A_255 = arith.index_cast %add3A_254 : i32 to index
      %swap3A_256 = tpu.vector_load %arg9[%swap3A_255] {strides = array<i32>} : memref<25600xi32, #tpu.memory_space<vmem>>, vector<16xi32>,
      tpu.vector_store %arg9[%swap3A_255], %get3A_252 {strides = array<i32>} : memref<25600xi32, #tpu.memory_space<vmem>>, vector<16xi32>,
      %get3A_257 = arith.constant 1 : i32
      %get3A_258 = arith.index_cast %get3A_257 : i32 to index
      %get3A_259 = arith.constant 160 : index
      %get3A_260 = tpu.vector_load %arg12[%get3A_258, %get3A_259] {strides = array<i32>} : memref<8x200xi32, #tpu.memory_space<vmem>>, vector<16xi32>,
      %add3A_261 = arith.constant 160 : i32
      %add3A_262 = arith.addi %mul3A_176, %add3A_261 : i32
      %swap3A_263 = arith.index_cast %add3A_262 : i32 to index
      %swap3A_264 = tpu.vector_load %arg9[%swap3A_263] {strides = array<i32>} : memref<25600xi32, #tpu.memory_space<vmem>>, vector<16xi32>,
      tpu.vector_store %arg9[%swap3A_263], %get3A_260 {strides = array<i32>} : memref<25600xi32, #tpu.memory_space<vmem>>, vector<16xi32>,
      %get3A_265 = arith.constant 1 : i32
      %get3A_266 = arith.index_cast %get3A_265 : i32 to index
      %get3A_267 = arith.constant 176 : index
      %get3A_268 = tpu.vector_load %arg12[%get3A_266, %get3A_267] {strides = array<i32>} : memref<8x200xi32, #tpu.memory_space<vmem>>, vector<16xi32>,
      %add3A_269 = arith.constant 176 : i32
      %add3A_270 = arith.addi %mul3A_176, %add3A_269 : i32
      %swap3A_271 = arith.index_cast %add3A_270 : i32 to index
      %swap3A_272 = tpu.vector_load %arg9[%swap3A_271] {strides = array<i32>} : memref<25600xi32, #tpu.memory_space<vmem>>, vector<16xi32>,
      tpu.vector_store %arg9[%swap3A_271], %get3A_268 {strides = array<i32>} : memref<25600xi32, #tpu.memory_space<vmem>>, vector<16xi32>,
      %get3A_273 = arith.constant 1 : i32
      %get3A_274 = arith.index_cast %get3A_273 : i32 to index
      %get3A_275 = arith.constant 184 : index
      %get3A_276 = tpu.vector_load %arg12[%get3A_274, %get3A_275] {strides = array<i32>} : memref<8x200xi32, #tpu.memory_space<vmem>>, vector<16xi32>,
      %add3A_277 = arith.constant 200 : i32
      %add3A_278 = arith.addi %mul3A_176, %add3A_277 : i32
      %sub3A_279 = arith.constant 16 : i32
      %sub3A_280 = arith.subi %add3A_278, %sub3A_279 : i32
      %swap3A_281 = arith.index_cast %sub3A_280 : i32 to index
      %swap3A_282 = tpu.vector_load %arg9[%swap3A_281] {strides = array<i32>} : memref<25600xi32, #tpu.memory_space<vmem>>, vector<16xi32>,
      tpu.vector_store %arg9[%swap3A_281], %get3A_276 {strides = array<i32>} : memref<25600xi32, #tpu.memory_space<vmem>>, vector<16xi32>,
      %mul3A_283 = arith.constant 8 : i32
      %mul3A_284 = arith.muli %scan3A_58, %mul3A_283 : i32
      %add3A_285 = arith.constant 2 : i32
      %add3A_286 = arith.addi %mul3A_284, %add3A_285 : i32
      %mul3A_287 = arith.constant 200 : i32
      %mul3A_288 = arith.muli %add3A_286, %mul3A_287 : i32
      %get3A_289 = arith.constant 2 : i32
      %get3A_290 = arith.index_cast %get3A_289 : i32 to index
      %get3A_291 = arith.constant 0 : index
      %get3A_292 = tpu.vector_load %arg12[%get3A_290, %get3A_291] {strides = array<i32>} : memref<8x200xi32, #tpu.memory_space<vmem>>, vector<16xi32>,
      %add3A_293 = arith.constant 0 : i32
      %add3A_294 = arith.addi %mul3A_288, %add3A_293 : i32
      %swap3A_295 = arith.index_cast %add3A_294 : i32 to index
      %swap3A_296 = tpu.vector_load %arg9[%swap3A_295] {strides = array<i32>} : memref<25600xi32, #tpu.memory_space<vmem>>, vector<16xi32>,
      tpu.vector_store %arg9[%swap3A_295], %get3A_292 {strides = array<i32>} : memref<25600xi32, #tpu.memory_space<vmem>>, vector<16xi32>,
      %get3A_297 = arith.constant 2 : i32
      %get3A_298 = arith.index_cast %get3A_297 : i32 to index
      %get3A_299 = arith.constant 16 : index
      %get3A_300 = tpu.vector_load %arg12[%get3A_298, %get3A_299] {strides = array<i32>} : memref<8x200xi32, #tpu.memory_space<vmem>>, vector<16xi32>,
      %add3A_301 = arith.constant 16 : i32
      %add3A_302 = arith.addi %mul3A_288, %add3A_301 : i32
      %swap3A_303 = arith.index_cast %add3A_302 : i32 to index
      %swap3A_304 = tpu.vector_load %arg9[%swap3A_303] {strides = array<i32>} : memref<25600xi32, #tpu.memory_space<vmem>>, vector<16xi32>,
      tpu.vector_store %arg9[%swap3A_303], %get3A_300 {strides = array<i32>} : memref<25600xi32, #tpu.memory_space<vmem>>, vector<16xi32>,
      %get3A_305 = arith.constant 2 : i32
      %get3A_306 = arith.index_cast %get3A_305 : i32 to index
      %get3A_307 = arith.constant 32 : index
      %get3A_308 = tpu.vector_load %arg12[%get3A_306, %get3A_307] {strides = array<i32>} : memref<8x200xi32, #tpu.memory_space<vmem>>, vector<16xi32>,
      %add3A_309 = arith.constant 32 : i32
      %add3A_310 = arith.addi %mul3A_288, %add3A_309 : i32
      %swap3A_311 = arith.index_cast %add3A_310 : i32 to index
      %swap3A_312 = tpu.vector_load %arg9[%swap3A_311] {strides = array<i32>} : memref<25600xi32, #tpu.memory_space<vmem>>, vector<16xi32>,
      tpu.vector_store %arg9[%swap3A_311], %get3A_308 {strides = array<i32>} : memref<25600xi32, #tpu.memory_space<vmem>>, vector<16xi32>,
      %get3A_313 = arith.constant 2 : i32
      %get3A_314 = arith.index_cast %get3A_313 : i32 to index
      %get3A_315 = arith.constant 48 : index
      %get3A_316 = tpu.vector_load %arg12[%get3A_314, %get3A_315] {strides = array<i32>} : memref<8x200xi32, #tpu.memory_space<vmem>>, vector<16xi32>,
      %add3A_317 = arith.constant 48 : i32
      %add3A_318 = arith.addi %mul3A_288, %add3A_317 : i32
      %swap3A_319 = arith.index_cast %add3A_318 : i32 to index
      %swap3A_320 = tpu.vector_load %arg9[%swap3A_319] {strides = array<i32>} : memref<25600xi32, #tpu.memory_space<vmem>>, vector<16xi32>,
      tpu.vector_store %arg9[%swap3A_319], %get3A_316 {strides = array<i32>} : memref<25600xi32, #tpu.memory_space<vmem>>, vector<16xi32>,
      %get3A_321 = arith.constant 2 : i32
      %get3A_322 = arith.index_cast %get3A_321 : i32 to index
      %get3A_323 = arith.constant 64 : index
      %get3A_324 = tpu.vector_load %arg12[%get3A_322, %get3A_323] {strides = array<i32>} : memref<8x200xi32, #tpu.memory_space<vmem>>, vector<16xi32>,
      %add3A_325 = arith.constant 64 : i32
      %add3A_326 = arith.addi %mul3A_288, %add3A_325 : i32
      %swap3A_327 = arith.index_cast %add3A_326 : i32 to index
      %swap3A_328 = tpu.vector_load %arg9[%swap3A_327] {strides = array<i32>} : memref<25600xi32, #tpu.memory_space<vmem>>, vector<16xi32>,
      tpu.vector_store %arg9[%swap3A_327], %get3A_324 {strides = array<i32>} : memref<25600xi32, #tpu.memory_space<vmem>>, vector<16xi32>,
      %get3A_329 = arith.constant 2 : i32
      %get3A_330 = arith.index_cast %get3A_329 : i32 to index
      %get3A_331 = arith.constant 80 : index
      %get3A_332 = tpu.vector_load %arg12[%get3A_330, %get3A_331] {strides = array<i32>} : memref<8x200xi32, #tpu.memory_space<vmem>>, vector<16xi32>,
      %add3A_333 = arith.constant 80 : i32
      %add3A_334 = arith.addi %mul3A_288, %add3A_333 : i32
      %swap3A_335 = arith.index_cast %add3A_334 : i32 to index
      %swap3A_336 = tpu.vector_load %arg9[%swap3A_335] {strides = array<i32>} : memref<25600xi32, #tpu.memory_space<vmem>>, vector<16xi32>,
      tpu.vector_store %arg9[%swap3A_335], %get3A_332 {strides = array<i32>} : memref<25600xi32, #tpu.memory_space<vmem>>, vector<16xi32>,
      %get3A_337 = arith.constant 2 : i32
      %get3A_338 = arith.index_cast %get3A_337 : i32 to index
      %get3A_339 = arith.constant 96 : index
      %get3A_340 = tpu.vector_load %arg12[%get3A_338, %get3A_339] {strides = array<i32>} : memref<8x200xi32, #tpu.memory_space<vmem>>, vector<16xi32>,
      %add3A_341 = arith.constant 96 : i32
      %add3A_342 = arith.addi %mul3A_288, %add3A_341 : i32
      %swap3A_343 = arith.index_cast %add3A_342 : i32 to index
      %swap3A_344 = tpu.vector_load %arg9[%swap3A_343] {strides = array<i32>} : memref<25600xi32, #tpu.memory_space<vmem>>, vector<16xi32>,
      tpu.vector_store %arg9[%swap3A_343], %get3A_340 {strides = array<i32>} : memref<25600xi32, #tpu.memory_space<vmem>>, vector<16xi32>,
      %get3A_345 = arith.constant 2 : i32
      %get3A_346 = arith.index_cast %get3A_345 : i32 to index
      %get3A_347 = arith.constant 112 : index
      %get3A_348 = tpu.vector_load %arg12[%get3A_346, %get3A_347] {strides = array<i32>} : memref<8x200xi32, #tpu.memory_space<vmem>>, vector<16xi32>,
      %add3A_349 = arith.constant 112 : i32
      %add3A_350 = arith.addi %mul3A_288, %add3A_349 : i32
      %swap3A_351 = arith.index_cast %add3A_350 : i32 to index
      %swap3A_352 = tpu.vector_load %arg9[%swap3A_351] {strides = array<i32>} : memref<25600xi32, #tpu.memory_space<vmem>>, vector<16xi32>,
      tpu.vector_store %arg9[%swap3A_351], %get3A_348 {strides = array<i32>} : memref<25600xi32, #tpu.memory_space<vmem>>, vector<16xi32>,
      %get3A_353 = arith.constant 2 : i32
      %get3A_354 = arith.index_cast %get3A_353 : i32 to index
      %get3A_355 = arith.constant 128 : index
      %get3A_356 = tpu.vector_load %arg12[%get3A_354, %get3A_355] {strides = array<i32>} : memref<8x200xi32, #tpu.memory_space<vmem>>, vector<16xi32>,
      %add3A_357 = arith.constant 128 : i32
      %add3A_358 = arith.addi %mul3A_288, %add3A_357 : i32
      %swap3A_359 = arith.index_cast %add3A_358 : i32 to index
      %swap3A_360 = tpu.vector_load %arg9[%swap3A_359] {strides = array<i32>} : memref<25600xi32, #tpu.memory_space<vmem>>, vector<16xi32>,
      tpu.vector_store %arg9[%swap3A_359], %get3A_356 {strides = array<i32>} : memref<25600xi32, #tpu.memory_space<vmem>>, vector<16xi32>,
      %get3A_361 = arith.constant 2 : i32
      %get3A_362 = arith.index_cast %get3A_361 : i32 to index
      %get3A_363 = arith.constant 144 : index
      %get3A_364 = tpu.vector_load %arg12[%get3A_362, %get3A_363] {strides = array<i32>} : memref<8x200xi32, #tpu.memory_space<vmem>>, vector<16xi32>,
      %add3A_365 = arith.constant 144 : i32
      %add3A_366 = arith.addi %mul3A_288, %add3A_365 : i32
      %swap3A_367 = arith.index_cast %add3A_366 : i32 to index
      %swap3A_368 = tpu.vector_load %arg9[%swap3A_367] {strides = array<i32>} : memref<25600xi32, #tpu.memory_space<vmem>>, vector<16xi32>,
      tpu.vector_store %arg9[%swap3A_367], %get3A_364 {strides = array<i32>} : memref<25600xi32, #tpu.memory_space<vmem>>, vector<16xi32>,
      %get3A_369 = arith.constant 2 : i32
      %get3A_370 = arith.index_cast %get3A_369 : i32 to index
      %get3A_371 = arith.constant 160 : index
      %get3A_372 = tpu.vector_load %arg12[%get3A_370, %get3A_371] {strides = array<i32>} : memref<8x200xi32, #tpu.memory_space<vmem>>, vector<16xi32>,
      %add3A_373 = arith.constant 160 : i32
      %add3A_374 = arith.addi %mul3A_288, %add3A_373 : i32
      %swap3A_375 = arith.index_cast %add3A_374 : i32 to index
      %swap3A_376 = tpu.vector_load %arg9[%swap3A_375] {strides = array<i32>} : memref<25600xi32, #tpu.memory_space<vmem>>, vector<16xi32>,
      tpu.vector_store %arg9[%swap3A_375], %get3A_372 {strides = array<i32>} : memref<25600xi32, #tpu.memory_space<vmem>>, vector<16xi32>,
      %get3A_377 = arith.constant 2 : i32
      %get3A_378 = arith.index_cast %get3A_377 : i32 to index
      %get3A_379 = arith.constant 176 : index
      %get3A_380 = tpu.vector_load %arg12[%get3A_378, %get3A_379] {strides = array<i32>} : memref<8x200xi32, #tpu.memory_space<vmem>>, vector<16xi32>,
      %add3A_381 = arith.constant 176 : i32
      %add3A_382 = arith.addi %mul3A_288, %add3A_381 : i32
      %swap3A_383 = arith.index_cast %add3A_382 : i32 to index
      %swap3A_384 = tpu.vector_load %arg9[%swap3A_383] {strides = array<i32>} : memref<25600xi32, #tpu.memory_space<vmem>>, vector<16xi32>,
      tpu.vector_store %arg9[%swap3A_383], %get3A_380 {strides = array<i32>} : memref<25600xi32, #tpu.memory_space<vmem>>, vector<16xi32>,
      %get3A_385 = arith.constant 2 : i32
      %get3A_386 = arith.index_cast %get3A_385 : i32 to index
      %get3A_387 = arith.constant 184 : index
      %get3A_388 = tpu.vector_load %arg12[%get3A_386, %get3A_387] {strides = array<i32>} : memref<8x200xi32, #tpu.memory_space<vmem>>, vector<16xi32>,
      %add3A_389 = arith.constant 200 : i32
      %add3A_390 = arith.addi %mul3A_288, %add3A_389 : i32
      %sub3A_391 = arith.constant 16 : i32
      %sub3A_392 = arith.subi %add3A_390, %sub3A_391 : i32
      %swap3A_393 = arith.index_cast %sub3A_392 : i32 to index
      %swap3A_394 = tpu.vector_load %arg9[%swap3A_393] {strides = array<i32>} : memref<25600xi32, #tpu.memory_space<vmem>>, vector<16xi32>,
      tpu.vector_store %arg9[%swap3A_393], %get3A_388 {strides = array<i32>} : memref<25600xi32, #tpu.memory_space<vmem>>, vector<16xi32>,
      %mul3A_395 = arith.constant 8 : i32
      %mul3A_396 = arith.muli %scan3A_58, %mul3A_395 : i32
      %add3A_397 = arith.constant 3 : i32
      %add3A_398 = arith.addi %mul3A_396, %add3A_397 : i32
      %mul3A_399 = arith.constant 200 : i32
      %mul3A_400 = arith.muli %add3A_398, %mul3A_399 : i32
      %get3A_401 = arith.constant 3 : i32
      %get3A_402 = arith.index_cast %get3A_401 : i32 to index
      %get3A_403 = arith.constant 0 : index
      %get3A_404 = tpu.vector_load %arg12[%get3A_402, %get3A_403] {strides = array<i32>} : memref<8x200xi32, #tpu.memory_space<vmem>>, vector<16xi32>,
      %add3A_405 = arith.constant 0 : i32
      %add3A_406 = arith.addi %mul3A_400, %add3A_405 : i32
      %swap3A_407 = arith.index_cast %add3A_406 : i32 to index
      %swap3A_408 = tpu.vector_load %arg9[%swap3A_407] {strides = array<i32>} : memref<25600xi32, #tpu.memory_space<vmem>>, vector<16xi32>,
      tpu.vector_store %arg9[%swap3A_407], %get3A_404 {strides = array<i32>} : memref<25600xi32, #tpu.memory_space<vmem>>, vector<16xi32>,
      %get3A_409 = arith.constant 3 : i32
      %get3A_410 = arith.index_cast %get3A_409 : i32 to index
      %get3A_411 = arith.constant 16 : index
      %get3A_412 = tpu.vector_load %arg12[%get3A_410, %get3A_411] {strides = array<i32>} : memref<8x200xi32, #tpu.memory_space<vmem>>, vector<16xi32>,
      %add3A_413 = arith.constant 16 : i32
      %add3A_414 = arith.addi %mul3A_400, %add3A_413 : i32
      %swap3A_415 = arith.index_cast %add3A_414 : i32 to index
      %swap3A_416 = tpu.vector_load %arg9[%swap3A_415] {strides = array<i32>} : memref<25600xi32, #tpu.memory_space<vmem>>, vector<16xi32>,
      tpu.vector_store %arg9[%swap3A_415], %get3A_412 {strides = array<i32>} : memref<25600xi32, #tpu.memory_space<vmem>>, vector<16xi32>,
      %get3A_417 = arith.constant 3 : i32
      %get3A_418 = arith.index_cast %get3A_417 : i32 to index
      %get3A_419 = arith.constant 32 : index
      %get3A_420 = tpu.vector_load %arg12[%get3A_418, %get3A_419] {strides = array<i32>} : memref<8x200xi32, #tpu.memory_space<vmem>>, vector<16xi32>,
      %add3A_421 = arith.constant 32 : i32
      %add3A_422 = arith.addi %mul3A_400, %add3A_421 : i32
      %swap3A_423 = arith.index_cast %add3A_422 : i32 to index
      %swap3A_424 = tpu.vector_load %arg9[%swap3A_423] {strides = array<i32>} : memref<25600xi32, #tpu.memory_space<vmem>>, vector<16xi32>,
      tpu.vector_store %arg9[%swap3A_423], %get3A_420 {strides = array<i32>} : memref<25600xi32, #tpu.memory_space<vmem>>, vector<16xi32>,
      %get3A_425 = arith.constant 3 : i32
      %get3A_426 = arith.index_cast %get3A_425 : i32 to index
      %get3A_427 = arith.constant 48 : index
      %get3A_428 = tpu.vector_load %arg12[%get3A_426, %get3A_427] {strides = array<i32>} : memref<8x200xi32, #tpu.memory_space<vmem>>, vector<16xi32>,
      %add3A_429 = arith.constant 48 : i32
      %add3A_430 = arith.addi %mul3A_400, %add3A_429 : i32
      %swap3A_431 = arith.index_cast %add3A_430 : i32 to index
      %swap3A_432 = tpu.vector_load %arg9[%swap3A_431] {strides = array<i32>} : memref<25600xi32, #tpu.memory_space<vmem>>, vector<16xi32>,
      tpu.vector_store %arg9[%swap3A_431], %get3A_428 {strides = array<i32>} : memref<25600xi32, #tpu.memory_space<vmem>>, vector<16xi32>,
      %get3A_433 = arith.constant 3 : i32
      %get3A_434 = arith.index_cast %get3A_433 : i32 to index
      %get3A_435 = arith.constant 64 : index
      %get3A_436 = tpu.vector_load %arg12[%get3A_434, %get3A_435] {strides = array<i32>} : memref<8x200xi32, #tpu.memory_space<vmem>>, vector<16xi32>,
      %add3A_437 = arith.constant 64 : i32
      %add3A_438 = arith.addi %mul3A_400, %add3A_437 : i32
      %swap3A_439 = arith.index_cast %add3A_438 : i32 to index
      %swap3A_440 = tpu.vector_load %arg9[%swap3A_439] {strides = array<i32>} : memref<25600xi32, #tpu.memory_space<vmem>>, vector<16xi32>,
      tpu.vector_store %arg9[%swap3A_439], %get3A_436 {strides = array<i32>} : memref<25600xi32, #tpu.memory_space<vmem>>, vector<16xi32>,
      %get3A_441 = arith.constant 3 : i32
      %get3A_442 = arith.index_cast %get3A_441 : i32 to index
      %get3A_443 = arith.constant 80 : index
      %get3A_444 = tpu.vector_load %arg12[%get3A_442, %get3A_443] {strides = array<i32>} : memref<8x200xi32, #tpu.memory_space<vmem>>, vector<16xi32>,
      %add3A_445 = arith.constant 80 : i32
      %add3A_446 = arith.addi %mul3A_400, %add3A_445 : i32
      %swap3A_447 = arith.index_cast %add3A_446 : i32 to index
      %swap3A_448 = tpu.vector_load %arg9[%swap3A_447] {strides = array<i32>} : memref<25600xi32, #tpu.memory_space<vmem>>, vector<16xi32>,
      tpu.vector_store %arg9[%swap3A_447], %get3A_444 {strides = array<i32>} : memref<25600xi32, #tpu.memory_space<vmem>>, vector<16xi32>,
      %get3A_449 = arith.constant 3 : i32
      %get3A_450 = arith.index_cast %get3A_449 : i32 to index
      %get3A_451 = arith.constant 96 : index
      %get3A_452 = tpu.vector_load %arg12[%get3A_450, %get3A_451] {strides = array<i32>} : memref<8x200xi32, #tpu.memory_space<vmem>>, vector<16xi32>,
      %add3A_453 = arith.constant 96 : i32
      %add3A_454 = arith.addi %mul3A_400, %add3A_453 : i32
      %swap3A_455 = arith.index_cast %add3A_454 : i32 to index
      %swap3A_456 = tpu.vector_load %arg9[%swap3A_455] {strides = array<i32>} : memref<25600xi32, #tpu.memory_space<vmem>>, vector<16xi32>,
      tpu.vector_store %arg9[%swap3A_455], %get3A_452 {strides = array<i32>} : memref<25600xi32, #tpu.memory_space<vmem>>, vector<16xi32>,
      %get3A_457 = arith.constant 3 : i32
      %get3A_458 = arith.index_cast %get3A_457 : i32 to index
      %get3A_459 = arith.constant 112 : index
      %get3A_460 = tpu.vector_load %arg12[%get3A_458, %get3A_459] {strides = array<i32>} : memref<8x200xi32, #tpu.memory_space<vmem>>, vector<16xi32>,
      %add3A_461 = arith.constant 112 : i32
      %add3A_462 = arith.addi %mul3A_400, %add3A_461 : i32
      %swap3A_463 = arith.index_cast %add3A_462 : i32 to index
      %swap3A_464 = tpu.vector_load %arg9[%swap3A_463] {strides = array<i32>} : memref<25600xi32, #tpu.memory_space<vmem>>, vector<16xi32>,
      tpu.vector_store %arg9[%swap3A_463], %get3A_460 {strides = array<i32>} : memref<25600xi32, #tpu.memory_space<vmem>>, vector<16xi32>,
      %get3A_465 = arith.constant 3 : i32
      %get3A_466 = arith.index_cast %get3A_465 : i32 to index
      %get3A_467 = arith.constant 128 : index
      %get3A_468 = tpu.vector_load %arg12[%get3A_466, %get3A_467] {strides = array<i32>} : memref<8x200xi32, #tpu.memory_space<vmem>>, vector<16xi32>,
      %add3A_469 = arith.constant 128 : i32
      %add3A_470 = arith.addi %mul3A_400, %add3A_469 : i32
      %swap3A_471 = arith.index_cast %add3A_470 : i32 to index
      %swap3A_472 = tpu.vector_load %arg9[%swap3A_471] {strides = array<i32>} : memref<25600xi32, #tpu.memory_space<vmem>>, vector<16xi32>,
      tpu.vector_store %arg9[%swap3A_471], %get3A_468 {strides = array<i32>} : memref<25600xi32, #tpu.memory_space<vmem>>, vector<16xi32>,
      %get3A_473 = arith.constant 3 : i32
      %get3A_474 = arith.index_cast %get3A_473 : i32 to index
      %get3A_475 = arith.constant 144 : index
      %get3A_476 = tpu.vector_load %arg12[%get3A_474, %get3A_475] {strides = array<i32>} : memref<8x200xi32, #tpu.memory_space<vmem>>, vector<16xi32>,
      %add3A_477 = arith.constant 144 : i32
      %add3A_478 = arith.addi %mul3A_400, %add3A_477 : i32
      %swap3A_479 = arith.index_cast %add3A_478 : i32 to index
      %swap3A_480 = tpu.vector_load %arg9[%swap3A_479] {strides = array<i32>} : memref<25600xi32, #tpu.memory_space<vmem>>, vector<16xi32>,
      tpu.vector_store %arg9[%swap3A_479], %get3A_476 {strides = array<i32>} : memref<25600xi32, #tpu.memory_space<vmem>>, vector<16xi32>,
      %get3A_481 = arith.constant 3 : i32
      %get3A_482 = arith.index_cast %get3A_481 : i32 to index
      %get3A_483 = arith.constant 160 : index
      %get3A_484 = tpu.vector_load %arg12[%get3A_482, %get3A_483] {strides = array<i32>} : memref<8x200xi32, #tpu.memory_space<vmem>>, vector<16xi32>,
      %add3A_485 = arith.constant 160 : i32
      %add3A_486 = arith.addi %mul3A_400, %add3A_485 : i32
      %swap3A_487 = arith.index_cast %add3A_486 : i32 to index
      %swap3A_488 = tpu.vector_load %arg9[%swap3A_487] {strides = array<i32>} : memref<25600xi32, #tpu.memory_space<vmem>>, vector<16xi32>,
      tpu.vector_store %arg9[%swap3A_487], %get3A_484 {strides = array<i32>} : memref<25600xi32, #tpu.memory_space<vmem>>, vector<16xi32>,
      %get3A_489 = arith.constant 3 : i32
      %get3A_490 = arith.index_cast %get3A_489 : i32 to index
      %get3A_491 = arith.constant 176 : index
      %get3A_492 = tpu.vector_load %arg12[%get3A_490, %get3A_491] {strides = array<i32>} : memref<8x200xi32, #tpu.memory_space<vmem>>, vector<16xi32>,
      %add3A_493 = arith.constant 176 : i32
      %add3A_494 = arith.addi %mul3A_400, %add3A_493 : i32
      %swap3A_495 = arith.index_cast %add3A_494 : i32 to index
      %swap3A_496 = tpu.vector_load %arg9[%swap3A_495] {strides = array<i32>} : memref<25600xi32, #tpu.memory_space<vmem>>, vector<16xi32>,
      tpu.vector_store %arg9[%swap3A_495], %get3A_492 {strides = array<i32>} : memref<25600xi32, #tpu.memory_space<vmem>>, vector<16xi32>,
      %get3A_497 = arith.constant 3 : i32
      %get3A_498 = arith.index_cast %get3A_497 : i32 to index
      %get3A_499 = arith.constant 184 : index
      %get3A_500 = tpu.vector_load %arg12[%get3A_498, %get3A_499] {strides = array<i32>} : memref<8x200xi32, #tpu.memory_space<vmem>>, vector<16xi32>,
      %add3A_501 = arith.constant 200 : i32
      %add3A_502 = arith.addi %mul3A_400, %add3A_501 : i32
      %sub3A_503 = arith.constant 16 : i32
      %sub3A_504 = arith.subi %add3A_502, %sub3A_503 : i32
      %swap3A_505 = arith.index_cast %sub3A_504 : i32 to index
      %swap3A_506 = tpu.vector_load %arg9[%swap3A_505] {strides = array<i32>} : memref<25600xi32, #tpu.memory_space<vmem>>, vector<16xi32>,
      tpu.vector_store %arg9[%swap3A_505], %get3A_500 {strides = array<i32>} : memref<25600xi32, #tpu.memory_space<vmem>>, vector<16xi32>,
      %mul3A_507 = arith.constant 8 : i32
      %mul3A_508 = arith.muli %scan3A_58, %mul3A_507 : i32
      %add3A_509 = arith.constant 4 : i32
      %add3A_510 = arith.addi %mul3A_508, %add3A_509 : i32
      %mul3A_511 = arith.constant 200 : i32
      %mul3A_512 = arith.muli %add3A_510, %mul3A_511 : i32
      %get3A_513 = arith.constant 4 : i32
      %get3A_514 = arith.index_cast %get3A_513 : i32 to index
      %get3A_515 = arith.constant 0 : index
      %get3A_516 = tpu.vector_load %arg12[%get3A_514, %get3A_515] {strides = array<i32>} : memref<8x200xi32, #tpu.memory_space<vmem>>, vector<16xi32>,
      %add3A_517 = arith.constant 0 : i32
      %add3A_518 = arith.addi %mul3A_512, %add3A_517 : i32
      %swap3A_519 = arith.index_cast %add3A_518 : i32 to index
      %swap3A_520 = tpu.vector_load %arg9[%swap3A_519] {strides = array<i32>} : memref<25600xi32, #tpu.memory_space<vmem>>, vector<16xi32>,
      tpu.vector_store %arg9[%swap3A_519], %get3A_516 {strides = array<i32>} : memref<25600xi32, #tpu.memory_space<vmem>>, vector<16xi32>,
      %get3A_521 = arith.constant 4 : i32
      %get3A_522 = arith.index_cast %get3A_521 : i32 to index
      %get3A_523 = arith.constant 16 : index
      %get3A_524 = tpu.vector_load %arg12[%get3A_522, %get3A_523] {strides = array<i32>} : memref<8x200xi32, #tpu.memory_space<vmem>>, vector<16xi32>,
      %add3A_525 = arith.constant 16 : i32
      %add3A_526 = arith.addi %mul3A_512, %add3A_525 : i32
      %swap3A_527 = arith.index_cast %add3A_526 : i32 to index
      %swap3A_528 = tpu.vector_load %arg9[%swap3A_527] {strides = array<i32>} : memref<25600xi32, #tpu.memory_space<vmem>>, vector<16xi32>,
      tpu.vector_store %arg9[%swap3A_527], %get3A_524 {strides = array<i32>} : memref<25600xi32, #tpu.memory_space<vmem>>, vector<16xi32>,
      %get3A_529 = arith.constant 4 : i32
      %get3A_530 = arith.index_cast %get3A_529 : i32 to index
      %get3A_531 = arith.constant 32 : index
      %get3A_532 = tpu.vector_load %arg12[%get3A_530, %get3A_531] {strides = array<i32>} : memref<8x200xi32, #tpu.memory_space<vmem>>, vector<16xi32>,
      %add3A_533 = arith.constant 32 : i32
      %add3A_534 = arith.addi %mul3A_512, %add3A_533 : i32
      %swap3A_535 = arith.index_cast %add3A_534 : i32 to index
      %swap3A_536 = tpu.vector_load %arg9[%swap3A_535] {strides = array<i32>} : memref<25600xi32, #tpu.memory_space<vmem>>, vector<16xi32>,
      tpu.vector_store %arg9[%swap3A_535], %get3A_532 {strides = array<i32>} : memref<25600xi32, #tpu.memory_space<vmem>>, vector<16xi32>,
      %get3A_537 = arith.constant 4 : i32
      %get3A_538 = arith.index_cast %get3A_537 : i32 to index
      %get3A_539 = arith.constant 48 : index
      %get3A_540 = tpu.vector_load %arg12[%get3A_538, %get3A_539] {strides = array<i32>} : memref<8x200xi32, #tpu.memory_space<vmem>>, vector<16xi32>,
      %add3A_541 = arith.constant 48 : i32
      %add3A_542 = arith.addi %mul3A_512, %add3A_541 : i32
      %swap3A_543 = arith.index_cast %add3A_542 : i32 to index
      %swap3A_544 = tpu.vector_load %arg9[%swap3A_543] {strides = array<i32>} : memref<25600xi32, #tpu.memory_space<vmem>>, vector<16xi32>,
      tpu.vector_store %arg9[%swap3A_543], %get3A_540 {strides = array<i32>} : memref<25600xi32, #tpu.memory_space<vmem>>, vector<16xi32>,
      %get3A_545 = arith.constant 4 : i32
      %get3A_546 = arith.index_cast %get3A_545 : i32 to index
      %get3A_547 = arith.constant 64 : index
      %get3A_548 = tpu.vector_load %arg12[%get3A_546, %get3A_547] {strides = array<i32>} : memref<8x200xi32, #tpu.memory_space<vmem>>, vector<16xi32>,
      %add3A_549 = arith.constant 64 : i32
      %add3A_550 = arith.addi %mul3A_512, %add3A_549 : i32
      %swap3A_551 = arith.index_cast %add3A_550 : i32 to index
      %swap3A_552 = tpu.vector_load %arg9[%swap3A_551] {strides = array<i32>} : memref<25600xi32, #tpu.memory_space<vmem>>, vector<16xi32>,
      tpu.vector_store %arg9[%swap3A_551], %get3A_548 {strides = array<i32>} : memref<25600xi32, #tpu.memory_space<vmem>>, vector<16xi32>,
      %get3A_553 = arith.constant 4 : i32
      %get3A_554 = arith.index_cast %get3A_553 : i32 to index
      %get3A_555 = arith.constant 80 : index
      %get3A_556 = tpu.vector_load %arg12[%get3A_554, %get3A_555] {strides = array<i32>} : memref<8x200xi32, #tpu.memory_space<vmem>>, vector<16xi32>,
      %add3A_557 = arith.constant 80 : i32
      %add3A_558 = arith.addi %mul3A_512, %add3A_557 : i32
      %swap3A_559 = arith.index_cast %add3A_558 : i32 to index
      %swap3A_560 = tpu.vector_load %arg9[%swap3A_559] {strides = array<i32>} : memref<25600xi32, #tpu.memory_space<vmem>>, vector<16xi32>,
      tpu.vector_store %arg9[%swap3A_559], %get3A_556 {strides = array<i32>} : memref<25600xi32, #tpu.memory_space<vmem>>, vector<16xi32>,
      %get3A_561 = arith.constant 4 : i32
      %get3A_562 = arith.index_cast %get3A_561 : i32 to index
      %get3A_563 = arith.constant 96 : index
      %get3A_564 = tpu.vector_load %arg12[%get3A_562, %get3A_563] {strides = array<i32>} : memref<8x200xi32, #tpu.memory_space<vmem>>, vector<16xi32>,
      %add3A_565 = arith.constant 96 : i32
      %add3A_566 = arith.addi %mul3A_512, %add3A_565 : i32
      %swap3A_567 = arith.index_cast %add3A_566 : i32 to index
      %swap3A_568 = tpu.vector_load %arg9[%swap3A_567] {strides = array<i32>} : memref<25600xi32, #tpu.memory_space<vmem>>, vector<16xi32>,
      tpu.vector_store %arg9[%swap3A_567], %get3A_564 {strides = array<i32>} : memref<25600xi32, #tpu.memory_space<vmem>>, vector<16xi32>,
      %get3A_569 = arith.constant 4 : i32
      %get3A_570 = arith.index_cast %get3A_569 : i32 to index
      %get3A_571 = arith.constant 112 : index
      %get3A_572 = tpu.vector_load %arg12[%get3A_570, %get3A_571] {strides = array<i32>} : memref<8x200xi32, #tpu.memory_space<vmem>>, vector<16xi32>,
      %add3A_573 = arith.constant 112 : i32
      %add3A_574 = arith.addi %mul3A_512, %add3A_573 : i32
      %swap3A_575 = arith.index_cast %add3A_574 : i32 to index
      %swap3A_576 = tpu.vector_load %arg9[%swap3A_575] {strides = array<i32>} : memref<25600xi32, #tpu.memory_space<vmem>>, vector<16xi32>,
      tpu.vector_store %arg9[%swap3A_575], %get3A_572 {strides = array<i32>} : memref<25600xi32, #tpu.memory_space<vmem>>, vector<16xi32>,
      %get3A_577 = arith.constant 4 : i32
      %get3A_578 = arith.index_cast %get3A_577 : i32 to index
      %get3A_579 = arith.constant 128 : index
      %get3A_580 = tpu.vector_load %arg12[%get3A_578, %get3A_579] {strides = array<i32>} : memref<8x200xi32, #tpu.memory_space<vmem>>, vector<16xi32>,
      %add3A_581 = arith.constant 128 : i32
      %add3A_582 = arith.addi %mul3A_512, %add3A_581 : i32
      %swap3A_583 = arith.index_cast %add3A_582 : i32 to index
      %swap3A_584 = tpu.vector_load %arg9[%swap3A_583] {strides = array<i32>} : memref<25600xi32, #tpu.memory_space<vmem>>, vector<16xi32>,
      tpu.vector_store %arg9[%swap3A_583], %get3A_580 {strides = array<i32>} : memref<25600xi32, #tpu.memory_space<vmem>>, vector<16xi32>,
      %get3A_585 = arith.constant 4 : i32
      %get3A_586 = arith.index_cast %get3A_585 : i32 to index
      %get3A_587 = arith.constant 144 : index
      %get3A_588 = tpu.vector_load %arg12[%get3A_586, %get3A_587] {strides = array<i32>} : memref<8x200xi32, #tpu.memory_space<vmem>>, vector<16xi32>,
      %add3A_589 = arith.constant 144 : i32
      %add3A_590 = arith.addi %mul3A_512, %add3A_589 : i32
      %swap3A_591 = arith.index_cast %add3A_590 : i32 to index
      %swap3A_592 = tpu.vector_load %arg9[%swap3A_591] {strides = array<i32>} : memref<25600xi32, #tpu.memory_space<vmem>>, vector<16xi32>,
      tpu.vector_store %arg9[%swap3A_591], %get3A_588 {strides = array<i32>} : memref<25600xi32, #tpu.memory_space<vmem>>, vector<16xi32>,
      %get3A_593 = arith.constant 4 : i32
      %get3A_594 = arith.index_cast %get3A_593 : i32 to index
      %get3A_595 = arith.constant 160 : index
      %get3A_596 = tpu.vector_load %arg12[%get3A_594, %get3A_595] {strides = array<i32>} : memref<8x200xi32, #tpu.memory_space<vmem>>, vector<16xi32>,
      %add3A_597 = arith.constant 160 : i32
      %add3A_598 = arith.addi %mul3A_512, %add3A_597 : i32
      %swap3A_599 = arith.index_cast %add3A_598 : i32 to index
      %swap3A_600 = tpu.vector_load %arg9[%swap3A_599] {strides = array<i32>} : memref<25600xi32, #tpu.memory_space<vmem>>, vector<16xi32>,
      tpu.vector_store %arg9[%swap3A_599], %get3A_596 {strides = array<i32>} : memref<25600xi32, #tpu.memory_space<vmem>>, vector<16xi32>,
      %get3A_601 = arith.constant 4 : i32
      %get3A_602 = arith.index_cast %get3A_601 : i32 to index
      %get3A_603 = arith.constant 176 : index
      %get3A_604 = tpu.vector_load %arg12[%get3A_602, %get3A_603] {strides = array<i32>} : memref<8x200xi32, #tpu.memory_space<vmem>>, vector<16xi32>,
      %add3A_605 = arith.constant 176 : i32
      %add3A_606 = arith.addi %mul3A_512, %add3A_605 : i32
      %swap3A_607 = arith.index_cast %add3A_606 : i32 to index
      %swap3A_608 = tpu.vector_load %arg9[%swap3A_607] {strides = array<i32>} : memref<25600xi32, #tpu.memory_space<vmem>>, vector<16xi32>,
      tpu.vector_store %arg9[%swap3A_607], %get3A_604 {strides = array<i32>} : memref<25600xi32, #tpu.memory_space<vmem>>, vector<16xi32>,
      %get3A_609 = arith.constant 4 : i32
      %get3A_610 = arith.index_cast %get3A_609 : i32 to index
      %get3A_611 = arith.constant 184 : index
      %get3A_612 = tpu.vector_load %arg12[%get3A_610, %get3A_611] {strides = array<i32>} : memref<8x200xi32, #tpu.memory_space<vmem>>, vector<16xi32>,
      %add3A_613 = arith.constant 200 : i32
      %add3A_614 = arith.addi %mul3A_512, %add3A_613 : i32
      %sub3A_615 = arith.constant 16 : i32
      %sub3A_616 = arith.subi %add3A_614, %sub3A_615 : i32
      %swap3A_617 = arith.index_cast %sub3A_616 : i32 to index
      %swap3A_618 = tpu.vector_load %arg9[%swap3A_617] {strides = array<i32>} : memref<25600xi32, #tpu.memory_space<vmem>>, vector<16xi32>,
      tpu.vector_store %arg9[%swap3A_617], %get3A_612 {strides = array<i32>} : memref<25600xi32, #tpu.memory_space<vmem>>, vector<16xi32>,
      %mul3A_619 = arith.constant 8 : i32
      %mul3A_620 = arith.muli %scan3A_58, %mul3A_619 : i32
      %add3A_621 = arith.constant 5 : i32
      %add3A_622 = arith.addi %mul3A_620, %add3A_621 : i32
      %mul3A_623 = arith.constant 200 : i32
      %mul3A_624 = arith.muli %add3A_622, %mul3A_623 : i32
      %get3A_625 = arith.constant 5 : i32
      %get3A_626 = arith.index_cast %get3A_625 : i32 to index
      %get3A_627 = arith.constant 0 : index
      %get3A_628 = tpu.vector_load %arg12[%get3A_626, %get3A_627] {strides = array<i32>} : memref<8x200xi32, #tpu.memory_space<vmem>>, vector<16xi32>,
      %add3A_629 = arith.constant 0 : i32
      %add3A_630 = arith.addi %mul3A_624, %add3A_629 : i32
      %swap3A_631 = arith.index_cast %add3A_630 : i32 to index
      %swap3A_632 = tpu.vector_load %arg9[%swap3A_631] {strides = array<i32>} : memref<25600xi32, #tpu.memory_space<vmem>>, vector<16xi32>,
      tpu.vector_store %arg9[%swap3A_631], %get3A_628 {strides = array<i32>} : memref<25600xi32, #tpu.memory_space<vmem>>, vector<16xi32>,
      %get3A_633 = arith.constant 5 : i32
      %get3A_634 = arith.index_cast %get3A_633 : i32 to index
      %get3A_635 = arith.constant 16 : index
      %get3A_636 = tpu.vector_load %arg12[%get3A_634, %get3A_635] {strides = array<i32>} : memref<8x200xi32, #tpu.memory_space<vmem>>, vector<16xi32>,
      %add3A_637 = arith.constant 16 : i32
      %add3A_638 = arith.addi %mul3A_624, %add3A_637 : i32
      %swap3A_639 = arith.index_cast %add3A_638 : i32 to index
      %swap3A_640 = tpu.vector_load %arg9[%swap3A_639] {strides = array<i32>} : memref<25600xi32, #tpu.memory_space<vmem>>, vector<16xi32>,
      tpu.vector_store %arg9[%swap3A_639], %get3A_636 {strides = array<i32>} : memref<25600xi32, #tpu.memory_space<vmem>>, vector<16xi32>,
      %get3A_641 = arith.constant 5 : i32
      %get3A_642 = arith.index_cast %get3A_641 : i32 to index
      %get3A_643 = arith.constant 32 : index
      %get3A_644 = tpu.vector_load %arg12[%get3A_642, %get3A_643] {strides = array<i32>} : memref<8x200xi32, #tpu.memory_space<vmem>>, vector<16xi32>,
      %add3A_645 = arith.constant 32 : i32
      %add3A_646 = arith.addi %mul3A_624, %add3A_645 : i32
      %swap3A_647 = arith.index_cast %add3A_646 : i32 to index
      %swap3A_648 = tpu.vector_load %arg9[%swap3A_647] {strides = array<i32>} : memref<25600xi32, #tpu.memory_space<vmem>>, vector<16xi32>,
      tpu.vector_store %arg9[%swap3A_647], %get3A_644 {strides = array<i32>} : memref<25600xi32, #tpu.memory_space<vmem>>, vector<16xi32>,
      %get3A_649 = arith.constant 5 : i32
      %get3A_650 = arith.index_cast %get3A_649 : i32 to index
      %get3A_651 = arith.constant 48 : index
      %get3A_652 = tpu.vector_load %arg12[%get3A_650, %get3A_651] {strides = array<i32>} : memref<8x200xi32, #tpu.memory_space<vmem>>, vector<16xi32>,
      %add3A_653 = arith.constant 48 : i32
      %add3A_654 = arith.addi %mul3A_624, %add3A_653 : i32
      %swap3A_655 = arith.index_cast %add3A_654 : i32 to index
      %swap3A_656 = tpu.vector_load %arg9[%swap3A_655] {strides = array<i32>} : memref<25600xi32, #tpu.memory_space<vmem>>, vector<16xi32>,
      tpu.vector_store %arg9[%swap3A_655], %get3A_652 {strides = array<i32>} : memref<25600xi32, #tpu.memory_space<vmem>>, vector<16xi32>,
      %get3A_657 = arith.constant 5 : i32
      %get3A_658 = arith.index_cast %get3A_657 : i32 to index
      %get3A_659 = arith.constant 64 : index
      %get3A_660 = tpu.vector_load %arg12[%get3A_658, %get3A_659] {strides = array<i32>} : memref<8x200xi32, #tpu.memory_space<vmem>>, vector<16xi32>,
      %add3A_661 = arith.constant 64 : i32
      %add3A_662 = arith.addi %mul3A_624, %add3A_661 : i32
      %swap3A_663 = arith.index_cast %add3A_662 : i32 to index
      %swap3A_664 = tpu.vector_load %arg9[%swap3A_663] {strides = array<i32>} : memref<25600xi32, #tpu.memory_space<vmem>>, vector<16xi32>,
      tpu.vector_store %arg9[%swap3A_663], %get3A_660 {strides = array<i32>} : memref<25600xi32, #tpu.memory_space<vmem>>, vector<16xi32>,
      %get3A_665 = arith.constant 5 : i32
      %get3A_666 = arith.index_cast %get3A_665 : i32 to index
      %get3A_667 = arith.constant 80 : index
      %get3A_668 = tpu.vector_load %arg12[%get3A_666, %get3A_667] {strides = array<i32>} : memref<8x200xi32, #tpu.memory_space<vmem>>, vector<16xi32>,
      %add3A_669 = arith.constant 80 : i32
      %add3A_670 = arith.addi %mul3A_624, %add3A_669 : i32
      %swap3A_671 = arith.index_cast %add3A_670 : i32 to index
      %swap3A_672 = tpu.vector_load %arg9[%swap3A_671] {strides = array<i32>} : memref<25600xi32, #tpu.memory_space<vmem>>, vector<16xi32>,
      tpu.vector_store %arg9[%swap3A_671], %get3A_668 {strides = array<i32>} : memref<25600xi32, #tpu.memory_space<vmem>>, vector<16xi32>,
      %get3A_673 = arith.constant 5 : i32
      %get3A_674 = arith.index_cast %get3A_673 : i32 to index
      %get3A_675 = arith.constant 96 : index
      %get3A_676 = tpu.vector_load %arg12[%get3A_674, %get3A_675] {strides = array<i32>} : memref<8x200xi32, #tpu.memory_space<vmem>>, vector<16xi32>,
      %add3A_677 = arith.constant 96 : i32
      %add3A_678 = arith.addi %mul3A_624, %add3A_677 : i32
      %swap3A_679 = arith.index_cast %add3A_678 : i32 to index
      %swap3A_680 = tpu.vector_load %arg9[%swap3A_679] {strides = array<i32>} : memref<25600xi32, #tpu.memory_space<vmem>>, vector<16xi32>,
      tpu.vector_store %arg9[%swap3A_679], %get3A_676 {strides = array<i32>} : memref<25600xi32, #tpu.memory_space<vmem>>, vector<16xi32>,
      %get3A_681 = arith.constant 5 : i32
      %get3A_682 = arith.index_cast %get3A_681 : i32 to index
      %get3A_683 = arith.constant 112 : index
      %get3A_684 = tpu.vector_load %arg12[%get3A_682, %get3A_683] {strides = array<i32>} : memref<8x200xi32, #tpu.memory_space<vmem>>, vector<16xi32>,
      %add3A_685 = arith.constant 112 : i32
      %add3A_686 = arith.addi %mul3A_624, %add3A_685 : i32
      %swap3A_687 = arith.index_cast %add3A_686 : i32 to index
      %swap3A_688 = tpu.vector_load %arg9[%swap3A_687] {strides = array<i32>} : memref<25600xi32, #tpu.memory_space<vmem>>, vector<16xi32>,
      tpu.vector_store %arg9[%swap3A_687], %get3A_684 {strides = array<i32>} : memref<25600xi32, #tpu.memory_space<vmem>>, vector<16xi32>,
      %get3A_689 = arith.constant 5 : i32
      %get3A_690 = arith.index_cast %get3A_689 : i32 to index
      %get3A_691 = arith.constant 128 : index
      %get3A_692 = tpu.vector_load %arg12[%get3A_690, %get3A_691] {strides = array<i32>} : memref<8x200xi32, #tpu.memory_space<vmem>>, vector<16xi32>,
      %add3A_693 = arith.constant 128 : i32
      %add3A_694 = arith.addi %mul3A_624, %add3A_693 : i32
      %swap3A_695 = arith.index_cast %add3A_694 : i32 to index
      %swap3A_696 = tpu.vector_load %arg9[%swap3A_695] {strides = array<i32>} : memref<25600xi32, #tpu.memory_space<vmem>>, vector<16xi32>,
      tpu.vector_store %arg9[%swap3A_695], %get3A_692 {strides = array<i32>} : memref<25600xi32, #tpu.memory_space<vmem>>, vector<16xi32>,
      %get3A_697 = arith.constant 5 : i32
      %get3A_698 = arith.index_cast %get3A_697 : i32 to index
      %get3A_699 = arith.constant 144 : index
      %get3A_700 = tpu.vector_load %arg12[%get3A_698, %get3A_699] {strides = array<i32>} : memref<8x200xi32, #tpu.memory_space<vmem>>, vector<16xi32>,
      %add3A_701 = arith.constant 144 : i32
      %add3A_702 = arith.addi %mul3A_624, %add3A_701 : i32
      %swap3A_703 = arith.index_cast %add3A_702 : i32 to index
      %swap3A_704 = tpu.vector_load %arg9[%swap3A_703] {strides = array<i32>} : memref<25600xi32, #tpu.memory_space<vmem>>, vector<16xi32>,
      tpu.vector_store %arg9[%swap3A_703], %get3A_700 {strides = array<i32>} : memref<25600xi32, #tpu.memory_space<vmem>>, vector<16xi32>,
      %get3A_705 = arith.constant 5 : i32
      %get3A_706 = arith.index_cast %get3A_705 : i32 to index
      %get3A_707 = arith.constant 160 : index
      %get3A_708 = tpu.vector_load %arg12[%get3A_706, %get3A_707] {strides = array<i32>} : memref<8x200xi32, #tpu.memory_space<vmem>>, vector<16xi32>,
      %add3A_709 = arith.constant 160 : i32
      %add3A_710 = arith.addi %mul3A_624, %add3A_709 : i32
      %swap3A_711 = arith.index_cast %add3A_710 : i32 to index
      %swap3A_712 = tpu.vector_load %arg9[%swap3A_711] {strides = array<i32>} : memref<25600xi32, #tpu.memory_space<vmem>>, vector<16xi32>,
      tpu.vector_store %arg9[%swap3A_711], %get3A_708 {strides = array<i32>} : memref<25600xi32, #tpu.memory_space<vmem>>, vector<16xi32>,
      %get3A_713 = arith.constant 5 : i32
      %get3A_714 = arith.index_cast %get3A_713 : i32 to index
      %get3A_715 = arith.constant 176 : index
      %get3A_716 = tpu.vector_load %arg12[%get3A_714, %get3A_715] {strides = array<i32>} : memref<8x200xi32, #tpu.memory_space<vmem>>, vector<16xi32>,
      %add3A_717 = arith.constant 176 : i32
      %add3A_718 = arith.addi %mul3A_624, %add3A_717 : i32
      %swap3A_719 = arith.index_cast %add3A_718 : i32 to index
      %swap3A_720 = tpu.vector_load %arg9[%swap3A_719] {strides = array<i32>} : memref<25600xi32, #tpu.memory_space<vmem>>, vector<16xi32>,
      tpu.vector_store %arg9[%swap3A_719], %get3A_716 {strides = array<i32>} : memref<25600xi32, #tpu.memory_space<vmem>>, vector<16xi32>,
      %get3A_721 = arith.constant 5 : i32
      %get3A_722 = arith.index_cast %get3A_721 : i32 to index
      %get3A_723 = arith.constant 184 : index
      %get3A_724 = tpu.vector_load %arg12[%get3A_722, %get3A_723] {strides = array<i32>} : memref<8x200xi32, #tpu.memory_space<vmem>>, vector<16xi32>,
      %add3A_725 = arith.constant 200 : i32
      %add3A_726 = arith.addi %mul3A_624, %add3A_725 : i32
      %sub3A_727 = arith.constant 16 : i32
      %sub3A_728 = arith.subi %add3A_726, %sub3A_727 : i32
      %swap3A_729 = arith.index_cast %sub3A_728 : i32 to index
      %swap3A_730 = tpu.vector_load %arg9[%swap3A_729] {strides = array<i32>} : memref<25600xi32, #tpu.memory_space<vmem>>, vector<16xi32>,
      tpu.vector_store %arg9[%swap3A_729], %get3A_724 {strides = array<i32>} : memref<25600xi32, #tpu.memory_space<vmem>>, vector<16xi32>,
      %mul3A_731 = arith.constant 8 : i32
      %mul3A_732 = arith.muli %scan3A_58, %mul3A_731 : i32
      %add3A_733 = arith.constant 6 : i32
      %add3A_734 = arith.addi %mul3A_732, %add3A_733 : i32
      %mul3A_735 = arith.constant 200 : i32
      %mul3A_736 = arith.muli %add3A_734, %mul3A_735 : i32
      %get3A_737 = arith.constant 6 : i32
      %get3A_738 = arith.index_cast %get3A_737 : i32 to index
      %get3A_739 = arith.constant 0 : index
      %get3A_740 = tpu.vector_load %arg12[%get3A_738, %get3A_739] {strides = array<i32>} : memref<8x200xi32, #tpu.memory_space<vmem>>, vector<16xi32>,
      %add3A_741 = arith.constant 0 : i32
      %add3A_742 = arith.addi %mul3A_736, %add3A_741 : i32
      %swap3A_743 = arith.index_cast %add3A_742 : i32 to index
      %swap3A_744 = tpu.vector_load %arg9[%swap3A_743] {strides = array<i32>} : memref<25600xi32, #tpu.memory_space<vmem>>, vector<16xi32>,
      tpu.vector_store %arg9[%swap3A_743], %get3A_740 {strides = array<i32>} : memref<25600xi32, #tpu.memory_space<vmem>>, vector<16xi32>,
      %get3A_745 = arith.constant 6 : i32
      %get3A_746 = arith.index_cast %get3A_745 : i32 to index
      %get3A_747 = arith.constant 16 : index
      %get3A_748 = tpu.vector_load %arg12[%get3A_746, %get3A_747] {strides = array<i32>} : memref<8x200xi32, #tpu.memory_space<vmem>>, vector<16xi32>,
      %add3A_749 = arith.constant 16 : i32
      %add3A_750 = arith.addi %mul3A_736, %add3A_749 : i32
      %swap3A_751 = arith.index_cast %add3A_750 : i32 to index
      %swap3A_752 = tpu.vector_load %arg9[%swap3A_751] {strides = array<i32>} : memref<25600xi32, #tpu.memory_space<vmem>>, vector<16xi32>,
      tpu.vector_store %arg9[%swap3A_751], %get3A_748 {strides = array<i32>} : memref<25600xi32, #tpu.memory_space<vmem>>, vector<16xi32>,
      %get3A_753 = arith.constant 6 : i32
      %get3A_754 = arith.index_cast %get3A_753 : i32 to index
      %get3A_755 = arith.constant 32 : index
      %get3A_756 = tpu.vector_load %arg12[%get3A_754, %get3A_755] {strides = array<i32>} : memref<8x200xi32, #tpu.memory_space<vmem>>, vector<16xi32>,
      %add3A_757 = arith.constant 32 : i32
      %add3A_758 = arith.addi %mul3A_736, %add3A_757 : i32
      %swap3A_759 = arith.index_cast %add3A_758 : i32 to index
      %swap3A_760 = tpu.vector_load %arg9[%swap3A_759] {strides = array<i32>} : memref<25600xi32, #tpu.memory_space<vmem>>, vector<16xi32>,
      tpu.vector_store %arg9[%swap3A_759], %get3A_756 {strides = array<i32>} : memref<25600xi32, #tpu.memory_space<vmem>>, vector<16xi32>,
      %get3A_761 = arith.constant 6 : i32
      %get3A_762 = arith.index_cast %get3A_761 : i32 to index
      %get3A_763 = arith.constant 48 : index
      %get3A_764 = tpu.vector_load %arg12[%get3A_762, %get3A_763] {strides = array<i32>} : memref<8x200xi32, #tpu.memory_space<vmem>>, vector<16xi32>,
      %add3A_765 = arith.constant 48 : i32
      %add3A_766 = arith.addi %mul3A_736, %add3A_765 : i32
      %swap3A_767 = arith.index_cast %add3A_766 : i32 to index
      %swap3A_768 = tpu.vector_load %arg9[%swap3A_767] {strides = array<i32>} : memref<25600xi32, #tpu.memory_space<vmem>>, vector<16xi32>,
      tpu.vector_store %arg9[%swap3A_767], %get3A_764 {strides = array<i32>} : memref<25600xi32, #tpu.memory_space<vmem>>, vector<16xi32>,
      %get3A_769 = arith.constant 6 : i32
      %get3A_770 = arith.index_cast %get3A_769 : i32 to index
      %get3A_771 = arith.constant 64 : index
      %get3A_772 = tpu.vector_load %arg12[%get3A_770, %get3A_771] {strides = array<i32>} : memref<8x200xi32, #tpu.memory_space<vmem>>, vector<16xi32>,
      %add3A_773 = arith.constant 64 : i32
      %add3A_774 = arith.addi %mul3A_736, %add3A_773 : i32
      %swap3A_775 = arith.index_cast %add3A_774 : i32 to index
      %swap3A_776 = tpu.vector_load %arg9[%swap3A_775] {strides = array<i32>} : memref<25600xi32, #tpu.memory_space<vmem>>, vector<16xi32>,
      tpu.vector_store %arg9[%swap3A_775], %get3A_772 {strides = array<i32>} : memref<25600xi32, #tpu.memory_space<vmem>>, vector<16xi32>,
      %get3A_777 = arith.constant 6 : i32
      %get3A_778 = arith.index_cast %get3A_777 : i32 to index
      %get3A_779 = arith.constant 80 : index
      %get3A_780 = tpu.vector_load %arg12[%get3A_778, %get3A_779] {strides = array<i32>} : memref<8x200xi32, #tpu.memory_space<vmem>>, vector<16xi32>,
      %add3A_781 = arith.constant 80 : i32
      %add3A_782 = arith.addi %mul3A_736, %add3A_781 : i32
      %swap3A_783 = arith.index_cast %add3A_782 : i32 to index
      %swap3A_784 = tpu.vector_load %arg9[%swap3A_783] {strides = array<i32>} : memref<25600xi32, #tpu.memory_space<vmem>>, vector<16xi32>,
      tpu.vector_store %arg9[%swap3A_783], %get3A_780 {strides = array<i32>} : memref<25600xi32, #tpu.memory_space<vmem>>, vector<16xi32>,
      %get3A_785 = arith.constant 6 : i32
      %get3A_786 = arith.index_cast %get3A_785 : i32 to index
      %get3A_787 = arith.constant 96 : index
      %get3A_788 = tpu.vector_load %arg12[%get3A_786, %get3A_787] {strides = array<i32>} : memref<8x200xi32, #tpu.memory_space<vmem>>, vector<16xi32>,
      %add3A_789 = arith.constant 96 : i32
      %add3A_790 = arith.addi %mul3A_736, %add3A_789 : i32
      %swap3A_791 = arith.index_cast %add3A_790 : i32 to index
      %swap3A_792 = tpu.vector_load %arg9[%swap3A_791] {strides = array<i32>} : memref<25600xi32, #tpu.memory_space<vmem>>, vector<16xi32>,
      tpu.vector_store %arg9[%swap3A_791], %get3A_788 {strides = array<i32>} : memref<25600xi32, #tpu.memory_space<vmem>>, vector<16xi32>,
      %get3A_793 = arith.constant 6 : i32
      %get3A_794 = arith.index_cast %get3A_793 : i32 to index
      %get3A_795 = arith.constant 112 : index
      %get3A_796 = tpu.vector_load %arg12[%get3A_794, %get3A_795] {strides = array<i32>} : memref<8x200xi32, #tpu.memory_space<vmem>>, vector<16xi32>,
      %add3A_797 = arith.constant 112 : i32
      %add3A_798 = arith.addi %mul3A_736, %add3A_797 : i32
      %swap3A_799 = arith.index_cast %add3A_798 : i32 to index
      %swap3A_800 = tpu.vector_load %arg9[%swap3A_799] {strides = array<i32>} : memref<25600xi32, #tpu.memory_space<vmem>>, vector<16xi32>,
      tpu.vector_store %arg9[%swap3A_799], %get3A_796 {strides = array<i32>} : memref<25600xi32, #tpu.memory_space<vmem>>, vector<16xi32>,
      %get3A_801 = arith.constant 6 : i32
      %get3A_802 = arith.index_cast %get3A_801 : i32 to index
      %get3A_803 = arith.constant 128 : index
      %get3A_804 = tpu.vector_load %arg12[%get3A_802, %get3A_803] {strides = array<i32>} : memref<8x200xi32, #tpu.memory_space<vmem>>, vector<16xi32>,
      %add3A_805 = arith.constant 128 : i32
      %add3A_806 = arith.addi %mul3A_736, %add3A_805 : i32
      %swap3A_807 = arith.index_cast %add3A_806 : i32 to index
      %swap3A_808 = tpu.vector_load %arg9[%swap3A_807] {strides = array<i32>} : memref<25600xi32, #tpu.memory_space<vmem>>, vector<16xi32>,
      tpu.vector_store %arg9[%swap3A_807], %get3A_804 {strides = array<i32>} : memref<25600xi32, #tpu.memory_space<vmem>>, vector<16xi32>,
      %get3A_809 = arith.constant 6 : i32
      %get3A_810 = arith.index_cast %get3A_809 : i32 to index
      %get3A_811 = arith.constant 144 : index
      %get3A_812 = tpu.vector_load %arg12[%get3A_810, %get3A_811] {strides = array<i32>} : memref<8x200xi32, #tpu.memory_space<vmem>>, vector<16xi32>,
      %add3A_813 = arith.constant 144 : i32
      %add3A_814 = arith.addi %mul3A_736, %add3A_813 : i32
      %swap3A_815 = arith.index_cast %add3A_814 : i32 to index
      %swap3A_816 = tpu.vector_load %arg9[%swap3A_815] {strides = array<i32>} : memref<25600xi32, #tpu.memory_space<vmem>>, vector<16xi32>,
      tpu.vector_store %arg9[%swap3A_815], %get3A_812 {strides = array<i32>} : memref<25600xi32, #tpu.memory_space<vmem>>, vector<16xi32>,
      %get3A_817 = arith.constant 6 : i32
      %get3A_818 = arith.index_cast %get3A_817 : i32 to index
      %get3A_819 = arith.constant 160 : index
      %get3A_820 = tpu.vector_load %arg12[%get3A_818, %get3A_819] {strides = array<i32>} : memref<8x200xi32, #tpu.memory_space<vmem>>, vector<16xi32>,
      %add3A_821 = arith.constant 160 : i32
      %add3A_822 = arith.addi %mul3A_736, %add3A_821 : i32
      %swap3A_823 = arith.index_cast %add3A_822 : i32 to index
      %swap3A_824 = tpu.vector_load %arg9[%swap3A_823] {strides = array<i32>} : memref<25600xi32, #tpu.memory_space<vmem>>, vector<16xi32>,
      tpu.vector_store %arg9[%swap3A_823], %get3A_820 {strides = array<i32>} : memref<25600xi32, #tpu.memory_space<vmem>>, vector<16xi32>,
      %get3A_825 = arith.constant 6 : i32
      %get3A_826 = arith.index_cast %get3A_825 : i32 to index
      %get3A_827 = arith.constant 176 : index
      %get3A_828 = tpu.vector_load %arg12[%get3A_826, %get3A_827] {strides = array<i32>} : memref<8x200xi32, #tpu.memory_space<vmem>>, vector<16xi32>,
      %add3A_829 = arith.constant 176 : i32
      %add3A_830 = arith.addi %mul3A_736, %add3A_829 : i32
      %swap3A_831 = arith.index_cast %add3A_830 : i32 to index
      %swap3A_832 = tpu.vector_load %arg9[%swap3A_831] {strides = array<i32>} : memref<25600xi32, #tpu.memory_space<vmem>>, vector<16xi32>,
      tpu.vector_store %arg9[%swap3A_831], %get3A_828 {strides = array<i32>} : memref<25600xi32, #tpu.memory_space<vmem>>, vector<16xi32>,
      %get3A_833 = arith.constant 6 : i32
      %get3A_834 = arith.index_cast %get3A_833 : i32 to index
      %get3A_835 = arith.constant 184 : index
      %get3A_836 = tpu.vector_load %arg12[%get3A_834, %get3A_835] {strides = array<i32>} : memref<8x200xi32, #tpu.memory_space<vmem>>, vector<16xi32>,
      %add3A_837 = arith.constant 200 : i32
      %add3A_838 = arith.addi %mul3A_736, %add3A_837 : i32
      %sub3A_839 = arith.constant 16 : i32
      %sub3A_840 = arith.subi %add3A_838, %sub3A_839 : i32
      %swap3A_841 = arith.index_cast %sub3A_840 : i32 to index
      %swap3A_842 = tpu.vector_load %arg9[%swap3A_841] {strides = array<i32>} : memref<25600xi32, #tpu.memory_space<vmem>>, vector<16xi32>,
      tpu.vector_store %arg9[%swap3A_841], %get3A_836 {strides = array<i32>} : memref<25600xi32, #tpu.memory_space<vmem>>, vector<16xi32>,
      %mul3A_843 = arith.constant 8 : i32
      %mul3A_844 = arith.muli %scan3A_58, %mul3A_843 : i32
      %add3A_845 = arith.constant 7 : i32
      %add3A_846 = arith.addi %mul3A_844, %add3A_845 : i32
      %mul3A_847 = arith.constant 200 : i32
      %mul3A_848 = arith.muli %add3A_846, %mul3A_847 : i32
      %get3A_849 = arith.constant 7 : i32
      %get3A_850 = arith.index_cast %get3A_849 : i32 to index
      %get3A_851 = arith.constant 0 : index
      %get3A_852 = tpu.vector_load %arg12[%get3A_850, %get3A_851] {strides = array<i32>} : memref<8x200xi32, #tpu.memory_space<vmem>>, vector<16xi32>,
      %add3A_853 = arith.constant 0 : i32
      %add3A_854 = arith.addi %mul3A_848, %add3A_853 : i32
      %swap3A_855 = arith.index_cast %add3A_854 : i32 to index
      %swap3A_856 = tpu.vector_load %arg9[%swap3A_855] {strides = array<i32>} : memref<25600xi32, #tpu.memory_space<vmem>>, vector<16xi32>,
      tpu.vector_store %arg9[%swap3A_855], %get3A_852 {strides = array<i32>} : memref<25600xi32, #tpu.memory_space<vmem>>, vector<16xi32>,
      %get3A_857 = arith.constant 7 : i32
      %get3A_858 = arith.index_cast %get3A_857 : i32 to index
      %get3A_859 = arith.constant 16 : index
      %get3A_860 = tpu.vector_load %arg12[%get3A_858, %get3A_859] {strides = array<i32>} : memref<8x200xi32, #tpu.memory_space<vmem>>, vector<16xi32>,
      %add3A_861 = arith.constant 16 : i32
      %add3A_862 = arith.addi %mul3A_848, %add3A_861 : i32
      %swap3A_863 = arith.index_cast %add3A_862 : i32 to index
      %swap3A_864 = tpu.vector_load %arg9[%swap3A_863] {strides = array<i32>} : memref<25600xi32, #tpu.memory_space<vmem>>, vector<16xi32>,
      tpu.vector_store %arg9[%swap3A_863], %get3A_860 {strides = array<i32>} : memref<25600xi32, #tpu.memory_space<vmem>>, vector<16xi32>,
      %get3A_865 = arith.constant 7 : i32
      %get3A_866 = arith.index_cast %get3A_865 : i32 to index
      %get3A_867 = arith.constant 32 : index
      %get3A_868 = tpu.vector_load %arg12[%get3A_866, %get3A_867] {strides = array<i32>} : memref<8x200xi32, #tpu.memory_space<vmem>>, vector<16xi32>,
      %add3A_869 = arith.constant 32 : i32
      %add3A_870 = arith.addi %mul3A_848, %add3A_869 : i32
      %swap3A_871 = arith.index_cast %add3A_870 : i32 to index
      %swap3A_872 = tpu.vector_load %arg9[%swap3A_871] {strides = array<i32>} : memref<25600xi32, #tpu.memory_space<vmem>>, vector<16xi32>,
      tpu.vector_store %arg9[%swap3A_871], %get3A_868 {strides = array<i32>} : memref<25600xi32, #tpu.memory_space<vmem>>, vector<16xi32>,
      %get3A_873 = arith.constant 7 : i32
      %get3A_874 = arith.index_cast %get3A_873 : i32 to index
      %get3A_875 = arith.constant 48 : index
      %get3A_876 = tpu.vector_load %arg12[%get3A_874, %get3A_875] {strides = array<i32>} : memref<8x200xi32, #tpu.memory_space<vmem>>, vector<16xi32>,
      %add3A_877 = arith.constant 48 : i32
      %add3A_878 = arith.addi %mul3A_848, %add3A_877 : i32
      %swap3A_879 = arith.index_cast %add3A_878 : i32 to index
      %swap3A_880 = tpu.vector_load %arg9[%swap3A_879] {strides = array<i32>} : memref<25600xi32, #tpu.memory_space<vmem>>, vector<16xi32>,
      tpu.vector_store %arg9[%swap3A_879], %get3A_876 {strides = array<i32>} : memref<25600xi32, #tpu.memory_space<vmem>>, vector<16xi32>,
      %get3A_881 = arith.constant 7 : i32
      %get3A_882 = arith.index_cast %get3A_881 : i32 to index
      %get3A_883 = arith.constant 64 : index
      %get3A_884 = tpu.vector_load %arg12[%get3A_882, %get3A_883] {strides = array<i32>} : memref<8x200xi32, #tpu.memory_space<vmem>>, vector<16xi32>,
      %add3A_885 = arith.constant 64 : i32
      %add3A_886 = arith.addi %mul3A_848, %add3A_885 : i32
      %swap3A_887 = arith.index_cast %add3A_886 : i32 to index
      %swap3A_888 = tpu.vector_load %arg9[%swap3A_887] {strides = array<i32>} : memref<25600xi32, #tpu.memory_space<vmem>>, vector<16xi32>,
      tpu.vector_store %arg9[%swap3A_887], %get3A_884 {strides = array<i32>} : memref<25600xi32, #tpu.memory_space<vmem>>, vector<16xi32>,
      %get3A_889 = arith.constant 7 : i32
      %get3A_890 = arith.index_cast %get3A_889 : i32 to index
      %get3A_891 = arith.constant 80 : index
      %get3A_892 = tpu.vector_load %arg12[%get3A_890, %get3A_891] {strides = array<i32>} : memref<8x200xi32, #tpu.memory_space<vmem>>, vector<16xi32>,
      %add3A_893 = arith.constant 80 : i32
      %add3A_894 = arith.addi %mul3A_848, %add3A_893 : i32
      %swap3A_895 = arith.index_cast %add3A_894 : i32 to index
      %swap3A_896 = tpu.vector_load %arg9[%swap3A_895] {strides = array<i32>} : memref<25600xi32, #tpu.memory_space<vmem>>, vector<16xi32>,
      tpu.vector_store %arg9[%swap3A_895], %get3A_892 {strides = array<i32>} : memref<25600xi32, #tpu.memory_space<vmem>>, vector<16xi32>,
      %get3A_897 = arith.constant 7 : i32
      %get3A_898 = arith.index_cast %get3A_897 : i32 to index
      %get3A_899 = arith.constant 96 : index
      %get3A_900 = tpu.vector_load %arg12[%get3A_898, %get3A_899] {strides = array<i32>} : memref<8x200xi32, #tpu.memory_space<vmem>>, vector<16xi32>,
      %add3A_901 = arith.constant 96 : i32
      %add3A_902 = arith.addi %mul3A_848, %add3A_901 : i32
      %swap3A_903 = arith.index_cast %add3A_902 : i32 to index
      %swap3A_904 = tpu.vector_load %arg9[%swap3A_903] {strides = array<i32>} : memref<25600xi32, #tpu.memory_space<vmem>>, vector<16xi32>,
      tpu.vector_store %arg9[%swap3A_903], %get3A_900 {strides = array<i32>} : memref<25600xi32, #tpu.memory_space<vmem>>, vector<16xi32>,
      %get3A_905 = arith.constant 7 : i32
      %get3A_906 = arith.index_cast %get3A_905 : i32 to index
      %get3A_907 = arith.constant 112 : index
      %get3A_908 = tpu.vector_load %arg12[%get3A_906, %get3A_907] {strides = array<i32>} : memref<8x200xi32, #tpu.memory_space<vmem>>, vector<16xi32>,
      %add3A_909 = arith.constant 112 : i32
      %add3A_910 = arith.addi %mul3A_848, %add3A_909 : i32
      %swap3A_911 = arith.index_cast %add3A_910 : i32 to index
      %swap3A_912 = tpu.vector_load %arg9[%swap3A_911] {strides = array<i32>} : memref<25600xi32, #tpu.memory_space<vmem>>, vector<16xi32>,
      tpu.vector_store %arg9[%swap3A_911], %get3A_908 {strides = array<i32>} : memref<25600xi32, #tpu.memory_space<vmem>>, vector<16xi32>,
      %get3A_913 = arith.constant 7 : i32
      %get3A_914 = arith.index_cast %get3A_913 : i32 to index
      %get3A_915 = arith.constant 128 : index
      %get3A_916 = tpu.vector_load %arg12[%get3A_914, %get3A_915] {strides = array<i32>} : memref<8x200xi32, #tpu.memory_space<vmem>>, vector<16xi32>,
      %add3A_917 = arith.constant 128 : i32
      %add3A_918 = arith.addi %mul3A_848, %add3A_917 : i32
      %swap3A_919 = arith.index_cast %add3A_918 : i32 to index
      %swap3A_920 = tpu.vector_load %arg9[%swap3A_919] {strides = array<i32>} : memref<25600xi32, #tpu.memory_space<vmem>>, vector<16xi32>,
      tpu.vector_store %arg9[%swap3A_919], %get3A_916 {strides = array<i32>} : memref<25600xi32, #tpu.memory_space<vmem>>, vector<16xi32>,
      %get3A_921 = arith.constant 7 : i32
      %get3A_922 = arith.index_cast %get3A_921 : i32 to index
      %get3A_923 = arith.constant 144 : index
      %get3A_924 = tpu.vector_load %arg12[%get3A_922, %get3A_923] {strides = array<i32>} : memref<8x200xi32, #tpu.memory_space<vmem>>, vector<16xi32>,
      %add3A_925 = arith.constant 144 : i32
      %add3A_926 = arith.addi %mul3A_848, %add3A_925 : i32
      %swap3A_927 = arith.index_cast %add3A_926 : i32 to index
      %swap3A_928 = tpu.vector_load %arg9[%swap3A_927] {strides = array<i32>} : memref<25600xi32, #tpu.memory_space<vmem>>, vector<16xi32>,
      tpu.vector_store %arg9[%swap3A_927], %get3A_924 {strides = array<i32>} : memref<25600xi32, #tpu.memory_space<vmem>>, vector<16xi32>,
      %get3A_929 = arith.constant 7 : i32
      %get3A_930 = arith.index_cast %get3A_929 : i32 to index
      %get3A_931 = arith.constant 160 : index
      %get3A_932 = tpu.vector_load %arg12[%get3A_930, %get3A_931] {strides = array<i32>} : memref<8x200xi32, #tpu.memory_space<vmem>>, vector<16xi32>,
      %add3A_933 = arith.constant 160 : i32
      %add3A_934 = arith.addi %mul3A_848, %add3A_933 : i32
      %swap3A_935 = arith.index_cast %add3A_934 : i32 to index
      %swap3A_936 = tpu.vector_load %arg9[%swap3A_935] {strides = array<i32>} : memref<25600xi32, #tpu.memory_space<vmem>>, vector<16xi32>,
      tpu.vector_store %arg9[%swap3A_935], %get3A_932 {strides = array<i32>} : memref<25600xi32, #tpu.memory_space<vmem>>, vector<16xi32>,
      %get3A_937 = arith.constant 7 : i32
      %get3A_938 = arith.index_cast %get3A_937 : i32 to index
      %get3A_939 = arith.constant 176 : index
      %get3A_940 = tpu.vector_load %arg12[%get3A_938, %get3A_939] {strides = array<i32>} : memref<8x200xi32, #tpu.memory_space<vmem>>, vector<16xi32>,
      %add3A_941 = arith.constant 176 : i32
      %add3A_942 = arith.addi %mul3A_848, %add3A_941 : i32
      %swap3A_943 = arith.index_cast %add3A_942 : i32 to index
      %swap3A_944 = tpu.vector_load %arg9[%swap3A_943] {strides = array<i32>} : memref<25600xi32, #tpu.memory_space<vmem>>, vector<16xi32>,
      tpu.vector_store %arg9[%swap3A_943], %get3A_940 {strides = array<i32>} : memref<25600xi32, #tpu.memory_space<vmem>>, vector<16xi32>,
      %get3A_945 = arith.constant 7 : i32
      %get3A_946 = arith.index_cast %get3A_945 : i32 to index
      %get3A_947 = arith.constant 184 : index
      %get3A_948 = tpu.vector_load %arg12[%get3A_946, %get3A_947] {strides = array<i32>} : memref<8x200xi32, #tpu.memory_space<vmem>>, vector<16xi32>,
      %add3A_949 = arith.constant 200 : i32
      %add3A_950 = arith.addi %mul3A_848, %add3A_949 : i32
      %sub3A_951 = arith.constant 16 : i32
      %sub3A_952 = arith.subi %add3A_950, %sub3A_951 : i32
      %swap3A_953 = arith.index_cast %sub3A_952 : i32 to index
      %swap3A_954 = tpu.vector_load %arg9[%swap3A_953] {strides = array<i32>} : memref<25600xi32, #tpu.memory_space<vmem>>, vector<16xi32>,
      tpu.vector_store %arg9[%swap3A_953], %get3A_948 {strides = array<i32>} : memref<25600xi32, #tpu.memory_space<vmem>>, vector<16xi32>,
    }
    %scan3A_15 = arith.constant 16 : i32
    %broadcast_in_dim3A = arith.constant 0.000000e+00 : f32
    %broadcast_in_dim3A_16 = vector.broadcast %broadcast_in_dim3A : f32 to vector<16xf32>
    %scan3A_17 = arith.constant 0 : i32
    %scan3A_18 = arith.constant 1600 : i32
    %scan3A_19 = arith.addi %scan3A_17, %scan3A_18 : i32
    %scan3A_20 = arith.constant 1 : i32
    %scan3A_21 = scf.for %scan3A_58 = %scan3A_17 to %scan3A_19 step %scan3A_20 iter_args(%scan3A_59 = %broadcast_in_dim3A_16) -> (vector<16xf32>)  : i32 {
      %mul3A_60 = arith.constant 16 : i32
      %mul3A_61 = arith.muli %scan3A_58, %mul3A_60 : i32
      %get3A = arith.index_cast %mul3A_61 : i32 to index
      %get3A_62 = tpu.vector_load %arg8[%get3A] {strides = array<i32>} : memref<25600xi32, #tpu.memory_space<vmem>>, vector<16xi32>,
      %get3A_63 = arith.index_cast %mul3A_61 : i32 to index
      %get3A_64 = tpu.vector_load %arg9[%get3A_63] {strides = array<i32>} : memref<25600xi32, #tpu.memory_space<vmem>>, vector<16xi32>,
      %gather3A = tpu.vector_load_idx %arg10[%get3A_62] : memref<80xf32, #tpu.memory_space<vmem>>[vector<16xi32>], vector<16xf32>,
      %gather3A_65 = tpu.vector_load_idx %arg11[%get3A_62, %get3A_64] : memref<65x128xf32, #tpu.memory_space<vmem>>[vector<16xi32>, vector<16xi32>], vector<16xf32>,
      %sub3A = arith.subf %gather3A, %gather3A_65 : vector<16xf32>
      %add3A_66 = arith.addf %scan3A_59, %sub3A : vector<16xf32>
      scf.yield %add3A_66 : vector<16xf32>
    }
    %scan3A_22 = arith.constant 1600 : i32
    %swap3A = arith.constant 0 : index
    %swap3A_23 = tpu.vector_load %arg17[%swap3A] {strides = array<i32>} : memref<16xf32, #tpu.memory_space<vmem>>, vector<16xf32>,
    tpu.vector_store %arg17[%swap3A], %scan3A_21 {strides = array<i32>} : memref<16xf32, #tpu.memory_space<vmem>>, vector<16xf32>,
    "tpu.region"() ({
      %run_scoped3A = tpu.sem_alloc : memref<!tpu.dma_semaphore, #tpu.memory_space<semaphore_mem>>
      %dma_start3A_58 = arith.constant 0 : i32
      %dma_start3A_59 = tpu.memref_slice %arg7[%add3A, %dma_start3A_58] : memref<32x16xf32, #tpu.memory_space<hbm>> -> memref<1x16xf32, #tpu.memory_space<hbm>>
      %dma_start3A_60 = tpu.memref_squeeze %dma_start3A_59 : memref<1x16xf32, #tpu.memory_space<hbm>> -> memref<16xf32, #tpu.memory_space<hbm>>
      %dma_start3A_61 = arith.constant 0 : i32
      %dma_start3A_62 = tpu.memref_slice %arg7[%add3A, %dma_start3A_61] : memref<32x16xf32, #tpu.memory_space<hbm>> -> memref<1x16xf32, #tpu.memory_space<hbm>>
      %dma_start3A_63 = tpu.memref_squeeze %dma_start3A_62 : memref<1x16xf32, #tpu.memory_space<hbm>> -> memref<16xf32, #tpu.memory_space<hbm>>
      tpu.enqueue_dma source(%arg17 : memref<16xf32, #tpu.memory_space<vmem>>) target(%dma_start3A_63 : memref<16xf32, #tpu.memory_space<hbm>>) target_semaphore(%run_scoped3A : memref<!tpu.dma_semaphore, #tpu.memory_space<semaphore_mem>>)
      %dma_wait3A_64 = arith.constant 0 : i32
      %dma_wait3A_65 = tpu.memref_slice %arg7[%add3A, %dma_wait3A_64] : memref<32x16xf32, #tpu.memory_space<hbm>> -> memref<1x16xf32, #tpu.memory_space<hbm>>
      %dma_wait3A_66 = tpu.memref_squeeze %dma_wait3A_65 : memref<1x16xf32, #tpu.memory_space<hbm>> -> memref<16xf32, #tpu.memory_space<hbm>>
      %dma_wait3A_67 = arith.constant 0 : i32
      %dma_wait3A_68 = tpu.memref_slice %arg7[%add3A, %dma_wait3A_67] : memref<32x16xf32, #tpu.memory_space<hbm>> -> memref<1x16xf32, #tpu.memory_space<hbm>>
      %dma_wait3A_69 = tpu.memref_squeeze %dma_wait3A_68 : memref<1x16xf32, #tpu.memory_space<hbm>> -> memref<16xf32, #tpu.memory_space<hbm>>
      tpu.wait_dma2 semaphore(%run_scoped3A : memref<!tpu.dma_semaphore, #tpu.memory_space<semaphore_mem>>) src(%arg17 : memref<16xf32, #tpu.memory_space<vmem>>) dst(%dma_wait3A_69 : memref<16xf32, #tpu.memory_space<hbm>>)
      tpu.yield
    }) : () -> ()
    %dma_start3A = arith.constant 0 : i32
    %dma_start3A_24 = tpu.memref_slice %arg8[%dma_start3A] : memref<25600xi32, #tpu.memory_space<vmem>> -> memref<104xi32, #tpu.memory_space<vmem>>
    %dma_start3A_25 = arith.constant 0 : i32
    %dma_start3A_26 = arith.constant 0 : i32
    %dma_start3A_27 = tpu.memref_slice %arg18[%dma_start3A_25, %dma_start3A_26] : memref<65x128xf32, #tpu.memory_space<vmem_shared>> -> memref<65x128xf32, #tpu.memory_space<vmem_shared>>
    tpu.enqueue_indirect_dma source(%dma_start3A_27 : memref<65x128xf32, #tpu.memory_space<vmem_shared>>) target(%arg13 : memref<104x128xf32, #tpu.memory_space<vmem>>) offsets(%dma_start3A_24 : memref<104xi32, #tpu.memory_space<vmem>>) semaphore(%arg20 : memref<!tpu.dma_semaphore, #tpu.memory_space<semaphore_mem>>)
    %dma_start3A_28 = arith.constant 104 : i32
    %dma_start3A_29 = tpu.memref_slice %arg8[%dma_start3A_28] : memref<25600xi32, #tpu.memory_space<vmem>> -> memref<96xi32, #tpu.memory_space<vmem>>
    %dma_start3A_30 = arith.constant 0 : i32
    %dma_start3A_31 = arith.constant 0 : i32
    %dma_start3A_32 = tpu.memref_slice %arg18[%dma_start3A_30, %dma_start3A_31] : memref<65x128xf32, #tpu.memory_space<vmem_shared>> -> memref<65x128xf32, #tpu.memory_space<vmem_shared>>
    tpu.enqueue_indirect_dma source(%dma_start3A_32 : memref<65x128xf32, #tpu.memory_space<vmem_shared>>) target(%arg14 : memref<96x128xf32, #tpu.memory_space<vmem>>) offsets(%dma_start3A_29 : memref<96xi32, #tpu.memory_space<vmem>>) semaphore(%arg21 : memref<!tpu.dma_semaphore, #tpu.memory_space<semaphore_mem>>)
    %scan3A_33 = arith.constant 0 : i32
    %scan3A_34 = arith.constant 0 : i32
    %scan3A_35 = arith.constant 128 : i32
    %scan3A_36 = arith.addi %scan3A_34, %scan3A_35 : i32
    %scan3A_37 = arith.constant 1 : i32
    scf.for %scan3A_58 = %scan3A_34 to %scan3A_36 step %scan3A_37  : i32 {
      %gt3A = arith.constant 0 : i32
      %gt3A_59 = arith.cmpi sgt, %scan3A_58, %gt3A : i32
      %convert_element_type3A_60 = arith.extui %gt3A_59 : i1 to i32
      %cond3A_61 = arith.constant 0 : i32
      %cond3A_62 = arith.cmpi ne, %convert_element_type3A_60, %cond3A_61 : i32
      scf.if %cond3A_62 {
        %sub3A = arith.constant 1 : i32
        %sub3A_435 = arith.subi %scan3A_58, %sub3A : i32
        %add3A_436 = arith.addi %mul3A_2, %sub3A_435 : i32
        %dma_wait3A_437 = arith.constant 0 : i32
        %dma_wait3A_438 = arith.constant 0 : i32
        %dma_wait3A_439 = tpu.memref_slice %arg6[%add3A_436, %dma_wait3A_437, %dma_wait3A_438] : memref<4096x200x65xf32, #tpu.memory_space<hbm>> -> memref<1x104x65xf32, #tpu.memory_space<hbm>>
        %dma_wait3A_440 = tpu.memref_squeeze %dma_wait3A_439 : memref<1x104x65xf32, #tpu.memory_space<hbm>> -> memref<104x65xf32, #tpu.memory_space<hbm>>
        %dma_wait3A_441 = arith.constant 0 : i32
        %dma_wait3A_442 = arith.constant 0 : i32
        %dma_wait3A_443 = tpu.memref_slice %arg6[%add3A_436, %dma_wait3A_441, %dma_wait3A_442] : memref<4096x200x65xf32, #tpu.memory_space<hbm>> -> memref<1x104x65xf32, #tpu.memory_space<hbm>>
        %dma_wait3A_444 = tpu.memref_squeeze %dma_wait3A_443 : memref<1x104x65xf32, #tpu.memory_space<hbm>> -> memref<104x65xf32, #tpu.memory_space<hbm>>
        tpu.wait_dma2 semaphore(%arg22 : memref<!tpu.dma_semaphore, #tpu.memory_space<semaphore_mem>>) src(%arg15 : memref<104x65xf32, #tpu.memory_space<vmem>>) dst(%dma_wait3A_444 : memref<104x65xf32, #tpu.memory_space<hbm>>)
        %sub3A_445 = arith.constant 1 : i32
        %sub3A_446 = arith.subi %scan3A_58, %sub3A_445 : i32
        %add3A_447 = arith.addi %mul3A_2, %sub3A_446 : i32
        %dma_wait3A_448 = arith.constant 104 : i32
        %dma_wait3A_449 = arith.constant 0 : i32
        %dma_wait3A_450 = tpu.memref_slice %arg6[%add3A_447, %dma_wait3A_448, %dma_wait3A_449] : memref<4096x200x65xf32, #tpu.memory_space<hbm>> -> memref<1x96x65xf32, #tpu.memory_space<hbm>>
        %dma_wait3A_451 = tpu.memref_squeeze %dma_wait3A_450 : memref<1x96x65xf32, #tpu.memory_space<hbm>> -> memref<96x65xf32, #tpu.memory_space<hbm>>
        %dma_wait3A_452 = arith.constant 104 : i32
        %dma_wait3A_453 = arith.constant 0 : i32
        %dma_wait3A_454 = tpu.memref_slice %arg6[%add3A_447, %dma_wait3A_452, %dma_wait3A_453] : memref<4096x200x65xf32, #tpu.memory_space<hbm>> -> memref<1x96x65xf32, #tpu.memory_space<hbm>>
        %dma_wait3A_455 = tpu.memref_squeeze %dma_wait3A_454 : memref<1x96x65xf32, #tpu.memory_space<hbm>> -> memref<96x65xf32, #tpu.memory_space<hbm>>
        tpu.wait_dma2 semaphore(%arg23 : memref<!tpu.dma_semaphore, #tpu.memory_space<semaphore_mem>>) src(%arg16 : memref<96x65xf32, #tpu.memory_space<vmem>>) dst(%dma_wait3A_455 : memref<96x65xf32, #tpu.memory_space<hbm>>)
      } else {
      }
      %mul3A_63 = arith.constant 200 : i32
      %mul3A_64 = arith.muli %scan3A_58, %mul3A_63 : i32
      %dma_wait3A_65 = tpu.memref_slice %arg8[%mul3A_64] : memref<25600xi32, #tpu.memory_space<vmem>> -> memref<104xi32, #tpu.memory_space<vmem>>
      %dma_wait3A_66 = arith.constant 0 : i32
      %dma_wait3A_67 = arith.constant 0 : i32
      %dma_wait3A_68 = tpu.memref_slice %arg18[%dma_wait3A_66, %dma_wait3A_67] : memref<65x128xf32, #tpu.memory_space<vmem_shared>> -> memref<65x128xf32, #tpu.memory_space<vmem_shared>>
      tpu.wait_indirect_dma semaphore(%arg20 : memref<!tpu.dma_semaphore, #tpu.memory_space<semaphore_mem>>) src(%dma_wait3A_68 : memref<65x128xf32, #tpu.memory_space<vmem_shared>>) dst(%arg13 : memref<104x128xf32, #tpu.memory_space<vmem>>)
      %scan3A_69 = arith.constant 0 : i32
      %scan3A_70 = arith.constant 0 : i32
      %scan3A_71 = arith.constant 6 : i32
      %scan3A_72 = arith.addi %scan3A_70, %scan3A_71 : i32
      %scan3A_73 = arith.constant 1 : i32
      scf.for %scan3A_435 = %scan3A_70 to %scan3A_72 step %scan3A_73  : i32 {
        %mul3A_436 = arith.constant 16 : i32
        %mul3A_437 = arith.muli %scan3A_435, %mul3A_436 : i32
        %add3A_438 = arith.constant 0 : i32
        %add3A_439 = arith.addi %mul3A_437, %add3A_438 : i32
        %get3A_440 = arith.index_cast %add3A_439 : i32 to index
        %get3A_441 = arith.constant 0 : index
        %get3A_442 = tpu.vector_load %arg13[%get3A_440, %get3A_441] {strides = array<i32>} : memref<104x128xf32, #tpu.memory_space<vmem>>, vector<16xf32>,
        %add3A_443 = arith.constant 0 : i32
        %add3A_444 = arith.addi %mul3A_437, %add3A_443 : i32
        %swap3A_445 = arith.index_cast %add3A_444 : i32 to index
        %swap3A_446 = arith.constant 0 : index
        %swap3A_447 = tpu.vector_load %arg15[%swap3A_445, %swap3A_446] {strides = array<i32>} : memref<104x65xf32, #tpu.memory_space<vmem>>, vector<16xf32>,
        tpu.vector_store %arg15[%swap3A_445, %swap3A_446], %get3A_442 {strides = array<i32>} : memref<104x65xf32, #tpu.memory_space<vmem>>, vector<16xf32>,
        %add3A_448 = arith.constant 0 : i32
        %add3A_449 = arith.addi %mul3A_437, %add3A_448 : i32
        %get3A_450 = arith.index_cast %add3A_449 : i32 to index
        %get3A_451 = arith.constant 16 : index
        %get3A_452 = tpu.vector_load %arg13[%get3A_450, %get3A_451] {strides = array<i32>} : memref<104x128xf32, #tpu.memory_space<vmem>>, vector<16xf32>,
        %add3A_453 = arith.constant 0 : i32
        %add3A_454 = arith.addi %mul3A_437, %add3A_453 : i32
        %swap3A_455 = arith.index_cast %add3A_454 : i32 to index
        %swap3A_456 = arith.constant 16 : index
        %swap3A_457 = tpu.vector_load %arg15[%swap3A_455, %swap3A_456] {strides = array<i32>} : memref<104x65xf32, #tpu.memory_space<vmem>>, vector<16xf32>,
        tpu.vector_store %arg15[%swap3A_455, %swap3A_456], %get3A_452 {strides = array<i32>} : memref<104x65xf32, #tpu.memory_space<vmem>>, vector<16xf32>,
        %add3A_458 = arith.constant 0 : i32
        %add3A_459 = arith.addi %mul3A_437, %add3A_458 : i32
        %get3A_460 = arith.index_cast %add3A_459 : i32 to index
        %get3A_461 = arith.constant 32 : index
        %get3A_462 = tpu.vector_load %arg13[%get3A_460, %get3A_461] {strides = array<i32>} : memref<104x128xf32, #tpu.memory_space<vmem>>, vector<16xf32>,
        %add3A_463 = arith.constant 0 : i32
        %add3A_464 = arith.addi %mul3A_437, %add3A_463 : i32
        %swap3A_465 = arith.index_cast %add3A_464 : i32 to index
        %swap3A_466 = arith.constant 32 : index
        %swap3A_467 = tpu.vector_load %arg15[%swap3A_465, %swap3A_466] {strides = array<i32>} : memref<104x65xf32, #tpu.memory_space<vmem>>, vector<16xf32>,
        tpu.vector_store %arg15[%swap3A_465, %swap3A_466], %get3A_462 {strides = array<i32>} : memref<104x65xf32, #tpu.memory_space<vmem>>, vector<16xf32>,
        %add3A_468 = arith.constant 0 : i32
        %add3A_469 = arith.addi %mul3A_437, %add3A_468 : i32
        %get3A_470 = arith.index_cast %add3A_469 : i32 to index
        %get3A_471 = arith.constant 48 : index
        %get3A_472 = tpu.vector_load %arg13[%get3A_470, %get3A_471] {strides = array<i32>} : memref<104x128xf32, #tpu.memory_space<vmem>>, vector<16xf32>,
        %add3A_473 = arith.constant 0 : i32
        %add3A_474 = arith.addi %mul3A_437, %add3A_473 : i32
        %swap3A_475 = arith.index_cast %add3A_474 : i32 to index
        %swap3A_476 = arith.constant 48 : index
        %swap3A_477 = tpu.vector_load %arg15[%swap3A_475, %swap3A_476] {strides = array<i32>} : memref<104x65xf32, #tpu.memory_space<vmem>>, vector<16xf32>,
        tpu.vector_store %arg15[%swap3A_475, %swap3A_476], %get3A_472 {strides = array<i32>} : memref<104x65xf32, #tpu.memory_space<vmem>>, vector<16xf32>,
        %add3A_478 = arith.constant 0 : i32
        %add3A_479 = arith.addi %mul3A_437, %add3A_478 : i32
        %get3A_480 = arith.index_cast %add3A_479 : i32 to index
        %get3A_481 = arith.constant 49 : index
        %get3A_482 = tpu.vector_load %arg13[%get3A_480, %get3A_481] {strides = array<i32>} : memref<104x128xf32, #tpu.memory_space<vmem>>, vector<16xf32>,
        %add3A_483 = arith.constant 0 : i32
        %add3A_484 = arith.addi %mul3A_437, %add3A_483 : i32
        %swap3A_485 = arith.index_cast %add3A_484 : i32 to index
        %swap3A_486 = arith.constant 49 : index
        %swap3A_487 = tpu.vector_load %arg15[%swap3A_485, %swap3A_486] {strides = array<i32>} : memref<104x65xf32, #tpu.memory_space<vmem>>, vector<16xf32>,
        tpu.vector_store %arg15[%swap3A_485, %swap3A_486], %get3A_482 {strides = array<i32>} : memref<104x65xf32, #tpu.memory_space<vmem>>, vector<16xf32>,
        %add3A_488 = arith.constant 1 : i32
        %add3A_489 = arith.addi %mul3A_437, %add3A_488 : i32
        %get3A_490 = arith.index_cast %add3A_489 : i32 to index
        %get3A_491 = arith.constant 0 : index
        %get3A_492 = tpu.vector_load %arg13[%get3A_490, %get3A_491] {strides = array<i32>} : memref<104x128xf32, #tpu.memory_space<vmem>>, vector<16xf32>,
        %add3A_493 = arith.constant 1 : i32
        %add3A_494 = arith.addi %mul3A_437, %add3A_493 : i32
        %swap3A_495 = arith.index_cast %add3A_494 : i32 to index
        %swap3A_496 = arith.constant 0 : index
        %swap3A_497 = tpu.vector_load %arg15[%swap3A_495, %swap3A_496] {strides = array<i32>} : memref<104x65xf32, #tpu.memory_space<vmem>>, vector<16xf32>,
        tpu.vector_store %arg15[%swap3A_495, %swap3A_496], %get3A_492 {strides = array<i32>} : memref<104x65xf32, #tpu.memory_space<vmem>>, vector<16xf32>,
        %add3A_498 = arith.constant 1 : i32
        %add3A_499 = arith.addi %mul3A_437, %add3A_498 : i32
        %get3A_500 = arith.index_cast %add3A_499 : i32 to index
        %get3A_501 = arith.constant 16 : index
        %get3A_502 = tpu.vector_load %arg13[%get3A_500, %get3A_501] {strides = array<i32>} : memref<104x128xf32, #tpu.memory_space<vmem>>, vector<16xf32>,
        %add3A_503 = arith.constant 1 : i32
        %add3A_504 = arith.addi %mul3A_437, %add3A_503 : i32
        %swap3A_505 = arith.index_cast %add3A_504 : i32 to index
        %swap3A_506 = arith.constant 16 : index
        %swap3A_507 = tpu.vector_load %arg15[%swap3A_505, %swap3A_506] {strides = array<i32>} : memref<104x65xf32, #tpu.memory_space<vmem>>, vector<16xf32>,
        tpu.vector_store %arg15[%swap3A_505, %swap3A_506], %get3A_502 {strides = array<i32>} : memref<104x65xf32, #tpu.memory_space<vmem>>, vector<16xf32>,
        %add3A_508 = arith.constant 1 : i32
        %add3A_509 = arith.addi %mul3A_437, %add3A_508 : i32
        %get3A_510 = arith.index_cast %add3A_509 : i32 to index
        %get3A_511 = arith.constant 32 : index
        %get3A_512 = tpu.vector_load %arg13[%get3A_510, %get3A_511] {strides = array<i32>} : memref<104x128xf32, #tpu.memory_space<vmem>>, vector<16xf32>,
        %add3A_513 = arith.constant 1 : i32
        %add3A_514 = arith.addi %mul3A_437, %add3A_513 : i32
        %swap3A_515 = arith.index_cast %add3A_514 : i32 to index
        %swap3A_516 = arith.constant 32 : index
        %swap3A_517 = tpu.vector_load %arg15[%swap3A_515, %swap3A_516] {strides = array<i32>} : memref<104x65xf32, #tpu.memory_space<vmem>>, vector<16xf32>,
        tpu.vector_store %arg15[%swap3A_515, %swap3A_516], %get3A_512 {strides = array<i32>} : memref<104x65xf32, #tpu.memory_space<vmem>>, vector<16xf32>,
        %add3A_518 = arith.constant 1 : i32
        %add3A_519 = arith.addi %mul3A_437, %add3A_518 : i32
        %get3A_520 = arith.index_cast %add3A_519 : i32 to index
        %get3A_521 = arith.constant 48 : index
        %get3A_522 = tpu.vector_load %arg13[%get3A_520, %get3A_521] {strides = array<i32>} : memref<104x128xf32, #tpu.memory_space<vmem>>, vector<16xf32>,
        %add3A_523 = arith.constant 1 : i32
        %add3A_524 = arith.addi %mul3A_437, %add3A_523 : i32
        %swap3A_525 = arith.index_cast %add3A_524 : i32 to index
        %swap3A_526 = arith.constant 48 : index
        %swap3A_527 = tpu.vector_load %arg15[%swap3A_525, %swap3A_526] {strides = array<i32>} : memref<104x65xf32, #tpu.memory_space<vmem>>, vector<16xf32>,
        tpu.vector_store %arg15[%swap3A_525, %swap3A_526], %get3A_522 {strides = array<i32>} : memref<104x65xf32, #tpu.memory_space<vmem>>, vector<16xf32>,
        %add3A_528 = arith.constant 1 : i32
        %add3A_529 = arith.addi %mul3A_437, %add3A_528 : i32
        %get3A_530 = arith.index_cast %add3A_529 : i32 to index
        %get3A_531 = arith.constant 49 : index
        %get3A_532 = tpu.vector_load %arg13[%get3A_530, %get3A_531] {strides = array<i32>} : memref<104x128xf32, #tpu.memory_space<vmem>>, vector<16xf32>,
        %add3A_533 = arith.constant 1 : i32
        %add3A_534 = arith.addi %mul3A_437, %add3A_533 : i32
        %swap3A_535 = arith.index_cast %add3A_534 : i32 to index
        %swap3A_536 = arith.constant 49 : index
        %swap3A_537 = tpu.vector_load %arg15[%swap3A_535, %swap3A_536] {strides = array<i32>} : memref<104x65xf32, #tpu.memory_space<vmem>>, vector<16xf32>,
        tpu.vector_store %arg15[%swap3A_535, %swap3A_536], %get3A_532 {strides = array<i32>} : memref<104x65xf32, #tpu.memory_space<vmem>>, vector<16xf32>,
        %add3A_538 = arith.constant 2 : i32
        %add3A_539 = arith.addi %mul3A_437, %add3A_538 : i32
        %get3A_540 = arith.index_cast %add3A_539 : i32 to index
        %get3A_541 = arith.constant 0 : index
        %get3A_542 = tpu.vector_load %arg13[%get3A_540, %get3A_541] {strides = array<i32>} : memref<104x128xf32, #tpu.memory_space<vmem>>, vector<16xf32>,
        %add3A_543 = arith.constant 2 : i32
        %add3A_544 = arith.addi %mul3A_437, %add3A_543 : i32
        %swap3A_545 = arith.index_cast %add3A_544 : i32 to index
        %swap3A_546 = arith.constant 0 : index
        %swap3A_547 = tpu.vector_load %arg15[%swap3A_545, %swap3A_546] {strides = array<i32>} : memref<104x65xf32, #tpu.memory_space<vmem>>, vector<16xf32>,
        tpu.vector_store %arg15[%swap3A_545, %swap3A_546], %get3A_542 {strides = array<i32>} : memref<104x65xf32, #tpu.memory_space<vmem>>, vector<16xf32>,
        %add3A_548 = arith.constant 2 : i32
        %add3A_549 = arith.addi %mul3A_437, %add3A_548 : i32
        %get3A_550 = arith.index_cast %add3A_549 : i32 to index
        %get3A_551 = arith.constant 16 : index
        %get3A_552 = tpu.vector_load %arg13[%get3A_550, %get3A_551] {strides = array<i32>} : memref<104x128xf32, #tpu.memory_space<vmem>>, vector<16xf32>,
        %add3A_553 = arith.constant 2 : i32
        %add3A_554 = arith.addi %mul3A_437, %add3A_553 : i32
        %swap3A_555 = arith.index_cast %add3A_554 : i32 to index
        %swap3A_556 = arith.constant 16 : index
        %swap3A_557 = tpu.vector_load %arg15[%swap3A_555, %swap3A_556] {strides = array<i32>} : memref<104x65xf32, #tpu.memory_space<vmem>>, vector<16xf32>,
        tpu.vector_store %arg15[%swap3A_555, %swap3A_556], %get3A_552 {strides = array<i32>} : memref<104x65xf32, #tpu.memory_space<vmem>>, vector<16xf32>,
        %add3A_558 = arith.constant 2 : i32
        %add3A_559 = arith.addi %mul3A_437, %add3A_558 : i32
        %get3A_560 = arith.index_cast %add3A_559 : i32 to index
        %get3A_561 = arith.constant 32 : index
        %get3A_562 = tpu.vector_load %arg13[%get3A_560, %get3A_561] {strides = array<i32>} : memref<104x128xf32, #tpu.memory_space<vmem>>, vector<16xf32>,
        %add3A_563 = arith.constant 2 : i32
        %add3A_564 = arith.addi %mul3A_437, %add3A_563 : i32
        %swap3A_565 = arith.index_cast %add3A_564 : i32 to index
        %swap3A_566 = arith.constant 32 : index
        %swap3A_567 = tpu.vector_load %arg15[%swap3A_565, %swap3A_566] {strides = array<i32>} : memref<104x65xf32, #tpu.memory_space<vmem>>, vector<16xf32>,
        tpu.vector_store %arg15[%swap3A_565, %swap3A_566], %get3A_562 {strides = array<i32>} : memref<104x65xf32, #tpu.memory_space<vmem>>, vector<16xf32>,
        %add3A_568 = arith.constant 2 : i32
        %add3A_569 = arith.addi %mul3A_437, %add3A_568 : i32
        %get3A_570 = arith.index_cast %add3A_569 : i32 to index
        %get3A_571 = arith.constant 48 : index
        %get3A_572 = tpu.vector_load %arg13[%get3A_570, %get3A_571] {strides = array<i32>} : memref<104x128xf32, #tpu.memory_space<vmem>>, vector<16xf32>,
        %add3A_573 = arith.constant 2 : i32
        %add3A_574 = arith.addi %mul3A_437, %add3A_573 : i32
        %swap3A_575 = arith.index_cast %add3A_574 : i32 to index
        %swap3A_576 = arith.constant 48 : index
        %swap3A_577 = tpu.vector_load %arg15[%swap3A_575, %swap3A_576] {strides = array<i32>} : memref<104x65xf32, #tpu.memory_space<vmem>>, vector<16xf32>,
        tpu.vector_store %arg15[%swap3A_575, %swap3A_576], %get3A_572 {strides = array<i32>} : memref<104x65xf32, #tpu.memory_space<vmem>>, vector<16xf32>,
        %add3A_578 = arith.constant 2 : i32
        %add3A_579 = arith.addi %mul3A_437, %add3A_578 : i32
        %get3A_580 = arith.index_cast %add3A_579 : i32 to index
        %get3A_581 = arith.constant 49 : index
        %get3A_582 = tpu.vector_load %arg13[%get3A_580, %get3A_581] {strides = array<i32>} : memref<104x128xf32, #tpu.memory_space<vmem>>, vector<16xf32>,
        %add3A_583 = arith.constant 2 : i32
        %add3A_584 = arith.addi %mul3A_437, %add3A_583 : i32
        %swap3A_585 = arith.index_cast %add3A_584 : i32 to index
        %swap3A_586 = arith.constant 49 : index
        %swap3A_587 = tpu.vector_load %arg15[%swap3A_585, %swap3A_586] {strides = array<i32>} : memref<104x65xf32, #tpu.memory_space<vmem>>, vector<16xf32>,
        tpu.vector_store %arg15[%swap3A_585, %swap3A_586], %get3A_582 {strides = array<i32>} : memref<104x65xf32, #tpu.memory_space<vmem>>, vector<16xf32>,
        %add3A_588 = arith.constant 3 : i32
        %add3A_589 = arith.addi %mul3A_437, %add3A_588 : i32
        %get3A_590 = arith.index_cast %add3A_589 : i32 to index
        %get3A_591 = arith.constant 0 : index
        %get3A_592 = tpu.vector_load %arg13[%get3A_590, %get3A_591] {strides = array<i32>} : memref<104x128xf32, #tpu.memory_space<vmem>>, vector<16xf32>,
        %add3A_593 = arith.constant 3 : i32
        %add3A_594 = arith.addi %mul3A_437, %add3A_593 : i32
        %swap3A_595 = arith.index_cast %add3A_594 : i32 to index
        %swap3A_596 = arith.constant 0 : index
        %swap3A_597 = tpu.vector_load %arg15[%swap3A_595, %swap3A_596] {strides = array<i32>} : memref<104x65xf32, #tpu.memory_space<vmem>>, vector<16xf32>,
        tpu.vector_store %arg15[%swap3A_595, %swap3A_596], %get3A_592 {strides = array<i32>} : memref<104x65xf32, #tpu.memory_space<vmem>>, vector<16xf32>,
        %add3A_598 = arith.constant 3 : i32
        %add3A_599 = arith.addi %mul3A_437, %add3A_598 : i32
        %get3A_600 = arith.index_cast %add3A_599 : i32 to index
        %get3A_601 = arith.constant 16 : index
        %get3A_602 = tpu.vector_load %arg13[%get3A_600, %get3A_601] {strides = array<i32>} : memref<104x128xf32, #tpu.memory_space<vmem>>, vector<16xf32>,
        %add3A_603 = arith.constant 3 : i32
        %add3A_604 = arith.addi %mul3A_437, %add3A_603 : i32
        %swap3A_605 = arith.index_cast %add3A_604 : i32 to index
        %swap3A_606 = arith.constant 16 : index
        %swap3A_607 = tpu.vector_load %arg15[%swap3A_605, %swap3A_606] {strides = array<i32>} : memref<104x65xf32, #tpu.memory_space<vmem>>, vector<16xf32>,
        tpu.vector_store %arg15[%swap3A_605, %swap3A_606], %get3A_602 {strides = array<i32>} : memref<104x65xf32, #tpu.memory_space<vmem>>, vector<16xf32>,
        %add3A_608 = arith.constant 3 : i32
        %add3A_609 = arith.addi %mul3A_437, %add3A_608 : i32
        %get3A_610 = arith.index_cast %add3A_609 : i32 to index
        %get3A_611 = arith.constant 32 : index
        %get3A_612 = tpu.vector_load %arg13[%get3A_610, %get3A_611] {strides = array<i32>} : memref<104x128xf32, #tpu.memory_space<vmem>>, vector<16xf32>,
        %add3A_613 = arith.constant 3 : i32
        %add3A_614 = arith.addi %mul3A_437, %add3A_613 : i32
        %swap3A_615 = arith.index_cast %add3A_614 : i32 to index
        %swap3A_616 = arith.constant 32 : index
        %swap3A_617 = tpu.vector_load %arg15[%swap3A_615, %swap3A_616] {strides = array<i32>} : memref<104x65xf32, #tpu.memory_space<vmem>>, vector<16xf32>,
        tpu.vector_store %arg15[%swap3A_615, %swap3A_616], %get3A_612 {strides = array<i32>} : memref<104x65xf32, #tpu.memory_space<vmem>>, vector<16xf32>,
        %add3A_618 = arith.constant 3 : i32
        %add3A_619 = arith.addi %mul3A_437, %add3A_618 : i32
        %get3A_620 = arith.index_cast %add3A_619 : i32 to index
        %get3A_621 = arith.constant 48 : index
        %get3A_622 = tpu.vector_load %arg13[%get3A_620, %get3A_621] {strides = array<i32>} : memref<104x128xf32, #tpu.memory_space<vmem>>, vector<16xf32>,
        %add3A_623 = arith.constant 3 : i32
        %add3A_624 = arith.addi %mul3A_437, %add3A_623 : i32
        %swap3A_625 = arith.index_cast %add3A_624 : i32 to index
        %swap3A_626 = arith.constant 48 : index
        %swap3A_627 = tpu.vector_load %arg15[%swap3A_625, %swap3A_626] {strides = array<i32>} : memref<104x65xf32, #tpu.memory_space<vmem>>, vector<16xf32>,
        tpu.vector_store %arg15[%swap3A_625, %swap3A_626], %get3A_622 {strides = array<i32>} : memref<104x65xf32, #tpu.memory_space<vmem>>, vector<16xf32>,
        %add3A_628 = arith.constant 3 : i32
        %add3A_629 = arith.addi %mul3A_437, %add3A_628 : i32
        %get3A_630 = arith.index_cast %add3A_629 : i32 to index
        %get3A_631 = arith.constant 49 : index
        %get3A_632 = tpu.vector_load %arg13[%get3A_630, %get3A_631] {strides = array<i32>} : memref<104x128xf32, #tpu.memory_space<vmem>>, vector<16xf32>,
        %add3A_633 = arith.constant 3 : i32
        %add3A_634 = arith.addi %mul3A_437, %add3A_633 : i32
        %swap3A_635 = arith.index_cast %add3A_634 : i32 to index
        %swap3A_636 = arith.constant 49 : index
        %swap3A_637 = tpu.vector_load %arg15[%swap3A_635, %swap3A_636] {strides = array<i32>} : memref<104x65xf32, #tpu.memory_space<vmem>>, vector<16xf32>,
        tpu.vector_store %arg15[%swap3A_635, %swap3A_636], %get3A_632 {strides = array<i32>} : memref<104x65xf32, #tpu.memory_space<vmem>>, vector<16xf32>,
        %add3A_638 = arith.constant 4 : i32
        %add3A_639 = arith.addi %mul3A_437, %add3A_638 : i32
        %get3A_640 = arith.index_cast %add3A_639 : i32 to index
        %get3A_641 = arith.constant 0 : index
        %get3A_642 = tpu.vector_load %arg13[%get3A_640, %get3A_641] {strides = array<i32>} : memref<104x128xf32, #tpu.memory_space<vmem>>, vector<16xf32>,
        %add3A_643 = arith.constant 4 : i32
        %add3A_644 = arith.addi %mul3A_437, %add3A_643 : i32
        %swap3A_645 = arith.index_cast %add3A_644 : i32 to index
        %swap3A_646 = arith.constant 0 : index
        %swap3A_647 = tpu.vector_load %arg15[%swap3A_645, %swap3A_646] {strides = array<i32>} : memref<104x65xf32, #tpu.memory_space<vmem>>, vector<16xf32>,
        tpu.vector_store %arg15[%swap3A_645, %swap3A_646], %get3A_642 {strides = array<i32>} : memref<104x65xf32, #tpu.memory_space<vmem>>, vector<16xf32>,
        %add3A_648 = arith.constant 4 : i32
        %add3A_649 = arith.addi %mul3A_437, %add3A_648 : i32
        %get3A_650 = arith.index_cast %add3A_649 : i32 to index
        %get3A_651 = arith.constant 16 : index
        %get3A_652 = tpu.vector_load %arg13[%get3A_650, %get3A_651] {strides = array<i32>} : memref<104x128xf32, #tpu.memory_space<vmem>>, vector<16xf32>,
        %add3A_653 = arith.constant 4 : i32
        %add3A_654 = arith.addi %mul3A_437, %add3A_653 : i32
        %swap3A_655 = arith.index_cast %add3A_654 : i32 to index
        %swap3A_656 = arith.constant 16 : index
        %swap3A_657 = tpu.vector_load %arg15[%swap3A_655, %swap3A_656] {strides = array<i32>} : memref<104x65xf32, #tpu.memory_space<vmem>>, vector<16xf32>,
        tpu.vector_store %arg15[%swap3A_655, %swap3A_656], %get3A_652 {strides = array<i32>} : memref<104x65xf32, #tpu.memory_space<vmem>>, vector<16xf32>,
        %add3A_658 = arith.constant 4 : i32
        %add3A_659 = arith.addi %mul3A_437, %add3A_658 : i32
        %get3A_660 = arith.index_cast %add3A_659 : i32 to index
        %get3A_661 = arith.constant 32 : index
        %get3A_662 = tpu.vector_load %arg13[%get3A_660, %get3A_661] {strides = array<i32>} : memref<104x128xf32, #tpu.memory_space<vmem>>, vector<16xf32>,
        %add3A_663 = arith.constant 4 : i32
        %add3A_664 = arith.addi %mul3A_437, %add3A_663 : i32
        %swap3A_665 = arith.index_cast %add3A_664 : i32 to index
        %swap3A_666 = arith.constant 32 : index
        %swap3A_667 = tpu.vector_load %arg15[%swap3A_665, %swap3A_666] {strides = array<i32>} : memref<104x65xf32, #tpu.memory_space<vmem>>, vector<16xf32>,
        tpu.vector_store %arg15[%swap3A_665, %swap3A_666], %get3A_662 {strides = array<i32>} : memref<104x65xf32, #tpu.memory_space<vmem>>, vector<16xf32>,
        %add3A_668 = arith.constant 4 : i32
        %add3A_669 = arith.addi %mul3A_437, %add3A_668 : i32
        %get3A_670 = arith.index_cast %add3A_669 : i32 to index
        %get3A_671 = arith.constant 48 : index
        %get3A_672 = tpu.vector_load %arg13[%get3A_670, %get3A_671] {strides = array<i32>} : memref<104x128xf32, #tpu.memory_space<vmem>>, vector<16xf32>,
        %add3A_673 = arith.constant 4 : i32
        %add3A_674 = arith.addi %mul3A_437, %add3A_673 : i32
        %swap3A_675 = arith.index_cast %add3A_674 : i32 to index
        %swap3A_676 = arith.constant 48 : index
        %swap3A_677 = tpu.vector_load %arg15[%swap3A_675, %swap3A_676] {strides = array<i32>} : memref<104x65xf32, #tpu.memory_space<vmem>>, vector<16xf32>,
        tpu.vector_store %arg15[%swap3A_675, %swap3A_676], %get3A_672 {strides = array<i32>} : memref<104x65xf32, #tpu.memory_space<vmem>>, vector<16xf32>,
        %add3A_678 = arith.constant 4 : i32
        %add3A_679 = arith.addi %mul3A_437, %add3A_678 : i32
        %get3A_680 = arith.index_cast %add3A_679 : i32 to index
        %get3A_681 = arith.constant 49 : index
        %get3A_682 = tpu.vector_load %arg13[%get3A_680, %get3A_681] {strides = array<i32>} : memref<104x128xf32, #tpu.memory_space<vmem>>, vector<16xf32>,
        %add3A_683 = arith.constant 4 : i32
        %add3A_684 = arith.addi %mul3A_437, %add3A_683 : i32
        %swap3A_685 = arith.index_cast %add3A_684 : i32 to index
        %swap3A_686 = arith.constant 49 : index
        %swap3A_687 = tpu.vector_load %arg15[%swap3A_685, %swap3A_686] {strides = array<i32>} : memref<104x65xf32, #tpu.memory_space<vmem>>, vector<16xf32>,
        tpu.vector_store %arg15[%swap3A_685, %swap3A_686], %get3A_682 {strides = array<i32>} : memref<104x65xf32, #tpu.memory_space<vmem>>, vector<16xf32>,
        %add3A_688 = arith.constant 5 : i32
        %add3A_689 = arith.addi %mul3A_437, %add3A_688 : i32
        %get3A_690 = arith.index_cast %add3A_689 : i32 to index
        %get3A_691 = arith.constant 0 : index
        %get3A_692 = tpu.vector_load %arg13[%get3A_690, %get3A_691] {strides = array<i32>} : memref<104x128xf32, #tpu.memory_space<vmem>>, vector<16xf32>,
        %add3A_693 = arith.constant 5 : i32
        %add3A_694 = arith.addi %mul3A_437, %add3A_693 : i32
        %swap3A_695 = arith.index_cast %add3A_694 : i32 to index
        %swap3A_696 = arith.constant 0 : index
        %swap3A_697 = tpu.vector_load %arg15[%swap3A_695, %swap3A_696] {strides = array<i32>} : memref<104x65xf32, #tpu.memory_space<vmem>>, vector<16xf32>,
        tpu.vector_store %arg15[%swap3A_695, %swap3A_696], %get3A_692 {strides = array<i32>} : memref<104x65xf32, #tpu.memory_space<vmem>>, vector<16xf32>,
        %add3A_698 = arith.constant 5 : i32
        %add3A_699 = arith.addi %mul3A_437, %add3A_698 : i32
        %get3A_700 = arith.index_cast %add3A_699 : i32 to index
        %get3A_701 = arith.constant 16 : index
        %get3A_702 = tpu.vector_load %arg13[%get3A_700, %get3A_701] {strides = array<i32>} : memref<104x128xf32, #tpu.memory_space<vmem>>, vector<16xf32>,
        %add3A_703 = arith.constant 5 : i32
        %add3A_704 = arith.addi %mul3A_437, %add3A_703 : i32
        %swap3A_705 = arith.index_cast %add3A_704 : i32 to index
        %swap3A_706 = arith.constant 16 : index
        %swap3A_707 = tpu.vector_load %arg15[%swap3A_705, %swap3A_706] {strides = array<i32>} : memref<104x65xf32, #tpu.memory_space<vmem>>, vector<16xf32>,
        tpu.vector_store %arg15[%swap3A_705, %swap3A_706], %get3A_702 {strides = array<i32>} : memref<104x65xf32, #tpu.memory_space<vmem>>, vector<16xf32>,
        %add3A_708 = arith.constant 5 : i32
        %add3A_709 = arith.addi %mul3A_437, %add3A_708 : i32
        %get3A_710 = arith.index_cast %add3A_709 : i32 to index
        %get3A_711 = arith.constant 32 : index
        %get3A_712 = tpu.vector_load %arg13[%get3A_710, %get3A_711] {strides = array<i32>} : memref<104x128xf32, #tpu.memory_space<vmem>>, vector<16xf32>,
        %add3A_713 = arith.constant 5 : i32
        %add3A_714 = arith.addi %mul3A_437, %add3A_713 : i32
        %swap3A_715 = arith.index_cast %add3A_714 : i32 to index
        %swap3A_716 = arith.constant 32 : index
        %swap3A_717 = tpu.vector_load %arg15[%swap3A_715, %swap3A_716] {strides = array<i32>} : memref<104x65xf32, #tpu.memory_space<vmem>>, vector<16xf32>,
        tpu.vector_store %arg15[%swap3A_715, %swap3A_716], %get3A_712 {strides = array<i32>} : memref<104x65xf32, #tpu.memory_space<vmem>>, vector<16xf32>,
        %add3A_718 = arith.constant 5 : i32
        %add3A_719 = arith.addi %mul3A_437, %add3A_718 : i32
        %get3A_720 = arith.index_cast %add3A_719 : i32 to index
        %get3A_721 = arith.constant 48 : index
        %get3A_722 = tpu.vector_load %arg13[%get3A_720, %get3A_721] {strides = array<i32>} : memref<104x128xf32, #tpu.memory_space<vmem>>, vector<16xf32>,
        %add3A_723 = arith.constant 5 : i32
        %add3A_724 = arith.addi %mul3A_437, %add3A_723 : i32
        %swap3A_725 = arith.index_cast %add3A_724 : i32 to index
        %swap3A_726 = arith.constant 48 : index
        %swap3A_727 = tpu.vector_load %arg15[%swap3A_725, %swap3A_726] {strides = array<i32>} : memref<104x65xf32, #tpu.memory_space<vmem>>, vector<16xf32>,
        tpu.vector_store %arg15[%swap3A_725, %swap3A_726], %get3A_722 {strides = array<i32>} : memref<104x65xf32, #tpu.memory_space<vmem>>, vector<16xf32>,
        %add3A_728 = arith.constant 5 : i32
        %add3A_729 = arith.addi %mul3A_437, %add3A_728 : i32
        %get3A_730 = arith.index_cast %add3A_729 : i32 to index
        %get3A_731 = arith.constant 49 : index
        %get3A_732 = tpu.vector_load %arg13[%get3A_730, %get3A_731] {strides = array<i32>} : memref<104x128xf32, #tpu.memory_space<vmem>>, vector<16xf32>,
        %add3A_733 = arith.constant 5 : i32
        %add3A_734 = arith.addi %mul3A_437, %add3A_733 : i32
        %swap3A_735 = arith.index_cast %add3A_734 : i32 to index
        %swap3A_736 = arith.constant 49 : index
        %swap3A_737 = tpu.vector_load %arg15[%swap3A_735, %swap3A_736] {strides = array<i32>} : memref<104x65xf32, #tpu.memory_space<vmem>>, vector<16xf32>,
        tpu.vector_store %arg15[%swap3A_735, %swap3A_736], %get3A_732 {strides = array<i32>} : memref<104x65xf32, #tpu.memory_space<vmem>>, vector<16xf32>,
        %add3A_738 = arith.constant 6 : i32
        %add3A_739 = arith.addi %mul3A_437, %add3A_738 : i32
        %get3A_740 = arith.index_cast %add3A_739 : i32 to index
        %get3A_741 = arith.constant 0 : index
        %get3A_742 = tpu.vector_load %arg13[%get3A_740, %get3A_741] {strides = array<i32>} : memref<104x128xf32, #tpu.memory_space<vmem>>, vector<16xf32>,
        %add3A_743 = arith.constant 6 : i32
        %add3A_744 = arith.addi %mul3A_437, %add3A_743 : i32
        %swap3A_745 = arith.index_cast %add3A_744 : i32 to index
        %swap3A_746 = arith.constant 0 : index
        %swap3A_747 = tpu.vector_load %arg15[%swap3A_745, %swap3A_746] {strides = array<i32>} : memref<104x65xf32, #tpu.memory_space<vmem>>, vector<16xf32>,
        tpu.vector_store %arg15[%swap3A_745, %swap3A_746], %get3A_742 {strides = array<i32>} : memref<104x65xf32, #tpu.memory_space<vmem>>, vector<16xf32>,
        %add3A_748 = arith.constant 6 : i32
        %add3A_749 = arith.addi %mul3A_437, %add3A_748 : i32
        %get3A_750 = arith.index_cast %add3A_749 : i32 to index
        %get3A_751 = arith.constant 16 : index
        %get3A_752 = tpu.vector_load %arg13[%get3A_750, %get3A_751] {strides = array<i32>} : memref<104x128xf32, #tpu.memory_space<vmem>>, vector<16xf32>,
        %add3A_753 = arith.constant 6 : i32
        %add3A_754 = arith.addi %mul3A_437, %add3A_753 : i32
        %swap3A_755 = arith.index_cast %add3A_754 : i32 to index
        %swap3A_756 = arith.constant 16 : index
        %swap3A_757 = tpu.vector_load %arg15[%swap3A_755, %swap3A_756] {strides = array<i32>} : memref<104x65xf32, #tpu.memory_space<vmem>>, vector<16xf32>,
        tpu.vector_store %arg15[%swap3A_755, %swap3A_756], %get3A_752 {strides = array<i32>} : memref<104x65xf32, #tpu.memory_space<vmem>>, vector<16xf32>,
        %add3A_758 = arith.constant 6 : i32
        %add3A_759 = arith.addi %mul3A_437, %add3A_758 : i32
        %get3A_760 = arith.index_cast %add3A_759 : i32 to index
        %get3A_761 = arith.constant 32 : index
        %get3A_762 = tpu.vector_load %arg13[%get3A_760, %get3A_761] {strides = array<i32>} : memref<104x128xf32, #tpu.memory_space<vmem>>, vector<16xf32>,
        %add3A_763 = arith.constant 6 : i32
        %add3A_764 = arith.addi %mul3A_437, %add3A_763 : i32
        %swap3A_765 = arith.index_cast %add3A_764 : i32 to index
        %swap3A_766 = arith.constant 32 : index
        %swap3A_767 = tpu.vector_load %arg15[%swap3A_765, %swap3A_766] {strides = array<i32>} : memref<104x65xf32, #tpu.memory_space<vmem>>, vector<16xf32>,
        tpu.vector_store %arg15[%swap3A_765, %swap3A_766], %get3A_762 {strides = array<i32>} : memref<104x65xf32, #tpu.memory_space<vmem>>, vector<16xf32>,
        %add3A_768 = arith.constant 6 : i32
        %add3A_769 = arith.addi %mul3A_437, %add3A_768 : i32
        %get3A_770 = arith.index_cast %add3A_769 : i32 to index
        %get3A_771 = arith.constant 48 : index
        %get3A_772 = tpu.vector_load %arg13[%get3A_770, %get3A_771] {strides = array<i32>} : memref<104x128xf32, #tpu.memory_space<vmem>>, vector<16xf32>,
        %add3A_773 = arith.constant 6 : i32
        %add3A_774 = arith.addi %mul3A_437, %add3A_773 : i32
        %swap3A_775 = arith.index_cast %add3A_774 : i32 to index
        %swap3A_776 = arith.constant 48 : index
        %swap3A_777 = tpu.vector_load %arg15[%swap3A_775, %swap3A_776] {strides = array<i32>} : memref<104x65xf32, #tpu.memory_space<vmem>>, vector<16xf32>,
        tpu.vector_store %arg15[%swap3A_775, %swap3A_776], %get3A_772 {strides = array<i32>} : memref<104x65xf32, #tpu.memory_space<vmem>>, vector<16xf32>,
        %add3A_778 = arith.constant 6 : i32
        %add3A_779 = arith.addi %mul3A_437, %add3A_778 : i32
        %get3A_780 = arith.index_cast %add3A_779 : i32 to index
        %get3A_781 = arith.constant 49 : index
        %get3A_782 = tpu.vector_load %arg13[%get3A_780, %get3A_781] {strides = array<i32>} : memref<104x128xf32, #tpu.memory_space<vmem>>, vector<16xf32>,
        %add3A_783 = arith.constant 6 : i32
        %add3A_784 = arith.addi %mul3A_437, %add3A_783 : i32
        %swap3A_785 = arith.index_cast %add3A_784 : i32 to index
        %swap3A_786 = arith.constant 49 : index
        %swap3A_787 = tpu.vector_load %arg15[%swap3A_785, %swap3A_786] {strides = array<i32>} : memref<104x65xf32, #tpu.memory_space<vmem>>, vector<16xf32>,
        tpu.vector_store %arg15[%swap3A_785, %swap3A_786], %get3A_782 {strides = array<i32>} : memref<104x65xf32, #tpu.memory_space<vmem>>, vector<16xf32>,
        %add3A_788 = arith.constant 7 : i32
        %add3A_789 = arith.addi %mul3A_437, %add3A_788 : i32
        %get3A_790 = arith.index_cast %add3A_789 : i32 to index
        %get3A_791 = arith.constant 0 : index
        %get3A_792 = tpu.vector_load %arg13[%get3A_790, %get3A_791] {strides = array<i32>} : memref<104x128xf32, #tpu.memory_space<vmem>>, vector<16xf32>,
        %add3A_793 = arith.constant 7 : i32
        %add3A_794 = arith.addi %mul3A_437, %add3A_793 : i32
        %swap3A_795 = arith.index_cast %add3A_794 : i32 to index
        %swap3A_796 = arith.constant 0 : index
        %swap3A_797 = tpu.vector_load %arg15[%swap3A_795, %swap3A_796] {strides = array<i32>} : memref<104x65xf32, #tpu.memory_space<vmem>>, vector<16xf32>,
        tpu.vector_store %arg15[%swap3A_795, %swap3A_796], %get3A_792 {strides = array<i32>} : memref<104x65xf32, #tpu.memory_space<vmem>>, vector<16xf32>,
        %add3A_798 = arith.constant 7 : i32
        %add3A_799 = arith.addi %mul3A_437, %add3A_798 : i32
        %get3A_800 = arith.index_cast %add3A_799 : i32 to index
        %get3A_801 = arith.constant 16 : index
        %get3A_802 = tpu.vector_load %arg13[%get3A_800, %get3A_801] {strides = array<i32>} : memref<104x128xf32, #tpu.memory_space<vmem>>, vector<16xf32>,
        %add3A_803 = arith.constant 7 : i32
        %add3A_804 = arith.addi %mul3A_437, %add3A_803 : i32
        %swap3A_805 = arith.index_cast %add3A_804 : i32 to index
        %swap3A_806 = arith.constant 16 : index
        %swap3A_807 = tpu.vector_load %arg15[%swap3A_805, %swap3A_806] {strides = array<i32>} : memref<104x65xf32, #tpu.memory_space<vmem>>, vector<16xf32>,
        tpu.vector_store %arg15[%swap3A_805, %swap3A_806], %get3A_802 {strides = array<i32>} : memref<104x65xf32, #tpu.memory_space<vmem>>, vector<16xf32>,
        %add3A_808 = arith.constant 7 : i32
        %add3A_809 = arith.addi %mul3A_437, %add3A_808 : i32
        %get3A_810 = arith.index_cast %add3A_809 : i32 to index
        %get3A_811 = arith.constant 32 : index
        %get3A_812 = tpu.vector_load %arg13[%get3A_810, %get3A_811] {strides = array<i32>} : memref<104x128xf32, #tpu.memory_space<vmem>>, vector<16xf32>,
        %add3A_813 = arith.constant 7 : i32
        %add3A_814 = arith.addi %mul3A_437, %add3A_813 : i32
        %swap3A_815 = arith.index_cast %add3A_814 : i32 to index
        %swap3A_816 = arith.constant 32 : index
        %swap3A_817 = tpu.vector_load %arg15[%swap3A_815, %swap3A_816] {strides = array<i32>} : memref<104x65xf32, #tpu.memory_space<vmem>>, vector<16xf32>,
        tpu.vector_store %arg15[%swap3A_815, %swap3A_816], %get3A_812 {strides = array<i32>} : memref<104x65xf32, #tpu.memory_space<vmem>>, vector<16xf32>,
        %add3A_818 = arith.constant 7 : i32
        %add3A_819 = arith.addi %mul3A_437, %add3A_818 : i32
        %get3A_820 = arith.index_cast %add3A_819 : i32 to index
        %get3A_821 = arith.constant 48 : index
        %get3A_822 = tpu.vector_load %arg13[%get3A_820, %get3A_821] {strides = array<i32>} : memref<104x128xf32, #tpu.memory_space<vmem>>, vector<16xf32>,
        %add3A_823 = arith.constant 7 : i32
        %add3A_824 = arith.addi %mul3A_437, %add3A_823 : i32
        %swap3A_825 = arith.index_cast %add3A_824 : i32 to index
        %swap3A_826 = arith.constant 48 : index
        %swap3A_827 = tpu.vector_load %arg15[%swap3A_825, %swap3A_826] {strides = array<i32>} : memref<104x65xf32, #tpu.memory_space<vmem>>, vector<16xf32>,
        tpu.vector_store %arg15[%swap3A_825, %swap3A_826], %get3A_822 {strides = array<i32>} : memref<104x65xf32, #tpu.memory_space<vmem>>, vector<16xf32>,
        %add3A_828 = arith.constant 7 : i32
        %add3A_829 = arith.addi %mul3A_437, %add3A_828 : i32
        %get3A_830 = arith.index_cast %add3A_829 : i32 to index
        %get3A_831 = arith.constant 49 : index
        %get3A_832 = tpu.vector_load %arg13[%get3A_830, %get3A_831] {strides = array<i32>} : memref<104x128xf32, #tpu.memory_space<vmem>>, vector<16xf32>,
        %add3A_833 = arith.constant 7 : i32
        %add3A_834 = arith.addi %mul3A_437, %add3A_833 : i32
        %swap3A_835 = arith.index_cast %add3A_834 : i32 to index
        %swap3A_836 = arith.constant 49 : index
        %swap3A_837 = tpu.vector_load %arg15[%swap3A_835, %swap3A_836] {strides = array<i32>} : memref<104x65xf32, #tpu.memory_space<vmem>>, vector<16xf32>,
        tpu.vector_store %arg15[%swap3A_835, %swap3A_836], %get3A_832 {strides = array<i32>} : memref<104x65xf32, #tpu.memory_space<vmem>>, vector<16xf32>,
        %add3A_838 = arith.constant 8 : i32
        %add3A_839 = arith.addi %mul3A_437, %add3A_838 : i32
        %get3A_840 = arith.index_cast %add3A_839 : i32 to index
        %get3A_841 = arith.constant 0 : index
        %get3A_842 = tpu.vector_load %arg13[%get3A_840, %get3A_841] {strides = array<i32>} : memref<104x128xf32, #tpu.memory_space<vmem>>, vector<16xf32>,
        %add3A_843 = arith.constant 8 : i32
        %add3A_844 = arith.addi %mul3A_437, %add3A_843 : i32
        %swap3A_845 = arith.index_cast %add3A_844 : i32 to index
        %swap3A_846 = arith.constant 0 : index
        %swap3A_847 = tpu.vector_load %arg15[%swap3A_845, %swap3A_846] {strides = array<i32>} : memref<104x65xf32, #tpu.memory_space<vmem>>, vector<16xf32>,
        tpu.vector_store %arg15[%swap3A_845, %swap3A_846], %get3A_842 {strides = array<i32>} : memref<104x65xf32, #tpu.memory_space<vmem>>, vector<16xf32>,
        %add3A_848 = arith.constant 8 : i32
        %add3A_849 = arith.addi %mul3A_437, %add3A_848 : i32
        %get3A_850 = arith.index_cast %add3A_849 : i32 to index
        %get3A_851 = arith.constant 16 : index
        %get3A_852 = tpu.vector_load %arg13[%get3A_850, %get3A_851] {strides = array<i32>} : memref<104x128xf32, #tpu.memory_space<vmem>>, vector<16xf32>,
        %add3A_853 = arith.constant 8 : i32
        %add3A_854 = arith.addi %mul3A_437, %add3A_853 : i32
        %swap3A_855 = arith.index_cast %add3A_854 : i32 to index
        %swap3A_856 = arith.constant 16 : index
        %swap3A_857 = tpu.vector_load %arg15[%swap3A_855, %swap3A_856] {strides = array<i32>} : memref<104x65xf32, #tpu.memory_space<vmem>>, vector<16xf32>,
        tpu.vector_store %arg15[%swap3A_855, %swap3A_856], %get3A_852 {strides = array<i32>} : memref<104x65xf32, #tpu.memory_space<vmem>>, vector<16xf32>,
        %add3A_858 = arith.constant 8 : i32
        %add3A_859 = arith.addi %mul3A_437, %add3A_858 : i32
        %get3A_860 = arith.index_cast %add3A_859 : i32 to index
        %get3A_861 = arith.constant 32 : index
        %get3A_862 = tpu.vector_load %arg13[%get3A_860, %get3A_861] {strides = array<i32>} : memref<104x128xf32, #tpu.memory_space<vmem>>, vector<16xf32>,
        %add3A_863 = arith.constant 8 : i32
        %add3A_864 = arith.addi %mul3A_437, %add3A_863 : i32
        %swap3A_865 = arith.index_cast %add3A_864 : i32 to index
        %swap3A_866 = arith.constant 32 : index
        %swap3A_867 = tpu.vector_load %arg15[%swap3A_865, %swap3A_866] {strides = array<i32>} : memref<104x65xf32, #tpu.memory_space<vmem>>, vector<16xf32>,
        tpu.vector_store %arg15[%swap3A_865, %swap3A_866], %get3A_862 {strides = array<i32>} : memref<104x65xf32, #tpu.memory_space<vmem>>, vector<16xf32>,
        %add3A_868 = arith.constant 8 : i32
        %add3A_869 = arith.addi %mul3A_437, %add3A_868 : i32
        %get3A_870 = arith.index_cast %add3A_869 : i32 to index
        %get3A_871 = arith.constant 48 : index
        %get3A_872 = tpu.vector_load %arg13[%get3A_870, %get3A_871] {strides = array<i32>} : memref<104x128xf32, #tpu.memory_space<vmem>>, vector<16xf32>,
        %add3A_873 = arith.constant 8 : i32
        %add3A_874 = arith.addi %mul3A_437, %add3A_873 : i32
        %swap3A_875 = arith.index_cast %add3A_874 : i32 to index
        %swap3A_876 = arith.constant 48 : index
        %swap3A_877 = tpu.vector_load %arg15[%swap3A_875, %swap3A_876] {strides = array<i32>} : memref<104x65xf32, #tpu.memory_space<vmem>>, vector<16xf32>,
        tpu.vector_store %arg15[%swap3A_875, %swap3A_876], %get3A_872 {strides = array<i32>} : memref<104x65xf32, #tpu.memory_space<vmem>>, vector<16xf32>,
        %add3A_878 = arith.constant 8 : i32
        %add3A_879 = arith.addi %mul3A_437, %add3A_878 : i32
        %get3A_880 = arith.index_cast %add3A_879 : i32 to index
        %get3A_881 = arith.constant 49 : index
        %get3A_882 = tpu.vector_load %arg13[%get3A_880, %get3A_881] {strides = array<i32>} : memref<104x128xf32, #tpu.memory_space<vmem>>, vector<16xf32>,
        %add3A_883 = arith.constant 8 : i32
        %add3A_884 = arith.addi %mul3A_437, %add3A_883 : i32
        %swap3A_885 = arith.index_cast %add3A_884 : i32 to index
        %swap3A_886 = arith.constant 49 : index
        %swap3A_887 = tpu.vector_load %arg15[%swap3A_885, %swap3A_886] {strides = array<i32>} : memref<104x65xf32, #tpu.memory_space<vmem>>, vector<16xf32>,
        tpu.vector_store %arg15[%swap3A_885, %swap3A_886], %get3A_882 {strides = array<i32>} : memref<104x65xf32, #tpu.memory_space<vmem>>, vector<16xf32>,
        %add3A_888 = arith.constant 9 : i32
        %add3A_889 = arith.addi %mul3A_437, %add3A_888 : i32
        %get3A_890 = arith.index_cast %add3A_889 : i32 to index
        %get3A_891 = arith.constant 0 : index
        %get3A_892 = tpu.vector_load %arg13[%get3A_890, %get3A_891] {strides = array<i32>} : memref<104x128xf32, #tpu.memory_space<vmem>>, vector<16xf32>,
        %add3A_893 = arith.constant 9 : i32
        %add3A_894 = arith.addi %mul3A_437, %add3A_893 : i32
        %swap3A_895 = arith.index_cast %add3A_894 : i32 to index
        %swap3A_896 = arith.constant 0 : index
        %swap3A_897 = tpu.vector_load %arg15[%swap3A_895, %swap3A_896] {strides = array<i32>} : memref<104x65xf32, #tpu.memory_space<vmem>>, vector<16xf32>,
        tpu.vector_store %arg15[%swap3A_895, %swap3A_896], %get3A_892 {strides = array<i32>} : memref<104x65xf32, #tpu.memory_space<vmem>>, vector<16xf32>,
        %add3A_898 = arith.constant 9 : i32
        %add3A_899 = arith.addi %mul3A_437, %add3A_898 : i32
        %get3A_900 = arith.index_cast %add3A_899 : i32 to index
        %get3A_901 = arith.constant 16 : index
        %get3A_902 = tpu.vector_load %arg13[%get3A_900, %get3A_901] {strides = array<i32>} : memref<104x128xf32, #tpu.memory_space<vmem>>, vector<16xf32>,
        %add3A_903 = arith.constant 9 : i32
        %add3A_904 = arith.addi %mul3A_437, %add3A_903 : i32
        %swap3A_905 = arith.index_cast %add3A_904 : i32 to index
        %swap3A_906 = arith.constant 16 : index
        %swap3A_907 = tpu.vector_load %arg15[%swap3A_905, %swap3A_906] {strides = array<i32>} : memref<104x65xf32, #tpu.memory_space<vmem>>, vector<16xf32>,
        tpu.vector_store %arg15[%swap3A_905, %swap3A_906], %get3A_902 {strides = array<i32>} : memref<104x65xf32, #tpu.memory_space<vmem>>, vector<16xf32>,
        %add3A_908 = arith.constant 9 : i32
        %add3A_909 = arith.addi %mul3A_437, %add3A_908 : i32
        %get3A_910 = arith.index_cast %add3A_909 : i32 to index
        %get3A_911 = arith.constant 32 : index
        %get3A_912 = tpu.vector_load %arg13[%get3A_910, %get3A_911] {strides = array<i32>} : memref<104x128xf32, #tpu.memory_space<vmem>>, vector<16xf32>,
        %add3A_913 = arith.constant 9 : i32
        %add3A_914 = arith.addi %mul3A_437, %add3A_913 : i32
        %swap3A_915 = arith.index_cast %add3A_914 : i32 to index
        %swap3A_916 = arith.constant 32 : index
        %swap3A_917 = tpu.vector_load %arg15[%swap3A_915, %swap3A_916] {strides = array<i32>} : memref<104x65xf32, #tpu.memory_space<vmem>>, vector<16xf32>,
        tpu.vector_store %arg15[%swap3A_915, %swap3A_916], %get3A_912 {strides = array<i32>} : memref<104x65xf32, #tpu.memory_space<vmem>>, vector<16xf32>,
        %add3A_918 = arith.constant 9 : i32
        %add3A_919 = arith.addi %mul3A_437, %add3A_918 : i32
        %get3A_920 = arith.index_cast %add3A_919 : i32 to index
        %get3A_921 = arith.constant 48 : index
        %get3A_922 = tpu.vector_load %arg13[%get3A_920, %get3A_921] {strides = array<i32>} : memref<104x128xf32, #tpu.memory_space<vmem>>, vector<16xf32>,
        %add3A_923 = arith.constant 9 : i32
        %add3A_924 = arith.addi %mul3A_437, %add3A_923 : i32
        %swap3A_925 = arith.index_cast %add3A_924 : i32 to index
        %swap3A_926 = arith.constant 48 : index
        %swap3A_927 = tpu.vector_load %arg15[%swap3A_925, %swap3A_926] {strides = array<i32>} : memref<104x65xf32, #tpu.memory_space<vmem>>, vector<16xf32>,
        tpu.vector_store %arg15[%swap3A_925, %swap3A_926], %get3A_922 {strides = array<i32>} : memref<104x65xf32, #tpu.memory_space<vmem>>, vector<16xf32>,
        %add3A_928 = arith.constant 9 : i32
        %add3A_929 = arith.addi %mul3A_437, %add3A_928 : i32
        %get3A_930 = arith.index_cast %add3A_929 : i32 to index
        %get3A_931 = arith.constant 49 : index
        %get3A_932 = tpu.vector_load %arg13[%get3A_930, %get3A_931] {strides = array<i32>} : memref<104x128xf32, #tpu.memory_space<vmem>>, vector<16xf32>,
        %add3A_933 = arith.constant 9 : i32
        %add3A_934 = arith.addi %mul3A_437, %add3A_933 : i32
        %swap3A_935 = arith.index_cast %add3A_934 : i32 to index
        %swap3A_936 = arith.constant 49 : index
        %swap3A_937 = tpu.vector_load %arg15[%swap3A_935, %swap3A_936] {strides = array<i32>} : memref<104x65xf32, #tpu.memory_space<vmem>>, vector<16xf32>,
        tpu.vector_store %arg15[%swap3A_935, %swap3A_936], %get3A_932 {strides = array<i32>} : memref<104x65xf32, #tpu.memory_space<vmem>>, vector<16xf32>,
        %add3A_938 = arith.constant 10 : i32
        %add3A_939 = arith.addi %mul3A_437, %add3A_938 : i32
        %get3A_940 = arith.index_cast %add3A_939 : i32 to index
        %get3A_941 = arith.constant 0 : index
        %get3A_942 = tpu.vector_load %arg13[%get3A_940, %get3A_941] {strides = array<i32>} : memref<104x128xf32, #tpu.memory_space<vmem>>, vector<16xf32>,
        %add3A_943 = arith.constant 10 : i32
        %add3A_944 = arith.addi %mul3A_437, %add3A_943 : i32
        %swap3A_945 = arith.index_cast %add3A_944 : i32 to index
        %swap3A_946 = arith.constant 0 : index
        %swap3A_947 = tpu.vector_load %arg15[%swap3A_945, %swap3A_946] {strides = array<i32>} : memref<104x65xf32, #tpu.memory_space<vmem>>, vector<16xf32>,
        tpu.vector_store %arg15[%swap3A_945, %swap3A_946], %get3A_942 {strides = array<i32>} : memref<104x65xf32, #tpu.memory_space<vmem>>, vector<16xf32>,
        %add3A_948 = arith.constant 10 : i32
        %add3A_949 = arith.addi %mul3A_437, %add3A_948 : i32
        %get3A_950 = arith.index_cast %add3A_949 : i32 to index
        %get3A_951 = arith.constant 16 : index
        %get3A_952 = tpu.vector_load %arg13[%get3A_950, %get3A_951] {strides = array<i32>} : memref<104x128xf32, #tpu.memory_space<vmem>>, vector<16xf32>,
        %add3A_953 = arith.constant 10 : i32
        %add3A_954 = arith.addi %mul3A_437, %add3A_953 : i32
        %swap3A_955 = arith.index_cast %add3A_954 : i32 to index
        %swap3A_956 = arith.constant 16 : index
        %swap3A_957 = tpu.vector_load %arg15[%swap3A_955, %swap3A_956] {strides = array<i32>} : memref<104x65xf32, #tpu.memory_space<vmem>>, vector<16xf32>,
        tpu.vector_store %arg15[%swap3A_955, %swap3A_956], %get3A_952 {strides = array<i32>} : memref<104x65xf32, #tpu.memory_space<vmem>>, vector<16xf32>,
        %add3A_958 = arith.constant 10 : i32
        %add3A_959 = arith.addi %mul3A_437, %add3A_958 : i32
        %get3A_960 = arith.index_cast %add3A_959 : i32 to index
        %get3A_961 = arith.constant 32 : index
        %get3A_962 = tpu.vector_load %arg13[%get3A_960, %get3A_961] {strides = array<i32>} : memref<104x128xf32, #tpu.memory_space<vmem>>, vector<16xf32>,
        %add3A_963 = arith.constant 10 : i32
        %add3A_964 = arith.addi %mul3A_437, %add3A_963 : i32
        %swap3A_965 = arith.index_cast %add3A_964 : i32 to index
        %swap3A_966 = arith.constant 32 : index
        %swap3A_967 = tpu.vector_load %arg15[%swap3A_965, %swap3A_966] {strides = array<i32>} : memref<104x65xf32, #tpu.memory_space<vmem>>, vector<16xf32>,
        tpu.vector_store %arg15[%swap3A_965, %swap3A_966], %get3A_962 {strides = array<i32>} : memref<104x65xf32, #tpu.memory_space<vmem>>, vector<16xf32>,
        %add3A_968 = arith.constant 10 : i32
        %add3A_969 = arith.addi %mul3A_437, %add3A_968 : i32
        %get3A_970 = arith.index_cast %add3A_969 : i32 to index
        %get3A_971 = arith.constant 48 : index
        %get3A_972 = tpu.vector_load %arg13[%get3A_970, %get3A_971] {strides = array<i32>} : memref<104x128xf32, #tpu.memory_space<vmem>>, vector<16xf32>,
        %add3A_973 = arith.constant 10 : i32
        %add3A_974 = arith.addi %mul3A_437, %add3A_973 : i32
        %swap3A_975 = arith.index_cast %add3A_974 : i32 to index
        %swap3A_976 = arith.constant 48 : index
        %swap3A_977 = tpu.vector_load %arg15[%swap3A_975, %swap3A_976] {strides = array<i32>} : memref<104x65xf32, #tpu.memory_space<vmem>>, vector<16xf32>,
        tpu.vector_store %arg15[%swap3A_975, %swap3A_976], %get3A_972 {strides = array<i32>} : memref<104x65xf32, #tpu.memory_space<vmem>>, vector<16xf32>,
        %add3A_978 = arith.constant 10 : i32
        %add3A_979 = arith.addi %mul3A_437, %add3A_978 : i32
        %get3A_980 = arith.index_cast %add3A_979 : i32 to index
        %get3A_981 = arith.constant 49 : index
        %get3A_982 = tpu.vector_load %arg13[%get3A_980, %get3A_981] {strides = array<i32>} : memref<104x128xf32, #tpu.memory_space<vmem>>, vector<16xf32>,
        %add3A_983 = arith.constant 10 : i32
        %add3A_984 = arith.addi %mul3A_437, %add3A_983 : i32
        %swap3A_985 = arith.index_cast %add3A_984 : i32 to index
        %swap3A_986 = arith.constant 49 : index
        %swap3A_987 = tpu.vector_load %arg15[%swap3A_985, %swap3A_986] {strides = array<i32>} : memref<104x65xf32, #tpu.memory_space<vmem>>, vector<16xf32>,
        tpu.vector_store %arg15[%swap3A_985, %swap3A_986], %get3A_982 {strides = array<i32>} : memref<104x65xf32, #tpu.memory_space<vmem>>, vector<16xf32>,
        %add3A_988 = arith.constant 11 : i32
        %add3A_989 = arith.addi %mul3A_437, %add3A_988 : i32
        %get3A_990 = arith.index_cast %add3A_989 : i32 to index
        %get3A_991 = arith.constant 0 : index
        %get3A_992 = tpu.vector_load %arg13[%get3A_990, %get3A_991] {strides = array<i32>} : memref<104x128xf32, #tpu.memory_space<vmem>>, vector<16xf32>,
        %add3A_993 = arith.constant 11 : i32
        %add3A_994 = arith.addi %mul3A_437, %add3A_993 : i32
        %swap3A_995 = arith.index_cast %add3A_994 : i32 to index
        %swap3A_996 = arith.constant 0 : index
        %swap3A_997 = tpu.vector_load %arg15[%swap3A_995, %swap3A_996] {strides = array<i32>} : memref<104x65xf32, #tpu.memory_space<vmem>>, vector<16xf32>,
        tpu.vector_store %arg15[%swap3A_995, %swap3A_996], %get3A_992 {strides = array<i32>} : memref<104x65xf32, #tpu.memory_space<vmem>>, vector<16xf32>,
        %add3A_998 = arith.constant 11 : i32
        %add3A_999 = arith.addi %mul3A_437, %add3A_998 : i32
        %get3A_1000 = arith.index_cast %add3A_999 : i32 to index
        %get3A_1001 = arith.constant 16 : index
        %get3A_1002 = tpu.vector_load %arg13[%get3A_1000, %get3A_1001] {strides = array<i32>} : memref<104x128xf32, #tpu.memory_space<vmem>>, vector<16xf32>,
        %add3A_1003 = arith.constant 11 : i32
        %add3A_1004 = arith.addi %mul3A_437, %add3A_1003 : i32
        %swap3A_1005 = arith.index_cast %add3A_1004 : i32 to index
        %swap3A_1006 = arith.constant 16 : index
        %swap3A_1007 = tpu.vector_load %arg15[%swap3A_1005, %swap3A_1006] {strides = array<i32>} : memref<104x65xf32, #tpu.memory_space<vmem>>, vector<16xf32>,
        tpu.vector_store %arg15[%swap3A_1005, %swap3A_1006], %get3A_1002 {strides = array<i32>} : memref<104x65xf32, #tpu.memory_space<vmem>>, vector<16xf32>,
        %add3A_1008 = arith.constant 11 : i32
        %add3A_1009 = arith.addi %mul3A_437, %add3A_1008 : i32
        %get3A_1010 = arith.index_cast %add3A_1009 : i32 to index
        %get3A_1011 = arith.constant 32 : index
        %get3A_1012 = tpu.vector_load %arg13[%get3A_1010, %get3A_1011] {strides = array<i32>} : memref<104x128xf32, #tpu.memory_space<vmem>>, vector<16xf32>,
        %add3A_1013 = arith.constant 11 : i32
        %add3A_1014 = arith.addi %mul3A_437, %add3A_1013 : i32
        %swap3A_1015 = arith.index_cast %add3A_1014 : i32 to index
        %swap3A_1016 = arith.constant 32 : index
        %swap3A_1017 = tpu.vector_load %arg15[%swap3A_1015, %swap3A_1016] {strides = array<i32>} : memref<104x65xf32, #tpu.memory_space<vmem>>, vector<16xf32>,
        tpu.vector_store %arg15[%swap3A_1015, %swap3A_1016], %get3A_1012 {strides = array<i32>} : memref<104x65xf32, #tpu.memory_space<vmem>>, vector<16xf32>,
        %add3A_1018 = arith.constant 11 : i32
        %add3A_1019 = arith.addi %mul3A_437, %add3A_1018 : i32
        %get3A_1020 = arith.index_cast %add3A_1019 : i32 to index
        %get3A_1021 = arith.constant 48 : index
        %get3A_1022 = tpu.vector_load %arg13[%get3A_1020, %get3A_1021] {strides = array<i32>} : memref<104x128xf32, #tpu.memory_space<vmem>>, vector<16xf32>,
        %add3A_1023 = arith.constant 11 : i32
        %add3A_1024 = arith.addi %mul3A_437, %add3A_1023 : i32
        %swap3A_1025 = arith.index_cast %add3A_1024 : i32 to index
        %swap3A_1026 = arith.constant 48 : index
        %swap3A_1027 = tpu.vector_load %arg15[%swap3A_1025, %swap3A_1026] {strides = array<i32>} : memref<104x65xf32, #tpu.memory_space<vmem>>, vector<16xf32>,
        tpu.vector_store %arg15[%swap3A_1025, %swap3A_1026], %get3A_1022 {strides = array<i32>} : memref<104x65xf32, #tpu.memory_space<vmem>>, vector<16xf32>,
        %add3A_1028 = arith.constant 11 : i32
        %add3A_1029 = arith.addi %mul3A_437, %add3A_1028 : i32
        %get3A_1030 = arith.index_cast %add3A_1029 : i32 to index
        %get3A_1031 = arith.constant 49 : index
        %get3A_1032 = tpu.vector_load %arg13[%get3A_1030, %get3A_1031] {strides = array<i32>} : memref<104x128xf32, #tpu.memory_space<vmem>>, vector<16xf32>,
        %add3A_1033 = arith.constant 11 : i32
        %add3A_1034 = arith.addi %mul3A_437, %add3A_1033 : i32
        %swap3A_1035 = arith.index_cast %add3A_1034 : i32 to index
        %swap3A_1036 = arith.constant 49 : index
        %swap3A_1037 = tpu.vector_load %arg15[%swap3A_1035, %swap3A_1036] {strides = array<i32>} : memref<104x65xf32, #tpu.memory_space<vmem>>, vector<16xf32>,
        tpu.vector_store %arg15[%swap3A_1035, %swap3A_1036], %get3A_1032 {strides = array<i32>} : memref<104x65xf32, #tpu.memory_space<vmem>>, vector<16xf32>,
        %add3A_1038 = arith.constant 12 : i32
        %add3A_1039 = arith.addi %mul3A_437, %add3A_1038 : i32
        %get3A_1040 = arith.index_cast %add3A_1039 : i32 to index
        %get3A_1041 = arith.constant 0 : index
        %get3A_1042 = tpu.vector_load %arg13[%get3A_1040, %get3A_1041] {strides = array<i32>} : memref<104x128xf32, #tpu.memory_space<vmem>>, vector<16xf32>,
        %add3A_1043 = arith.constant 12 : i32
        %add3A_1044 = arith.addi %mul3A_437, %add3A_1043 : i32
        %swap3A_1045 = arith.index_cast %add3A_1044 : i32 to index
        %swap3A_1046 = arith.constant 0 : index
        %swap3A_1047 = tpu.vector_load %arg15[%swap3A_1045, %swap3A_1046] {strides = array<i32>} : memref<104x65xf32, #tpu.memory_space<vmem>>, vector<16xf32>,
        tpu.vector_store %arg15[%swap3A_1045, %swap3A_1046], %get3A_1042 {strides = array<i32>} : memref<104x65xf32, #tpu.memory_space<vmem>>, vector<16xf32>,
        %add3A_1048 = arith.constant 12 : i32
        %add3A_1049 = arith.addi %mul3A_437, %add3A_1048 : i32
        %get3A_1050 = arith.index_cast %add3A_1049 : i32 to index
        %get3A_1051 = arith.constant 16 : index
        %get3A_1052 = tpu.vector_load %arg13[%get3A_1050, %get3A_1051] {strides = array<i32>} : memref<104x128xf32, #tpu.memory_space<vmem>>, vector<16xf32>,
        %add3A_1053 = arith.constant 12 : i32
        %add3A_1054 = arith.addi %mul3A_437, %add3A_1053 : i32
        %swap3A_1055 = arith.index_cast %add3A_1054 : i32 to index
        %swap3A_1056 = arith.constant 16 : index
        %swap3A_1057 = tpu.vector_load %arg15[%swap3A_1055, %swap3A_1056] {strides = array<i32>} : memref<104x65xf32, #tpu.memory_space<vmem>>, vector<16xf32>,
        tpu.vector_store %arg15[%swap3A_1055, %swap3A_1056], %get3A_1052 {strides = array<i32>} : memref<104x65xf32, #tpu.memory_space<vmem>>, vector<16xf32>,
        %add3A_1058 = arith.constant 12 : i32
        %add3A_1059 = arith.addi %mul3A_437, %add3A_1058 : i32
        %get3A_1060 = arith.index_cast %add3A_1059 : i32 to index
        %get3A_1061 = arith.constant 32 : index
        %get3A_1062 = tpu.vector_load %arg13[%get3A_1060, %get3A_1061] {strides = array<i32>} : memref<104x128xf32, #tpu.memory_space<vmem>>, vector<16xf32>,
        %add3A_1063 = arith.constant 12 : i32
        %add3A_1064 = arith.addi %mul3A_437, %add3A_1063 : i32
        %swap3A_1065 = arith.index_cast %add3A_1064 : i32 to index
        %swap3A_1066 = arith.constant 32 : index
        %swap3A_1067 = tpu.vector_load %arg15[%swap3A_1065, %swap3A_1066] {strides = array<i32>} : memref<104x65xf32, #tpu.memory_space<vmem>>, vector<16xf32>,
        tpu.vector_store %arg15[%swap3A_1065, %swap3A_1066], %get3A_1062 {strides = array<i32>} : memref<104x65xf32, #tpu.memory_space<vmem>>, vector<16xf32>,
        %add3A_1068 = arith.constant 12 : i32
        %add3A_1069 = arith.addi %mul3A_437, %add3A_1068 : i32
        %get3A_1070 = arith.index_cast %add3A_1069 : i32 to index
        %get3A_1071 = arith.constant 48 : index
        %get3A_1072 = tpu.vector_load %arg13[%get3A_1070, %get3A_1071] {strides = array<i32>} : memref<104x128xf32, #tpu.memory_space<vmem>>, vector<16xf32>,
        %add3A_1073 = arith.constant 12 : i32
        %add3A_1074 = arith.addi %mul3A_437, %add3A_1073 : i32
        %swap3A_1075 = arith.index_cast %add3A_1074 : i32 to index
        %swap3A_1076 = arith.constant 48 : index
        %swap3A_1077 = tpu.vector_load %arg15[%swap3A_1075, %swap3A_1076] {strides = array<i32>} : memref<104x65xf32, #tpu.memory_space<vmem>>, vector<16xf32>,
        tpu.vector_store %arg15[%swap3A_1075, %swap3A_1076], %get3A_1072 {strides = array<i32>} : memref<104x65xf32, #tpu.memory_space<vmem>>, vector<16xf32>,
        %add3A_1078 = arith.constant 12 : i32
        %add3A_1079 = arith.addi %mul3A_437, %add3A_1078 : i32
        %get3A_1080 = arith.index_cast %add3A_1079 : i32 to index
        %get3A_1081 = arith.constant 49 : index
        %get3A_1082 = tpu.vector_load %arg13[%get3A_1080, %get3A_1081] {strides = array<i32>} : memref<104x128xf32, #tpu.memory_space<vmem>>, vector<16xf32>,
        %add3A_1083 = arith.constant 12 : i32
        %add3A_1084 = arith.addi %mul3A_437, %add3A_1083 : i32
        %swap3A_1085 = arith.index_cast %add3A_1084 : i32 to index
        %swap3A_1086 = arith.constant 49 : index
        %swap3A_1087 = tpu.vector_load %arg15[%swap3A_1085, %swap3A_1086] {strides = array<i32>} : memref<104x65xf32, #tpu.memory_space<vmem>>, vector<16xf32>,
        tpu.vector_store %arg15[%swap3A_1085, %swap3A_1086], %get3A_1082 {strides = array<i32>} : memref<104x65xf32, #tpu.memory_space<vmem>>, vector<16xf32>,
        %add3A_1088 = arith.constant 13 : i32
        %add3A_1089 = arith.addi %mul3A_437, %add3A_1088 : i32
        %get3A_1090 = arith.index_cast %add3A_1089 : i32 to index
        %get3A_1091 = arith.constant 0 : index
        %get3A_1092 = tpu.vector_load %arg13[%get3A_1090, %get3A_1091] {strides = array<i32>} : memref<104x128xf32, #tpu.memory_space<vmem>>, vector<16xf32>,
        %add3A_1093 = arith.constant 13 : i32
        %add3A_1094 = arith.addi %mul3A_437, %add3A_1093 : i32
        %swap3A_1095 = arith.index_cast %add3A_1094 : i32 to index
        %swap3A_1096 = arith.constant 0 : index
        %swap3A_1097 = tpu.vector_load %arg15[%swap3A_1095, %swap3A_1096] {strides = array<i32>} : memref<104x65xf32, #tpu.memory_space<vmem>>, vector<16xf32>,
        tpu.vector_store %arg15[%swap3A_1095, %swap3A_1096], %get3A_1092 {strides = array<i32>} : memref<104x65xf32, #tpu.memory_space<vmem>>, vector<16xf32>,
        %add3A_1098 = arith.constant 13 : i32
        %add3A_1099 = arith.addi %mul3A_437, %add3A_1098 : i32
        %get3A_1100 = arith.index_cast %add3A_1099 : i32 to index
        %get3A_1101 = arith.constant 16 : index
        %get3A_1102 = tpu.vector_load %arg13[%get3A_1100, %get3A_1101] {strides = array<i32>} : memref<104x128xf32, #tpu.memory_space<vmem>>, vector<16xf32>,
        %add3A_1103 = arith.constant 13 : i32
        %add3A_1104 = arith.addi %mul3A_437, %add3A_1103 : i32
        %swap3A_1105 = arith.index_cast %add3A_1104 : i32 to index
        %swap3A_1106 = arith.constant 16 : index
        %swap3A_1107 = tpu.vector_load %arg15[%swap3A_1105, %swap3A_1106] {strides = array<i32>} : memref<104x65xf32, #tpu.memory_space<vmem>>, vector<16xf32>,
        tpu.vector_store %arg15[%swap3A_1105, %swap3A_1106], %get3A_1102 {strides = array<i32>} : memref<104x65xf32, #tpu.memory_space<vmem>>, vector<16xf32>,
        %add3A_1108 = arith.constant 13 : i32
        %add3A_1109 = arith.addi %mul3A_437, %add3A_1108 : i32
        %get3A_1110 = arith.index_cast %add3A_1109 : i32 to index
        %get3A_1111 = arith.constant 32 : index
        %get3A_1112 = tpu.vector_load %arg13[%get3A_1110, %get3A_1111] {strides = array<i32>} : memref<104x128xf32, #tpu.memory_space<vmem>>, vector<16xf32>,
        %add3A_1113 = arith.constant 13 : i32
        %add3A_1114 = arith.addi %mul3A_437, %add3A_1113 : i32
        %swap3A_1115 = arith.index_cast %add3A_1114 : i32 to index
        %swap3A_1116 = arith.constant 32 : index
        %swap3A_1117 = tpu.vector_load %arg15[%swap3A_1115, %swap3A_1116] {strides = array<i32>} : memref<104x65xf32, #tpu.memory_space<vmem>>, vector<16xf32>,
        tpu.vector_store %arg15[%swap3A_1115, %swap3A_1116], %get3A_1112 {strides = array<i32>} : memref<104x65xf32, #tpu.memory_space<vmem>>, vector<16xf32>,
        %add3A_1118 = arith.constant 13 : i32
        %add3A_1119 = arith.addi %mul3A_437, %add3A_1118 : i32
        %get3A_1120 = arith.index_cast %add3A_1119 : i32 to index
        %get3A_1121 = arith.constant 48 : index
        %get3A_1122 = tpu.vector_load %arg13[%get3A_1120, %get3A_1121] {strides = array<i32>} : memref<104x128xf32, #tpu.memory_space<vmem>>, vector<16xf32>,
        %add3A_1123 = arith.constant 13 : i32
        %add3A_1124 = arith.addi %mul3A_437, %add3A_1123 : i32
        %swap3A_1125 = arith.index_cast %add3A_1124 : i32 to index
        %swap3A_1126 = arith.constant 48 : index
        %swap3A_1127 = tpu.vector_load %arg15[%swap3A_1125, %swap3A_1126] {strides = array<i32>} : memref<104x65xf32, #tpu.memory_space<vmem>>, vector<16xf32>,
        tpu.vector_store %arg15[%swap3A_1125, %swap3A_1126], %get3A_1122 {strides = array<i32>} : memref<104x65xf32, #tpu.memory_space<vmem>>, vector<16xf32>,
        %add3A_1128 = arith.constant 13 : i32
        %add3A_1129 = arith.addi %mul3A_437, %add3A_1128 : i32
        %get3A_1130 = arith.index_cast %add3A_1129 : i32 to index
        %get3A_1131 = arith.constant 49 : index
        %get3A_1132 = tpu.vector_load %arg13[%get3A_1130, %get3A_1131] {strides = array<i32>} : memref<104x128xf32, #tpu.memory_space<vmem>>, vector<16xf32>,
        %add3A_1133 = arith.constant 13 : i32
        %add3A_1134 = arith.addi %mul3A_437, %add3A_1133 : i32
        %swap3A_1135 = arith.index_cast %add3A_1134 : i32 to index
        %swap3A_1136 = arith.constant 49 : index
        %swap3A_1137 = tpu.vector_load %arg15[%swap3A_1135, %swap3A_1136] {strides = array<i32>} : memref<104x65xf32, #tpu.memory_space<vmem>>, vector<16xf32>,
        tpu.vector_store %arg15[%swap3A_1135, %swap3A_1136], %get3A_1132 {strides = array<i32>} : memref<104x65xf32, #tpu.memory_space<vmem>>, vector<16xf32>,
        %add3A_1138 = arith.constant 14 : i32
        %add3A_1139 = arith.addi %mul3A_437, %add3A_1138 : i32
        %get3A_1140 = arith.index_cast %add3A_1139 : i32 to index
        %get3A_1141 = arith.constant 0 : index
        %get3A_1142 = tpu.vector_load %arg13[%get3A_1140, %get3A_1141] {strides = array<i32>} : memref<104x128xf32, #tpu.memory_space<vmem>>, vector<16xf32>,
        %add3A_1143 = arith.constant 14 : i32
        %add3A_1144 = arith.addi %mul3A_437, %add3A_1143 : i32
        %swap3A_1145 = arith.index_cast %add3A_1144 : i32 to index
        %swap3A_1146 = arith.constant 0 : index
        %swap3A_1147 = tpu.vector_load %arg15[%swap3A_1145, %swap3A_1146] {strides = array<i32>} : memref<104x65xf32, #tpu.memory_space<vmem>>, vector<16xf32>,
        tpu.vector_store %arg15[%swap3A_1145, %swap3A_1146], %get3A_1142 {strides = array<i32>} : memref<104x65xf32, #tpu.memory_space<vmem>>, vector<16xf32>,
        %add3A_1148 = arith.constant 14 : i32
        %add3A_1149 = arith.addi %mul3A_437, %add3A_1148 : i32
        %get3A_1150 = arith.index_cast %add3A_1149 : i32 to index
        %get3A_1151 = arith.constant 16 : index
        %get3A_1152 = tpu.vector_load %arg13[%get3A_1150, %get3A_1151] {strides = array<i32>} : memref<104x128xf32, #tpu.memory_space<vmem>>, vector<16xf32>,
        %add3A_1153 = arith.constant 14 : i32
        %add3A_1154 = arith.addi %mul3A_437, %add3A_1153 : i32
        %swap3A_1155 = arith.index_cast %add3A_1154 : i32 to index
        %swap3A_1156 = arith.constant 16 : index
        %swap3A_1157 = tpu.vector_load %arg15[%swap3A_1155, %swap3A_1156] {strides = array<i32>} : memref<104x65xf32, #tpu.memory_space<vmem>>, vector<16xf32>,
        tpu.vector_store %arg15[%swap3A_1155, %swap3A_1156], %get3A_1152 {strides = array<i32>} : memref<104x65xf32, #tpu.memory_space<vmem>>, vector<16xf32>,
        %add3A_1158 = arith.constant 14 : i32
        %add3A_1159 = arith.addi %mul3A_437, %add3A_1158 : i32
        %get3A_1160 = arith.index_cast %add3A_1159 : i32 to index
        %get3A_1161 = arith.constant 32 : index
        %get3A_1162 = tpu.vector_load %arg13[%get3A_1160, %get3A_1161] {strides = array<i32>} : memref<104x128xf32, #tpu.memory_space<vmem>>, vector<16xf32>,
        %add3A_1163 = arith.constant 14 : i32
        %add3A_1164 = arith.addi %mul3A_437, %add3A_1163 : i32
        %swap3A_1165 = arith.index_cast %add3A_1164 : i32 to index
        %swap3A_1166 = arith.constant 32 : index
        %swap3A_1167 = tpu.vector_load %arg15[%swap3A_1165, %swap3A_1166] {strides = array<i32>} : memref<104x65xf32, #tpu.memory_space<vmem>>, vector<16xf32>,
        tpu.vector_store %arg15[%swap3A_1165, %swap3A_1166], %get3A_1162 {strides = array<i32>} : memref<104x65xf32, #tpu.memory_space<vmem>>, vector<16xf32>,
        %add3A_1168 = arith.constant 14 : i32
        %add3A_1169 = arith.addi %mul3A_437, %add3A_1168 : i32
        %get3A_1170 = arith.index_cast %add3A_1169 : i32 to index
        %get3A_1171 = arith.constant 48 : index
        %get3A_1172 = tpu.vector_load %arg13[%get3A_1170, %get3A_1171] {strides = array<i32>} : memref<104x128xf32, #tpu.memory_space<vmem>>, vector<16xf32>,
        %add3A_1173 = arith.constant 14 : i32
        %add3A_1174 = arith.addi %mul3A_437, %add3A_1173 : i32
        %swap3A_1175 = arith.index_cast %add3A_1174 : i32 to index
        %swap3A_1176 = arith.constant 48 : index
        %swap3A_1177 = tpu.vector_load %arg15[%swap3A_1175, %swap3A_1176] {strides = array<i32>} : memref<104x65xf32, #tpu.memory_space<vmem>>, vector<16xf32>,
        tpu.vector_store %arg15[%swap3A_1175, %swap3A_1176], %get3A_1172 {strides = array<i32>} : memref<104x65xf32, #tpu.memory_space<vmem>>, vector<16xf32>,
        %add3A_1178 = arith.constant 14 : i32
        %add3A_1179 = arith.addi %mul3A_437, %add3A_1178 : i32
        %get3A_1180 = arith.index_cast %add3A_1179 : i32 to index
        %get3A_1181 = arith.constant 49 : index
        %get3A_1182 = tpu.vector_load %arg13[%get3A_1180, %get3A_1181] {strides = array<i32>} : memref<104x128xf32, #tpu.memory_space<vmem>>, vector<16xf32>,
        %add3A_1183 = arith.constant 14 : i32
        %add3A_1184 = arith.addi %mul3A_437, %add3A_1183 : i32
        %swap3A_1185 = arith.index_cast %add3A_1184 : i32 to index
        %swap3A_1186 = arith.constant 49 : index
        %swap3A_1187 = tpu.vector_load %arg15[%swap3A_1185, %swap3A_1186] {strides = array<i32>} : memref<104x65xf32, #tpu.memory_space<vmem>>, vector<16xf32>,
        tpu.vector_store %arg15[%swap3A_1185, %swap3A_1186], %get3A_1182 {strides = array<i32>} : memref<104x65xf32, #tpu.memory_space<vmem>>, vector<16xf32>,
        %add3A_1188 = arith.constant 15 : i32
        %add3A_1189 = arith.addi %mul3A_437, %add3A_1188 : i32
        %get3A_1190 = arith.index_cast %add3A_1189 : i32 to index
        %get3A_1191 = arith.constant 0 : index
        %get3A_1192 = tpu.vector_load %arg13[%get3A_1190, %get3A_1191] {strides = array<i32>} : memref<104x128xf32, #tpu.memory_space<vmem>>, vector<16xf32>,
        %add3A_1193 = arith.constant 15 : i32
        %add3A_1194 = arith.addi %mul3A_437, %add3A_1193 : i32
        %swap3A_1195 = arith.index_cast %add3A_1194 : i32 to index
        %swap3A_1196 = arith.constant 0 : index
        %swap3A_1197 = tpu.vector_load %arg15[%swap3A_1195, %swap3A_1196] {strides = array<i32>} : memref<104x65xf32, #tpu.memory_space<vmem>>, vector<16xf32>,
        tpu.vector_store %arg15[%swap3A_1195, %swap3A_1196], %get3A_1192 {strides = array<i32>} : memref<104x65xf32, #tpu.memory_space<vmem>>, vector<16xf32>,
        %add3A_1198 = arith.constant 15 : i32
        %add3A_1199 = arith.addi %mul3A_437, %add3A_1198 : i32
        %get3A_1200 = arith.index_cast %add3A_1199 : i32 to index
        %get3A_1201 = arith.constant 16 : index
        %get3A_1202 = tpu.vector_load %arg13[%get3A_1200, %get3A_1201] {strides = array<i32>} : memref<104x128xf32, #tpu.memory_space<vmem>>, vector<16xf32>,
        %add3A_1203 = arith.constant 15 : i32
        %add3A_1204 = arith.addi %mul3A_437, %add3A_1203 : i32
        %swap3A_1205 = arith.index_cast %add3A_1204 : i32 to index
        %swap3A_1206 = arith.constant 16 : index
        %swap3A_1207 = tpu.vector_load %arg15[%swap3A_1205, %swap3A_1206] {strides = array<i32>} : memref<104x65xf32, #tpu.memory_space<vmem>>, vector<16xf32>,
        tpu.vector_store %arg15[%swap3A_1205, %swap3A_1206], %get3A_1202 {strides = array<i32>} : memref<104x65xf32, #tpu.memory_space<vmem>>, vector<16xf32>,
        %add3A_1208 = arith.constant 15 : i32
        %add3A_1209 = arith.addi %mul3A_437, %add3A_1208 : i32
        %get3A_1210 = arith.index_cast %add3A_1209 : i32 to index
        %get3A_1211 = arith.constant 32 : index
        %get3A_1212 = tpu.vector_load %arg13[%get3A_1210, %get3A_1211] {strides = array<i32>} : memref<104x128xf32, #tpu.memory_space<vmem>>, vector<16xf32>,
        %add3A_1213 = arith.constant 15 : i32
        %add3A_1214 = arith.addi %mul3A_437, %add3A_1213 : i32
        %swap3A_1215 = arith.index_cast %add3A_1214 : i32 to index
        %swap3A_1216 = arith.constant 32 : index
        %swap3A_1217 = tpu.vector_load %arg15[%swap3A_1215, %swap3A_1216] {strides = array<i32>} : memref<104x65xf32, #tpu.memory_space<vmem>>, vector<16xf32>,
        tpu.vector_store %arg15[%swap3A_1215, %swap3A_1216], %get3A_1212 {strides = array<i32>} : memref<104x65xf32, #tpu.memory_space<vmem>>, vector<16xf32>,
        %add3A_1218 = arith.constant 15 : i32
        %add3A_1219 = arith.addi %mul3A_437, %add3A_1218 : i32
        %get3A_1220 = arith.index_cast %add3A_1219 : i32 to index
        %get3A_1221 = arith.constant 48 : index
        %get3A_1222 = tpu.vector_load %arg13[%get3A_1220, %get3A_1221] {strides = array<i32>} : memref<104x128xf32, #tpu.memory_space<vmem>>, vector<16xf32>,
        %add3A_1223 = arith.constant 15 : i32
        %add3A_1224 = arith.addi %mul3A_437, %add3A_1223 : i32
        %swap3A_1225 = arith.index_cast %add3A_1224 : i32 to index
        %swap3A_1226 = arith.constant 48 : index
        %swap3A_1227 = tpu.vector_load %arg15[%swap3A_1225, %swap3A_1226] {strides = array<i32>} : memref<104x65xf32, #tpu.memory_space<vmem>>, vector<16xf32>,
        tpu.vector_store %arg15[%swap3A_1225, %swap3A_1226], %get3A_1222 {strides = array<i32>} : memref<104x65xf32, #tpu.memory_space<vmem>>, vector<16xf32>,
        %add3A_1228 = arith.constant 15 : i32
        %add3A_1229 = arith.addi %mul3A_437, %add3A_1228 : i32
        %get3A_1230 = arith.index_cast %add3A_1229 : i32 to index
        %get3A_1231 = arith.constant 49 : index
        %get3A_1232 = tpu.vector_load %arg13[%get3A_1230, %get3A_1231] {strides = array<i32>} : memref<104x128xf32, #tpu.memory_space<vmem>>, vector<16xf32>,
        %add3A_1233 = arith.constant 15 : i32
        %add3A_1234 = arith.addi %mul3A_437, %add3A_1233 : i32
        %swap3A_1235 = arith.index_cast %add3A_1234 : i32 to index
        %swap3A_1236 = arith.constant 49 : index
        %swap3A_1237 = tpu.vector_load %arg15[%swap3A_1235, %swap3A_1236] {strides = array<i32>} : memref<104x65xf32, #tpu.memory_space<vmem>>, vector<16xf32>,
        tpu.vector_store %arg15[%swap3A_1235, %swap3A_1236], %get3A_1232 {strides = array<i32>} : memref<104x65xf32, #tpu.memory_space<vmem>>, vector<16xf32>,
      }
      %scan3A_74 = arith.constant 6 : i32
      %get3A = arith.constant 96 : i32
      %get3A_75 = arith.index_cast %get3A : i32 to index
      %get3A_76 = arith.constant 0 : index
      %get3A_77 = tpu.vector_load %arg13[%get3A_75, %get3A_76] {strides = array<i32>} : memref<104x128xf32, #tpu.memory_space<vmem>>, vector<16xf32>,
      %swap3A_78 = arith.constant 96 : i32
      %swap3A_79 = arith.index_cast %swap3A_78 : i32 to index
      %swap3A_80 = arith.constant 0 : index
      %swap3A_81 = tpu.vector_load %arg15[%swap3A_79, %swap3A_80] {strides = array<i32>} : memref<104x65xf32, #tpu.memory_space<vmem>>, vector<16xf32>,
      tpu.vector_store %arg15[%swap3A_79, %swap3A_80], %get3A_77 {strides = array<i32>} : memref<104x65xf32, #tpu.memory_space<vmem>>, vector<16xf32>,
      %get3A_82 = arith.constant 96 : i32
      %get3A_83 = arith.index_cast %get3A_82 : i32 to index
      %get3A_84 = arith.constant 16 : index
      %get3A_85 = tpu.vector_load %arg13[%get3A_83, %get3A_84] {strides = array<i32>} : memref<104x128xf32, #tpu.memory_space<vmem>>, vector<16xf32>,
      %swap3A_86 = arith.constant 96 : i32
      %swap3A_87 = arith.index_cast %swap3A_86 : i32 to index
      %swap3A_88 = arith.constant 16 : index
      %swap3A_89 = tpu.vector_load %arg15[%swap3A_87, %swap3A_88] {strides = array<i32>} : memref<104x65xf32, #tpu.memory_space<vmem>>, vector<16xf32>,
      tpu.vector_store %arg15[%swap3A_87, %swap3A_88], %get3A_85 {strides = array<i32>} : memref<104x65xf32, #tpu.memory_space<vmem>>, vector<16xf32>,
      %get3A_90 = arith.constant 96 : i32
      %get3A_91 = arith.index_cast %get3A_90 : i32 to index
      %get3A_92 = arith.constant 32 : index
      %get3A_93 = tpu.vector_load %arg13[%get3A_91, %get3A_92] {strides = array<i32>} : memref<104x128xf32, #tpu.memory_space<vmem>>, vector<16xf32>,
      %swap3A_94 = arith.constant 96 : i32
      %swap3A_95 = arith.index_cast %swap3A_94 : i32 to index
      %swap3A_96 = arith.constant 32 : index
      %swap3A_97 = tpu.vector_load %arg15[%swap3A_95, %swap3A_96] {strides = array<i32>} : memref<104x65xf32, #tpu.memory_space<vmem>>, vector<16xf32>,
      tpu.vector_store %arg15[%swap3A_95, %swap3A_96], %get3A_93 {strides = array<i32>} : memref<104x65xf32, #tpu.memory_space<vmem>>, vector<16xf32>,
      %get3A_98 = arith.constant 96 : i32
      %get3A_99 = arith.index_cast %get3A_98 : i32 to index
      %get3A_100 = arith.constant 48 : index
      %get3A_101 = tpu.vector_load %arg13[%get3A_99, %get3A_100] {strides = array<i32>} : memref<104x128xf32, #tpu.memory_space<vmem>>, vector<16xf32>,
      %swap3A_102 = arith.constant 96 : i32
      %swap3A_103 = arith.index_cast %swap3A_102 : i32 to index
      %swap3A_104 = arith.constant 48 : index
      %swap3A_105 = tpu.vector_load %arg15[%swap3A_103, %swap3A_104] {strides = array<i32>} : memref<104x65xf32, #tpu.memory_space<vmem>>, vector<16xf32>,
      tpu.vector_store %arg15[%swap3A_103, %swap3A_104], %get3A_101 {strides = array<i32>} : memref<104x65xf32, #tpu.memory_space<vmem>>, vector<16xf32>,
      %get3A_106 = arith.constant 96 : i32
      %get3A_107 = arith.index_cast %get3A_106 : i32 to index
      %get3A_108 = arith.constant 49 : index
      %get3A_109 = tpu.vector_load %arg13[%get3A_107, %get3A_108] {strides = array<i32>} : memref<104x128xf32, #tpu.memory_space<vmem>>, vector<16xf32>,
      %swap3A_110 = arith.constant 96 : i32
      %swap3A_111 = arith.index_cast %swap3A_110 : i32 to index
      %swap3A_112 = arith.constant 49 : index
      %swap3A_113 = tpu.vector_load %arg15[%swap3A_111, %swap3A_112] {strides = array<i32>} : memref<104x65xf32, #tpu.memory_space<vmem>>, vector<16xf32>,
      tpu.vector_store %arg15[%swap3A_111, %swap3A_112], %get3A_109 {strides = array<i32>} : memref<104x65xf32, #tpu.memory_space<vmem>>, vector<16xf32>,
      %get3A_114 = arith.constant 97 : i32
      %get3A_115 = arith.index_cast %get3A_114 : i32 to index
      %get3A_116 = arith.constant 0 : index
      %get3A_117 = tpu.vector_load %arg13[%get3A_115, %get3A_116] {strides = array<i32>} : memref<104x128xf32, #tpu.memory_space<vmem>>, vector<16xf32>,
      %swap3A_118 = arith.constant 97 : i32
      %swap3A_119 = arith.index_cast %swap3A_118 : i32 to index
      %swap3A_120 = arith.constant 0 : index
      %swap3A_121 = tpu.vector_load %arg15[%swap3A_119, %swap3A_120] {strides = array<i32>} : memref<104x65xf32, #tpu.memory_space<vmem>>, vector<16xf32>,
      tpu.vector_store %arg15[%swap3A_119, %swap3A_120], %get3A_117 {strides = array<i32>} : memref<104x65xf32, #tpu.memory_space<vmem>>, vector<16xf32>,
      %get3A_122 = arith.constant 97 : i32
      %get3A_123 = arith.index_cast %get3A_122 : i32 to index
      %get3A_124 = arith.constant 16 : index
      %get3A_125 = tpu.vector_load %arg13[%get3A_123, %get3A_124] {strides = array<i32>} : memref<104x128xf32, #tpu.memory_space<vmem>>, vector<16xf32>,
      %swap3A_126 = arith.constant 97 : i32
      %swap3A_127 = arith.index_cast %swap3A_126 : i32 to index
      %swap3A_128 = arith.constant 16 : index
      %swap3A_129 = tpu.vector_load %arg15[%swap3A_127, %swap3A_128] {strides = array<i32>} : memref<104x65xf32, #tpu.memory_space<vmem>>, vector<16xf32>,
      tpu.vector_store %arg15[%swap3A_127, %swap3A_128], %get3A_125 {strides = array<i32>} : memref<104x65xf32, #tpu.memory_space<vmem>>, vector<16xf32>,
      %get3A_130 = arith.constant 97 : i32
      %get3A_131 = arith.index_cast %get3A_130 : i32 to index
      %get3A_132 = arith.constant 32 : index
      %get3A_133 = tpu.vector_load %arg13[%get3A_131, %get3A_132] {strides = array<i32>} : memref<104x128xf32, #tpu.memory_space<vmem>>, vector<16xf32>,
      %swap3A_134 = arith.constant 97 : i32
      %swap3A_135 = arith.index_cast %swap3A_134 : i32 to index
      %swap3A_136 = arith.constant 32 : index
      %swap3A_137 = tpu.vector_load %arg15[%swap3A_135, %swap3A_136] {strides = array<i32>} : memref<104x65xf32, #tpu.memory_space<vmem>>, vector<16xf32>,
      tpu.vector_store %arg15[%swap3A_135, %swap3A_136], %get3A_133 {strides = array<i32>} : memref<104x65xf32, #tpu.memory_space<vmem>>, vector<16xf32>,
      %get3A_138 = arith.constant 97 : i32
      %get3A_139 = arith.index_cast %get3A_138 : i32 to index
      %get3A_140 = arith.constant 48 : index
      %get3A_141 = tpu.vector_load %arg13[%get3A_139, %get3A_140] {strides = array<i32>} : memref<104x128xf32, #tpu.memory_space<vmem>>, vector<16xf32>,
      %swap3A_142 = arith.constant 97 : i32
      %swap3A_143 = arith.index_cast %swap3A_142 : i32 to index
      %swap3A_144 = arith.constant 48 : index
      %swap3A_145 = tpu.vector_load %arg15[%swap3A_143, %swap3A_144] {strides = array<i32>} : memref<104x65xf32, #tpu.memory_space<vmem>>, vector<16xf32>,
      tpu.vector_store %arg15[%swap3A_143, %swap3A_144], %get3A_141 {strides = array<i32>} : memref<104x65xf32, #tpu.memory_space<vmem>>, vector<16xf32>,
      %get3A_146 = arith.constant 97 : i32
      %get3A_147 = arith.index_cast %get3A_146 : i32 to index
      %get3A_148 = arith.constant 49 : index
      %get3A_149 = tpu.vector_load %arg13[%get3A_147, %get3A_148] {strides = array<i32>} : memref<104x128xf32, #tpu.memory_space<vmem>>, vector<16xf32>,
      %swap3A_150 = arith.constant 97 : i32
      %swap3A_151 = arith.index_cast %swap3A_150 : i32 to index
      %swap3A_152 = arith.constant 49 : index
      %swap3A_153 = tpu.vector_load %arg15[%swap3A_151, %swap3A_152] {strides = array<i32>} : memref<104x65xf32, #tpu.memory_space<vmem>>, vector<16xf32>,
      tpu.vector_store %arg15[%swap3A_151, %swap3A_152], %get3A_149 {strides = array<i32>} : memref<104x65xf32, #tpu.memory_space<vmem>>, vector<16xf32>,
      %get3A_154 = arith.constant 98 : i32
      %get3A_155 = arith.index_cast %get3A_154 : i32 to index
      %get3A_156 = arith.constant 0 : index
      %get3A_157 = tpu.vector_load %arg13[%get3A_155, %get3A_156] {strides = array<i32>} : memref<104x128xf32, #tpu.memory_space<vmem>>, vector<16xf32>,
      %swap3A_158 = arith.constant 98 : i32
      %swap3A_159 = arith.index_cast %swap3A_158 : i32 to index
      %swap3A_160 = arith.constant 0 : index
      %swap3A_161 = tpu.vector_load %arg15[%swap3A_159, %swap3A_160] {strides = array<i32>} : memref<104x65xf32, #tpu.memory_space<vmem>>, vector<16xf32>,
      tpu.vector_store %arg15[%swap3A_159, %swap3A_160], %get3A_157 {strides = array<i32>} : memref<104x65xf32, #tpu.memory_space<vmem>>, vector<16xf32>,
      %get3A_162 = arith.constant 98 : i32
      %get3A_163 = arith.index_cast %get3A_162 : i32 to index
      %get3A_164 = arith.constant 16 : index
      %get3A_165 = tpu.vector_load %arg13[%get3A_163, %get3A_164] {strides = array<i32>} : memref<104x128xf32, #tpu.memory_space<vmem>>, vector<16xf32>,
      %swap3A_166 = arith.constant 98 : i32
      %swap3A_167 = arith.index_cast %swap3A_166 : i32 to index
      %swap3A_168 = arith.constant 16 : index
      %swap3A_169 = tpu.vector_load %arg15[%swap3A_167, %swap3A_168] {strides = array<i32>} : memref<104x65xf32, #tpu.memory_space<vmem>>, vector<16xf32>,
      tpu.vector_store %arg15[%swap3A_167, %swap3A_168], %get3A_165 {strides = array<i32>} : memref<104x65xf32, #tpu.memory_space<vmem>>, vector<16xf32>,
      %get3A_170 = arith.constant 98 : i32
      %get3A_171 = arith.index_cast %get3A_170 : i32 to index
      %get3A_172 = arith.constant 32 : index
      %get3A_173 = tpu.vector_load %arg13[%get3A_171, %get3A_172] {strides = array<i32>} : memref<104x128xf32, #tpu.memory_space<vmem>>, vector<16xf32>,
      %swap3A_174 = arith.constant 98 : i32
      %swap3A_175 = arith.index_cast %swap3A_174 : i32 to index
      %swap3A_176 = arith.constant 32 : index
      %swap3A_177 = tpu.vector_load %arg15[%swap3A_175, %swap3A_176] {strides = array<i32>} : memref<104x65xf32, #tpu.memory_space<vmem>>, vector<16xf32>,
      tpu.vector_store %arg15[%swap3A_175, %swap3A_176], %get3A_173 {strides = array<i32>} : memref<104x65xf32, #tpu.memory_space<vmem>>, vector<16xf32>,
      %get3A_178 = arith.constant 98 : i32
      %get3A_179 = arith.index_cast %get3A_178 : i32 to index
      %get3A_180 = arith.constant 48 : index
      %get3A_181 = tpu.vector_load %arg13[%get3A_179, %get3A_180] {strides = array<i32>} : memref<104x128xf32, #tpu.memory_space<vmem>>, vector<16xf32>,
      %swap3A_182 = arith.constant 98 : i32
      %swap3A_183 = arith.index_cast %swap3A_182 : i32 to index
      %swap3A_184 = arith.constant 48 : index
      %swap3A_185 = tpu.vector_load %arg15[%swap3A_183, %swap3A_184] {strides = array<i32>} : memref<104x65xf32, #tpu.memory_space<vmem>>, vector<16xf32>,
      tpu.vector_store %arg15[%swap3A_183, %swap3A_184], %get3A_181 {strides = array<i32>} : memref<104x65xf32, #tpu.memory_space<vmem>>, vector<16xf32>,
      %get3A_186 = arith.constant 98 : i32
      %get3A_187 = arith.index_cast %get3A_186 : i32 to index
      %get3A_188 = arith.constant 49 : index
      %get3A_189 = tpu.vector_load %arg13[%get3A_187, %get3A_188] {strides = array<i32>} : memref<104x128xf32, #tpu.memory_space<vmem>>, vector<16xf32>,
      %swap3A_190 = arith.constant 98 : i32
      %swap3A_191 = arith.index_cast %swap3A_190 : i32 to index
      %swap3A_192 = arith.constant 49 : index
      %swap3A_193 = tpu.vector_load %arg15[%swap3A_191, %swap3A_192] {strides = array<i32>} : memref<104x65xf32, #tpu.memory_space<vmem>>, vector<16xf32>,
      tpu.vector_store %arg15[%swap3A_191, %swap3A_192], %get3A_189 {strides = array<i32>} : memref<104x65xf32, #tpu.memory_space<vmem>>, vector<16xf32>,
      %get3A_194 = arith.constant 99 : i32
      %get3A_195 = arith.index_cast %get3A_194 : i32 to index
      %get3A_196 = arith.constant 0 : index
      %get3A_197 = tpu.vector_load %arg13[%get3A_195, %get3A_196] {strides = array<i32>} : memref<104x128xf32, #tpu.memory_space<vmem>>, vector<16xf32>,
      %swap3A_198 = arith.constant 99 : i32
      %swap3A_199 = arith.index_cast %swap3A_198 : i32 to index
      %swap3A_200 = arith.constant 0 : index
      %swap3A_201 = tpu.vector_load %arg15[%swap3A_199, %swap3A_200] {strides = array<i32>} : memref<104x65xf32, #tpu.memory_space<vmem>>, vector<16xf32>,
      tpu.vector_store %arg15[%swap3A_199, %swap3A_200], %get3A_197 {strides = array<i32>} : memref<104x65xf32, #tpu.memory_space<vmem>>, vector<16xf32>,
      %get3A_202 = arith.constant 99 : i32
      %get3A_203 = arith.index_cast %get3A_202 : i32 to index
      %get3A_204 = arith.constant 16 : index
      %get3A_205 = tpu.vector_load %arg13[%get3A_203, %get3A_204] {strides = array<i32>} : memref<104x128xf32, #tpu.memory_space<vmem>>, vector<16xf32>,
      %swap3A_206 = arith.constant 99 : i32
      %swap3A_207 = arith.index_cast %swap3A_206 : i32 to index
      %swap3A_208 = arith.constant 16 : index
      %swap3A_209 = tpu.vector_load %arg15[%swap3A_207, %swap3A_208] {strides = array<i32>} : memref<104x65xf32, #tpu.memory_space<vmem>>, vector<16xf32>,
      tpu.vector_store %arg15[%swap3A_207, %swap3A_208], %get3A_205 {strides = array<i32>} : memref<104x65xf32, #tpu.memory_space<vmem>>, vector<16xf32>,
      %get3A_210 = arith.constant 99 : i32
      %get3A_211 = arith.index_cast %get3A_210 : i32 to index
      %get3A_212 = arith.constant 32 : index
      %get3A_213 = tpu.vector_load %arg13[%get3A_211, %get3A_212] {strides = array<i32>} : memref<104x128xf32, #tpu.memory_space<vmem>>, vector<16xf32>,
      %swap3A_214 = arith.constant 99 : i32
      %swap3A_215 = arith.index_cast %swap3A_214 : i32 to index
      %swap3A_216 = arith.constant 32 : index
      %swap3A_217 = tpu.vector_load %arg15[%swap3A_215, %swap3A_216] {strides = array<i32>} : memref<104x65xf32, #tpu.memory_space<vmem>>, vector<16xf32>,
      tpu.vector_store %arg15[%swap3A_215, %swap3A_216], %get3A_213 {strides = array<i32>} : memref<104x65xf32, #tpu.memory_space<vmem>>, vector<16xf32>,
      %get3A_218 = arith.constant 99 : i32
      %get3A_219 = arith.index_cast %get3A_218 : i32 to index
      %get3A_220 = arith.constant 48 : index
      %get3A_221 = tpu.vector_load %arg13[%get3A_219, %get3A_220] {strides = array<i32>} : memref<104x128xf32, #tpu.memory_space<vmem>>, vector<16xf32>,
      %swap3A_222 = arith.constant 99 : i32
      %swap3A_223 = arith.index_cast %swap3A_222 : i32 to index
      %swap3A_224 = arith.constant 48 : index
      %swap3A_225 = tpu.vector_load %arg15[%swap3A_223, %swap3A_224] {strides = array<i32>} : memref<104x65xf32, #tpu.memory_space<vmem>>, vector<16xf32>,
      tpu.vector_store %arg15[%swap3A_223, %swap3A_224], %get3A_221 {strides = array<i32>} : memref<104x65xf32, #tpu.memory_space<vmem>>, vector<16xf32>,
      %get3A_226 = arith.constant 99 : i32
      %get3A_227 = arith.index_cast %get3A_226 : i32 to index
      %get3A_228 = arith.constant 49 : index
      %get3A_229 = tpu.vector_load %arg13[%get3A_227, %get3A_228] {strides = array<i32>} : memref<104x128xf32, #tpu.memory_space<vmem>>, vector<16xf32>,
      %swap3A_230 = arith.constant 99 : i32
      %swap3A_231 = arith.index_cast %swap3A_230 : i32 to index
      %swap3A_232 = arith.constant 49 : index
      %swap3A_233 = tpu.vector_load %arg15[%swap3A_231, %swap3A_232] {strides = array<i32>} : memref<104x65xf32, #tpu.memory_space<vmem>>, vector<16xf32>,
      tpu.vector_store %arg15[%swap3A_231, %swap3A_232], %get3A_229 {strides = array<i32>} : memref<104x65xf32, #tpu.memory_space<vmem>>, vector<16xf32>,
      %get3A_234 = arith.constant 100 : i32
      %get3A_235 = arith.index_cast %get3A_234 : i32 to index
      %get3A_236 = arith.constant 0 : index
      %get3A_237 = tpu.vector_load %arg13[%get3A_235, %get3A_236] {strides = array<i32>} : memref<104x128xf32, #tpu.memory_space<vmem>>, vector<16xf32>,
      %swap3A_238 = arith.constant 100 : i32
      %swap3A_239 = arith.index_cast %swap3A_238 : i32 to index
      %swap3A_240 = arith.constant 0 : index
      %swap3A_241 = tpu.vector_load %arg15[%swap3A_239, %swap3A_240] {strides = array<i32>} : memref<104x65xf32, #tpu.memory_space<vmem>>, vector<16xf32>,
      tpu.vector_store %arg15[%swap3A_239, %swap3A_240], %get3A_237 {strides = array<i32>} : memref<104x65xf32, #tpu.memory_space<vmem>>, vector<16xf32>,
      %get3A_242 = arith.constant 100 : i32
      %get3A_243 = arith.index_cast %get3A_242 : i32 to index
      %get3A_244 = arith.constant 16 : index
      %get3A_245 = tpu.vector_load %arg13[%get3A_243, %get3A_244] {strides = array<i32>} : memref<104x128xf32, #tpu.memory_space<vmem>>, vector<16xf32>,
      %swap3A_246 = arith.constant 100 : i32
      %swap3A_247 = arith.index_cast %swap3A_246 : i32 to index
      %swap3A_248 = arith.constant 16 : index
      %swap3A_249 = tpu.vector_load %arg15[%swap3A_247, %swap3A_248] {strides = array<i32>} : memref<104x65xf32, #tpu.memory_space<vmem>>, vector<16xf32>,
      tpu.vector_store %arg15[%swap3A_247, %swap3A_248], %get3A_245 {strides = array<i32>} : memref<104x65xf32, #tpu.memory_space<vmem>>, vector<16xf32>,
      %get3A_250 = arith.constant 100 : i32
      %get3A_251 = arith.index_cast %get3A_250 : i32 to index
      %get3A_252 = arith.constant 32 : index
      %get3A_253 = tpu.vector_load %arg13[%get3A_251, %get3A_252] {strides = array<i32>} : memref<104x128xf32, #tpu.memory_space<vmem>>, vector<16xf32>,
      %swap3A_254 = arith.constant 100 : i32
      %swap3A_255 = arith.index_cast %swap3A_254 : i32 to index
      %swap3A_256 = arith.constant 32 : index
      %swap3A_257 = tpu.vector_load %arg15[%swap3A_255, %swap3A_256] {strides = array<i32>} : memref<104x65xf32, #tpu.memory_space<vmem>>, vector<16xf32>,
      tpu.vector_store %arg15[%swap3A_255, %swap3A_256], %get3A_253 {strides = array<i32>} : memref<104x65xf32, #tpu.memory_space<vmem>>, vector<16xf32>,
      %get3A_258 = arith.constant 100 : i32
      %get3A_259 = arith.index_cast %get3A_258 : i32 to index
      %get3A_260 = arith.constant 48 : index
      %get3A_261 = tpu.vector_load %arg13[%get3A_259, %get3A_260] {strides = array<i32>} : memref<104x128xf32, #tpu.memory_space<vmem>>, vector<16xf32>,
      %swap3A_262 = arith.constant 100 : i32
      %swap3A_263 = arith.index_cast %swap3A_262 : i32 to index
      %swap3A_264 = arith.constant 48 : index
      %swap3A_265 = tpu.vector_load %arg15[%swap3A_263, %swap3A_264] {strides = array<i32>} : memref<104x65xf32, #tpu.memory_space<vmem>>, vector<16xf32>,
      tpu.vector_store %arg15[%swap3A_263, %swap3A_264], %get3A_261 {strides = array<i32>} : memref<104x65xf32, #tpu.memory_space<vmem>>, vector<16xf32>,
      %get3A_266 = arith.constant 100 : i32
      %get3A_267 = arith.index_cast %get3A_266 : i32 to index
      %get3A_268 = arith.constant 49 : index
      %get3A_269 = tpu.vector_load %arg13[%get3A_267, %get3A_268] {strides = array<i32>} : memref<104x128xf32, #tpu.memory_space<vmem>>, vector<16xf32>,
      %swap3A_270 = arith.constant 100 : i32
      %swap3A_271 = arith.index_cast %swap3A_270 : i32 to index
      %swap3A_272 = arith.constant 49 : index
      %swap3A_273 = tpu.vector_load %arg15[%swap3A_271, %swap3A_272] {strides = array<i32>} : memref<104x65xf32, #tpu.memory_space<vmem>>, vector<16xf32>,
      tpu.vector_store %arg15[%swap3A_271, %swap3A_272], %get3A_269 {strides = array<i32>} : memref<104x65xf32, #tpu.memory_space<vmem>>, vector<16xf32>,
      %get3A_274 = arith.constant 101 : i32
      %get3A_275 = arith.index_cast %get3A_274 : i32 to index
      %get3A_276 = arith.constant 0 : index
      %get3A_277 = tpu.vector_load %arg13[%get3A_275, %get3A_276] {strides = array<i32>} : memref<104x128xf32, #tpu.memory_space<vmem>>, vector<16xf32>,
      %swap3A_278 = arith.constant 101 : i32
      %swap3A_279 = arith.index_cast %swap3A_278 : i32 to index
      %swap3A_280 = arith.constant 0 : index
      %swap3A_281 = tpu.vector_load %arg15[%swap3A_279, %swap3A_280] {strides = array<i32>} : memref<104x65xf32, #tpu.memory_space<vmem>>, vector<16xf32>,
      tpu.vector_store %arg15[%swap3A_279, %swap3A_280], %get3A_277 {strides = array<i32>} : memref<104x65xf32, #tpu.memory_space<vmem>>, vector<16xf32>,
      %get3A_282 = arith.constant 101 : i32
      %get3A_283 = arith.index_cast %get3A_282 : i32 to index
      %get3A_284 = arith.constant 16 : index
      %get3A_285 = tpu.vector_load %arg13[%get3A_283, %get3A_284] {strides = array<i32>} : memref<104x128xf32, #tpu.memory_space<vmem>>, vector<16xf32>,
      %swap3A_286 = arith.constant 101 : i32
      %swap3A_287 = arith.index_cast %swap3A_286 : i32 to index
      %swap3A_288 = arith.constant 16 : index
      %swap3A_289 = tpu.vector_load %arg15[%swap3A_287, %swap3A_288] {strides = array<i32>} : memref<104x65xf32, #tpu.memory_space<vmem>>, vector<16xf32>,
      tpu.vector_store %arg15[%swap3A_287, %swap3A_288], %get3A_285 {strides = array<i32>} : memref<104x65xf32, #tpu.memory_space<vmem>>, vector<16xf32>,
      %get3A_290 = arith.constant 101 : i32
      %get3A_291 = arith.index_cast %get3A_290 : i32 to index
      %get3A_292 = arith.constant 32 : index
      %get3A_293 = tpu.vector_load %arg13[%get3A_291, %get3A_292] {strides = array<i32>} : memref<104x128xf32, #tpu.memory_space<vmem>>, vector<16xf32>,
      %swap3A_294 = arith.constant 101 : i32
      %swap3A_295 = arith.index_cast %swap3A_294 : i32 to index
      %swap3A_296 = arith.constant 32 : index
      %swap3A_297 = tpu.vector_load %arg15[%swap3A_295, %swap3A_296] {strides = array<i32>} : memref<104x65xf32, #tpu.memory_space<vmem>>, vector<16xf32>,
      tpu.vector_store %arg15[%swap3A_295, %swap3A_296], %get3A_293 {strides = array<i32>} : memref<104x65xf32, #tpu.memory_space<vmem>>, vector<16xf32>,
      %get3A_298 = arith.constant 101 : i32
      %get3A_299 = arith.index_cast %get3A_298 : i32 to index
      %get3A_300 = arith.constant 48 : index
      %get3A_301 = tpu.vector_load %arg13[%get3A_299, %get3A_300] {strides = array<i32>} : memref<104x128xf32, #tpu.memory_space<vmem>>, vector<16xf32>,
      %swap3A_302 = arith.constant 101 : i32
      %swap3A_303 = arith.index_cast %swap3A_302 : i32 to index
      %swap3A_304 = arith.constant 48 : index
      %swap3A_305 = tpu.vector_load %arg15[%swap3A_303, %swap3A_304] {strides = array<i32>} : memref<104x65xf32, #tpu.memory_space<vmem>>, vector<16xf32>,
      tpu.vector_store %arg15[%swap3A_303, %swap3A_304], %get3A_301 {strides = array<i32>} : memref<104x65xf32, #tpu.memory_space<vmem>>, vector<16xf32>,
      %get3A_306 = arith.constant 101 : i32
      %get3A_307 = arith.index_cast %get3A_306 : i32 to index
      %get3A_308 = arith.constant 49 : index
      %get3A_309 = tpu.vector_load %arg13[%get3A_307, %get3A_308] {strides = array<i32>} : memref<104x128xf32, #tpu.memory_space<vmem>>, vector<16xf32>,
      %swap3A_310 = arith.constant 101 : i32
      %swap3A_311 = arith.index_cast %swap3A_310 : i32 to index
      %swap3A_312 = arith.constant 49 : index
      %swap3A_313 = tpu.vector_load %arg15[%swap3A_311, %swap3A_312] {strides = array<i32>} : memref<104x65xf32, #tpu.memory_space<vmem>>, vector<16xf32>,
      tpu.vector_store %arg15[%swap3A_311, %swap3A_312], %get3A_309 {strides = array<i32>} : memref<104x65xf32, #tpu.memory_space<vmem>>, vector<16xf32>,
      %get3A_314 = arith.constant 102 : i32
      %get3A_315 = arith.index_cast %get3A_314 : i32 to index
      %get3A_316 = arith.constant 0 : index
      %get3A_317 = tpu.vector_load %arg13[%get3A_315, %get3A_316] {strides = array<i32>} : memref<104x128xf32, #tpu.memory_space<vmem>>, vector<16xf32>,
      %swap3A_318 = arith.constant 102 : i32
      %swap3A_319 = arith.index_cast %swap3A_318 : i32 to index
      %swap3A_320 = arith.constant 0 : index
      %swap3A_321 = tpu.vector_load %arg15[%swap3A_319, %swap3A_320] {strides = array<i32>} : memref<104x65xf32, #tpu.memory_space<vmem>>, vector<16xf32>,
      tpu.vector_store %arg15[%swap3A_319, %swap3A_320], %get3A_317 {strides = array<i32>} : memref<104x65xf32, #tpu.memory_space<vmem>>, vector<16xf32>,
      %get3A_322 = arith.constant 102 : i32
      %get3A_323 = arith.index_cast %get3A_322 : i32 to index
      %get3A_324 = arith.constant 16 : index
      %get3A_325 = tpu.vector_load %arg13[%get3A_323, %get3A_324] {strides = array<i32>} : memref<104x128xf32, #tpu.memory_space<vmem>>, vector<16xf32>,
      %swap3A_326 = arith.constant 102 : i32
      %swap3A_327 = arith.index_cast %swap3A_326 : i32 to index
      %swap3A_328 = arith.constant 16 : index
      %swap3A_329 = tpu.vector_load %arg15[%swap3A_327, %swap3A_328] {strides = array<i32>} : memref<104x65xf32, #tpu.memory_space<vmem>>, vector<16xf32>,
      tpu.vector_store %arg15[%swap3A_327, %swap3A_328], %get3A_325 {strides = array<i32>} : memref<104x65xf32, #tpu.memory_space<vmem>>, vector<16xf32>,
      %get3A_330 = arith.constant 102 : i32
      %get3A_331 = arith.index_cast %get3A_330 : i32 to index
      %get3A_332 = arith.constant 32 : index
      %get3A_333 = tpu.vector_load %arg13[%get3A_331, %get3A_332] {strides = array<i32>} : memref<104x128xf32, #tpu.memory_space<vmem>>, vector<16xf32>,
      %swap3A_334 = arith.constant 102 : i32
      %swap3A_335 = arith.index_cast %swap3A_334 : i32 to index
      %swap3A_336 = arith.constant 32 : index
      %swap3A_337 = tpu.vector_load %arg15[%swap3A_335, %swap3A_336] {strides = array<i32>} : memref<104x65xf32, #tpu.memory_space<vmem>>, vector<16xf32>,
      tpu.vector_store %arg15[%swap3A_335, %swap3A_336], %get3A_333 {strides = array<i32>} : memref<104x65xf32, #tpu.memory_space<vmem>>, vector<16xf32>,
      %get3A_338 = arith.constant 102 : i32
      %get3A_339 = arith.index_cast %get3A_338 : i32 to index
      %get3A_340 = arith.constant 48 : index
      %get3A_341 = tpu.vector_load %arg13[%get3A_339, %get3A_340] {strides = array<i32>} : memref<104x128xf32, #tpu.memory_space<vmem>>, vector<16xf32>,
      %swap3A_342 = arith.constant 102 : i32
      %swap3A_343 = arith.index_cast %swap3A_342 : i32 to index
      %swap3A_344 = arith.constant 48 : index
      %swap3A_345 = tpu.vector_load %arg15[%swap3A_343, %swap3A_344] {strides = array<i32>} : memref<104x65xf32, #tpu.memory_space<vmem>>, vector<16xf32>,
      tpu.vector_store %arg15[%swap3A_343, %swap3A_344], %get3A_341 {strides = array<i32>} : memref<104x65xf32, #tpu.memory_space<vmem>>, vector<16xf32>,
      %get3A_346 = arith.constant 102 : i32
      %get3A_347 = arith.index_cast %get3A_346 : i32 to index
      %get3A_348 = arith.constant 49 : index
      %get3A_349 = tpu.vector_load %arg13[%get3A_347, %get3A_348] {strides = array<i32>} : memref<104x128xf32, #tpu.memory_space<vmem>>, vector<16xf32>,
      %swap3A_350 = arith.constant 102 : i32
      %swap3A_351 = arith.index_cast %swap3A_350 : i32 to index
      %swap3A_352 = arith.constant 49 : index
      %swap3A_353 = tpu.vector_load %arg15[%swap3A_351, %swap3A_352] {strides = array<i32>} : memref<104x65xf32, #tpu.memory_space<vmem>>, vector<16xf32>,
      tpu.vector_store %arg15[%swap3A_351, %swap3A_352], %get3A_349 {strides = array<i32>} : memref<104x65xf32, #tpu.memory_space<vmem>>, vector<16xf32>,
      %get3A_354 = arith.constant 103 : i32
      %get3A_355 = arith.index_cast %get3A_354 : i32 to index
      %get3A_356 = arith.constant 0 : index
      %get3A_357 = tpu.vector_load %arg13[%get3A_355, %get3A_356] {strides = array<i32>} : memref<104x128xf32, #tpu.memory_space<vmem>>, vector<16xf32>,
      %swap3A_358 = arith.constant 103 : i32
      %swap3A_359 = arith.index_cast %swap3A_358 : i32 to index
      %swap3A_360 = arith.constant 0 : index
      %swap3A_361 = tpu.vector_load %arg15[%swap3A_359, %swap3A_360] {strides = array<i32>} : memref<104x65xf32, #tpu.memory_space<vmem>>, vector<16xf32>,
      tpu.vector_store %arg15[%swap3A_359, %swap3A_360], %get3A_357 {strides = array<i32>} : memref<104x65xf32, #tpu.memory_space<vmem>>, vector<16xf32>,
      %get3A_362 = arith.constant 103 : i32
      %get3A_363 = arith.index_cast %get3A_362 : i32 to index
      %get3A_364 = arith.constant 16 : index
      %get3A_365 = tpu.vector_load %arg13[%get3A_363, %get3A_364] {strides = array<i32>} : memref<104x128xf32, #tpu.memory_space<vmem>>, vector<16xf32>,
      %swap3A_366 = arith.constant 103 : i32
      %swap3A_367 = arith.index_cast %swap3A_366 : i32 to index
      %swap3A_368 = arith.constant 16 : index
      %swap3A_369 = tpu.vector_load %arg15[%swap3A_367, %swap3A_368] {strides = array<i32>} : memref<104x65xf32, #tpu.memory_space<vmem>>, vector<16xf32>,
      tpu.vector_store %arg15[%swap3A_367, %swap3A_368], %get3A_365 {strides = array<i32>} : memref<104x65xf32, #tpu.memory_space<vmem>>, vector<16xf32>,
      %get3A_370 = arith.constant 103 : i32
      %get3A_371 = arith.index_cast %get3A_370 : i32 to index
      %get3A_372 = arith.constant 32 : index
      %get3A_373 = tpu.vector_load %arg13[%get3A_371, %get3A_372] {strides = array<i32>} : memref<104x128xf32, #tpu.memory_space<vmem>>, vector<16xf32>,
      %swap3A_374 = arith.constant 103 : i32
      %swap3A_375 = arith.index_cast %swap3A_374 : i32 to index
      %swap3A_376 = arith.constant 32 : index
      %swap3A_377 = tpu.vector_load %arg15[%swap3A_375, %swap3A_376] {strides = array<i32>} : memref<104x65xf32, #tpu.memory_space<vmem>>, vector<16xf32>,
      tpu.vector_store %arg15[%swap3A_375, %swap3A_376], %get3A_373 {strides = array<i32>} : memref<104x65xf32, #tpu.memory_space<vmem>>, vector<16xf32>,
      %get3A_378 = arith.constant 103 : i32
      %get3A_379 = arith.index_cast %get3A_378 : i32 to index
      %get3A_380 = arith.constant 48 : index
      %get3A_381 = tpu.vector_load %arg13[%get3A_379, %get3A_380] {strides = array<i32>} : memref<104x128xf32, #tpu.memory_space<vmem>>, vector<16xf32>,
      %swap3A_382 = arith.constant 103 : i32
      %swap3A_383 = arith.index_cast %swap3A_382 : i32 to index
      %swap3A_384 = arith.constant 48 : index
      %swap3A_385 = tpu.vector_load %arg15[%swap3A_383, %swap3A_384] {strides = array<i32>} : memref<104x65xf32, #tpu.memory_space<vmem>>, vector<16xf32>,
      tpu.vector_store %arg15[%swap3A_383, %swap3A_384], %get3A_381 {strides = array<i32>} : memref<104x65xf32, #tpu.memory_space<vmem>>, vector<16xf32>,
      %get3A_386 = arith.constant 103 : i32
      %get3A_387 = arith.index_cast %get3A_386 : i32 to index
      %get3A_388 = arith.constant 49 : index
      %get3A_389 = tpu.vector_load %arg13[%get3A_387, %get3A_388] {strides = array<i32>} : memref<104x128xf32, #tpu.memory_space<vmem>>, vector<16xf32>,
      %swap3A_390 = arith.constant 103 : i32
      %swap3A_391 = arith.index_cast %swap3A_390 : i32 to index
      %swap3A_392 = arith.constant 49 : index
      %swap3A_393 = tpu.vector_load %arg15[%swap3A_391, %swap3A_392] {strides = array<i32>} : memref<104x65xf32, #tpu.memory_space<vmem>>, vector<16xf32>,
      tpu.vector_store %arg15[%swap3A_391, %swap3A_392], %get3A_389 {strides = array<i32>} : memref<104x65xf32, #tpu.memory_space<vmem>>, vector<16xf32>,
      %add3A_394 = arith.addi %mul3A_2, %scan3A_58 : i32
      %dma_start3A_395 = arith.constant 0 : i32
      %dma_start3A_396 = arith.constant 0 : i32
      %dma_start3A_397 = tpu.memref_slice %arg6[%add3A_394, %dma_start3A_395, %dma_start3A_396] : memref<4096x200x65xf32, #tpu.memory_space<hbm>> -> memref<1x104x65xf32, #tpu.memory_space<hbm>>
      %dma_start3A_398 = tpu.memref_squeeze %dma_start3A_397 : memref<1x104x65xf32, #tpu.memory_space<hbm>> -> memref<104x65xf32, #tpu.memory_space<hbm>>
      %dma_start3A_399 = arith.constant 0 : i32
      %dma_start3A_400 = arith.constant 0 : i32
      %dma_start3A_401 = tpu.memref_slice %arg6[%add3A_394, %dma_start3A_399, %dma_start3A_400] : memref<4096x200x65xf32, #tpu.memory_space<hbm>> -> memref<1x104x65xf32, #tpu.memory_space<hbm>>
      %dma_start3A_402 = tpu.memref_squeeze %dma_start3A_401 : memref<1x104x65xf32, #tpu.memory_space<hbm>> -> memref<104x65xf32, #tpu.memory_space<hbm>>
      tpu.enqueue_dma source(%arg15 : memref<104x65xf32, #tpu.memory_space<vmem>>) target(%dma_start3A_402 : memref<104x65xf32, #tpu.memory_space<hbm>>) target_semaphore(%arg22 : memref<!tpu.dma_semaphore, #tpu.memory_space<semaphore_mem>>)
      %lt3A = arith.constant 127 : i32
      %lt3A_403 = arith.cmpi slt, %scan3A_58, %lt3A : i32
      %convert_element_type3A_404 = arith.extui %lt3A_403 : i1 to i32
      %cond3A_405 = arith.constant 0 : i32
      %cond3A_406 = arith.cmpi ne, %convert_element_type3A_404, %cond3A_405 : i32
      scf.if %cond3A_406 {
        %add3A_435 = arith.constant 1 : i32
        %add3A_436 = arith.addi %scan3A_58, %add3A_435 : i32
        %mul3A_437 = arith.constant 200 : i32
        %mul3A_438 = arith.muli %add3A_436, %mul3A_437 : i32
        %add3A_439 = arith.constant 0 : i32
        %add3A_440 = arith.addi %mul3A_438, %add3A_439 : i32
        %dma_start3A_441 = tpu.memref_slice %arg8[%add3A_440] : memref<25600xi32, #tpu.memory_space<vmem>> -> memref<104xi32, #tpu.memory_space<vmem>>
        %dma_start3A_442 = arith.constant 0 : i32
        %dma_start3A_443 = arith.constant 0 : i32
        %dma_start3A_444 = tpu.memref_slice %arg18[%dma_start3A_442, %dma_start3A_443] : memref<65x128xf32, #tpu.memory_space<vmem_shared>> -> memref<65x128xf32, #tpu.memory_space<vmem_shared>>
        tpu.enqueue_indirect_dma source(%dma_start3A_444 : memref<65x128xf32, #tpu.memory_space<vmem_shared>>) target(%arg13 : memref<104x128xf32, #tpu.memory_space<vmem>>) offsets(%dma_start3A_441 : memref<104xi32, #tpu.memory_space<vmem>>) semaphore(%arg20 : memref<!tpu.dma_semaphore, #tpu.memory_space<semaphore_mem>>)
      } else {
      }
      %mul3A_407 = arith.constant 200 : i32
      %mul3A_408 = arith.muli %scan3A_58, %mul3A_407 : i32
      %add3A_409 = arith.constant 104 : i32
      %add3A_410 = arith.addi %mul3A_408, %add3A_409 : i32
      %dma_wait3A_411 = tpu.memref_slice %arg8[%add3A_410] : memref<25600xi32, #tpu.memory_space<vmem>> -> memref<96xi32, #tpu.memory_space<vmem>>
      %dma_wait3A_412 = arith.constant 0 : i32
      %dma_wait3A_413 = arith.constant 0 : i32
      %dma_wait3A_414 = tpu.memref_slice %arg18[%dma_wait3A_412, %dma_wait3A_413] : memref<65x128xf32, #tpu.memory_space<vmem_shared>> -> memref<65x128xf32, #tpu.memory_space<vmem_shared>>
      tpu.wait_indirect_dma semaphore(%arg21 : memref<!tpu.dma_semaphore, #tpu.memory_space<semaphore_mem>>) src(%dma_wait3A_414 : memref<65x128xf32, #tpu.memory_space<vmem_shared>>) dst(%arg14 : memref<96x128xf32, #tpu.memory_space<vmem>>)
      %scan3A_415 = arith.constant 0 : i32
      %scan3A_416 = arith.constant 0 : i32
      %scan3A_417 = arith.constant 6 : i32
      %scan3A_418 = arith.addi %scan3A_416, %scan3A_417 : i32
      %scan3A_419 = arith.constant 1 : i32
      scf.for %scan3A_435 = %scan3A_416 to %scan3A_418 step %scan3A_419  : i32 {
        %mul3A_436 = arith.constant 16 : i32
        %mul3A_437 = arith.muli %scan3A_435, %mul3A_436 : i32
        %add3A_438 = arith.constant 0 : i32
        %add3A_439 = arith.addi %mul3A_437, %add3A_438 : i32
        %get3A_440 = arith.index_cast %add3A_439 : i32 to index
        %get3A_441 = arith.constant 0 : index
        %get3A_442 = tpu.vector_load %arg14[%get3A_440, %get3A_441] {strides = array<i32>} : memref<96x128xf32, #tpu.memory_space<vmem>>, vector<16xf32>,
        %add3A_443 = arith.constant 0 : i32
        %add3A_444 = arith.addi %mul3A_437, %add3A_443 : i32
        %swap3A_445 = arith.index_cast %add3A_444 : i32 to index
        %swap3A_446 = arith.constant 0 : index
        %swap3A_447 = tpu.vector_load %arg16[%swap3A_445, %swap3A_446] {strides = array<i32>} : memref<96x65xf32, #tpu.memory_space<vmem>>, vector<16xf32>,
        tpu.vector_store %arg16[%swap3A_445, %swap3A_446], %get3A_442 {strides = array<i32>} : memref<96x65xf32, #tpu.memory_space<vmem>>, vector<16xf32>,
        %add3A_448 = arith.constant 0 : i32
        %add3A_449 = arith.addi %mul3A_437, %add3A_448 : i32
        %get3A_450 = arith.index_cast %add3A_449 : i32 to index
        %get3A_451 = arith.constant 16 : index
        %get3A_452 = tpu.vector_load %arg14[%get3A_450, %get3A_451] {strides = array<i32>} : memref<96x128xf32, #tpu.memory_space<vmem>>, vector<16xf32>,
        %add3A_453 = arith.constant 0 : i32
        %add3A_454 = arith.addi %mul3A_437, %add3A_453 : i32
        %swap3A_455 = arith.index_cast %add3A_454 : i32 to index
        %swap3A_456 = arith.constant 16 : index
        %swap3A_457 = tpu.vector_load %arg16[%swap3A_455, %swap3A_456] {strides = array<i32>} : memref<96x65xf32, #tpu.memory_space<vmem>>, vector<16xf32>,
        tpu.vector_store %arg16[%swap3A_455, %swap3A_456], %get3A_452 {strides = array<i32>} : memref<96x65xf32, #tpu.memory_space<vmem>>, vector<16xf32>,
        %add3A_458 = arith.constant 0 : i32
        %add3A_459 = arith.addi %mul3A_437, %add3A_458 : i32
        %get3A_460 = arith.index_cast %add3A_459 : i32 to index
        %get3A_461 = arith.constant 32 : index
        %get3A_462 = tpu.vector_load %arg14[%get3A_460, %get3A_461] {strides = array<i32>} : memref<96x128xf32, #tpu.memory_space<vmem>>, vector<16xf32>,
        %add3A_463 = arith.constant 0 : i32
        %add3A_464 = arith.addi %mul3A_437, %add3A_463 : i32
        %swap3A_465 = arith.index_cast %add3A_464 : i32 to index
        %swap3A_466 = arith.constant 32 : index
        %swap3A_467 = tpu.vector_load %arg16[%swap3A_465, %swap3A_466] {strides = array<i32>} : memref<96x65xf32, #tpu.memory_space<vmem>>, vector<16xf32>,
        tpu.vector_store %arg16[%swap3A_465, %swap3A_466], %get3A_462 {strides = array<i32>} : memref<96x65xf32, #tpu.memory_space<vmem>>, vector<16xf32>,
        %add3A_468 = arith.constant 0 : i32
        %add3A_469 = arith.addi %mul3A_437, %add3A_468 : i32
        %get3A_470 = arith.index_cast %add3A_469 : i32 to index
        %get3A_471 = arith.constant 48 : index
        %get3A_472 = tpu.vector_load %arg14[%get3A_470, %get3A_471] {strides = array<i32>} : memref<96x128xf32, #tpu.memory_space<vmem>>, vector<16xf32>,
        %add3A_473 = arith.constant 0 : i32
        %add3A_474 = arith.addi %mul3A_437, %add3A_473 : i32
        %swap3A_475 = arith.index_cast %add3A_474 : i32 to index
        %swap3A_476 = arith.constant 48 : index
        %swap3A_477 = tpu.vector_load %arg16[%swap3A_475, %swap3A_476] {strides = array<i32>} : memref<96x65xf32, #tpu.memory_space<vmem>>, vector<16xf32>,
        tpu.vector_store %arg16[%swap3A_475, %swap3A_476], %get3A_472 {strides = array<i32>} : memref<96x65xf32, #tpu.memory_space<vmem>>, vector<16xf32>,
        %add3A_478 = arith.constant 0 : i32
        %add3A_479 = arith.addi %mul3A_437, %add3A_478 : i32
        %get3A_480 = arith.index_cast %add3A_479 : i32 to index
        %get3A_481 = arith.constant 49 : index
        %get3A_482 = tpu.vector_load %arg14[%get3A_480, %get3A_481] {strides = array<i32>} : memref<96x128xf32, #tpu.memory_space<vmem>>, vector<16xf32>,
        %add3A_483 = arith.constant 0 : i32
        %add3A_484 = arith.addi %mul3A_437, %add3A_483 : i32
        %swap3A_485 = arith.index_cast %add3A_484 : i32 to index
        %swap3A_486 = arith.constant 49 : index
        %swap3A_487 = tpu.vector_load %arg16[%swap3A_485, %swap3A_486] {strides = array<i32>} : memref<96x65xf32, #tpu.memory_space<vmem>>, vector<16xf32>,
        tpu.vector_store %arg16[%swap3A_485, %swap3A_486], %get3A_482 {strides = array<i32>} : memref<96x65xf32, #tpu.memory_space<vmem>>, vector<16xf32>,
        %add3A_488 = arith.constant 1 : i32
        %add3A_489 = arith.addi %mul3A_437, %add3A_488 : i32
        %get3A_490 = arith.index_cast %add3A_489 : i32 to index
        %get3A_491 = arith.constant 0 : index
        %get3A_492 = tpu.vector_load %arg14[%get3A_490, %get3A_491] {strides = array<i32>} : memref<96x128xf32, #tpu.memory_space<vmem>>, vector<16xf32>,
        %add3A_493 = arith.constant 1 : i32
        %add3A_494 = arith.addi %mul3A_437, %add3A_493 : i32
        %swap3A_495 = arith.index_cast %add3A_494 : i32 to index
        %swap3A_496 = arith.constant 0 : index
        %swap3A_497 = tpu.vector_load %arg16[%swap3A_495, %swap3A_496] {strides = array<i32>} : memref<96x65xf32, #tpu.memory_space<vmem>>, vector<16xf32>,
        tpu.vector_store %arg16[%swap3A_495, %swap3A_496], %get3A_492 {strides = array<i32>} : memref<96x65xf32, #tpu.memory_space<vmem>>, vector<16xf32>,
        %add3A_498 = arith.constant 1 : i32
        %add3A_499 = arith.addi %mul3A_437, %add3A_498 : i32
        %get3A_500 = arith.index_cast %add3A_499 : i32 to index
        %get3A_501 = arith.constant 16 : index
        %get3A_502 = tpu.vector_load %arg14[%get3A_500, %get3A_501] {strides = array<i32>} : memref<96x128xf32, #tpu.memory_space<vmem>>, vector<16xf32>,
        %add3A_503 = arith.constant 1 : i32
        %add3A_504 = arith.addi %mul3A_437, %add3A_503 : i32
        %swap3A_505 = arith.index_cast %add3A_504 : i32 to index
        %swap3A_506 = arith.constant 16 : index
        %swap3A_507 = tpu.vector_load %arg16[%swap3A_505, %swap3A_506] {strides = array<i32>} : memref<96x65xf32, #tpu.memory_space<vmem>>, vector<16xf32>,
        tpu.vector_store %arg16[%swap3A_505, %swap3A_506], %get3A_502 {strides = array<i32>} : memref<96x65xf32, #tpu.memory_space<vmem>>, vector<16xf32>,
        %add3A_508 = arith.constant 1 : i32
        %add3A_509 = arith.addi %mul3A_437, %add3A_508 : i32
        %get3A_510 = arith.index_cast %add3A_509 : i32 to index
        %get3A_511 = arith.constant 32 : index
        %get3A_512 = tpu.vector_load %arg14[%get3A_510, %get3A_511] {strides = array<i32>} : memref<96x128xf32, #tpu.memory_space<vmem>>, vector<16xf32>,
        %add3A_513 = arith.constant 1 : i32
        %add3A_514 = arith.addi %mul3A_437, %add3A_513 : i32
        %swap3A_515 = arith.index_cast %add3A_514 : i32 to index
        %swap3A_516 = arith.constant 32 : index
        %swap3A_517 = tpu.vector_load %arg16[%swap3A_515, %swap3A_516] {strides = array<i32>} : memref<96x65xf32, #tpu.memory_space<vmem>>, vector<16xf32>,
        tpu.vector_store %arg16[%swap3A_515, %swap3A_516], %get3A_512 {strides = array<i32>} : memref<96x65xf32, #tpu.memory_space<vmem>>, vector<16xf32>,
        %add3A_518 = arith.constant 1 : i32
        %add3A_519 = arith.addi %mul3A_437, %add3A_518 : i32
        %get3A_520 = arith.index_cast %add3A_519 : i32 to index
        %get3A_521 = arith.constant 48 : index
        %get3A_522 = tpu.vector_load %arg14[%get3A_520, %get3A_521] {strides = array<i32>} : memref<96x128xf32, #tpu.memory_space<vmem>>, vector<16xf32>,
        %add3A_523 = arith.constant 1 : i32
        %add3A_524 = arith.addi %mul3A_437, %add3A_523 : i32
        %swap3A_525 = arith.index_cast %add3A_524 : i32 to index
        %swap3A_526 = arith.constant 48 : index
        %swap3A_527 = tpu.vector_load %arg16[%swap3A_525, %swap3A_526] {strides = array<i32>} : memref<96x65xf32, #tpu.memory_space<vmem>>, vector<16xf32>,
        tpu.vector_store %arg16[%swap3A_525, %swap3A_526], %get3A_522 {strides = array<i32>} : memref<96x65xf32, #tpu.memory_space<vmem>>, vector<16xf32>,
        %add3A_528 = arith.constant 1 : i32
        %add3A_529 = arith.addi %mul3A_437, %add3A_528 : i32
        %get3A_530 = arith.index_cast %add3A_529 : i32 to index
        %get3A_531 = arith.constant 49 : index
        %get3A_532 = tpu.vector_load %arg14[%get3A_530, %get3A_531] {strides = array<i32>} : memref<96x128xf32, #tpu.memory_space<vmem>>, vector<16xf32>,
        %add3A_533 = arith.constant 1 : i32
        %add3A_534 = arith.addi %mul3A_437, %add3A_533 : i32
        %swap3A_535 = arith.index_cast %add3A_534 : i32 to index
        %swap3A_536 = arith.constant 49 : index
        %swap3A_537 = tpu.vector_load %arg16[%swap3A_535, %swap3A_536] {strides = array<i32>} : memref<96x65xf32, #tpu.memory_space<vmem>>, vector<16xf32>,
        tpu.vector_store %arg16[%swap3A_535, %swap3A_536], %get3A_532 {strides = array<i32>} : memref<96x65xf32, #tpu.memory_space<vmem>>, vector<16xf32>,
        %add3A_538 = arith.constant 2 : i32
        %add3A_539 = arith.addi %mul3A_437, %add3A_538 : i32
        %get3A_540 = arith.index_cast %add3A_539 : i32 to index
        %get3A_541 = arith.constant 0 : index
        %get3A_542 = tpu.vector_load %arg14[%get3A_540, %get3A_541] {strides = array<i32>} : memref<96x128xf32, #tpu.memory_space<vmem>>, vector<16xf32>,
        %add3A_543 = arith.constant 2 : i32
        %add3A_544 = arith.addi %mul3A_437, %add3A_543 : i32
        %swap3A_545 = arith.index_cast %add3A_544 : i32 to index
        %swap3A_546 = arith.constant 0 : index
        %swap3A_547 = tpu.vector_load %arg16[%swap3A_545, %swap3A_546] {strides = array<i32>} : memref<96x65xf32, #tpu.memory_space<vmem>>, vector<16xf32>,
        tpu.vector_store %arg16[%swap3A_545, %swap3A_546], %get3A_542 {strides = array<i32>} : memref<96x65xf32, #tpu.memory_space<vmem>>, vector<16xf32>,
        %add3A_548 = arith.constant 2 : i32
        %add3A_549 = arith.addi %mul3A_437, %add3A_548 : i32
        %get3A_550 = arith.index_cast %add3A_549 : i32 to index
        %get3A_551 = arith.constant 16 : index
        %get3A_552 = tpu.vector_load %arg14[%get3A_550, %get3A_551] {strides = array<i32>} : memref<96x128xf32, #tpu.memory_space<vmem>>, vector<16xf32>,
        %add3A_553 = arith.constant 2 : i32
        %add3A_554 = arith.addi %mul3A_437, %add3A_553 : i32
        %swap3A_555 = arith.index_cast %add3A_554 : i32 to index
        %swap3A_556 = arith.constant 16 : index
        %swap3A_557 = tpu.vector_load %arg16[%swap3A_555, %swap3A_556] {strides = array<i32>} : memref<96x65xf32, #tpu.memory_space<vmem>>, vector<16xf32>,
        tpu.vector_store %arg16[%swap3A_555, %swap3A_556], %get3A_552 {strides = array<i32>} : memref<96x65xf32, #tpu.memory_space<vmem>>, vector<16xf32>,
        %add3A_558 = arith.constant 2 : i32
        %add3A_559 = arith.addi %mul3A_437, %add3A_558 : i32
        %get3A_560 = arith.index_cast %add3A_559 : i32 to index
        %get3A_561 = arith.constant 32 : index
        %get3A_562 = tpu.vector_load %arg14[%get3A_560, %get3A_561] {strides = array<i32>} : memref<96x128xf32, #tpu.memory_space<vmem>>, vector<16xf32>,
        %add3A_563 = arith.constant 2 : i32
        %add3A_564 = arith.addi %mul3A_437, %add3A_563 : i32
        %swap3A_565 = arith.index_cast %add3A_564 : i32 to index
        %swap3A_566 = arith.constant 32 : index
        %swap3A_567 = tpu.vector_load %arg16[%swap3A_565, %swap3A_566] {strides = array<i32>} : memref<96x65xf32, #tpu.memory_space<vmem>>, vector<16xf32>,
        tpu.vector_store %arg16[%swap3A_565, %swap3A_566], %get3A_562 {strides = array<i32>} : memref<96x65xf32, #tpu.memory_space<vmem>>, vector<16xf32>,
        %add3A_568 = arith.constant 2 : i32
        %add3A_569 = arith.addi %mul3A_437, %add3A_568 : i32
        %get3A_570 = arith.index_cast %add3A_569 : i32 to index
        %get3A_571 = arith.constant 48 : index
        %get3A_572 = tpu.vector_load %arg14[%get3A_570, %get3A_571] {strides = array<i32>} : memref<96x128xf32, #tpu.memory_space<vmem>>, vector<16xf32>,
        %add3A_573 = arith.constant 2 : i32
        %add3A_574 = arith.addi %mul3A_437, %add3A_573 : i32
        %swap3A_575 = arith.index_cast %add3A_574 : i32 to index
        %swap3A_576 = arith.constant 48 : index
        %swap3A_577 = tpu.vector_load %arg16[%swap3A_575, %swap3A_576] {strides = array<i32>} : memref<96x65xf32, #tpu.memory_space<vmem>>, vector<16xf32>,
        tpu.vector_store %arg16[%swap3A_575, %swap3A_576], %get3A_572 {strides = array<i32>} : memref<96x65xf32, #tpu.memory_space<vmem>>, vector<16xf32>,
        %add3A_578 = arith.constant 2 : i32
        %add3A_579 = arith.addi %mul3A_437, %add3A_578 : i32
        %get3A_580 = arith.index_cast %add3A_579 : i32 to index
        %get3A_581 = arith.constant 49 : index
        %get3A_582 = tpu.vector_load %arg14[%get3A_580, %get3A_581] {strides = array<i32>} : memref<96x128xf32, #tpu.memory_space<vmem>>, vector<16xf32>,
        %add3A_583 = arith.constant 2 : i32
        %add3A_584 = arith.addi %mul3A_437, %add3A_583 : i32
        %swap3A_585 = arith.index_cast %add3A_584 : i32 to index
        %swap3A_586 = arith.constant 49 : index
        %swap3A_587 = tpu.vector_load %arg16[%swap3A_585, %swap3A_586] {strides = array<i32>} : memref<96x65xf32, #tpu.memory_space<vmem>>, vector<16xf32>,
        tpu.vector_store %arg16[%swap3A_585, %swap3A_586], %get3A_582 {strides = array<i32>} : memref<96x65xf32, #tpu.memory_space<vmem>>, vector<16xf32>,
        %add3A_588 = arith.constant 3 : i32
        %add3A_589 = arith.addi %mul3A_437, %add3A_588 : i32
        %get3A_590 = arith.index_cast %add3A_589 : i32 to index
        %get3A_591 = arith.constant 0 : index
        %get3A_592 = tpu.vector_load %arg14[%get3A_590, %get3A_591] {strides = array<i32>} : memref<96x128xf32, #tpu.memory_space<vmem>>, vector<16xf32>,
        %add3A_593 = arith.constant 3 : i32
        %add3A_594 = arith.addi %mul3A_437, %add3A_593 : i32
        %swap3A_595 = arith.index_cast %add3A_594 : i32 to index
        %swap3A_596 = arith.constant 0 : index
        %swap3A_597 = tpu.vector_load %arg16[%swap3A_595, %swap3A_596] {strides = array<i32>} : memref<96x65xf32, #tpu.memory_space<vmem>>, vector<16xf32>,
        tpu.vector_store %arg16[%swap3A_595, %swap3A_596], %get3A_592 {strides = array<i32>} : memref<96x65xf32, #tpu.memory_space<vmem>>, vector<16xf32>,
        %add3A_598 = arith.constant 3 : i32
        %add3A_599 = arith.addi %mul3A_437, %add3A_598 : i32
        %get3A_600 = arith.index_cast %add3A_599 : i32 to index
        %get3A_601 = arith.constant 16 : index
        %get3A_602 = tpu.vector_load %arg14[%get3A_600, %get3A_601] {strides = array<i32>} : memref<96x128xf32, #tpu.memory_space<vmem>>, vector<16xf32>,
        %add3A_603 = arith.constant 3 : i32
        %add3A_604 = arith.addi %mul3A_437, %add3A_603 : i32
        %swap3A_605 = arith.index_cast %add3A_604 : i32 to index
        %swap3A_606 = arith.constant 16 : index
        %swap3A_607 = tpu.vector_load %arg16[%swap3A_605, %swap3A_606] {strides = array<i32>} : memref<96x65xf32, #tpu.memory_space<vmem>>, vector<16xf32>,
        tpu.vector_store %arg16[%swap3A_605, %swap3A_606], %get3A_602 {strides = array<i32>} : memref<96x65xf32, #tpu.memory_space<vmem>>, vector<16xf32>,
        %add3A_608 = arith.constant 3 : i32
        %add3A_609 = arith.addi %mul3A_437, %add3A_608 : i32
        %get3A_610 = arith.index_cast %add3A_609 : i32 to index
        %get3A_611 = arith.constant 32 : index
        %get3A_612 = tpu.vector_load %arg14[%get3A_610, %get3A_611] {strides = array<i32>} : memref<96x128xf32, #tpu.memory_space<vmem>>, vector<16xf32>,
        %add3A_613 = arith.constant 3 : i32
        %add3A_614 = arith.addi %mul3A_437, %add3A_613 : i32
        %swap3A_615 = arith.index_cast %add3A_614 : i32 to index
        %swap3A_616 = arith.constant 32 : index
        %swap3A_617 = tpu.vector_load %arg16[%swap3A_615, %swap3A_616] {strides = array<i32>} : memref<96x65xf32, #tpu.memory_space<vmem>>, vector<16xf32>,
        tpu.vector_store %arg16[%swap3A_615, %swap3A_616], %get3A_612 {strides = array<i32>} : memref<96x65xf32, #tpu.memory_space<vmem>>, vector<16xf32>,
        %add3A_618 = arith.constant 3 : i32
        %add3A_619 = arith.addi %mul3A_437, %add3A_618 : i32
        %get3A_620 = arith.index_cast %add3A_619 : i32 to index
        %get3A_621 = arith.constant 48 : index
        %get3A_622 = tpu.vector_load %arg14[%get3A_620, %get3A_621] {strides = array<i32>} : memref<96x128xf32, #tpu.memory_space<vmem>>, vector<16xf32>,
        %add3A_623 = arith.constant 3 : i32
        %add3A_624 = arith.addi %mul3A_437, %add3A_623 : i32
        %swap3A_625 = arith.index_cast %add3A_624 : i32 to index
        %swap3A_626 = arith.constant 48 : index
        %swap3A_627 = tpu.vector_load %arg16[%swap3A_625, %swap3A_626] {strides = array<i32>} : memref<96x65xf32, #tpu.memory_space<vmem>>, vector<16xf32>,
        tpu.vector_store %arg16[%swap3A_625, %swap3A_626], %get3A_622 {strides = array<i32>} : memref<96x65xf32, #tpu.memory_space<vmem>>, vector<16xf32>,
        %add3A_628 = arith.constant 3 : i32
        %add3A_629 = arith.addi %mul3A_437, %add3A_628 : i32
        %get3A_630 = arith.index_cast %add3A_629 : i32 to index
        %get3A_631 = arith.constant 49 : index
        %get3A_632 = tpu.vector_load %arg14[%get3A_630, %get3A_631] {strides = array<i32>} : memref<96x128xf32, #tpu.memory_space<vmem>>, vector<16xf32>,
        %add3A_633 = arith.constant 3 : i32
        %add3A_634 = arith.addi %mul3A_437, %add3A_633 : i32
        %swap3A_635 = arith.index_cast %add3A_634 : i32 to index
        %swap3A_636 = arith.constant 49 : index
        %swap3A_637 = tpu.vector_load %arg16[%swap3A_635, %swap3A_636] {strides = array<i32>} : memref<96x65xf32, #tpu.memory_space<vmem>>, vector<16xf32>,
        tpu.vector_store %arg16[%swap3A_635, %swap3A_636], %get3A_632 {strides = array<i32>} : memref<96x65xf32, #tpu.memory_space<vmem>>, vector<16xf32>,
        %add3A_638 = arith.constant 4 : i32
        %add3A_639 = arith.addi %mul3A_437, %add3A_638 : i32
        %get3A_640 = arith.index_cast %add3A_639 : i32 to index
        %get3A_641 = arith.constant 0 : index
        %get3A_642 = tpu.vector_load %arg14[%get3A_640, %get3A_641] {strides = array<i32>} : memref<96x128xf32, #tpu.memory_space<vmem>>, vector<16xf32>,
        %add3A_643 = arith.constant 4 : i32
        %add3A_644 = arith.addi %mul3A_437, %add3A_643 : i32
        %swap3A_645 = arith.index_cast %add3A_644 : i32 to index
        %swap3A_646 = arith.constant 0 : index
        %swap3A_647 = tpu.vector_load %arg16[%swap3A_645, %swap3A_646] {strides = array<i32>} : memref<96x65xf32, #tpu.memory_space<vmem>>, vector<16xf32>,
        tpu.vector_store %arg16[%swap3A_645, %swap3A_646], %get3A_642 {strides = array<i32>} : memref<96x65xf32, #tpu.memory_space<vmem>>, vector<16xf32>,
        %add3A_648 = arith.constant 4 : i32
        %add3A_649 = arith.addi %mul3A_437, %add3A_648 : i32
        %get3A_650 = arith.index_cast %add3A_649 : i32 to index
        %get3A_651 = arith.constant 16 : index
        %get3A_652 = tpu.vector_load %arg14[%get3A_650, %get3A_651] {strides = array<i32>} : memref<96x128xf32, #tpu.memory_space<vmem>>, vector<16xf32>,
        %add3A_653 = arith.constant 4 : i32
        %add3A_654 = arith.addi %mul3A_437, %add3A_653 : i32
        %swap3A_655 = arith.index_cast %add3A_654 : i32 to index
        %swap3A_656 = arith.constant 16 : index
        %swap3A_657 = tpu.vector_load %arg16[%swap3A_655, %swap3A_656] {strides = array<i32>} : memref<96x65xf32, #tpu.memory_space<vmem>>, vector<16xf32>,
        tpu.vector_store %arg16[%swap3A_655, %swap3A_656], %get3A_652 {strides = array<i32>} : memref<96x65xf32, #tpu.memory_space<vmem>>, vector<16xf32>,
        %add3A_658 = arith.constant 4 : i32
        %add3A_659 = arith.addi %mul3A_437, %add3A_658 : i32
        %get3A_660 = arith.index_cast %add3A_659 : i32 to index
        %get3A_661 = arith.constant 32 : index
        %get3A_662 = tpu.vector_load %arg14[%get3A_660, %get3A_661] {strides = array<i32>} : memref<96x128xf32, #tpu.memory_space<vmem>>, vector<16xf32>,
        %add3A_663 = arith.constant 4 : i32
        %add3A_664 = arith.addi %mul3A_437, %add3A_663 : i32
        %swap3A_665 = arith.index_cast %add3A_664 : i32 to index
        %swap3A_666 = arith.constant 32 : index
        %swap3A_667 = tpu.vector_load %arg16[%swap3A_665, %swap3A_666] {strides = array<i32>} : memref<96x65xf32, #tpu.memory_space<vmem>>, vector<16xf32>,
        tpu.vector_store %arg16[%swap3A_665, %swap3A_666], %get3A_662 {strides = array<i32>} : memref<96x65xf32, #tpu.memory_space<vmem>>, vector<16xf32>,
        %add3A_668 = arith.constant 4 : i32
        %add3A_669 = arith.addi %mul3A_437, %add3A_668 : i32
        %get3A_670 = arith.index_cast %add3A_669 : i32 to index
        %get3A_671 = arith.constant 48 : index
        %get3A_672 = tpu.vector_load %arg14[%get3A_670, %get3A_671] {strides = array<i32>} : memref<96x128xf32, #tpu.memory_space<vmem>>, vector<16xf32>,
        %add3A_673 = arith.constant 4 : i32
        %add3A_674 = arith.addi %mul3A_437, %add3A_673 : i32
        %swap3A_675 = arith.index_cast %add3A_674 : i32 to index
        %swap3A_676 = arith.constant 48 : index
        %swap3A_677 = tpu.vector_load %arg16[%swap3A_675, %swap3A_676] {strides = array<i32>} : memref<96x65xf32, #tpu.memory_space<vmem>>, vector<16xf32>,
        tpu.vector_store %arg16[%swap3A_675, %swap3A_676], %get3A_672 {strides = array<i32>} : memref<96x65xf32, #tpu.memory_space<vmem>>, vector<16xf32>,
        %add3A_678 = arith.constant 4 : i32
        %add3A_679 = arith.addi %mul3A_437, %add3A_678 : i32
        %get3A_680 = arith.index_cast %add3A_679 : i32 to index
        %get3A_681 = arith.constant 49 : index
        %get3A_682 = tpu.vector_load %arg14[%get3A_680, %get3A_681] {strides = array<i32>} : memref<96x128xf32, #tpu.memory_space<vmem>>, vector<16xf32>,
        %add3A_683 = arith.constant 4 : i32
        %add3A_684 = arith.addi %mul3A_437, %add3A_683 : i32
        %swap3A_685 = arith.index_cast %add3A_684 : i32 to index
        %swap3A_686 = arith.constant 49 : index
        %swap3A_687 = tpu.vector_load %arg16[%swap3A_685, %swap3A_686] {strides = array<i32>} : memref<96x65xf32, #tpu.memory_space<vmem>>, vector<16xf32>,
        tpu.vector_store %arg16[%swap3A_685, %swap3A_686], %get3A_682 {strides = array<i32>} : memref<96x65xf32, #tpu.memory_space<vmem>>, vector<16xf32>,
        %add3A_688 = arith.constant 5 : i32
        %add3A_689 = arith.addi %mul3A_437, %add3A_688 : i32
        %get3A_690 = arith.index_cast %add3A_689 : i32 to index
        %get3A_691 = arith.constant 0 : index
        %get3A_692 = tpu.vector_load %arg14[%get3A_690, %get3A_691] {strides = array<i32>} : memref<96x128xf32, #tpu.memory_space<vmem>>, vector<16xf32>,
        %add3A_693 = arith.constant 5 : i32
        %add3A_694 = arith.addi %mul3A_437, %add3A_693 : i32
        %swap3A_695 = arith.index_cast %add3A_694 : i32 to index
        %swap3A_696 = arith.constant 0 : index
        %swap3A_697 = tpu.vector_load %arg16[%swap3A_695, %swap3A_696] {strides = array<i32>} : memref<96x65xf32, #tpu.memory_space<vmem>>, vector<16xf32>,
        tpu.vector_store %arg16[%swap3A_695, %swap3A_696], %get3A_692 {strides = array<i32>} : memref<96x65xf32, #tpu.memory_space<vmem>>, vector<16xf32>,
        %add3A_698 = arith.constant 5 : i32
        %add3A_699 = arith.addi %mul3A_437, %add3A_698 : i32
        %get3A_700 = arith.index_cast %add3A_699 : i32 to index
        %get3A_701 = arith.constant 16 : index
        %get3A_702 = tpu.vector_load %arg14[%get3A_700, %get3A_701] {strides = array<i32>} : memref<96x128xf32, #tpu.memory_space<vmem>>, vector<16xf32>,
        %add3A_703 = arith.constant 5 : i32
        %add3A_704 = arith.addi %mul3A_437, %add3A_703 : i32
        %swap3A_705 = arith.index_cast %add3A_704 : i32 to index
        %swap3A_706 = arith.constant 16 : index
        %swap3A_707 = tpu.vector_load %arg16[%swap3A_705, %swap3A_706] {strides = array<i32>} : memref<96x65xf32, #tpu.memory_space<vmem>>, vector<16xf32>,
        tpu.vector_store %arg16[%swap3A_705, %swap3A_706], %get3A_702 {strides = array<i32>} : memref<96x65xf32, #tpu.memory_space<vmem>>, vector<16xf32>,
        %add3A_708 = arith.constant 5 : i32
        %add3A_709 = arith.addi %mul3A_437, %add3A_708 : i32
        %get3A_710 = arith.index_cast %add3A_709 : i32 to index
        %get3A_711 = arith.constant 32 : index
        %get3A_712 = tpu.vector_load %arg14[%get3A_710, %get3A_711] {strides = array<i32>} : memref<96x128xf32, #tpu.memory_space<vmem>>, vector<16xf32>,
        %add3A_713 = arith.constant 5 : i32
        %add3A_714 = arith.addi %mul3A_437, %add3A_713 : i32
        %swap3A_715 = arith.index_cast %add3A_714 : i32 to index
        %swap3A_716 = arith.constant 32 : index
        %swap3A_717 = tpu.vector_load %arg16[%swap3A_715, %swap3A_716] {strides = array<i32>} : memref<96x65xf32, #tpu.memory_space<vmem>>, vector<16xf32>,
        tpu.vector_store %arg16[%swap3A_715, %swap3A_716], %get3A_712 {strides = array<i32>} : memref<96x65xf32, #tpu.memory_space<vmem>>, vector<16xf32>,
        %add3A_718 = arith.constant 5 : i32
        %add3A_719 = arith.addi %mul3A_437, %add3A_718 : i32
        %get3A_720 = arith.index_cast %add3A_719 : i32 to index
        %get3A_721 = arith.constant 48 : index
        %get3A_722 = tpu.vector_load %arg14[%get3A_720, %get3A_721] {strides = array<i32>} : memref<96x128xf32, #tpu.memory_space<vmem>>, vector<16xf32>,
        %add3A_723 = arith.constant 5 : i32
        %add3A_724 = arith.addi %mul3A_437, %add3A_723 : i32
        %swap3A_725 = arith.index_cast %add3A_724 : i32 to index
        %swap3A_726 = arith.constant 48 : index
        %swap3A_727 = tpu.vector_load %arg16[%swap3A_725, %swap3A_726] {strides = array<i32>} : memref<96x65xf32, #tpu.memory_space<vmem>>, vector<16xf32>,
        tpu.vector_store %arg16[%swap3A_725, %swap3A_726], %get3A_722 {strides = array<i32>} : memref<96x65xf32, #tpu.memory_space<vmem>>, vector<16xf32>,
        %add3A_728 = arith.constant 5 : i32
        %add3A_729 = arith.addi %mul3A_437, %add3A_728 : i32
        %get3A_730 = arith.index_cast %add3A_729 : i32 to index
        %get3A_731 = arith.constant 49 : index
        %get3A_732 = tpu.vector_load %arg14[%get3A_730, %get3A_731] {strides = array<i32>} : memref<96x128xf32, #tpu.memory_space<vmem>>, vector<16xf32>,
        %add3A_733 = arith.constant 5 : i32
        %add3A_734 = arith.addi %mul3A_437, %add3A_733 : i32
        %swap3A_735 = arith.index_cast %add3A_734 : i32 to index
        %swap3A_736 = arith.constant 49 : index
        %swap3A_737 = tpu.vector_load %arg16[%swap3A_735, %swap3A_736] {strides = array<i32>} : memref<96x65xf32, #tpu.memory_space<vmem>>, vector<16xf32>,
        tpu.vector_store %arg16[%swap3A_735, %swap3A_736], %get3A_732 {strides = array<i32>} : memref<96x65xf32, #tpu.memory_space<vmem>>, vector<16xf32>,
        %add3A_738 = arith.constant 6 : i32
        %add3A_739 = arith.addi %mul3A_437, %add3A_738 : i32
        %get3A_740 = arith.index_cast %add3A_739 : i32 to index
        %get3A_741 = arith.constant 0 : index
        %get3A_742 = tpu.vector_load %arg14[%get3A_740, %get3A_741] {strides = array<i32>} : memref<96x128xf32, #tpu.memory_space<vmem>>, vector<16xf32>,
        %add3A_743 = arith.constant 6 : i32
        %add3A_744 = arith.addi %mul3A_437, %add3A_743 : i32
        %swap3A_745 = arith.index_cast %add3A_744 : i32 to index
        %swap3A_746 = arith.constant 0 : index
        %swap3A_747 = tpu.vector_load %arg16[%swap3A_745, %swap3A_746] {strides = array<i32>} : memref<96x65xf32, #tpu.memory_space<vmem>>, vector<16xf32>,
        tpu.vector_store %arg16[%swap3A_745, %swap3A_746], %get3A_742 {strides = array<i32>} : memref<96x65xf32, #tpu.memory_space<vmem>>, vector<16xf32>,
        %add3A_748 = arith.constant 6 : i32
        %add3A_749 = arith.addi %mul3A_437, %add3A_748 : i32
        %get3A_750 = arith.index_cast %add3A_749 : i32 to index
        %get3A_751 = arith.constant 16 : index
        %get3A_752 = tpu.vector_load %arg14[%get3A_750, %get3A_751] {strides = array<i32>} : memref<96x128xf32, #tpu.memory_space<vmem>>, vector<16xf32>,
        %add3A_753 = arith.constant 6 : i32
        %add3A_754 = arith.addi %mul3A_437, %add3A_753 : i32
        %swap3A_755 = arith.index_cast %add3A_754 : i32 to index
        %swap3A_756 = arith.constant 16 : index
        %swap3A_757 = tpu.vector_load %arg16[%swap3A_755, %swap3A_756] {strides = array<i32>} : memref<96x65xf32, #tpu.memory_space<vmem>>, vector<16xf32>,
        tpu.vector_store %arg16[%swap3A_755, %swap3A_756], %get3A_752 {strides = array<i32>} : memref<96x65xf32, #tpu.memory_space<vmem>>, vector<16xf32>,
        %add3A_758 = arith.constant 6 : i32
        %add3A_759 = arith.addi %mul3A_437, %add3A_758 : i32
        %get3A_760 = arith.index_cast %add3A_759 : i32 to index
        %get3A_761 = arith.constant 32 : index
        %get3A_762 = tpu.vector_load %arg14[%get3A_760, %get3A_761] {strides = array<i32>} : memref<96x128xf32, #tpu.memory_space<vmem>>, vector<16xf32>,
        %add3A_763 = arith.constant 6 : i32
        %add3A_764 = arith.addi %mul3A_437, %add3A_763 : i32
        %swap3A_765 = arith.index_cast %add3A_764 : i32 to index
        %swap3A_766 = arith.constant 32 : index
        %swap3A_767 = tpu.vector_load %arg16[%swap3A_765, %swap3A_766] {strides = array<i32>} : memref<96x65xf32, #tpu.memory_space<vmem>>, vector<16xf32>,
        tpu.vector_store %arg16[%swap3A_765, %swap3A_766], %get3A_762 {strides = array<i32>} : memref<96x65xf32, #tpu.memory_space<vmem>>, vector<16xf32>,
        %add3A_768 = arith.constant 6 : i32
        %add3A_769 = arith.addi %mul3A_437, %add3A_768 : i32
        %get3A_770 = arith.index_cast %add3A_769 : i32 to index
        %get3A_771 = arith.constant 48 : index
        %get3A_772 = tpu.vector_load %arg14[%get3A_770, %get3A_771] {strides = array<i32>} : memref<96x128xf32, #tpu.memory_space<vmem>>, vector<16xf32>,
        %add3A_773 = arith.constant 6 : i32
        %add3A_774 = arith.addi %mul3A_437, %add3A_773 : i32
        %swap3A_775 = arith.index_cast %add3A_774 : i32 to index
        %swap3A_776 = arith.constant 48 : index
        %swap3A_777 = tpu.vector_load %arg16[%swap3A_775, %swap3A_776] {strides = array<i32>} : memref<96x65xf32, #tpu.memory_space<vmem>>, vector<16xf32>,
        tpu.vector_store %arg16[%swap3A_775, %swap3A_776], %get3A_772 {strides = array<i32>} : memref<96x65xf32, #tpu.memory_space<vmem>>, vector<16xf32>,
        %add3A_778 = arith.constant 6 : i32
        %add3A_779 = arith.addi %mul3A_437, %add3A_778 : i32
        %get3A_780 = arith.index_cast %add3A_779 : i32 to index
        %get3A_781 = arith.constant 49 : index
        %get3A_782 = tpu.vector_load %arg14[%get3A_780, %get3A_781] {strides = array<i32>} : memref<96x128xf32, #tpu.memory_space<vmem>>, vector<16xf32>,
        %add3A_783 = arith.constant 6 : i32
        %add3A_784 = arith.addi %mul3A_437, %add3A_783 : i32
        %swap3A_785 = arith.index_cast %add3A_784 : i32 to index
        %swap3A_786 = arith.constant 49 : index
        %swap3A_787 = tpu.vector_load %arg16[%swap3A_785, %swap3A_786] {strides = array<i32>} : memref<96x65xf32, #tpu.memory_space<vmem>>, vector<16xf32>,
        tpu.vector_store %arg16[%swap3A_785, %swap3A_786], %get3A_782 {strides = array<i32>} : memref<96x65xf32, #tpu.memory_space<vmem>>, vector<16xf32>,
        %add3A_788 = arith.constant 7 : i32
        %add3A_789 = arith.addi %mul3A_437, %add3A_788 : i32
        %get3A_790 = arith.index_cast %add3A_789 : i32 to index
        %get3A_791 = arith.constant 0 : index
        %get3A_792 = tpu.vector_load %arg14[%get3A_790, %get3A_791] {strides = array<i32>} : memref<96x128xf32, #tpu.memory_space<vmem>>, vector<16xf32>,
        %add3A_793 = arith.constant 7 : i32
        %add3A_794 = arith.addi %mul3A_437, %add3A_793 : i32
        %swap3A_795 = arith.index_cast %add3A_794 : i32 to index
        %swap3A_796 = arith.constant 0 : index
        %swap3A_797 = tpu.vector_load %arg16[%swap3A_795, %swap3A_796] {strides = array<i32>} : memref<96x65xf32, #tpu.memory_space<vmem>>, vector<16xf32>,
        tpu.vector_store %arg16[%swap3A_795, %swap3A_796], %get3A_792 {strides = array<i32>} : memref<96x65xf32, #tpu.memory_space<vmem>>, vector<16xf32>,
        %add3A_798 = arith.constant 7 : i32
        %add3A_799 = arith.addi %mul3A_437, %add3A_798 : i32
        %get3A_800 = arith.index_cast %add3A_799 : i32 to index
        %get3A_801 = arith.constant 16 : index
        %get3A_802 = tpu.vector_load %arg14[%get3A_800, %get3A_801] {strides = array<i32>} : memref<96x128xf32, #tpu.memory_space<vmem>>, vector<16xf32>,
        %add3A_803 = arith.constant 7 : i32
        %add3A_804 = arith.addi %mul3A_437, %add3A_803 : i32
        %swap3A_805 = arith.index_cast %add3A_804 : i32 to index
        %swap3A_806 = arith.constant 16 : index
        %swap3A_807 = tpu.vector_load %arg16[%swap3A_805, %swap3A_806] {strides = array<i32>} : memref<96x65xf32, #tpu.memory_space<vmem>>, vector<16xf32>,
        tpu.vector_store %arg16[%swap3A_805, %swap3A_806], %get3A_802 {strides = array<i32>} : memref<96x65xf32, #tpu.memory_space<vmem>>, vector<16xf32>,
        %add3A_808 = arith.constant 7 : i32
        %add3A_809 = arith.addi %mul3A_437, %add3A_808 : i32
        %get3A_810 = arith.index_cast %add3A_809 : i32 to index
        %get3A_811 = arith.constant 32 : index
        %get3A_812 = tpu.vector_load %arg14[%get3A_810, %get3A_811] {strides = array<i32>} : memref<96x128xf32, #tpu.memory_space<vmem>>, vector<16xf32>,
        %add3A_813 = arith.constant 7 : i32
        %add3A_814 = arith.addi %mul3A_437, %add3A_813 : i32
        %swap3A_815 = arith.index_cast %add3A_814 : i32 to index
        %swap3A_816 = arith.constant 32 : index
        %swap3A_817 = tpu.vector_load %arg16[%swap3A_815, %swap3A_816] {strides = array<i32>} : memref<96x65xf32, #tpu.memory_space<vmem>>, vector<16xf32>,
        tpu.vector_store %arg16[%swap3A_815, %swap3A_816], %get3A_812 {strides = array<i32>} : memref<96x65xf32, #tpu.memory_space<vmem>>, vector<16xf32>,
        %add3A_818 = arith.constant 7 : i32
        %add3A_819 = arith.addi %mul3A_437, %add3A_818 : i32
        %get3A_820 = arith.index_cast %add3A_819 : i32 to index
        %get3A_821 = arith.constant 48 : index
        %get3A_822 = tpu.vector_load %arg14[%get3A_820, %get3A_821] {strides = array<i32>} : memref<96x128xf32, #tpu.memory_space<vmem>>, vector<16xf32>,
        %add3A_823 = arith.constant 7 : i32
        %add3A_824 = arith.addi %mul3A_437, %add3A_823 : i32
        %swap3A_825 = arith.index_cast %add3A_824 : i32 to index
        %swap3A_826 = arith.constant 48 : index
        %swap3A_827 = tpu.vector_load %arg16[%swap3A_825, %swap3A_826] {strides = array<i32>} : memref<96x65xf32, #tpu.memory_space<vmem>>, vector<16xf32>,
        tpu.vector_store %arg16[%swap3A_825, %swap3A_826], %get3A_822 {strides = array<i32>} : memref<96x65xf32, #tpu.memory_space<vmem>>, vector<16xf32>,
        %add3A_828 = arith.constant 7 : i32
        %add3A_829 = arith.addi %mul3A_437, %add3A_828 : i32
        %get3A_830 = arith.index_cast %add3A_829 : i32 to index
        %get3A_831 = arith.constant 49 : index
        %get3A_832 = tpu.vector_load %arg14[%get3A_830, %get3A_831] {strides = array<i32>} : memref<96x128xf32, #tpu.memory_space<vmem>>, vector<16xf32>,
        %add3A_833 = arith.constant 7 : i32
        %add3A_834 = arith.addi %mul3A_437, %add3A_833 : i32
        %swap3A_835 = arith.index_cast %add3A_834 : i32 to index
        %swap3A_836 = arith.constant 49 : index
        %swap3A_837 = tpu.vector_load %arg16[%swap3A_835, %swap3A_836] {strides = array<i32>} : memref<96x65xf32, #tpu.memory_space<vmem>>, vector<16xf32>,
        tpu.vector_store %arg16[%swap3A_835, %swap3A_836], %get3A_832 {strides = array<i32>} : memref<96x65xf32, #tpu.memory_space<vmem>>, vector<16xf32>,
        %add3A_838 = arith.constant 8 : i32
        %add3A_839 = arith.addi %mul3A_437, %add3A_838 : i32
        %get3A_840 = arith.index_cast %add3A_839 : i32 to index
        %get3A_841 = arith.constant 0 : index
        %get3A_842 = tpu.vector_load %arg14[%get3A_840, %get3A_841] {strides = array<i32>} : memref<96x128xf32, #tpu.memory_space<vmem>>, vector<16xf32>,
        %add3A_843 = arith.constant 8 : i32
        %add3A_844 = arith.addi %mul3A_437, %add3A_843 : i32
        %swap3A_845 = arith.index_cast %add3A_844 : i32 to index
        %swap3A_846 = arith.constant 0 : index
        %swap3A_847 = tpu.vector_load %arg16[%swap3A_845, %swap3A_846] {strides = array<i32>} : memref<96x65xf32, #tpu.memory_space<vmem>>, vector<16xf32>,
        tpu.vector_store %arg16[%swap3A_845, %swap3A_846], %get3A_842 {strides = array<i32>} : memref<96x65xf32, #tpu.memory_space<vmem>>, vector<16xf32>,
        %add3A_848 = arith.constant 8 : i32
        %add3A_849 = arith.addi %mul3A_437, %add3A_848 : i32
        %get3A_850 = arith.index_cast %add3A_849 : i32 to index
        %get3A_851 = arith.constant 16 : index
        %get3A_852 = tpu.vector_load %arg14[%get3A_850, %get3A_851] {strides = array<i32>} : memref<96x128xf32, #tpu.memory_space<vmem>>, vector<16xf32>,
        %add3A_853 = arith.constant 8 : i32
        %add3A_854 = arith.addi %mul3A_437, %add3A_853 : i32
        %swap3A_855 = arith.index_cast %add3A_854 : i32 to index
        %swap3A_856 = arith.constant 16 : index
        %swap3A_857 = tpu.vector_load %arg16[%swap3A_855, %swap3A_856] {strides = array<i32>} : memref<96x65xf32, #tpu.memory_space<vmem>>, vector<16xf32>,
        tpu.vector_store %arg16[%swap3A_855, %swap3A_856], %get3A_852 {strides = array<i32>} : memref<96x65xf32, #tpu.memory_space<vmem>>, vector<16xf32>,
        %add3A_858 = arith.constant 8 : i32
        %add3A_859 = arith.addi %mul3A_437, %add3A_858 : i32
        %get3A_860 = arith.index_cast %add3A_859 : i32 to index
        %get3A_861 = arith.constant 32 : index
        %get3A_862 = tpu.vector_load %arg14[%get3A_860, %get3A_861] {strides = array<i32>} : memref<96x128xf32, #tpu.memory_space<vmem>>, vector<16xf32>,
        %add3A_863 = arith.constant 8 : i32
        %add3A_864 = arith.addi %mul3A_437, %add3A_863 : i32
        %swap3A_865 = arith.index_cast %add3A_864 : i32 to index
        %swap3A_866 = arith.constant 32 : index
        %swap3A_867 = tpu.vector_load %arg16[%swap3A_865, %swap3A_866] {strides = array<i32>} : memref<96x65xf32, #tpu.memory_space<vmem>>, vector<16xf32>,
        tpu.vector_store %arg16[%swap3A_865, %swap3A_866], %get3A_862 {strides = array<i32>} : memref<96x65xf32, #tpu.memory_space<vmem>>, vector<16xf32>,
        %add3A_868 = arith.constant 8 : i32
        %add3A_869 = arith.addi %mul3A_437, %add3A_868 : i32
        %get3A_870 = arith.index_cast %add3A_869 : i32 to index
        %get3A_871 = arith.constant 48 : index
        %get3A_872 = tpu.vector_load %arg14[%get3A_870, %get3A_871] {strides = array<i32>} : memref<96x128xf32, #tpu.memory_space<vmem>>, vector<16xf32>,
        %add3A_873 = arith.constant 8 : i32
        %add3A_874 = arith.addi %mul3A_437, %add3A_873 : i32
        %swap3A_875 = arith.index_cast %add3A_874 : i32 to index
        %swap3A_876 = arith.constant 48 : index
        %swap3A_877 = tpu.vector_load %arg16[%swap3A_875, %swap3A_876] {strides = array<i32>} : memref<96x65xf32, #tpu.memory_space<vmem>>, vector<16xf32>,
        tpu.vector_store %arg16[%swap3A_875, %swap3A_876], %get3A_872 {strides = array<i32>} : memref<96x65xf32, #tpu.memory_space<vmem>>, vector<16xf32>,
        %add3A_878 = arith.constant 8 : i32
        %add3A_879 = arith.addi %mul3A_437, %add3A_878 : i32
        %get3A_880 = arith.index_cast %add3A_879 : i32 to index
        %get3A_881 = arith.constant 49 : index
        %get3A_882 = tpu.vector_load %arg14[%get3A_880, %get3A_881] {strides = array<i32>} : memref<96x128xf32, #tpu.memory_space<vmem>>, vector<16xf32>,
        %add3A_883 = arith.constant 8 : i32
        %add3A_884 = arith.addi %mul3A_437, %add3A_883 : i32
        %swap3A_885 = arith.index_cast %add3A_884 : i32 to index
        %swap3A_886 = arith.constant 49 : index
        %swap3A_887 = tpu.vector_load %arg16[%swap3A_885, %swap3A_886] {strides = array<i32>} : memref<96x65xf32, #tpu.memory_space<vmem>>, vector<16xf32>,
        tpu.vector_store %arg16[%swap3A_885, %swap3A_886], %get3A_882 {strides = array<i32>} : memref<96x65xf32, #tpu.memory_space<vmem>>, vector<16xf32>,
        %add3A_888 = arith.constant 9 : i32
        %add3A_889 = arith.addi %mul3A_437, %add3A_888 : i32
        %get3A_890 = arith.index_cast %add3A_889 : i32 to index
        %get3A_891 = arith.constant 0 : index
        %get3A_892 = tpu.vector_load %arg14[%get3A_890, %get3A_891] {strides = array<i32>} : memref<96x128xf32, #tpu.memory_space<vmem>>, vector<16xf32>,
        %add3A_893 = arith.constant 9 : i32
        %add3A_894 = arith.addi %mul3A_437, %add3A_893 : i32
        %swap3A_895 = arith.index_cast %add3A_894 : i32 to index
        %swap3A_896 = arith.constant 0 : index
        %swap3A_897 = tpu.vector_load %arg16[%swap3A_895, %swap3A_896] {strides = array<i32>} : memref<96x65xf32, #tpu.memory_space<vmem>>, vector<16xf32>,
        tpu.vector_store %arg16[%swap3A_895, %swap3A_896], %get3A_892 {strides = array<i32>} : memref<96x65xf32, #tpu.memory_space<vmem>>, vector<16xf32>,
        %add3A_898 = arith.constant 9 : i32
        %add3A_899 = arith.addi %mul3A_437, %add3A_898 : i32
        %get3A_900 = arith.index_cast %add3A_899 : i32 to index
        %get3A_901 = arith.constant 16 : index
        %get3A_902 = tpu.vector_load %arg14[%get3A_900, %get3A_901] {strides = array<i32>} : memref<96x128xf32, #tpu.memory_space<vmem>>, vector<16xf32>,
        %add3A_903 = arith.constant 9 : i32
        %add3A_904 = arith.addi %mul3A_437, %add3A_903 : i32
        %swap3A_905 = arith.index_cast %add3A_904 : i32 to index
        %swap3A_906 = arith.constant 16 : index
        %swap3A_907 = tpu.vector_load %arg16[%swap3A_905, %swap3A_906] {strides = array<i32>} : memref<96x65xf32, #tpu.memory_space<vmem>>, vector<16xf32>,
        tpu.vector_store %arg16[%swap3A_905, %swap3A_906], %get3A_902 {strides = array<i32>} : memref<96x65xf32, #tpu.memory_space<vmem>>, vector<16xf32>,
        %add3A_908 = arith.constant 9 : i32
        %add3A_909 = arith.addi %mul3A_437, %add3A_908 : i32
        %get3A_910 = arith.index_cast %add3A_909 : i32 to index
        %get3A_911 = arith.constant 32 : index
        %get3A_912 = tpu.vector_load %arg14[%get3A_910, %get3A_911] {strides = array<i32>} : memref<96x128xf32, #tpu.memory_space<vmem>>, vector<16xf32>,
        %add3A_913 = arith.constant 9 : i32
        %add3A_914 = arith.addi %mul3A_437, %add3A_913 : i32
        %swap3A_915 = arith.index_cast %add3A_914 : i32 to index
        %swap3A_916 = arith.constant 32 : index
        %swap3A_917 = tpu.vector_load %arg16[%swap3A_915, %swap3A_916] {strides = array<i32>} : memref<96x65xf32, #tpu.memory_space<vmem>>, vector<16xf32>,
        tpu.vector_store %arg16[%swap3A_915, %swap3A_916], %get3A_912 {strides = array<i32>} : memref<96x65xf32, #tpu.memory_space<vmem>>, vector<16xf32>,
        %add3A_918 = arith.constant 9 : i32
        %add3A_919 = arith.addi %mul3A_437, %add3A_918 : i32
        %get3A_920 = arith.index_cast %add3A_919 : i32 to index
        %get3A_921 = arith.constant 48 : index
        %get3A_922 = tpu.vector_load %arg14[%get3A_920, %get3A_921] {strides = array<i32>} : memref<96x128xf32, #tpu.memory_space<vmem>>, vector<16xf32>,
        %add3A_923 = arith.constant 9 : i32
        %add3A_924 = arith.addi %mul3A_437, %add3A_923 : i32
        %swap3A_925 = arith.index_cast %add3A_924 : i32 to index
        %swap3A_926 = arith.constant 48 : index
        %swap3A_927 = tpu.vector_load %arg16[%swap3A_925, %swap3A_926] {strides = array<i32>} : memref<96x65xf32, #tpu.memory_space<vmem>>, vector<16xf32>,
        tpu.vector_store %arg16[%swap3A_925, %swap3A_926], %get3A_922 {strides = array<i32>} : memref<96x65xf32, #tpu.memory_space<vmem>>, vector<16xf32>,
        %add3A_928 = arith.constant 9 : i32
        %add3A_929 = arith.addi %mul3A_437, %add3A_928 : i32
        %get3A_930 = arith.index_cast %add3A_929 : i32 to index
        %get3A_931 = arith.constant 49 : index
        %get3A_932 = tpu.vector_load %arg14[%get3A_930, %get3A_931] {strides = array<i32>} : memref<96x128xf32, #tpu.memory_space<vmem>>, vector<16xf32>,
        %add3A_933 = arith.constant 9 : i32
        %add3A_934 = arith.addi %mul3A_437, %add3A_933 : i32
        %swap3A_935 = arith.index_cast %add3A_934 : i32 to index
        %swap3A_936 = arith.constant 49 : index
        %swap3A_937 = tpu.vector_load %arg16[%swap3A_935, %swap3A_936] {strides = array<i32>} : memref<96x65xf32, #tpu.memory_space<vmem>>, vector<16xf32>,
        tpu.vector_store %arg16[%swap3A_935, %swap3A_936], %get3A_932 {strides = array<i32>} : memref<96x65xf32, #tpu.memory_space<vmem>>, vector<16xf32>,
        %add3A_938 = arith.constant 10 : i32
        %add3A_939 = arith.addi %mul3A_437, %add3A_938 : i32
        %get3A_940 = arith.index_cast %add3A_939 : i32 to index
        %get3A_941 = arith.constant 0 : index
        %get3A_942 = tpu.vector_load %arg14[%get3A_940, %get3A_941] {strides = array<i32>} : memref<96x128xf32, #tpu.memory_space<vmem>>, vector<16xf32>,
        %add3A_943 = arith.constant 10 : i32
        %add3A_944 = arith.addi %mul3A_437, %add3A_943 : i32
        %swap3A_945 = arith.index_cast %add3A_944 : i32 to index
        %swap3A_946 = arith.constant 0 : index
        %swap3A_947 = tpu.vector_load %arg16[%swap3A_945, %swap3A_946] {strides = array<i32>} : memref<96x65xf32, #tpu.memory_space<vmem>>, vector<16xf32>,
        tpu.vector_store %arg16[%swap3A_945, %swap3A_946], %get3A_942 {strides = array<i32>} : memref<96x65xf32, #tpu.memory_space<vmem>>, vector<16xf32>,
        %add3A_948 = arith.constant 10 : i32
        %add3A_949 = arith.addi %mul3A_437, %add3A_948 : i32
        %get3A_950 = arith.index_cast %add3A_949 : i32 to index
        %get3A_951 = arith.constant 16 : index
        %get3A_952 = tpu.vector_load %arg14[%get3A_950, %get3A_951] {strides = array<i32>} : memref<96x128xf32, #tpu.memory_space<vmem>>, vector<16xf32>,
        %add3A_953 = arith.constant 10 : i32
        %add3A_954 = arith.addi %mul3A_437, %add3A_953 : i32
        %swap3A_955 = arith.index_cast %add3A_954 : i32 to index
        %swap3A_956 = arith.constant 16 : index
        %swap3A_957 = tpu.vector_load %arg16[%swap3A_955, %swap3A_956] {strides = array<i32>} : memref<96x65xf32, #tpu.memory_space<vmem>>, vector<16xf32>,
        tpu.vector_store %arg16[%swap3A_955, %swap3A_956], %get3A_952 {strides = array<i32>} : memref<96x65xf32, #tpu.memory_space<vmem>>, vector<16xf32>,
        %add3A_958 = arith.constant 10 : i32
        %add3A_959 = arith.addi %mul3A_437, %add3A_958 : i32
        %get3A_960 = arith.index_cast %add3A_959 : i32 to index
        %get3A_961 = arith.constant 32 : index
        %get3A_962 = tpu.vector_load %arg14[%get3A_960, %get3A_961] {strides = array<i32>} : memref<96x128xf32, #tpu.memory_space<vmem>>, vector<16xf32>,
        %add3A_963 = arith.constant 10 : i32
        %add3A_964 = arith.addi %mul3A_437, %add3A_963 : i32
        %swap3A_965 = arith.index_cast %add3A_964 : i32 to index
        %swap3A_966 = arith.constant 32 : index
        %swap3A_967 = tpu.vector_load %arg16[%swap3A_965, %swap3A_966] {strides = array<i32>} : memref<96x65xf32, #tpu.memory_space<vmem>>, vector<16xf32>,
        tpu.vector_store %arg16[%swap3A_965, %swap3A_966], %get3A_962 {strides = array<i32>} : memref<96x65xf32, #tpu.memory_space<vmem>>, vector<16xf32>,
        %add3A_968 = arith.constant 10 : i32
        %add3A_969 = arith.addi %mul3A_437, %add3A_968 : i32
        %get3A_970 = arith.index_cast %add3A_969 : i32 to index
        %get3A_971 = arith.constant 48 : index
        %get3A_972 = tpu.vector_load %arg14[%get3A_970, %get3A_971] {strides = array<i32>} : memref<96x128xf32, #tpu.memory_space<vmem>>, vector<16xf32>,
        %add3A_973 = arith.constant 10 : i32
        %add3A_974 = arith.addi %mul3A_437, %add3A_973 : i32
        %swap3A_975 = arith.index_cast %add3A_974 : i32 to index
        %swap3A_976 = arith.constant 48 : index
        %swap3A_977 = tpu.vector_load %arg16[%swap3A_975, %swap3A_976] {strides = array<i32>} : memref<96x65xf32, #tpu.memory_space<vmem>>, vector<16xf32>,
        tpu.vector_store %arg16[%swap3A_975, %swap3A_976], %get3A_972 {strides = array<i32>} : memref<96x65xf32, #tpu.memory_space<vmem>>, vector<16xf32>,
        %add3A_978 = arith.constant 10 : i32
        %add3A_979 = arith.addi %mul3A_437, %add3A_978 : i32
        %get3A_980 = arith.index_cast %add3A_979 : i32 to index
        %get3A_981 = arith.constant 49 : index
        %get3A_982 = tpu.vector_load %arg14[%get3A_980, %get3A_981] {strides = array<i32>} : memref<96x128xf32, #tpu.memory_space<vmem>>, vector<16xf32>,
        %add3A_983 = arith.constant 10 : i32
        %add3A_984 = arith.addi %mul3A_437, %add3A_983 : i32
        %swap3A_985 = arith.index_cast %add3A_984 : i32 to index
        %swap3A_986 = arith.constant 49 : index
        %swap3A_987 = tpu.vector_load %arg16[%swap3A_985, %swap3A_986] {strides = array<i32>} : memref<96x65xf32, #tpu.memory_space<vmem>>, vector<16xf32>,
        tpu.vector_store %arg16[%swap3A_985, %swap3A_986], %get3A_982 {strides = array<i32>} : memref<96x65xf32, #tpu.memory_space<vmem>>, vector<16xf32>,
        %add3A_988 = arith.constant 11 : i32
        %add3A_989 = arith.addi %mul3A_437, %add3A_988 : i32
        %get3A_990 = arith.index_cast %add3A_989 : i32 to index
        %get3A_991 = arith.constant 0 : index
        %get3A_992 = tpu.vector_load %arg14[%get3A_990, %get3A_991] {strides = array<i32>} : memref<96x128xf32, #tpu.memory_space<vmem>>, vector<16xf32>,
        %add3A_993 = arith.constant 11 : i32
        %add3A_994 = arith.addi %mul3A_437, %add3A_993 : i32
        %swap3A_995 = arith.index_cast %add3A_994 : i32 to index
        %swap3A_996 = arith.constant 0 : index
        %swap3A_997 = tpu.vector_load %arg16[%swap3A_995, %swap3A_996] {strides = array<i32>} : memref<96x65xf32, #tpu.memory_space<vmem>>, vector<16xf32>,
        tpu.vector_store %arg16[%swap3A_995, %swap3A_996], %get3A_992 {strides = array<i32>} : memref<96x65xf32, #tpu.memory_space<vmem>>, vector<16xf32>,
        %add3A_998 = arith.constant 11 : i32
        %add3A_999 = arith.addi %mul3A_437, %add3A_998 : i32
        %get3A_1000 = arith.index_cast %add3A_999 : i32 to index
        %get3A_1001 = arith.constant 16 : index
        %get3A_1002 = tpu.vector_load %arg14[%get3A_1000, %get3A_1001] {strides = array<i32>} : memref<96x128xf32, #tpu.memory_space<vmem>>, vector<16xf32>,
        %add3A_1003 = arith.constant 11 : i32
        %add3A_1004 = arith.addi %mul3A_437, %add3A_1003 : i32
        %swap3A_1005 = arith.index_cast %add3A_1004 : i32 to index
        %swap3A_1006 = arith.constant 16 : index
        %swap3A_1007 = tpu.vector_load %arg16[%swap3A_1005, %swap3A_1006] {strides = array<i32>} : memref<96x65xf32, #tpu.memory_space<vmem>>, vector<16xf32>,
        tpu.vector_store %arg16[%swap3A_1005, %swap3A_1006], %get3A_1002 {strides = array<i32>} : memref<96x65xf32, #tpu.memory_space<vmem>>, vector<16xf32>,
        %add3A_1008 = arith.constant 11 : i32
        %add3A_1009 = arith.addi %mul3A_437, %add3A_1008 : i32
        %get3A_1010 = arith.index_cast %add3A_1009 : i32 to index
        %get3A_1011 = arith.constant 32 : index
        %get3A_1012 = tpu.vector_load %arg14[%get3A_1010, %get3A_1011] {strides = array<i32>} : memref<96x128xf32, #tpu.memory_space<vmem>>, vector<16xf32>,
        %add3A_1013 = arith.constant 11 : i32
        %add3A_1014 = arith.addi %mul3A_437, %add3A_1013 : i32
        %swap3A_1015 = arith.index_cast %add3A_1014 : i32 to index
        %swap3A_1016 = arith.constant 32 : index
        %swap3A_1017 = tpu.vector_load %arg16[%swap3A_1015, %swap3A_1016] {strides = array<i32>} : memref<96x65xf32, #tpu.memory_space<vmem>>, vector<16xf32>,
        tpu.vector_store %arg16[%swap3A_1015, %swap3A_1016], %get3A_1012 {strides = array<i32>} : memref<96x65xf32, #tpu.memory_space<vmem>>, vector<16xf32>,
        %add3A_1018 = arith.constant 11 : i32
        %add3A_1019 = arith.addi %mul3A_437, %add3A_1018 : i32
        %get3A_1020 = arith.index_cast %add3A_1019 : i32 to index
        %get3A_1021 = arith.constant 48 : index
        %get3A_1022 = tpu.vector_load %arg14[%get3A_1020, %get3A_1021] {strides = array<i32>} : memref<96x128xf32, #tpu.memory_space<vmem>>, vector<16xf32>,
        %add3A_1023 = arith.constant 11 : i32
        %add3A_1024 = arith.addi %mul3A_437, %add3A_1023 : i32
        %swap3A_1025 = arith.index_cast %add3A_1024 : i32 to index
        %swap3A_1026 = arith.constant 48 : index
        %swap3A_1027 = tpu.vector_load %arg16[%swap3A_1025, %swap3A_1026] {strides = array<i32>} : memref<96x65xf32, #tpu.memory_space<vmem>>, vector<16xf32>,
        tpu.vector_store %arg16[%swap3A_1025, %swap3A_1026], %get3A_1022 {strides = array<i32>} : memref<96x65xf32, #tpu.memory_space<vmem>>, vector<16xf32>,
        %add3A_1028 = arith.constant 11 : i32
        %add3A_1029 = arith.addi %mul3A_437, %add3A_1028 : i32
        %get3A_1030 = arith.index_cast %add3A_1029 : i32 to index
        %get3A_1031 = arith.constant 49 : index
        %get3A_1032 = tpu.vector_load %arg14[%get3A_1030, %get3A_1031] {strides = array<i32>} : memref<96x128xf32, #tpu.memory_space<vmem>>, vector<16xf32>,
        %add3A_1033 = arith.constant 11 : i32
        %add3A_1034 = arith.addi %mul3A_437, %add3A_1033 : i32
        %swap3A_1035 = arith.index_cast %add3A_1034 : i32 to index
        %swap3A_1036 = arith.constant 49 : index
        %swap3A_1037 = tpu.vector_load %arg16[%swap3A_1035, %swap3A_1036] {strides = array<i32>} : memref<96x65xf32, #tpu.memory_space<vmem>>, vector<16xf32>,
        tpu.vector_store %arg16[%swap3A_1035, %swap3A_1036], %get3A_1032 {strides = array<i32>} : memref<96x65xf32, #tpu.memory_space<vmem>>, vector<16xf32>,
        %add3A_1038 = arith.constant 12 : i32
        %add3A_1039 = arith.addi %mul3A_437, %add3A_1038 : i32
        %get3A_1040 = arith.index_cast %add3A_1039 : i32 to index
        %get3A_1041 = arith.constant 0 : index
        %get3A_1042 = tpu.vector_load %arg14[%get3A_1040, %get3A_1041] {strides = array<i32>} : memref<96x128xf32, #tpu.memory_space<vmem>>, vector<16xf32>,
        %add3A_1043 = arith.constant 12 : i32
        %add3A_1044 = arith.addi %mul3A_437, %add3A_1043 : i32
        %swap3A_1045 = arith.index_cast %add3A_1044 : i32 to index
        %swap3A_1046 = arith.constant 0 : index
        %swap3A_1047 = tpu.vector_load %arg16[%swap3A_1045, %swap3A_1046] {strides = array<i32>} : memref<96x65xf32, #tpu.memory_space<vmem>>, vector<16xf32>,
        tpu.vector_store %arg16[%swap3A_1045, %swap3A_1046], %get3A_1042 {strides = array<i32>} : memref<96x65xf32, #tpu.memory_space<vmem>>, vector<16xf32>,
        %add3A_1048 = arith.constant 12 : i32
        %add3A_1049 = arith.addi %mul3A_437, %add3A_1048 : i32
        %get3A_1050 = arith.index_cast %add3A_1049 : i32 to index
        %get3A_1051 = arith.constant 16 : index
        %get3A_1052 = tpu.vector_load %arg14[%get3A_1050, %get3A_1051] {strides = array<i32>} : memref<96x128xf32, #tpu.memory_space<vmem>>, vector<16xf32>,
        %add3A_1053 = arith.constant 12 : i32
        %add3A_1054 = arith.addi %mul3A_437, %add3A_1053 : i32
        %swap3A_1055 = arith.index_cast %add3A_1054 : i32 to index
        %swap3A_1056 = arith.constant 16 : index
        %swap3A_1057 = tpu.vector_load %arg16[%swap3A_1055, %swap3A_1056] {strides = array<i32>} : memref<96x65xf32, #tpu.memory_space<vmem>>, vector<16xf32>,
        tpu.vector_store %arg16[%swap3A_1055, %swap3A_1056], %get3A_1052 {strides = array<i32>} : memref<96x65xf32, #tpu.memory_space<vmem>>, vector<16xf32>,
        %add3A_1058 = arith.constant 12 : i32
        %add3A_1059 = arith.addi %mul3A_437, %add3A_1058 : i32
        %get3A_1060 = arith.index_cast %add3A_1059 : i32 to index
        %get3A_1061 = arith.constant 32 : index
        %get3A_1062 = tpu.vector_load %arg14[%get3A_1060, %get3A_1061] {strides = array<i32>} : memref<96x128xf32, #tpu.memory_space<vmem>>, vector<16xf32>,
        %add3A_1063 = arith.constant 12 : i32
        %add3A_1064 = arith.addi %mul3A_437, %add3A_1063 : i32
        %swap3A_1065 = arith.index_cast %add3A_1064 : i32 to index
        %swap3A_1066 = arith.constant 32 : index
        %swap3A_1067 = tpu.vector_load %arg16[%swap3A_1065, %swap3A_1066] {strides = array<i32>} : memref<96x65xf32, #tpu.memory_space<vmem>>, vector<16xf32>,
        tpu.vector_store %arg16[%swap3A_1065, %swap3A_1066], %get3A_1062 {strides = array<i32>} : memref<96x65xf32, #tpu.memory_space<vmem>>, vector<16xf32>,
        %add3A_1068 = arith.constant 12 : i32
        %add3A_1069 = arith.addi %mul3A_437, %add3A_1068 : i32
        %get3A_1070 = arith.index_cast %add3A_1069 : i32 to index
        %get3A_1071 = arith.constant 48 : index
        %get3A_1072 = tpu.vector_load %arg14[%get3A_1070, %get3A_1071] {strides = array<i32>} : memref<96x128xf32, #tpu.memory_space<vmem>>, vector<16xf32>,
        %add3A_1073 = arith.constant 12 : i32
        %add3A_1074 = arith.addi %mul3A_437, %add3A_1073 : i32
        %swap3A_1075 = arith.index_cast %add3A_1074 : i32 to index
        %swap3A_1076 = arith.constant 48 : index
        %swap3A_1077 = tpu.vector_load %arg16[%swap3A_1075, %swap3A_1076] {strides = array<i32>} : memref<96x65xf32, #tpu.memory_space<vmem>>, vector<16xf32>,
        tpu.vector_store %arg16[%swap3A_1075, %swap3A_1076], %get3A_1072 {strides = array<i32>} : memref<96x65xf32, #tpu.memory_space<vmem>>, vector<16xf32>,
        %add3A_1078 = arith.constant 12 : i32
        %add3A_1079 = arith.addi %mul3A_437, %add3A_1078 : i32
        %get3A_1080 = arith.index_cast %add3A_1079 : i32 to index
        %get3A_1081 = arith.constant 49 : index
        %get3A_1082 = tpu.vector_load %arg14[%get3A_1080, %get3A_1081] {strides = array<i32>} : memref<96x128xf32, #tpu.memory_space<vmem>>, vector<16xf32>,
        %add3A_1083 = arith.constant 12 : i32
        %add3A_1084 = arith.addi %mul3A_437, %add3A_1083 : i32
        %swap3A_1085 = arith.index_cast %add3A_1084 : i32 to index
        %swap3A_1086 = arith.constant 49 : index
        %swap3A_1087 = tpu.vector_load %arg16[%swap3A_1085, %swap3A_1086] {strides = array<i32>} : memref<96x65xf32, #tpu.memory_space<vmem>>, vector<16xf32>,
        tpu.vector_store %arg16[%swap3A_1085, %swap3A_1086], %get3A_1082 {strides = array<i32>} : memref<96x65xf32, #tpu.memory_space<vmem>>, vector<16xf32>,
        %add3A_1088 = arith.constant 13 : i32
        %add3A_1089 = arith.addi %mul3A_437, %add3A_1088 : i32
        %get3A_1090 = arith.index_cast %add3A_1089 : i32 to index
        %get3A_1091 = arith.constant 0 : index
        %get3A_1092 = tpu.vector_load %arg14[%get3A_1090, %get3A_1091] {strides = array<i32>} : memref<96x128xf32, #tpu.memory_space<vmem>>, vector<16xf32>,
        %add3A_1093 = arith.constant 13 : i32
        %add3A_1094 = arith.addi %mul3A_437, %add3A_1093 : i32
        %swap3A_1095 = arith.index_cast %add3A_1094 : i32 to index
        %swap3A_1096 = arith.constant 0 : index
        %swap3A_1097 = tpu.vector_load %arg16[%swap3A_1095, %swap3A_1096] {strides = array<i32>} : memref<96x65xf32, #tpu.memory_space<vmem>>, vector<16xf32>,
        tpu.vector_store %arg16[%swap3A_1095, %swap3A_1096], %get3A_1092 {strides = array<i32>} : memref<96x65xf32, #tpu.memory_space<vmem>>, vector<16xf32>,
        %add3A_1098 = arith.constant 13 : i32
        %add3A_1099 = arith.addi %mul3A_437, %add3A_1098 : i32
        %get3A_1100 = arith.index_cast %add3A_1099 : i32 to index
        %get3A_1101 = arith.constant 16 : index
        %get3A_1102 = tpu.vector_load %arg14[%get3A_1100, %get3A_1101] {strides = array<i32>} : memref<96x128xf32, #tpu.memory_space<vmem>>, vector<16xf32>,
        %add3A_1103 = arith.constant 13 : i32
        %add3A_1104 = arith.addi %mul3A_437, %add3A_1103 : i32
        %swap3A_1105 = arith.index_cast %add3A_1104 : i32 to index
        %swap3A_1106 = arith.constant 16 : index
        %swap3A_1107 = tpu.vector_load %arg16[%swap3A_1105, %swap3A_1106] {strides = array<i32>} : memref<96x65xf32, #tpu.memory_space<vmem>>, vector<16xf32>,
        tpu.vector_store %arg16[%swap3A_1105, %swap3A_1106], %get3A_1102 {strides = array<i32>} : memref<96x65xf32, #tpu.memory_space<vmem>>, vector<16xf32>,
        %add3A_1108 = arith.constant 13 : i32
        %add3A_1109 = arith.addi %mul3A_437, %add3A_1108 : i32
        %get3A_1110 = arith.index_cast %add3A_1109 : i32 to index
        %get3A_1111 = arith.constant 32 : index
        %get3A_1112 = tpu.vector_load %arg14[%get3A_1110, %get3A_1111] {strides = array<i32>} : memref<96x128xf32, #tpu.memory_space<vmem>>, vector<16xf32>,
        %add3A_1113 = arith.constant 13 : i32
        %add3A_1114 = arith.addi %mul3A_437, %add3A_1113 : i32
        %swap3A_1115 = arith.index_cast %add3A_1114 : i32 to index
        %swap3A_1116 = arith.constant 32 : index
        %swap3A_1117 = tpu.vector_load %arg16[%swap3A_1115, %swap3A_1116] {strides = array<i32>} : memref<96x65xf32, #tpu.memory_space<vmem>>, vector<16xf32>,
        tpu.vector_store %arg16[%swap3A_1115, %swap3A_1116], %get3A_1112 {strides = array<i32>} : memref<96x65xf32, #tpu.memory_space<vmem>>, vector<16xf32>,
        %add3A_1118 = arith.constant 13 : i32
        %add3A_1119 = arith.addi %mul3A_437, %add3A_1118 : i32
        %get3A_1120 = arith.index_cast %add3A_1119 : i32 to index
        %get3A_1121 = arith.constant 48 : index
        %get3A_1122 = tpu.vector_load %arg14[%get3A_1120, %get3A_1121] {strides = array<i32>} : memref<96x128xf32, #tpu.memory_space<vmem>>, vector<16xf32>,
        %add3A_1123 = arith.constant 13 : i32
        %add3A_1124 = arith.addi %mul3A_437, %add3A_1123 : i32
        %swap3A_1125 = arith.index_cast %add3A_1124 : i32 to index
        %swap3A_1126 = arith.constant 48 : index
        %swap3A_1127 = tpu.vector_load %arg16[%swap3A_1125, %swap3A_1126] {strides = array<i32>} : memref<96x65xf32, #tpu.memory_space<vmem>>, vector<16xf32>,
        tpu.vector_store %arg16[%swap3A_1125, %swap3A_1126], %get3A_1122 {strides = array<i32>} : memref<96x65xf32, #tpu.memory_space<vmem>>, vector<16xf32>,
        %add3A_1128 = arith.constant 13 : i32
        %add3A_1129 = arith.addi %mul3A_437, %add3A_1128 : i32
        %get3A_1130 = arith.index_cast %add3A_1129 : i32 to index
        %get3A_1131 = arith.constant 49 : index
        %get3A_1132 = tpu.vector_load %arg14[%get3A_1130, %get3A_1131] {strides = array<i32>} : memref<96x128xf32, #tpu.memory_space<vmem>>, vector<16xf32>,
        %add3A_1133 = arith.constant 13 : i32
        %add3A_1134 = arith.addi %mul3A_437, %add3A_1133 : i32
        %swap3A_1135 = arith.index_cast %add3A_1134 : i32 to index
        %swap3A_1136 = arith.constant 49 : index
        %swap3A_1137 = tpu.vector_load %arg16[%swap3A_1135, %swap3A_1136] {strides = array<i32>} : memref<96x65xf32, #tpu.memory_space<vmem>>, vector<16xf32>,
        tpu.vector_store %arg16[%swap3A_1135, %swap3A_1136], %get3A_1132 {strides = array<i32>} : memref<96x65xf32, #tpu.memory_space<vmem>>, vector<16xf32>,
        %add3A_1138 = arith.constant 14 : i32
        %add3A_1139 = arith.addi %mul3A_437, %add3A_1138 : i32
        %get3A_1140 = arith.index_cast %add3A_1139 : i32 to index
        %get3A_1141 = arith.constant 0 : index
        %get3A_1142 = tpu.vector_load %arg14[%get3A_1140, %get3A_1141] {strides = array<i32>} : memref<96x128xf32, #tpu.memory_space<vmem>>, vector<16xf32>,
        %add3A_1143 = arith.constant 14 : i32
        %add3A_1144 = arith.addi %mul3A_437, %add3A_1143 : i32
        %swap3A_1145 = arith.index_cast %add3A_1144 : i32 to index
        %swap3A_1146 = arith.constant 0 : index
        %swap3A_1147 = tpu.vector_load %arg16[%swap3A_1145, %swap3A_1146] {strides = array<i32>} : memref<96x65xf32, #tpu.memory_space<vmem>>, vector<16xf32>,
        tpu.vector_store %arg16[%swap3A_1145, %swap3A_1146], %get3A_1142 {strides = array<i32>} : memref<96x65xf32, #tpu.memory_space<vmem>>, vector<16xf32>,
        %add3A_1148 = arith.constant 14 : i32
        %add3A_1149 = arith.addi %mul3A_437, %add3A_1148 : i32
        %get3A_1150 = arith.index_cast %add3A_1149 : i32 to index
        %get3A_1151 = arith.constant 16 : index
        %get3A_1152 = tpu.vector_load %arg14[%get3A_1150, %get3A_1151] {strides = array<i32>} : memref<96x128xf32, #tpu.memory_space<vmem>>, vector<16xf32>,
        %add3A_1153 = arith.constant 14 : i32
        %add3A_1154 = arith.addi %mul3A_437, %add3A_1153 : i32
        %swap3A_1155 = arith.index_cast %add3A_1154 : i32 to index
        %swap3A_1156 = arith.constant 16 : index
        %swap3A_1157 = tpu.vector_load %arg16[%swap3A_1155, %swap3A_1156] {strides = array<i32>} : memref<96x65xf32, #tpu.memory_space<vmem>>, vector<16xf32>,
        tpu.vector_store %arg16[%swap3A_1155, %swap3A_1156], %get3A_1152 {strides = array<i32>} : memref<96x65xf32, #tpu.memory_space<vmem>>, vector<16xf32>,
        %add3A_1158 = arith.constant 14 : i32
        %add3A_1159 = arith.addi %mul3A_437, %add3A_1158 : i32
        %get3A_1160 = arith.index_cast %add3A_1159 : i32 to index
        %get3A_1161 = arith.constant 32 : index
        %get3A_1162 = tpu.vector_load %arg14[%get3A_1160, %get3A_1161] {strides = array<i32>} : memref<96x128xf32, #tpu.memory_space<vmem>>, vector<16xf32>,
        %add3A_1163 = arith.constant 14 : i32
        %add3A_1164 = arith.addi %mul3A_437, %add3A_1163 : i32
        %swap3A_1165 = arith.index_cast %add3A_1164 : i32 to index
        %swap3A_1166 = arith.constant 32 : index
        %swap3A_1167 = tpu.vector_load %arg16[%swap3A_1165, %swap3A_1166] {strides = array<i32>} : memref<96x65xf32, #tpu.memory_space<vmem>>, vector<16xf32>,
        tpu.vector_store %arg16[%swap3A_1165, %swap3A_1166], %get3A_1162 {strides = array<i32>} : memref<96x65xf32, #tpu.memory_space<vmem>>, vector<16xf32>,
        %add3A_1168 = arith.constant 14 : i32
        %add3A_1169 = arith.addi %mul3A_437, %add3A_1168 : i32
        %get3A_1170 = arith.index_cast %add3A_1169 : i32 to index
        %get3A_1171 = arith.constant 48 : index
        %get3A_1172 = tpu.vector_load %arg14[%get3A_1170, %get3A_1171] {strides = array<i32>} : memref<96x128xf32, #tpu.memory_space<vmem>>, vector<16xf32>,
        %add3A_1173 = arith.constant 14 : i32
        %add3A_1174 = arith.addi %mul3A_437, %add3A_1173 : i32
        %swap3A_1175 = arith.index_cast %add3A_1174 : i32 to index
        %swap3A_1176 = arith.constant 48 : index
        %swap3A_1177 = tpu.vector_load %arg16[%swap3A_1175, %swap3A_1176] {strides = array<i32>} : memref<96x65xf32, #tpu.memory_space<vmem>>, vector<16xf32>,
        tpu.vector_store %arg16[%swap3A_1175, %swap3A_1176], %get3A_1172 {strides = array<i32>} : memref<96x65xf32, #tpu.memory_space<vmem>>, vector<16xf32>,
        %add3A_1178 = arith.constant 14 : i32
        %add3A_1179 = arith.addi %mul3A_437, %add3A_1178 : i32
        %get3A_1180 = arith.index_cast %add3A_1179 : i32 to index
        %get3A_1181 = arith.constant 49 : index
        %get3A_1182 = tpu.vector_load %arg14[%get3A_1180, %get3A_1181] {strides = array<i32>} : memref<96x128xf32, #tpu.memory_space<vmem>>, vector<16xf32>,
        %add3A_1183 = arith.constant 14 : i32
        %add3A_1184 = arith.addi %mul3A_437, %add3A_1183 : i32
        %swap3A_1185 = arith.index_cast %add3A_1184 : i32 to index
        %swap3A_1186 = arith.constant 49 : index
        %swap3A_1187 = tpu.vector_load %arg16[%swap3A_1185, %swap3A_1186] {strides = array<i32>} : memref<96x65xf32, #tpu.memory_space<vmem>>, vector<16xf32>,
        tpu.vector_store %arg16[%swap3A_1185, %swap3A_1186], %get3A_1182 {strides = array<i32>} : memref<96x65xf32, #tpu.memory_space<vmem>>, vector<16xf32>,
        %add3A_1188 = arith.constant 15 : i32
        %add3A_1189 = arith.addi %mul3A_437, %add3A_1188 : i32
        %get3A_1190 = arith.index_cast %add3A_1189 : i32 to index
        %get3A_1191 = arith.constant 0 : index
        %get3A_1192 = tpu.vector_load %arg14[%get3A_1190, %get3A_1191] {strides = array<i32>} : memref<96x128xf32, #tpu.memory_space<vmem>>, vector<16xf32>,
        %add3A_1193 = arith.constant 15 : i32
        %add3A_1194 = arith.addi %mul3A_437, %add3A_1193 : i32
        %swap3A_1195 = arith.index_cast %add3A_1194 : i32 to index
        %swap3A_1196 = arith.constant 0 : index
        %swap3A_1197 = tpu.vector_load %arg16[%swap3A_1195, %swap3A_1196] {strides = array<i32>} : memref<96x65xf32, #tpu.memory_space<vmem>>, vector<16xf32>,
        tpu.vector_store %arg16[%swap3A_1195, %swap3A_1196], %get3A_1192 {strides = array<i32>} : memref<96x65xf32, #tpu.memory_space<vmem>>, vector<16xf32>,
        %add3A_1198 = arith.constant 15 : i32
        %add3A_1199 = arith.addi %mul3A_437, %add3A_1198 : i32
        %get3A_1200 = arith.index_cast %add3A_1199 : i32 to index
        %get3A_1201 = arith.constant 16 : index
        %get3A_1202 = tpu.vector_load %arg14[%get3A_1200, %get3A_1201] {strides = array<i32>} : memref<96x128xf32, #tpu.memory_space<vmem>>, vector<16xf32>,
        %add3A_1203 = arith.constant 15 : i32
        %add3A_1204 = arith.addi %mul3A_437, %add3A_1203 : i32
        %swap3A_1205 = arith.index_cast %add3A_1204 : i32 to index
        %swap3A_1206 = arith.constant 16 : index
        %swap3A_1207 = tpu.vector_load %arg16[%swap3A_1205, %swap3A_1206] {strides = array<i32>} : memref<96x65xf32, #tpu.memory_space<vmem>>, vector<16xf32>,
        tpu.vector_store %arg16[%swap3A_1205, %swap3A_1206], %get3A_1202 {strides = array<i32>} : memref<96x65xf32, #tpu.memory_space<vmem>>, vector<16xf32>,
        %add3A_1208 = arith.constant 15 : i32
        %add3A_1209 = arith.addi %mul3A_437, %add3A_1208 : i32
        %get3A_1210 = arith.index_cast %add3A_1209 : i32 to index
        %get3A_1211 = arith.constant 32 : index
        %get3A_1212 = tpu.vector_load %arg14[%get3A_1210, %get3A_1211] {strides = array<i32>} : memref<96x128xf32, #tpu.memory_space<vmem>>, vector<16xf32>,
        %add3A_1213 = arith.constant 15 : i32
        %add3A_1214 = arith.addi %mul3A_437, %add3A_1213 : i32
        %swap3A_1215 = arith.index_cast %add3A_1214 : i32 to index
        %swap3A_1216 = arith.constant 32 : index
        %swap3A_1217 = tpu.vector_load %arg16[%swap3A_1215, %swap3A_1216] {strides = array<i32>} : memref<96x65xf32, #tpu.memory_space<vmem>>, vector<16xf32>,
        tpu.vector_store %arg16[%swap3A_1215, %swap3A_1216], %get3A_1212 {strides = array<i32>} : memref<96x65xf32, #tpu.memory_space<vmem>>, vector<16xf32>,
        %add3A_1218 = arith.constant 15 : i32
        %add3A_1219 = arith.addi %mul3A_437, %add3A_1218 : i32
        %get3A_1220 = arith.index_cast %add3A_1219 : i32 to index
        %get3A_1221 = arith.constant 48 : index
        %get3A_1222 = tpu.vector_load %arg14[%get3A_1220, %get3A_1221] {strides = array<i32>} : memref<96x128xf32, #tpu.memory_space<vmem>>, vector<16xf32>,
        %add3A_1223 = arith.constant 15 : i32
        %add3A_1224 = arith.addi %mul3A_437, %add3A_1223 : i32
        %swap3A_1225 = arith.index_cast %add3A_1224 : i32 to index
        %swap3A_1226 = arith.constant 48 : index
        %swap3A_1227 = tpu.vector_load %arg16[%swap3A_1225, %swap3A_1226] {strides = array<i32>} : memref<96x65xf32, #tpu.memory_space<vmem>>, vector<16xf32>,
        tpu.vector_store %arg16[%swap3A_1225, %swap3A_1226], %get3A_1222 {strides = array<i32>} : memref<96x65xf32, #tpu.memory_space<vmem>>, vector<16xf32>,
        %add3A_1228 = arith.constant 15 : i32
        %add3A_1229 = arith.addi %mul3A_437, %add3A_1228 : i32
        %get3A_1230 = arith.index_cast %add3A_1229 : i32 to index
        %get3A_1231 = arith.constant 49 : index
        %get3A_1232 = tpu.vector_load %arg14[%get3A_1230, %get3A_1231] {strides = array<i32>} : memref<96x128xf32, #tpu.memory_space<vmem>>, vector<16xf32>,
        %add3A_1233 = arith.constant 15 : i32
        %add3A_1234 = arith.addi %mul3A_437, %add3A_1233 : i32
        %swap3A_1235 = arith.index_cast %add3A_1234 : i32 to index
        %swap3A_1236 = arith.constant 49 : index
        %swap3A_1237 = tpu.vector_load %arg16[%swap3A_1235, %swap3A_1236] {strides = array<i32>} : memref<96x65xf32, #tpu.memory_space<vmem>>, vector<16xf32>,
        tpu.vector_store %arg16[%swap3A_1235, %swap3A_1236], %get3A_1232 {strides = array<i32>} : memref<96x65xf32, #tpu.memory_space<vmem>>, vector<16xf32>,
      }
      %scan3A_420 = arith.constant 6 : i32
      %add3A_421 = arith.addi %mul3A_2, %scan3A_58 : i32
      %dma_start3A_422 = arith.constant 104 : i32
      %dma_start3A_423 = arith.constant 0 : i32
      %dma_start3A_424 = tpu.memref_slice %arg6[%add3A_421, %dma_start3A_422, %dma_start3A_423] : memref<4096x200x65xf32, #tpu.memory_space<hbm>> -> memref<1x96x65xf32, #tpu.memory_space<hbm>>
      %dma_start3A_425 = tpu.memref_squeeze %dma_start3A_424 : memref<1x96x65xf32, #tpu.memory_space<hbm>> -> memref<96x65xf32, #tpu.memory_space<hbm>>
      %dma_start3A_426 = arith.constant 104 : i32
      %dma_start3A_427 = arith.constant 0 : i32
      %dma_start3A_428 = tpu.memref_slice %arg6[%add3A_421, %dma_start3A_426, %dma_start3A_427] : memref<4096x200x65xf32, #tpu.memory_space<hbm>> -> memref<1x96x65xf32, #tpu.memory_space<hbm>>
      %dma_start3A_429 = tpu.memref_squeeze %dma_start3A_428 : memref<1x96x65xf32, #tpu.memory_space<hbm>> -> memref<96x65xf32, #tpu.memory_space<hbm>>
      tpu.enqueue_dma source(%arg16 : memref<96x65xf32, #tpu.memory_space<vmem>>) target(%dma_start3A_429 : memref<96x65xf32, #tpu.memory_space<hbm>>) target_semaphore(%arg23 : memref<!tpu.dma_semaphore, #tpu.memory_space<semaphore_mem>>)
      %lt3A_430 = arith.constant 127 : i32
      %lt3A_431 = arith.cmpi slt, %scan3A_58, %lt3A_430 : i32
      %convert_element_type3A_432 = arith.extui %lt3A_431 : i1 to i32
      %cond3A_433 = arith.constant 0 : i32
      %cond3A_434 = arith.cmpi ne, %convert_element_type3A_432, %cond3A_433 : i32
      scf.if %cond3A_434 {
        %add3A_435 = arith.constant 1 : i32
        %add3A_436 = arith.addi %scan3A_58, %add3A_435 : i32
        %mul3A_437 = arith.constant 200 : i32
        %mul3A_438 = arith.muli %add3A_436, %mul3A_437 : i32
        %add3A_439 = arith.constant 104 : i32
        %add3A_440 = arith.addi %mul3A_438, %add3A_439 : i32
        %dma_start3A_441 = tpu.memref_slice %arg8[%add3A_440] : memref<25600xi32, #tpu.memory_space<vmem>> -> memref<96xi32, #tpu.memory_space<vmem>>
        %dma_start3A_442 = arith.constant 0 : i32
        %dma_start3A_443 = arith.constant 0 : i32
        %dma_start3A_444 = tpu.memref_slice %arg18[%dma_start3A_442, %dma_start3A_443] : memref<65x128xf32, #tpu.memory_space<vmem_shared>> -> memref<65x128xf32, #tpu.memory_space<vmem_shared>>
        tpu.enqueue_indirect_dma source(%dma_start3A_444 : memref<65x128xf32, #tpu.memory_space<vmem_shared>>) target(%arg14 : memref<96x128xf32, #tpu.memory_space<vmem>>) offsets(%dma_start3A_441 : memref<96xi32, #tpu.memory_space<vmem>>) semaphore(%arg21 : memref<!tpu.dma_semaphore, #tpu.memory_space<semaphore_mem>>)
      } else {
      }
    }
    %scan3A_38 = arith.constant 128 : i32
    %add3A_39 = arith.constant 127 : i32
    %add3A_40 = arith.addi %mul3A_2, %add3A_39 : i32
    %dma_wait3A = arith.constant 0 : i32
    %dma_wait3A_41 = arith.constant 0 : i32
    %dma_wait3A_42 = tpu.memref_slice %arg6[%add3A_40, %dma_wait3A, %dma_wait3A_41] : memref<4096x200x65xf32, #tpu.memory_space<hbm>> -> memref<1x104x65xf32, #tpu.memory_space<hbm>>
    %dma_wait3A_43 = tpu.memref_squeeze %dma_wait3A_42 : memref<1x104x65xf32, #tpu.memory_space<hbm>> -> memref<104x65xf32, #tpu.memory_space<hbm>>
    %dma_wait3A_44 = arith.constant 0 : i32
    %dma_wait3A_45 = arith.constant 0 : i32
    %dma_wait3A_46 = tpu.memref_slice %arg6[%add3A_40, %dma_wait3A_44, %dma_wait3A_45] : memref<4096x200x65xf32, #tpu.memory_space<hbm>> -> memref<1x104x65xf32, #tpu.memory_space<hbm>>
    %dma_wait3A_47 = tpu.memref_squeeze %dma_wait3A_46 : memref<1x104x65xf32, #tpu.memory_space<hbm>> -> memref<104x65xf32, #tpu.memory_space<hbm>>
    tpu.wait_dma2 semaphore(%arg22 : memref<!tpu.dma_semaphore, #tpu.memory_space<semaphore_mem>>) src(%arg15 : memref<104x65xf32, #tpu.memory_space<vmem>>) dst(%dma_wait3A_47 : memref<104x65xf32, #tpu.memory_space<hbm>>)
    %add3A_48 = arith.constant 127 : i32
    %add3A_49 = arith.addi %mul3A_2, %add3A_48 : i32
    %dma_wait3A_50 = arith.constant 104 : i32
    %dma_wait3A_51 = arith.constant 0 : i32
    %dma_wait3A_52 = tpu.memref_slice %arg6[%add3A_49, %dma_wait3A_50, %dma_wait3A_51] : memref<4096x200x65xf32, #tpu.memory_space<hbm>> -> memref<1x96x65xf32, #tpu.memory_space<hbm>>
    %dma_wait3A_53 = tpu.memref_squeeze %dma_wait3A_52 : memref<1x96x65xf32, #tpu.memory_space<hbm>> -> memref<96x65xf32, #tpu.memory_space<hbm>>
    %dma_wait3A_54 = arith.constant 104 : i32
    %dma_wait3A_55 = arith.constant 0 : i32
    %dma_wait3A_56 = tpu.memref_slice %arg6[%add3A_49, %dma_wait3A_54, %dma_wait3A_55] : memref<4096x200x65xf32, #tpu.memory_space<hbm>> -> memref<1x96x65xf32, #tpu.memory_space<hbm>>
    %dma_wait3A_57 = tpu.memref_squeeze %dma_wait3A_56 : memref<1x96x65xf32, #tpu.memory_space<hbm>> -> memref<96x65xf32, #tpu.memory_space<hbm>>
    tpu.wait_dma2 semaphore(%arg23 : memref<!tpu.dma_semaphore, #tpu.memory_space<semaphore_mem>>) src(%arg16 : memref<96x65xf32, #tpu.memory_space<vmem>>) dst(%dma_wait3A_57 : memref<96x65xf32, #tpu.memory_space<hbm>>)
    return
  }
}

module attributes {stable_mosaic.version = 14 : i64} {
  func.func @_head_kernel(%arg0: memref<65x32xf32, #tpu.memory_space<vmem>>, %arg1: memref<32x128xf32, #tpu.memory_space<vmem>>, %arg2: memref<1x128xf32, #tpu.memory_space<vmem>>, %arg3: memref<65x128xf32, #tpu.memory_space<vmem>>, %arg4: memref<65x1xf32, #tpu.memory_space<vmem>>) attributes {dimension_semantics = [], scalar_prefetch = 0 : i64, scratch_operands = 0 : i64, tpu.core_type = #tpu.core_type<tc>} {
    %get3A = arith.constant 0 : index
    %get3A_0 = arith.constant 0 : index
    %get3A_1 = vector.load %arg0[%get3A, %get3A_0] : memref<65x32xf32, #tpu.memory_space<vmem>>, vector<65x32xf32>
    %get3A_2 = arith.constant 0 : index
    %get3A_3 = arith.constant 0 : index
    %get3A_4 = vector.load %arg1[%get3A_2, %get3A_3] : memref<32x128xf32, #tpu.memory_space<vmem>>, vector<32x128xf32>
    %dot_general3A = arith.constant dense<0.000000e+00> : vector<65x128xf32>
    %dot_general3A_5 = tpu.matmul %get3A_1, %get3A_4, %dot_general3A {dimension_numbers = #tpu.dot_dimension_numbers<[1], [0], [0], [1], [0, 0, 1, 1], [], []>, transpose_lhs_hint = false} : vector<65x32xf32>, vector<32x128xf32>, vector<65x128xf32> -> vector<65x128xf32>
    %get3A_6 = arith.constant 0 : index
    %get3A_7 = arith.constant 0 : index
    %get3A_8 = vector.load %arg2[%get3A_6, %get3A_7] : memref<1x128xf32, #tpu.memory_space<vmem>>, vector<1x128xf32>
    %add3A = vector.broadcast %get3A_8 : vector<1x128xf32> to vector<65x128xf32>
    %add3A_9 = arith.addf %dot_general3A_5, %add3A : vector<65x128xf32>
    %swap3A = arith.constant 0 : index
    %swap3A_10 = arith.constant 0 : index
    %swap3A_11 = vector.load %arg3[%swap3A, %swap3A_10] : memref<65x128xf32, #tpu.memory_space<vmem>>, vector<65x128xf32>
    tpu.vector_store %arg3[%swap3A, %swap3A_10], %add3A_9 {strides = array<i32>} : memref<65x128xf32, #tpu.memory_space<vmem>>, vector<65x128xf32>,
    %iota3A = tpu.iota {dimensions = array<i32: 1>} : vector<65x128xi32>
    %lt3A = arith.constant 65 : i32
    %lt3A_12 = vector.broadcast %lt3A : i32 to vector<65x128xi32>
    %lt3A_13 = arith.cmpi slt, %iota3A, %lt3A_12 : vector<65x128xi32>
    %jit3A = arith.constant 0xFF800000 : f32
    %broadcast_in_dim3A = vector.broadcast %jit3A : f32 to vector<65x128xf32>
    %select_n3A = arith.select %lt3A_13, %add3A_9, %broadcast_in_dim3A : vector<65x128xi1>, vector<65x128xf32>
    %reduce_max3A = arith.constant dense<0xFF800000> : vector<65xf32>
    %reduce_max3A_14 = vector.multi_reduction <maximumf>, %select_n3A, %reduce_max3A [1] : vector<65x128xf32> to vector<65xf32>
    %broadcast_in_dim3A_15 = vector.shape_cast %reduce_max3A_14 : vector<65xf32> to vector<65x1xf32>
    %lt3A_16 = arith.constant 65 : i32
    %lt3A_17 = vector.broadcast %lt3A_16 : i32 to vector<65x128xi32>
    %lt3A_18 = arith.cmpi slt, %iota3A, %lt3A_17 : vector<65x128xi32>
    %sub3A = vector.broadcast %broadcast_in_dim3A_15 : vector<65x1xf32> to vector<65x128xf32>
    %sub3A_19 = arith.subf %select_n3A, %sub3A : vector<65x128xf32>
    %exp3A = math.exp %sub3A_19 : vector<65x128xf32>
    %jit3A_20 = arith.constant 0.000000e+00 : f32
    %broadcast_in_dim3A_21 = vector.broadcast %jit3A_20 : f32 to vector<65x128xf32>
    %select_n3A_22 = arith.select %lt3A_18, %exp3A, %broadcast_in_dim3A_21 : vector<65x128xi1>, vector<65x128xf32>
    %reduce_sum3A = arith.constant dense<0.000000e+00> : vector<65xf32>
    %reduce_sum3A_23 = vector.multi_reduction <add>, %select_n3A_22, %reduce_sum3A [1] : vector<65x128xf32> to vector<65xf32>
    %broadcast_in_dim3A_24 = vector.shape_cast %reduce_sum3A_23 : vector<65xf32> to vector<65x1xf32>
    %log3A = math.log %broadcast_in_dim3A_24 : vector<65x1xf32>
    %add3A_25 = arith.addf %broadcast_in_dim3A_15, %log3A : vector<65x1xf32>
    %swap3A_26 = arith.constant 0 : index
    %swap3A_27 = arith.constant 0 : index
    %swap3A_28 = vector.load %arg4[%swap3A_26, %swap3A_27] : memref<65x1xf32, #tpu.memory_space<vmem>>, vector<65x1xf32>
    tpu.vector_store %arg4[%swap3A_26, %swap3A_27], %add3A_25 {strides = array<i32>} : memref<65x1xf32, #tpu.memory_space<vmem>>, vector<65x1xf32>,
    return
  }
}

</mosaic_0001>

<sc_bundles>
// kernel: kernel.4.cloned.1.call-start
scs
__scs_entry_jumppad:
0x0: {  	(pc) =	sbr.rel $0x88, $3  }
0x1: {  	(tag) =	ssettag $0x0;
	lr =	simm.s32 $0x1  }
0x2: {  	[smem:$0x3F9C] =	sst lr;
	_ =	strace $0xD0000000  }
0x3: {  	_ = 	snop  }
0x4: {  	_ = 	snop  }
0x5: {  	_ = 	snop  }
0x6: {  	_ = 	snop  }
0x7: {  	_ = 	snop  }
__scs_overlays_trampoline_lowered:
0x8: {  	[smem:$0x3FAB] =	sst s0  }
0x9: {  	[smem:$0x3FAC] =	sst s1  }
0xa: {  	[smem:$0x3FAD] =	sst s2  }
0xb: {  	[smem:$0x3FAE] =	sst s3  }
0xc: {  	[smem:$0x3FAF] =	sst s4  }
0xd: {  	[smem:$0x3FB0] =	sst s5  }
0xe: {  	[smem:$0x3FB1] =	sst s6  }
0xf: {  	[smem:$0x3FB2] =	sst s7  }
0x10: {  	[smem:$0x3FB3] =	sst s8  }
0x11: {  	[smem:$0x3FB4] =	sst s9;
	s0 =	simm.s32 @!p0 $0x0  }
0x12: {  	s1 =	sld [smem:$0x3F9A];
	s0 =	simm.s32 @p0 $0x1  }
0x13: {  	[smem:$0x3FB5] =	sst s0;
	s0 =	simm.s32 @!p1 $0x0  }
0x14: {  	s2 =	sld [smem:$0x3F99];
	s0 =	simm.s32 @p1 $0x1  }
0x15: {  	[smem:$0x3FB6] =	sst s0;
	s0 =	simm.s32 @!p2 $0x0  }
0x16: {  	s3 =	sld [smem:$0x3FDB];
	s0 =	simm.s32 @p2 $0x1  }
0x17: {  	s4 =	simm.s32 $0x1BF5;
	[smem:$0x3FB8] =	sst s0  }
0x18: {  	s0 =	sld [smem:$0x3F9B];
	_ =	swait.ge [sflag:s4], $0x0  }
0x19: {  	s7 =	sld [smem:$0x3F9C]  }
0x1a: {  	s8 =	sadd.s32 $0xFFFFE003, lr  }
0x1b: {  	s9 =	sadd.s32 $0xFFFFFEF7, lr;
	s5 =	simm.s32 $0xFFFFFFFF;
	p2 =	slt.u32 s8, $0xFFFFF086  }
0x1c: {  	p1 =	slt.u32 s9, $0xF7A;
	s5 =	simm.s32 @!p2 $0x0  }
0x1d: {  	s5 =	simm.s32 @p1 $0x1;
	p0 =	seq.s32 s7, s2  }
0x1e: {  	s7 =	smul.u32 @!p0 $0xF7A, s2;
	p2 =	seq.s32 @!p0 s5, $0x0  }
0x1f: {  	s9 =	smul.u32 $0xF7A, s1;
	s8 =	simm.s32 @!p0 $0x1BF5;
	p2 =	por !p2, p0  }
0x20: {  	[sflag:s8] =	ssyncset.s32 @!p0 $0xFFFFF086;
	s6 =	sadd.s32 @!p0 s3, s7;
	s7 =	simm.s32 @!p0 $0x108  }
0x21: {  	s3 =	sadd.s32 s3, s9;
	s6 =	sadd.s32 @!p0 $0x88, s6;
	s7 =	simm.s32 @p2 $0x1082  }
0x22: {  	[simem:s7], [sflag:s8] =	dma.local @!p0 [hbm:s6], $0xF7A  }
0x23: {  	s9 =	sor.u32 $0xD0000000, s2;
	s6 =	simm.s32 $0x108;
	_ =	swait.ge @!p0 [sflag:s8], $0x0  }
0x24: {  	s3 =	sadd.s32 $0x88, s3;
	s6 =	simm.s32 @!p1 $0x1082;
	[sflag:s4] =	ssyncset.s32 $0xFFFFF086  }
0x25: {  	[simem:s6], [sflag:s4] =	dma.local [hbm:s3], $0xF7A  }
0x26: {  	[smem:$0x3F9C] =	sst s1;
	(tag) =	ssettag s2;
	_ =	strace s9  }
0x27: {  	s1 =	sld [smem:$0x3FAC]  }
0x28: {  	s2 =	sld [smem:$0x3FAD]  }
0x29: {  	s4 =	sld [smem:$0x3FAF]  }
0x2a: {  	p0 =	seq.s32 s5, $0x0;
	s5 =	sld [smem:$0x3FB0]  }
0x2b: {  	s6 =	sld [smem:$0x3FB1]  }
0x2c: {  	s7 =	sld [smem:$0x3FB2]  }
0x2d: {  	s3 =	simm.s32 $0x108;
	s8 =	sld [smem:$0x3FB3]  }
0x2e: {  	s3 =	simm.s32 @!p0 $0x1082;
	s9 =	sld [smem:$0x3FB4]  }
0x2f: {  	lr =	sadd.s32 s0, s3;
	s0 =	sld [smem:$0x3FAB]  }
0x30: {  	s3 =	sld [smem:$0x3FAE]  }
0x31: {  	[smem:$0x3FB7] =	sst s10  }
0x32: {  	s10 =	sld [smem:$0x3FB5];
	_ =	sdelay $0x3  }
0x33: {  	p0 =	seq.s32 s10, $0x1;
	s10 =	sld [smem:$0x3FB7];
	_ =	sdelay $0x3  }
0x34: {  	[smem:$0x3FB7] =	sst s10  }
0x35: {  	s10 =	sld [smem:$0x3FB6];
	_ =	sdelay $0x3  }
0x36: {  	p1 =	seq.s32 s10, $0x1;
	s10 =	sld [smem:$0x3FB7];
	_ =	sdelay $0x3  }
0x37: {  	[smem:$0x3FB7] =	sst s10  }
0x38: {  	s10 =	sld [smem:$0x3FB8]  }
0x39: {  	_ = 	snop;
	(pc) =	sbr.ind lr, $3  }
0x3a: {  	_ = 	snop  }
0x3b: {  	_ = 	snop  }
0x3c: {  	p2 =	seq.s32 s10, $0x1;
	s10 =	sld [smem:$0x3FB7]  }
0x3d: {  	_ =	shalt  }
0x3e: {  	_ =	shalt  }
0x3f: {  	_ =	shalt  }
0x40: {  	_ =	shalt  }
0x41: {  	_ =	shalt  }
0x42: {  	_ =	shalt  }
0x43: {  	_ =	shalt  }
0x44: {  	_ =	shalt  }
0x45: {  	_ =	shalt  }
0x46: {  	_ =	shalt  }
0x47: {  	_ =	shalt  }
0x48: {  	_ =	shalt  }
0x49: {  	_ =	shalt  }
0x4a: {  	_ =	shalt  }
0x4b: {  	_ =	shalt  }
0x4c: {  	_ =	shalt  }
0x4d: {  	_ =	shalt  }
0x4e: {  	_ =	shalt  }
0x4f: {  	_ =	shalt  }
0x50: {  	_ =	shalt  }
0x51: {  	_ =	shalt  }
0x52: {  	_ =	shalt  }
0x53: {  	_ =	shalt  }
0x54: {  	_ =	shalt  }
0x55: {  	_ =	shalt  }
0x56: {  	_ =	shalt  }
0x57: {  	_ =	shalt  }
0x58: {  	_ =	shalt  }
0x59: {  	_ =	shalt  }
0x5a: {  	_ =	shalt  }
0x5b: {  	_ =	shalt  }
0x5c: {  	_ =	shalt  }
0x5d: {  	_ =	shalt  }
0x5e: {  	_ =	shalt  }
0x5f: {  	_ =	shalt  }
0x60: {  	_ =	shalt  }
0x61: {  	_ =	shalt  }
0x62: {  	_ =	shalt  }
0x63: {  	_ =	shalt  }
0x64: {  	_ =	shalt  }
0x65: {  	_ =	shalt  }
0x66: {  	_ =	shalt  }
0x67: {  	_ =	shalt  }
0x68: {  	_ =	shalt  }
0x69: {  	_ =	shalt  }
0x6a: {  	_ =	shalt  }
0x6b: {  	_ =	shalt  }
0x6c: {  	_ =	shalt  }
0x6d: {  	_ =	shalt  }
0x6e: {  	_ =	shalt  }
0x6f: {  	_ =	shalt  }
0x70: {  	_ =	shalt  }
0x71: {  	_ =	shalt  }
0x72: {  	_ =	shalt  }
0x73: {  	_ =	shalt  }
0x74: {  	_ =	shalt  }
0x75: {  	_ =	shalt  }
0x76: {  	_ =	shalt  }
0x77: {  	_ =	shalt  }
0x78: {  	_ =	shalt  }
0x79: {  	_ =	shalt  }
0x7a: {  	_ =	shalt  }
0x7b: {  	_ =	shalt  }
0x7c: {  	_ =	shalt  }
0x7d: {  	_ =	shalt  }
0x7e: {  	_ =	shalt  }
0x7f: {  	_ =	shalt  }
0x80: {  	_ =	shalt  }
0x81: {  	_ =	shalt  }
0x82: {  	_ =	shalt  }
0x83: {  	_ =	shalt  }
0x84: {  	_ =	shalt  }
0x85: {  	_ =	shalt  }
0x86: {  	_ =	shalt  }
0x87: {  	_ =	shalt  }
.Lfunc_end0:
.L_simem_size_0:
called_computation_lowered:
.L_overlay_start_0:
0x88: {  	s2 =	sld [smem:$0x3FD9]  }
0x89: {  	s3 =	sld [smem:$0x3FFE];
	_ =	sdelay $0x1  }
0x8a: {  	s1 =	srdreg.scid  }
0x8b: {  	s0 =	sand.u32 $0x1, s1  }
0x8c: {  	s14 =	sshll.u32 s0, $0xA;
	s2 =	sadd.s32 s3, s2  }
0x8d: {  	s2 =	sadd.s32 s2, s14  }
0x8e: {  	[smem:$0x3FC3] =	sst s2  }
0x8f: {  	_ = 	snop  }
0x90: {  	s2 =	sld [smem:$0x3FD0];
	_ =	sdelay $0x2  }
0x91: {  	s15 =	simm.s32 $0xA;
	s4 =	simm.s32 $0x10  }
0x92: {  	[smem:s4], [sflag:s15] =	dma.local [hbm:s2], $0x1  }
0x93: {  	_ =	swait.eq [sflag:s15], $0x1  }
0x94: {  	[sflag:s15] =	ssyncset.done $0x0  }
0x95: {  	s16 =	sld [smem:$0x10];
	[sflag:s15] =	ssyncadd.s32 $0xFFFFFFFF  }
0x96: {  	s17 =	sld [smem:$0x11];
	(tm) =	ssettm $0x1  }
0x97: {  	s18 =	sld [smem:$0x3FFB];
	_ =	sdelay $0x3  }
0x98: {  	_ =	strace s18  }
0x99: {  	s4 =	sld [smem:$0x3FFC];
	_ =	sdelay $0x3  }
0x9a: {  	_ =	strace s4  }
0x9b: {  	s4 =	sld [smem:$0x3FFD];
	_ =	sdelay $0x3  }
0x9c: {  	_ =	strace s4  }
0x9d: {  	_ =	strace $0x8FFFFFFF  }
0x9e: {  	s19 =	sld [smem:$0x3FDB];
	_ =	sdelay $0x1  }
0x9f: {  	s5 =	simm.s32 $_scs_section_size  }
0xa0: {  	s6 =	simm.s32 $_size__tile_overlayer_lowered;
	s7 =	simm.s32 $_tile_overlayer_lowered  }
0xa1: {  	s22 =	simm.s32 $0x1BFF;
	s21 =	sshll.u32 s7, $0x1;
	s4 =	sadd.s32 s5, s19  }
0xa2: {  	s8 =	simm.s32 $0x0;
	s20 =	sshll.u32 s6, $0x1;
	s6 =	sadd.s32 s21, s4  }
0xa3: {  	[timem:s8], [sflag:s22] =	dma.local [hbm:s6], s20  }
0xa4: {  	_ =	swait.ge [sflag:s22], s20  }
0xa5: {  	s5 =	ssub.s32 $0x0, s20;
	[sflag:s22] =	ssyncset.done $0x0  }
0xa6: {  	[sflag:s22] =	ssyncadd.s32 s5;
	_ =	sdelay $0x1  }
0xa7: {  	s23 =	simm.s32 $0x1B8B  }
0xa8: {  	_ =	swait.ge [sflag:s23], $0x1  }
0xa9: {  	[sflag:s23] =	ssyncset.done $0x0  }
0xaa: {  	s25 =	simm.s32 $0x1B8E;
	s24 =	sld [smem:$0x3FFE];
	[sflag:s23] =	ssyncadd.s32 $0xFFFFFFFF  }
0xab: {  	s26 =	simm.s32 $execute0_lowered;
	[smem:$0x3FD2] =	sst s25  }
0xac: {  	s6 =	sshll.u32 s26, $0x1;
	_ =	strace $0x80000046;
	[dreg:$0x1] =	wrdreg $0xFFFFFFFF  }
0xad: {  	s28 =	simm.s32 $_size_execute0_lowered;
	s4 =	sadd.s32 s4, s6;
	[dreg:$0x0] =	wrdreg $0x0  }
0xae: {  	s6 =	sshll.u32 s28, $0x1;
	[dreg:$0x2] =	wrdreg s4  }
0xaf: {  	[dreg:$0x3] =	wrdreg s6  }
0xb0: {  	[dreg:$0x4] =	wrdreg $0xC0  }
0xb1: {  	_ =	task [dreg:s8], $0x5FFFF  }
0xb2: {  	[dreg:$0x1] =	wrdreg $0xFFFFFFFF  }
0xb3: {  	[dreg:$0x0] =	wrdreg $0x60  }
0xb4: {  	[dreg:$0x2] =	wrdreg s24  }
0xb5: {  	[dreg:$0x3] =	wrdreg s17  }
0xb6: {  	[dreg:$0x4] =	wrdreg s16  }
0xb7: {  	[dreg:$0x5] =	wrdreg $0x1BD000  }
0xb8: {  	[dreg:$0x6] =	wrdreg $0x9  }
0xb9: {  	_ =	task.clear_ibuf [dreg:s8], $0x7FFFF;
	_ =	strace $0x90000046  }
0xba: {  	s29 =	simm.s32 $0x9;
	_ =	strace $0x80000048  }
0xbb: {  	_ =	swait.ge [sflag:s29], $0x1  }
0xbc: {  	[sflag:s29] =	ssyncadd.s32 $0xFFFFFFFF  }
0xbd: {  	_ =	strace $0x90000048  }
0xbe: {  	_ =	sfence  }
0xbf: {  	s30 =	sld [smem:$0x0];
	_ =	sdelay $0x2  }
0xc0: {  	s31 =	sshll.u32 s1, $0xD;
	s1 =	sshrl.u32 s1, $0x2  }
0xc1: {  	s3 =	sand.u32 $0x4000, s31;
	s1 =	sadd.s32 s1, s30  }
0xc2: {  	s0 =	sor.u32 s3, s0;
	s1 =	sshll.u32 s1, $0x11  }
0xc3: {  	s0 =	sor.u32 s1, s0  }
0xc4: {  	s0 =	sadd.s32 $0x8F2B, s0  }
0xc5: {  	[sflag:s0] =	ssyncadd.remote.s32 $0x1  }
0xc6: {  	_ =	sfence.sel $0xFFFF  }
0xc7: {  	[dreg:$0x0] =	wrdreg $0xFFFFFFFF;
	(pc) =	sbr.abs _section_cstart, $3  }
0xc8: {  	[dreg:$0x1] =	wrdreg $0xFFFFFFFF  }
0xc9: {  	_ =	task.clear_ibuf [dreg:s8], $0x2FFFF;
	_ =	strace $0x9FFFFFFF  }
0xca: {  	(tm) =	ssettm $0x7FFFFFFF  }
0xcb: {  	_ =	shalt  }
tec
execute0_lowered:
.L_overlay_start_1:
0x0: {  	(tag) =	ssettag $0x1  }
0x1: {  	s0 =	rddreg [dreg:$0x0]  }
0x2: {  	s1 =	rddreg [dreg:$0x2]  }
0x3: {  	s2 =	rddreg [dreg:$0x3];
	s3 =	simm.s32 $0x0;
	s10 =	stileid.u32  }
0x4: {  	s4 =	srdreg.scid;
	s13 =	simm.s32 $0x5;
	s14 =	simm.s32 $0xC880  }
0x5: {  	s15 =	simm.s32 $0xEC80;
	s16 =	simm.s32 $0x1BC80;
	s17 =	simm.s32 $0x68  }
0x6: {  	s18 =	simm.s32 $0xF480;
	s19 =	simm.s32 $0x60;
	s20 =	simm.s32 $0x12880  }
0x7: {  	s21 =	simm.s32 $0x1;
	s22 =	simm.s32 $0x15880;
	s23 =	simm.s32 $0x2  }
0x8: {  	s24 =	simm.s32 $0x18C80;
	s25 =	simm.s32 $0x3;
	s28 =	simm.s32 $0x0  }
0x9: {  	[smem:$0x7FF] =	sst s3;
	s9 =	sand.u32 $0x1, s4;
	s5 =	sshll.u32 s10, $0x1  }
0xa: {  	s4 =	sadd.s32 $0x400, s0;
	s11 =	sshll.u32 s10, $0xD;
	p0 =	sne.s32 s10, $0x0  }
0xb: {  	_ =	strace $0x80000047;
	s6 =	sor.u32 s9, s5;
	s12 =	sadd.s32 s11, s0  }
0xc: {  	s8 =	ssub.s32 $0x2, s9;
	s5 =	sadd.s32 $0x20C00, s0;
	s29 =	sadd.s32 s11, s1  }
.Ltmp0:
0xd: {  	s30 =	sshll.u32 s9, $0xC;
	s11 =	sshrl.u32 @!p0 s2, $0x3;
	(pc) =	sbr.rel .LBB2_1-.Ltmp0, $4  }
0xe: {  	s7 =	sshll.u32 s6, $0x4;
	s26 =	sshrl.u32 s8, $0x1;
	s6 =	sshll.u32 s6, $0x7  }
0xf: {  	s9 =	sadd.s32 s30, s29;
	s31 =	sadd.s32 s30, s12;
	s12 =	simm.s32 $0xC800  }
0x10: {  	s0 =	sadd.s32 s7, s0;
	s8 =	ssub.s32 s8, s26;
	s10 =	sadd.s32 $0xA00, s31  }
0x11: {  	s26 =	simm.s32 $0x4;
	s7 =	sadd.s32 $0x20A00, s0;
	s8 =	smax.u32 s8, $0x1  }
.LBB2_14:
0x12: {  	s28 =	sadd.s32 $0x1, s28  }
0x13: {  	_ =	swait.ge [sflag:s25], $0x3400;
	p1 =	sne.s32 s28, s8  }
.Ltmp1:
0x14: {  	[sflag:s25] =	ssyncset.done $0x0;
	(pc) =	sbr.rel @!p1 .LBB2_15-.Ltmp1, $4  }
0x15: {  	[sflag:s25] =	ssyncadd.s32 $0xFFFFCC00  }
0x16: {  	_ =	swait.ge [sflag:s26], $0x3000  }
0x17: {  	[sflag:s26] =	ssyncset.done $0x0  }
0x18: {  	[sflag:s26] =	ssyncadd.s32 $0xFFFFD000  }
.LBB2_1:
0x19: {  	s0 =	simm.s32 @!p0 $0x1C05  }
0x1a: {  	[spmem:s11], [sflag:s0] =	dma.local @!p0 [hbm:s4], $0x410  }
0x1b: {  	s0 =	simm.s32 @!p0 $0x5  }
0x1c: {  	_ =	swait.ge @!p0 [sflag:s0], $0x410  }
0x1d: {  	[sflag:s0] =	ssyncset.done @!p0 $0x0  }
0x1e: {  	[sflag:s0] =	ssyncadd.s32 @!p0 $0xFFFFFBF0  }
0x1f: {  	[bflag:$0x0] =	sbarrier.arrive $0xFFFF  }
0x20: {  	s29 =	rddreg [dreg:$0x1]  }
0x21: {  	[tilespmem:s12], [sflag:$0x5] =	stream.linear.gather [hbm4b:s29+s3], $0x80, $0x38;
	[tilespmem:$0x1BF08] =	vst v63  }
0x22: {  	_ =	swait.ge [sflag:s13], $0x80  }
0x23: {  	[sflag:s13] =	ssyncset.done $0x0  }
0x24: {  	[sflag:s13] =	ssyncadd.s32 $0xFFFFFF80  }
0x25: {  	[tilespmem:s14], [sflag:$0x5] =	stream.linear.gather [hbm4b:s4+s3], $0x2080, $0x38;
	[tilespmem:$0x1BF08] =	vst v63  }
0x26: {  	_ =	swait.ge [sflag:s13], $0x2080  }
0x27: {  	s30 =	smov.u32 s9;
	[sflag:s13] =	ssyncset.done $0x0  }
0x28: {  	s31 =	simm.s32 $0x0;
	s0 =	simm.s32 $0x320;
	[sflag:s13] =	ssyncadd.s32 $0xFFFFDF80  }
.LBB2_2:
0x29: {  	s29 =	simm.s32 $0x0  }
0x2a: {  	[tilespmem:s15], [sflag:$0x5] =	stream.linear.gather [hbm4b:s30+s29], $0x800, $0x38;
	[tilespmem:$0x1BF08] =	vst v63  }
0x2b: {  	_ =	swait.ge [sflag:s13], $0x800  }
0x2c: {  	[sflag:s13] =	ssyncset.done $0x0  }
0x2d: {  	[sflag:s13] =	ssyncadd.s32 $0xFFFFF800  }
0x2e: {  	v0 =	vld [tilespmem:$0xEC80];
	_ =	sdelay $0x4  }
0x2f: {  	[tilespmem:s0+$0xFFFFFCE0] =	vst v0  }
0x30: {  	v0 =	vld [tilespmem:$0xEC90];
	_ =	sdelay $0x4  }
0x31: {  	[tilespmem:s0+$0xFFFFFCF0] =	vst v0  }
0x32: {  	v0 =	vld [tilespmem:$0xECA0];
	_ =	sdelay $0x4  }
0x33: {  	[tilespmem:s0+$0xFFFFFD00] =	vst v0  }
0x34: {  	v0 =	vld [tilespmem:$0xECB0];
	_ =	sdelay $0x4  }
0x35: {  	[tilespmem:s0+$0xFFFFFD10] =	vst v0  }
0x36: {  	v0 =	vld [tilespmem:$0xECC0];
	_ =	sdelay $0x4  }
0x37: {  	[tilespmem:s0+$0xFFFFFD20] =	vst v0  }
0x38: {  	v0 =	vld [tilespmem:$0xECD0];
	_ =	sdelay $0x4  }
0x39: {  	[tilespmem:s0+$0xFFFFFD30] =	vst v0  }
0x3a: {  	v0 =	vld [tilespmem:$0xECE0];
	_ =	sdelay $0x4  }
0x3b: {  	[tilespmem:s0+$0xFFFFFD40] =	vst v0  }
0x3c: {  	v0 =	vld [tilespmem:$0xECF0];
	_ =	sdelay $0x4  }
0x3d: {  	[tilespmem:s0+$0xFFFFFD50] =	vst v0  }
0x3e: {  	v0 =	vld [tilespmem:$0xF080];
	_ =	sdelay $0x3  }
0x3f: {  	s1 =	sand.u32 $0x7FC0, s31  }
0x40: {  	[tilespmem:s1+$0x80] =	vst v0  }
0x41: {  	v0 =	vld [tilespmem:$0xF090];
	_ =	sdelay $0x4  }
0x42: {  	[tilespmem:s0+$0xFFFFFD70] =	vst v0  }
0x43: {  	v0 =	vld [tilespmem:$0xF0A0];
	_ =	sdelay $0x4  }
0x44: {  	[tilespmem:s0+$0xFFFFFD80] =	vst v0  }
0x45: {  	v0 =	vld [tilespmem:$0xF0B0];
	_ =	sdelay $0x4  }
0x46: {  	[tilespmem:s0+$0xFFFFFD90] =	vst v0  }
0x47: {  	v0 =	vld [tilespmem:$0xF0B8];
	_ =	sdelay $0x4  }
0x48: {  	[tilespmem:s0+$0xFFFFFD98] =	vst v0  }
0x49: {  	v0 =	vld [tilespmem:$0xED00];
	_ =	sdelay $0x4  }
0x4a: {  	[tilespmem:s0+$0xFFFFFDA8] =	vst v0  }
0x4b: {  	v0 =	vld [tilespmem:$0xED10];
	_ =	sdelay $0x4  }
0x4c: {  	[tilespmem:s0+$0xFFFFFDB8] =	vst v0  }
0x4d: {  	v0 =	vld [tilespmem:$0xED20];
	_ =	sdelay $0x4  }
0x4e: {  	[tilespmem:s0+$0xFFFFFDC8] =	vst v0  }
0x4f: {  	v0 =	vld [tilespmem:$0xED30];
	_ =	sdelay $0x4  }
0x50: {  	[tilespmem:s0+$0xFFFFFDD8] =	vst v0  }
0x51: {  	v0 =	vld [tilespmem:$0xED40];
	_ =	sdelay $0x4  }
0x52: {  	[tilespmem:s0+$0xFFFFFDE8] =	vst v0  }
0x53: {  	v0 =	vld [tilespmem:$0xED50];
	_ =	sdelay $0x4  }
0x54: {  	[tilespmem:s0+$0xFFFFFDF8] =	vst v0  }
0x55: {  	v0 =	vld [tilespmem:$0xED60];
	_ =	sdelay $0x4  }
0x56: {  	[tilespmem:s0+$0xFFFFFE08] =	vst v0  }
0x57: {  	v0 =	vld [tilespmem:$0xED70];
	_ =	sdelay $0x4  }
0x58: {  	[tilespmem:s0+$0xFFFFFE18] =	vst v0  }
0x59: {  	v0 =	vld [tilespmem:$0xF100];
	_ =	sdelay $0x4  }
0x5a: {  	[tilespmem:s0+$0xFFFFFE28] =	vst v0  }
0x5b: {  	v0 =	vld [tilespmem:$0xF110];
	_ =	sdelay $0x4  }
0x5c: {  	[tilespmem:s0+$0xFFFFFE38] =	vst v0  }
0x5d: {  	v0 =	vld [tilespmem:$0xF120];
	_ =	sdelay $0x4  }
0x5e: {  	[tilespmem:s0+$0xFFFFFE48] =	vst v0  }
0x5f: {  	v0 =	vld [tilespmem:$0xF130];
	_ =	sdelay $0x4  }
0x60: {  	[tilespmem:s0+$0xFFFFFE58] =	vst v0  }
0x61: {  	v0 =	vld [tilespmem:$0xF138];
	_ =	sdelay $0x4  }
0x62: {  	[tilespmem:s1+$0x180] =	vst v0  }
0x63: {  	v0 =	vld [tilespmem:$0xED80];
	_ =	sdelay $0x4  }
0x64: {  	[tilespmem:s0+$0xFFFFFE70] =	vst v0  }
0x65: {  	v0 =	vld [tilespmem:$0xED90];
	_ =	sdelay $0x4  }
0x66: {  	[tilespmem:s0+$0xFFFFFE80] =	vst v0  }
0x67: {  	v0 =	vld [tilespmem:$0xEDA0];
	_ =	sdelay $0x4  }
0x68: {  	[tilespmem:s0+$0xFFFFFE90] =	vst v0  }
0x69: {  	v0 =	vld [tilespmem:$0xEDB0];
	_ =	sdelay $0x4  }
0x6a: {  	[tilespmem:s0+$0xFFFFFEA0] =	vst v0  }
0x6b: {  	v0 =	vld [tilespmem:$0xEDC0];
	_ =	sdelay $0x4  }
0x6c: {  	[tilespmem:s0+$0xFFFFFEB0] =	vst v0  }
0x6d: {  	v0 =	vld [tilespmem:$0xEDD0];
	_ =	sdelay $0x4  }
0x6e: {  	[tilespmem:s0+$0xFFFFFEC0] =	vst v0  }
0x6f: {  	v0 =	vld [tilespmem:$0xEDE0];
	_ =	sdelay $0x4  }
0x70: {  	[tilespmem:s0+$0xFFFFFED0] =	vst v0  }
0x71: {  	v0 =	vld [tilespmem:$0xEDF0];
	_ =	sdelay $0x4  }
0x72: {  	[tilespmem:s1+$0x200] =	vst v0  }
0x73: {  	v0 =	vld [tilespmem:$0xF180];
	_ =	sdelay $0x4  }
0x74: {  	[tilespmem:s0+$0xFFFFFEF0] =	vst v0  }
0x75: {  	v0 =	vld [tilespmem:$0xF190];
	_ =	sdelay $0x4  }
0x76: {  	[tilespmem:s0+$0xFFFFFF00] =	vst v0  }
0x77: {  	v0 =	vld [tilespmem:$0xF1A0];
	_ =	sdelay $0x4  }
0x78: {  	[tilespmem:s0+$0xFFFFFF10] =	vst v0  }
0x79: {  	v0 =	vld [tilespmem:$0xF1B0];
	_ =	sdelay $0x4  }
0x7a: {  	[tilespmem:s0+$0xFFFFFF20] =	vst v0  }
0x7b: {  	v0 =	vld [tilespmem:$0xF1B8];
	_ =	sdelay $0x4  }
0x7c: {  	[tilespmem:s0+$0xFFFFFF28] =	vst v0  }
0x7d: {  	v0 =	vld [tilespmem:$0xEE00];
	_ =	sdelay $0x4  }
0x7e: {  	[tilespmem:s0+$0xFFFFFF38] =	vst v0  }
0x7f: {  	v0 =	vld [tilespmem:$0xEE10];
	_ =	sdelay $0x4  }
0x80: {  	[tilespmem:s0+$0xFFFFFF48] =	vst v0  }
0x81: {  	v0 =	vld [tilespmem:$0xEE20];
	_ =	sdelay $0x4  }
0x82: {  	[tilespmem:s0+$0xFFFFFF58] =	vst v0  }
0x83: {  	v0 =	vld [tilespmem:$0xEE30];
	_ =	sdelay $0x4  }
0x84: {  	[tilespmem:s0+$0xFFFFFF68] =	vst v0  }
0x85: {  	v0 =	vld [tilespmem:$0xEE40];
	_ =	sdelay $0x4  }
0x86: {  	[tilespmem:s0+$0xFFFFFF78] =	vst v0  }
0x87: {  	v0 =	vld [tilespmem:$0xEE50];
	_ =	sdelay $0x4  }
0x88: {  	[tilespmem:s0+$0xFFFFFF88] =	vst v0  }
0x89: {  	v0 =	vld [tilespmem:$0xEE60];
	_ =	sdelay $0x4  }
0x8a: {  	[tilespmem:s0+$0xFFFFFF98] =	vst v0  }
0x8b: {  	v0 =	vld [tilespmem:$0xEE70];
	_ =	sdelay $0x4  }
0x8c: {  	[tilespmem:s0+$0xFFFFFFA8] =	vst v0  }
0x8d: {  	v0 =	vld [tilespmem:$0xF200];
	_ =	sdelay $0x4  }
0x8e: {  	[tilespmem:s0+$0xFFFFFFB8] =	vst v0  }
0x8f: {  	v0 =	vld [tilespmem:$0xF210];
	_ =	sdelay $0x4  }
0x90: {  	[tilespmem:s0+$0xFFFFFFC8] =	vst v0  }
0x91: {  	v0 =	vld [tilespmem:$0xF220];
	_ =	sdelay $0x4  }
0x92: {  	[tilespmem:s0+$0xFFFFFFD8] =	vst v0  }
0x93: {  	v0 =	vld [tilespmem:$0xF230];
	_ =	sdelay $0x4  }
0x94: {  	[tilespmem:s0+$0xFFFFFFE8] =	vst v0  }
0x95: {  	v0 =	vld [tilespmem:$0xF238];
	_ =	sdelay $0x4  }
0x96: {  	[tilespmem:s0+$0xFFFFFFF0] =	vst v0  }
0x97: {  	v0 =	vld [tilespmem:$0xEE80];
	_ =	sdelay $0x4  }
0x98: {  	[tilespmem:s0+$0x0] =	vst v0  }
0x99: {  	v0 =	vld [tilespmem:$0xEE90];
	_ =	sdelay $0x4  }
0x9a: {  	[tilespmem:s0+$0x10] =	vst v0  }
0x9b: {  	v0 =	vld [tilespmem:$0xEEA0];
	_ =	sdelay $0x4  }
0x9c: {  	[tilespmem:s0+$0x20] =	vst v0  }
0x9d: {  	v0 =	vld [tilespmem:$0xEEB0];
	_ =	sdelay $0x4  }
0x9e: {  	[tilespmem:s0+$0x30] =	vst v0  }
0x9f: {  	v0 =	vld [tilespmem:$0xEEC0];
	_ =	sdelay $0x4  }
0xa0: {  	[tilespmem:s0+$0x40] =	vst v0  }
0xa1: {  	v0 =	vld [tilespmem:$0xEED0];
	_ =	sdelay $0x4  }
0xa2: {  	[tilespmem:s0+$0x50] =	vst v0  }
0xa3: {  	v0 =	vld [tilespmem:$0xEEE0];
	_ =	sdelay $0x4  }
0xa4: {  	[tilespmem:s1+$0x380] =	vst v0  }
0xa5: {  	v0 =	vld [tilespmem:$0xEEF0];
	_ =	sdelay $0x4  }
0xa6: {  	[tilespmem:s0+$0x70] =	vst v0  }
0xa7: {  	v0 =	vld [tilespmem:$0xF280];
	_ =	sdelay $0x4  }
0xa8: {  	[tilespmem:s0+$0x80] =	vst v0  }
0xa9: {  	v0 =	vld [tilespmem:$0xF290];
	_ =	sdelay $0x4  }
0xaa: {  	[tilespmem:s0+$0x90] =	vst v0  }
0xab: {  	v0 =	vld [tilespmem:$0xF2A0];
	_ =	sdelay $0x4  }
0xac: {  	[tilespmem:s0+$0xA0] =	vst v0  }
0xad: {  	v0 =	vld [tilespmem:$0xF2B0];
	_ =	sdelay $0x4  }
0xae: {  	[tilespmem:s0+$0xB0] =	vst v0  }
0xaf: {  	v0 =	vld [tilespmem:$0xF2B8];
	_ =	sdelay $0x4  }
0xb0: {  	[tilespmem:s0+$0xB8] =	vst v0  }
0xb1: {  	v0 =	vld [tilespmem:$0xEF00];
	_ =	sdelay $0x4  }
0xb2: {  	[tilespmem:s0+$0xC8] =	vst v0  }
0xb3: {  	v0 =	vld [tilespmem:$0xEF10];
	_ =	sdelay $0x4  }
0xb4: {  	[tilespmem:s0+$0xD8] =	vst v0  }
0xb5: {  	v0 =	vld [tilespmem:$0xEF20];
	_ =	sdelay $0x4  }
0xb6: {  	[tilespmem:s0+$0xE8] =	vst v0  }
0xb7: {  	v0 =	vld [tilespmem:$0xEF30];
	_ =	sdelay $0x4  }
0xb8: {  	[tilespmem:s0+$0xF8] =	vst v0  }
0xb9: {  	v0 =	vld [tilespmem:$0xEF40];
	_ =	sdelay $0x4  }
0xba: {  	[tilespmem:s0+$0x108] =	vst v0  }
0xbb: {  	v0 =	vld [tilespmem:$0xEF50];
	_ =	sdelay $0x4  }
0xbc: {  	[tilespmem:s0+$0x118] =	vst v0  }
0xbd: {  	v0 =	vld [tilespmem:$0xEF60];
	_ =	sdelay $0x4  }
0xbe: {  	[tilespmem:s0+$0x128] =	vst v0  }
0xbf: {  	v0 =	vld [tilespmem:$0xEF70];
	_ =	sdelay $0x4  }
0xc0: {  	[tilespmem:s0+$0x138] =	vst v0  }
0xc1: {  	v0 =	vld [tilespmem:$0xF300];
	_ =	sdelay $0x4  }
0xc2: {  	[tilespmem:s0+$0x148] =	vst v0  }
0xc3: {  	v0 =	vld [tilespmem:$0xF310];
	_ =	sdelay $0x4  }
0xc4: {  	[tilespmem:s0+$0x158] =	vst v0  }
0xc5: {  	v0 =	vld [tilespmem:$0xF320];
	_ =	sdelay $0x4  }
0xc6: {  	[tilespmem:s0+$0x168] =	vst v0  }
0xc7: {  	v0 =	vld [tilespmem:$0xF330];
	_ =	sdelay $0x4  }
0xc8: {  	[tilespmem:s0+$0x178] =	vst v0  }
0xc9: {  	v0 =	vld [tilespmem:$0xF338];
	_ =	sdelay $0x4  }
0xca: {  	[tilespmem:s0+$0x180] =	vst v0  }
0xcb: {  	v0 =	vld [tilespmem:$0xEF80];
	_ =	sdelay $0x4  }
0xcc: {  	[tilespmem:s0+$0x190] =	vst v0  }
0xcd: {  	v0 =	vld [tilespmem:$0xEF90];
	_ =	sdelay $0x4  }
0xce: {  	[tilespmem:s0+$0x1A0] =	vst v0  }
0xcf: {  	v0 =	vld [tilespmem:$0xEFA0];
	_ =	sdelay $0x4  }
0xd0: {  	[tilespmem:s0+$0x1B0] =	vst v0  }
0xd1: {  	v0 =	vld [tilespmem:$0xEFB0];
	_ =	sdelay $0x4  }
0xd2: {  	[tilespmem:s0+$0x1C0] =	vst v0  }
0xd3: {  	v0 =	vld [tilespmem:$0xEFC0];
	_ =	sdelay $0x4  }
0xd4: {  	[tilespmem:s0+$0x1D0] =	vst v0  }
0xd5: {  	v0 =	vld [tilespmem:$0xEFD0];
	_ =	sdelay $0x4  }
0xd6: {  	[tilespmem:s1+$0x500] =	vst v0  }
0xd7: {  	v0 =	vld [tilespmem:$0xEFE0];
	_ =	sdelay $0x4  }
0xd8: {  	[tilespmem:s0+$0x1F0] =	vst v0  }
0xd9: {  	v0 =	vld [tilespmem:$0xEFF0];
	_ =	sdelay $0x4  }
0xda: {  	[tilespmem:s0+$0x200] =	vst v0  }
0xdb: {  	v0 =	vld [tilespmem:$0xF380];
	_ =	sdelay $0x4  }
0xdc: {  	[tilespmem:s0+$0x210] =	vst v0  }
0xdd: {  	v0 =	vld [tilespmem:$0xF390];
	_ =	sdelay $0x4  }
0xde: {  	[tilespmem:s0+$0x220] =	vst v0  }
0xdf: {  	v0 =	vld [tilespmem:$0xF3A0];
	_ =	sdelay $0x4  }
0xe0: {  	[tilespmem:s0+$0x230] =	vst v0  }
0xe1: {  	v0 =	vld [tilespmem:$0xF3B0];
	_ =	sdelay $0x4  }
0xe2: {  	[tilespmem:s0+$0x240] =	vst v0  }
0xe3: {  	v0 =	vld [tilespmem:$0xF3B8];
	_ =	sdelay $0x4  }
0xe4: {  	[tilespmem:s0+$0x248] =	vst v0  }
0xe5: {  	v0 =	vld [tilespmem:$0xF000];
	_ =	sdelay $0x4  }
0xe6: {  	[tilespmem:s0+$0x258] =	vst v0  }
0xe7: {  	v0 =	vld [tilespmem:$0xF010];
	_ =	sdelay $0x4  }
0xe8: {  	[tilespmem:s0+$0x268] =	vst v0  }
0xe9: {  	v0 =	vld [tilespmem:$0xF020];
	_ =	sdelay $0x4  }
0xea: {  	[tilespmem:s0+$0x278] =	vst v0  }
0xeb: {  	v0 =	vld [tilespmem:$0xF030];
	_ =	sdelay $0x4  }
0xec: {  	[tilespmem:s0+$0x288] =	vst v0  }
0xed: {  	v0 =	vld [tilespmem:$0xF040];
	_ =	sdelay $0x4  }
0xee: {  	[tilespmem:s0+$0x298] =	vst v0  }
0xef: {  	v0 =	vld [tilespmem:$0xF050];
	_ =	sdelay $0x4  }
0xf0: {  	[tilespmem:s0+$0x2A8] =	vst v0  }
0xf1: {  	v0 =	vld [tilespmem:$0xF060];
	_ =	sdelay $0x4  }
0xf2: {  	[tilespmem:s0+$0x2B8] =	vst v0  }
0xf3: {  	v0 =	vld [tilespmem:$0xF070];
	_ =	sdelay $0x4  }
0xf4: {  	[tilespmem:s0+$0x2C8] =	vst v0  }
0xf5: {  	v0 =	vld [tilespmem:$0xF400];
	_ =	sdelay $0x4  }
0xf6: {  	[tilespmem:s0+$0x2D8] =	vst v0  }
0xf7: {  	v0 =	vld [tilespmem:$0xF410];
	_ =	sdelay $0x4  }
0xf8: {  	[tilespmem:s0+$0x2E8] =	vst v0  }
0xf9: {  	v0 =	vld [tilespmem:$0xF420];
	_ =	sdelay $0x4  }
0xfa: {  	[tilespmem:s0+$0x2F8] =	vst v0  }
0xfb: {  	v0 =	vld [tilespmem:$0xF430];
	_ =	sdelay $0x4  }
0xfc: {  	[tilespmem:s0+$0x308] =	vst v0  }
0xfd: {  	p1 =	sne.s32 s31, $0x5DC0;
	v0 =	vld [tilespmem:$0xF438]  }
.Ltmp2:
0xfe: {  	_ = 	snop;
	(pc) =	sbr.rel @p1 .LBB2_2-.Ltmp2, $2  }
0xff: {  	_ =	sdelay $0x2  }
0x100: {  	s31 =	sadd.s32 $0x640, s31;
	s30 =	sadd.s32 $0x100, s30;
	[tilespmem:s0+$0x310] =	vst v0;
	s0 =	sadd.s32 $0x640, s0  }
0x101: {  	s0 =	simm.s32 $0x6720;
	s30 =	smov.u32 s10;
	s31 =	simm.s32 $0x0  }
.LBB2_4:
0x102: {  	[tilespmem:s15], [sflag:$0x5] =	stream.linear.gather [hbm4b:s30+s29], $0x800, $0x38;
	[tilespmem:$0x1BF08] =	vst v63  }
0x103: {  	_ =	swait.ge [sflag:s13], $0x800  }
0x104: {  	[sflag:s13] =	ssyncset.done $0x0  }
0x105: {  	[sflag:s13] =	ssyncadd.s32 $0xFFFFF800  }
0x106: {  	v0 =	vld [tilespmem:$0xEC80];
	_ =	sdelay $0x4  }
0x107: {  	[tilespmem:s0+$0xFFFFFCE0] =	vst v0  }
0x108: {  	v0 =	vld [tilespmem:$0xEC90];
	_ =	sdelay $0x4  }
0x109: {  	[tilespmem:s0+$0xFFFFFCF0] =	vst v0  }
0x10a: {  	v0 =	vld [tilespmem:$0xECA0];
	_ =	sdelay $0x4  }
0x10b: {  	[tilespmem:s0+$0xFFFFFD00] =	vst v0  }
0x10c: {  	v0 =	vld [tilespmem:$0xECB0];
	_ =	sdelay $0x4  }
0x10d: {  	[tilespmem:s0+$0xFFFFFD10] =	vst v0  }
0x10e: {  	v0 =	vld [tilespmem:$0xECC0];
	_ =	sdelay $0x4  }
0x10f: {  	[tilespmem:s0+$0xFFFFFD20] =	vst v0  }
0x110: {  	v0 =	vld [tilespmem:$0xECD0];
	_ =	sdelay $0x4  }
0x111: {  	[tilespmem:s0+$0xFFFFFD30] =	vst v0  }
0x112: {  	v0 =	vld [tilespmem:$0xECE0];
	_ =	sdelay $0x4  }
0x113: {  	[tilespmem:s0+$0xFFFFFD40] =	vst v0  }
0x114: {  	v0 =	vld [tilespmem:$0xECF0];
	_ =	sdelay $0x4  }
0x115: {  	[tilespmem:s0+$0xFFFFFD50] =	vst v0  }
0x116: {  	v0 =	vld [tilespmem:$0xF080];
	_ =	sdelay $0x3  }
0x117: {  	s1 =	sand.u32 $0x7FC0, s31  }
0x118: {  	[tilespmem:s1+$0x6480] =	vst v0  }
0x119: {  	v0 =	vld [tilespmem:$0xF090];
	_ =	sdelay $0x4  }
0x11a: {  	[tilespmem:s0+$0xFFFFFD70] =	vst v0  }
0x11b: {  	v0 =	vld [tilespmem:$0xF0A0];
	_ =	sdelay $0x4  }
0x11c: {  	[tilespmem:s0+$0xFFFFFD80] =	vst v0  }
0x11d: {  	v0 =	vld [tilespmem:$0xF0B0];
	_ =	sdelay $0x4  }
0x11e: {  	[tilespmem:s0+$0xFFFFFD90] =	vst v0  }
0x11f: {  	v0 =	vld [tilespmem:$0xF0B8];
	_ =	sdelay $0x4  }
0x120: {  	[tilespmem:s0+$0xFFFFFD98] =	vst v0  }
0x121: {  	v0 =	vld [tilespmem:$0xED00];
	_ =	sdelay $0x4  }
0x122: {  	[tilespmem:s0+$0xFFFFFDA8] =	vst v0  }
0x123: {  	v0 =	vld [tilespmem:$0xED10];
	_ =	sdelay $0x4  }
0x124: {  	[tilespmem:s0+$0xFFFFFDB8] =	vst v0  }
0x125: {  	v0 =	vld [tilespmem:$0xED20];
	_ =	sdelay $0x4  }
0x126: {  	[tilespmem:s0+$0xFFFFFDC8] =	vst v0  }
0x127: {  	v0 =	vld [tilespmem:$0xED30];
	_ =	sdelay $0x4  }
0x128: {  	[tilespmem:s0+$0xFFFFFDD8] =	vst v0  }
0x129: {  	v0 =	vld [tilespmem:$0xED40];
	_ =	sdelay $0x4  }
0x12a: {  	[tilespmem:s0+$0xFFFFFDE8] =	vst v0  }
0x12b: {  	v0 =	vld [tilespmem:$0xED50];
	_ =	sdelay $0x4  }
0x12c: {  	[tilespmem:s0+$0xFFFFFDF8] =	vst v0  }
0x12d: {  	v0 =	vld [tilespmem:$0xED60];
	_ =	sdelay $0x4  }
0x12e: {  	[tilespmem:s0+$0xFFFFFE08] =	vst v0  }
0x12f: {  	v0 =	vld [tilespmem:$0xED70];
	_ =	sdelay $0x4  }
0x130: {  	[tilespmem:s0+$0xFFFFFE18] =	vst v0  }
0x131: {  	v0 =	vld [tilespmem:$0xF100];
	_ =	sdelay $0x4  }
0x132: {  	[tilespmem:s0+$0xFFFFFE28] =	vst v0  }
0x133: {  	v0 =	vld [tilespmem:$0xF110];
	_ =	sdelay $0x4  }
0x134: {  	[tilespmem:s0+$0xFFFFFE38] =	vst v0  }
0x135: {  	v0 =	vld [tilespmem:$0xF120];
	_ =	sdelay $0x4  }
0x136: {  	[tilespmem:s0+$0xFFFFFE48] =	vst v0  }
0x137: {  	v0 =	vld [tilespmem:$0xF130];
	_ =	sdelay $0x4  }
0x138: {  	[tilespmem:s0+$0xFFFFFE58] =	vst v0  }
0x139: {  	v0 =	vld [tilespmem:$0xF138];
	_ =	sdelay $0x4  }
0x13a: {  	[tilespmem:s1+$0x6580] =	vst v0  }
0x13b: {  	v0 =	vld [tilespmem:$0xED80];
	_ =	sdelay $0x4  }
0x13c: {  	[tilespmem:s0+$0xFFFFFE70] =	vst v0  }
0x13d: {  	v0 =	vld [tilespmem:$0xED90];
	_ =	sdelay $0x4  }
0x13e: {  	[tilespmem:s0+$0xFFFFFE80] =	vst v0  }
0x13f: {  	v0 =	vld [tilespmem:$0xEDA0];
	_ =	sdelay $0x4  }
0x140: {  	[tilespmem:s0+$0xFFFFFE90] =	vst v0  }
0x141: {  	v0 =	vld [tilespmem:$0xEDB0];
	_ =	sdelay $0x4  }
0x142: {  	[tilespmem:s0+$0xFFFFFEA0] =	vst v0  }
0x143: {  	v0 =	vld [tilespmem:$0xEDC0];
	_ =	sdelay $0x4  }
0x144: {  	[tilespmem:s0+$0xFFFFFEB0] =	vst v0  }
0x145: {  	v0 =	vld [tilespmem:$0xEDD0];
	_ =	sdelay $0x4  }
0x146: {  	[tilespmem:s0+$0xFFFFFEC0] =	vst v0  }
0x147: {  	v0 =	vld [tilespmem:$0xEDE0];
	_ =	sdelay $0x4  }
0x148: {  	[tilespmem:s0+$0xFFFFFED0] =	vst v0  }
0x149: {  	v0 =	vld [tilespmem:$0xEDF0];
	_ =	sdelay $0x4  }
0x14a: {  	[tilespmem:s1+$0x6600] =	vst v0  }
0x14b: {  	v0 =	vld [tilespmem:$0xF180];
	_ =	sdelay $0x4  }
0x14c: {  	[tilespmem:s0+$0xFFFFFEF0] =	vst v0  }
0x14d: {  	v0 =	vld [tilespmem:$0xF190];
	_ =	sdelay $0x4  }
0x14e: {  	[tilespmem:s0+$0xFFFFFF00] =	vst v0  }
0x14f: {  	v0 =	vld [tilespmem:$0xF1A0];
	_ =	sdelay $0x4  }
0x150: {  	[tilespmem:s0+$0xFFFFFF10] =	vst v0  }
0x151: {  	v0 =	vld [tilespmem:$0xF1B0];
	_ =	sdelay $0x4  }
0x152: {  	[tilespmem:s0+$0xFFFFFF20] =	vst v0  }
0x153: {  	v0 =	vld [tilespmem:$0xF1B8];
	_ =	sdelay $0x4  }
0x154: {  	[tilespmem:s0+$0xFFFFFF28] =	vst v0  }
0x155: {  	v0 =	vld [tilespmem:$0xEE00];
	_ =	sdelay $0x4  }
0x156: {  	[tilespmem:s0+$0xFFFFFF38] =	vst v0  }
0x157: {  	v0 =	vld [tilespmem:$0xEE10];
	_ =	sdelay $0x4  }
0x158: {  	[tilespmem:s0+$0xFFFFFF48] =	vst v0  }
0x159: {  	v0 =	vld [tilespmem:$0xEE20];
	_ =	sdelay $0x4  }
0x15a: {  	[tilespmem:s0+$0xFFFFFF58] =	vst v0  }
0x15b: {  	v0 =	vld [tilespmem:$0xEE30];
	_ =	sdelay $0x4  }
0x15c: {  	[tilespmem:s0+$0xFFFFFF68] =	vst v0  }
0x15d: {  	v0 =	vld [tilespmem:$0xEE40];
	_ =	sdelay $0x4  }
0x15e: {  	[tilespmem:s0+$0xFFFFFF78] =	vst v0  }
0x15f: {  	v0 =	vld [tilespmem:$0xEE50];
	_ =	sdelay $0x4  }
0x160: {  	[tilespmem:s0+$0xFFFFFF88] =	vst v0  }
0x161: {  	v0 =	vld [tilespmem:$0xEE60];
	_ =	sdelay $0x4  }
0x162: {  	[tilespmem:s0+$0xFFFFFF98] =	vst v0  }
0x163: {  	v0 =	vld [tilespmem:$0xEE70];
	_ =	sdelay $0x4  }
0x164: {  	[tilespmem:s0+$0xFFFFFFA8] =	vst v0  }
0x165: {  	v0 =	vld [tilespmem:$0xF200];
	_ =	sdelay $0x4  }
0x166: {  	[tilespmem:s0+$0xFFFFFFB8] =	vst v0  }
0x167: {  	v0 =	vld [tilespmem:$0xF210];
	_ =	sdelay $0x4  }
0x168: {  	[tilespmem:s0+$0xFFFFFFC8] =	vst v0  }
0x169: {  	v0 =	vld [tilespmem:$0xF220];
	_ =	sdelay $0x4  }
0x16a: {  	[tilespmem:s0+$0xFFFFFFD8] =	vst v0  }
0x16b: {  	v0 =	vld [tilespmem:$0xF230];
	_ =	sdelay $0x4  }
0x16c: {  	[tilespmem:s0+$0xFFFFFFE8] =	vst v0  }
0x16d: {  	v0 =	vld [tilespmem:$0xF238];
	_ =	sdelay $0x4  }
0x16e: {  	[tilespmem:s0+$0xFFFFFFF0] =	vst v0  }
0x16f: {  	v0 =	vld [tilespmem:$0xEE80];
	_ =	sdelay $0x4  }
0x170: {  	[tilespmem:s0+$0x0] =	vst v0  }
0x171: {  	v0 =	vld [tilespmem:$0xEE90];
	_ =	sdelay $0x4  }
0x172: {  	[tilespmem:s0+$0x10] =	vst v0  }
0x173: {  	v0 =	vld [tilespmem:$0xEEA0];
	_ =	sdelay $0x4  }
0x174: {  	[tilespmem:s0+$0x20] =	vst v0  }
0x175: {  	v0 =	vld [tilespmem:$0xEEB0];
	_ =	sdelay $0x4  }
0x176: {  	[tilespmem:s0+$0x30] =	vst v0  }
0x177: {  	v0 =	vld [tilespmem:$0xEEC0];
	_ =	sdelay $0x4  }
0x178: {  	[tilespmem:s0+$0x40] =	vst v0  }
0x179: {  	v0 =	vld [tilespmem:$0xEED0];
	_ =	sdelay $0x4  }
0x17a: {  	[tilespmem:s0+$0x50] =	vst v0  }
0x17b: {  	v0 =	vld [tilespmem:$0xEEE0];
	_ =	sdelay $0x4  }
0x17c: {  	[tilespmem:s1+$0x6780] =	vst v0  }
0x17d: {  	v0 =	vld [tilespmem:$0xEEF0];
	_ =	sdelay $0x4  }
0x17e: {  	[tilespmem:s0+$0x70] =	vst v0  }
0x17f: {  	v0 =	vld [tilespmem:$0xF280];
	_ =	sdelay $0x4  }
0x180: {  	[tilespmem:s0+$0x80] =	vst v0  }
0x181: {  	v0 =	vld [tilespmem:$0xF290];
	_ =	sdelay $0x4  }
0x182: {  	[tilespmem:s0+$0x90] =	vst v0  }
0x183: {  	v0 =	vld [tilespmem:$0xF2A0];
	_ =	sdelay $0x4  }
0x184: {  	[tilespmem:s0+$0xA0] =	vst v0  }
0x185: {  	v0 =	vld [tilespmem:$0xF2B0];
	_ =	sdelay $0x4  }
0x186: {  	[tilespmem:s0+$0xB0] =	vst v0  }
0x187: {  	v0 =	vld [tilespmem:$0xF2B8];
	_ =	sdelay $0x4  }
0x188: {  	[tilespmem:s0+$0xB8] =	vst v0  }
0x189: {  	v0 =	vld [tilespmem:$0xEF00];
	_ =	sdelay $0x4  }
0x18a: {  	[tilespmem:s0+$0xC8] =	vst v0  }
0x18b: {  	v0 =	vld [tilespmem:$0xEF10];
	_ =	sdelay $0x4  }
0x18c: {  	[tilespmem:s0+$0xD8] =	vst v0  }
0x18d: {  	v0 =	vld [tilespmem:$0xEF20];
	_ =	sdelay $0x4  }
0x18e: {  	[tilespmem:s0+$0xE8] =	vst v0  }
0x18f: {  	v0 =	vld [tilespmem:$0xEF30];
	_ =	sdelay $0x4  }
0x190: {  	[tilespmem:s0+$0xF8] =	vst v0  }
0x191: {  	v0 =	vld [tilespmem:$0xEF40];
	_ =	sdelay $0x4  }
0x192: {  	[tilespmem:s0+$0x108] =	vst v0  }
0x193: {  	v0 =	vld [tilespmem:$0xEF50];
	_ =	sdelay $0x4  }
0x194: {  	[tilespmem:s0+$0x118] =	vst v0  }
0x195: {  	v0 =	vld [tilespmem:$0xEF60];
	_ =	sdelay $0x4  }
0x196: {  	[tilespmem:s0+$0x128] =	vst v0  }
0x197: {  	v0 =	vld [tilespmem:$0xEF70];
	_ =	sdelay $0x4  }
0x198: {  	[tilespmem:s0+$0x138] =	vst v0  }
0x199: {  	v0 =	vld [tilespmem:$0xF300];
	_ =	sdelay $0x4  }
0x19a: {  	[tilespmem:s0+$0x148] =	vst v0  }
0x19b: {  	v0 =	vld [tilespmem:$0xF310];
	_ =	sdelay $0x4  }
0x19c: {  	[tilespmem:s0+$0x158] =	vst v0  }
0x19d: {  	v0 =	vld [tilespmem:$0xF320];
	_ =	sdelay $0x4  }
0x19e: {  	[tilespmem:s0+$0x168] =	vst v0  }
0x19f: {  	v0 =	vld [tilespmem:$0xF330];
	_ =	sdelay $0x4  }
0x1a0: {  	[tilespmem:s0+$0x178] =	vst v0  }
0x1a1: {  	v0 =	vld [tilespmem:$0xF338];
	_ =	sdelay $0x4  }
0x1a2: {  	[tilespmem:s0+$0x180] =	vst v0  }
0x1a3: {  	v0 =	vld [tilespmem:$0xEF80];
	_ =	sdelay $0x4  }
0x1a4: {  	[tilespmem:s0+$0x190] =	vst v0  }
0x1a5: {  	v0 =	vld [tilespmem:$0xEF90];
	_ =	sdelay $0x4  }
0x1a6: {  	[tilespmem:s0+$0x1A0] =	vst v0  }
0x1a7: {  	v0 =	vld [tilespmem:$0xEFA0];
	_ =	sdelay $0x4  }
0x1a8: {  	[tilespmem:s0+$0x1B0] =	vst v0  }
0x1a9: {  	v0 =	vld [tilespmem:$0xEFB0];
	_ =	sdelay $0x4  }
0x1aa: {  	[tilespmem:s0+$0x1C0] =	vst v0  }
0x1ab: {  	v0 =	vld [tilespmem:$0xEFC0];
	_ =	sdelay $0x4  }
0x1ac: {  	[tilespmem:s0+$0x1D0] =	vst v0  }
0x1ad: {  	v0 =	vld [tilespmem:$0xEFD0];
	_ =	sdelay $0x4  }
0x1ae: {  	[tilespmem:s1+$0x6900] =	vst v0  }
0x1af: {  	v0 =	vld [tilespmem:$0xEFE0];
	_ =	sdelay $0x4  }
0x1b0: {  	[tilespmem:s0+$0x1F0] =	vst v0  }
0x1b1: {  	v0 =	vld [tilespmem:$0xEFF0];
	_ =	sdelay $0x4  }
0x1b2: {  	[tilespmem:s0+$0x200] =	vst v0  }
0x1b3: {  	v0 =	vld [tilespmem:$0xF380];
	_ =	sdelay $0x4  }
0x1b4: {  	[tilespmem:s0+$0x210] =	vst v0  }
0x1b5: {  	v0 =	vld [tilespmem:$0xF390];
	_ =	sdelay $0x4  }
0x1b6: {  	[tilespmem:s0+$0x220] =	vst v0  }
0x1b7: {  	v0 =	vld [tilespmem:$0xF3A0];
	_ =	sdelay $0x4  }
0x1b8: {  	[tilespmem:s0+$0x230] =	vst v0  }
0x1b9: {  	v0 =	vld [tilespmem:$0xF3B0];
	_ =	sdelay $0x4  }
0x1ba: {  	[tilespmem:s0+$0x240] =	vst v0  }
0x1bb: {  	v0 =	vld [tilespmem:$0xF3B8];
	_ =	sdelay $0x4  }
0x1bc: {  	[tilespmem:s0+$0x248] =	vst v0  }
0x1bd: {  	v0 =	vld [tilespmem:$0xF000];
	_ =	sdelay $0x4  }
0x1be: {  	[tilespmem:s0+$0x258] =	vst v0  }
0x1bf: {  	v0 =	vld [tilespmem:$0xF010];
	_ =	sdelay $0x4  }
0x1c0: {  	[tilespmem:s0+$0x268] =	vst v0  }
0x1c1: {  	v0 =	vld [tilespmem:$0xF020];
	_ =	sdelay $0x4  }
0x1c2: {  	[tilespmem:s0+$0x278] =	vst v0  }
0x1c3: {  	v0 =	vld [tilespmem:$0xF030];
	_ =	sdelay $0x4  }
0x1c4: {  	[tilespmem:s0+$0x288] =	vst v0  }
0x1c5: {  	v0 =	vld [tilespmem:$0xF040];
	_ =	sdelay $0x4  }
0x1c6: {  	[tilespmem:s0+$0x298] =	vst v0  }
0x1c7: {  	v0 =	vld [tilespmem:$0xF050];
	_ =	sdelay $0x4  }
0x1c8: {  	[tilespmem:s0+$0x2A8] =	vst v0  }
0x1c9: {  	v0 =	vld [tilespmem:$0xF060];
	_ =	sdelay $0x4  }
0x1ca: {  	[tilespmem:s0+$0x2B8] =	vst v0  }
0x1cb: {  	v0 =	vld [tilespmem:$0xF070];
	_ =	sdelay $0x4  }
0x1cc: {  	[tilespmem:s0+$0x2C8] =	vst v0  }
0x1cd: {  	v0 =	vld [tilespmem:$0xF400];
	_ =	sdelay $0x4  }
0x1ce: {  	[tilespmem:s0+$0x2D8] =	vst v0  }
0x1cf: {  	v0 =	vld [tilespmem:$0xF410];
	_ =	sdelay $0x4  }
0x1d0: {  	[tilespmem:s0+$0x2E8] =	vst v0  }
0x1d1: {  	v0 =	vld [tilespmem:$0xF420];
	_ =	sdelay $0x4  }
0x1d2: {  	[tilespmem:s0+$0x2F8] =	vst v0  }
0x1d3: {  	v0 =	vld [tilespmem:$0xF430];
	_ =	sdelay $0x4  }
0x1d4: {  	[tilespmem:s0+$0x308] =	vst v0  }
0x1d5: {  	p1 =	sne.s32 s31, $0x5DC0;
	v0 =	vld [tilespmem:$0xF438]  }
.Ltmp3:
0x1d6: {  	_ = 	snop;
	(pc) =	sbr.rel @p1 .LBB2_4-.Ltmp3, $2  }
0x1d7: {  	_ =	sdelay $0x2  }
0x1d8: {  	s30 =	sadd.s32 $0x100, s30;
	s31 =	sadd.s32 $0x640, s31;
	[tilespmem:s0+$0x310] =	vst v0;
	s0 =	sadd.s32 $0x640, s0  }
0x1d9: {  	s0 =	simm.s32 $0x0  }
0x1da: {  	v0 =	vld [tilespmem:s0+$0x0]  }
0x1db: {  	v2 =	vld [tilespmem:s0+$0x6400];
	_ =	sdelay $0x4  }
0x1dc: {  	s31 =	simm.s32 $0x10;
	v3 =	vand.u32 $0xFFFFFF80, v2;
	v4 =	vshll.u32 v0, $0x7  }
0x1dd: {  	v1 =	vld [tilespmem:s31+$0x0];
	v2 =	vand.u32 $0x7F, v2;
	v3 =	vadd.s32 v4, v3  }
0x1de: {  	v4 =	vld [tilespmem:s31+$0x6400];
	v2 =	vor.u32 v2, v3;
	_ =	sdelay $0x3  }
0x1df: {  	v0 =	vld.idx.msk [tilespmem:v0+s12+$0x0], $0xffff  }
0x1e0: {  	v6 =	vshll.u32 v1, $0x7;
	v5 =	vand.u32 $0xFFFFFF80, v4;
	v3 =	vld.idx.msk [tilespmem:v2+s14+$0x0], $0xffff  }
0x1e1: {  	s1 =	simm.s32 $0x20;
	v7 =	vand.u32 $0x7F, v4;
	v5 =	vadd.s32 v6, v5  }
0x1e2: {  	s0 =	simm.s32 $0xC0;
	v4 =	vld [tilespmem:s1+$0x0];
	v2 =	vimm.f32 $0.0e+00;
	v5 =	vor.u32 v7, v5  }
.LBB2_6:
0x1e3: {  	p1 =	sne.s32 s0, $0x18FC0;
	v6 =	vld [tilespmem:s1+$0x6400];
	_ =	sdelay $0x1  }
0x1e4: {  	v7 =	vsub.f32 v0, v3  }
.Ltmp4:
0x1e5: {  	v0 =	vld.idx.msk [tilespmem:v1+s12+$0x0], $0xffff;
	(pc) =	sbr.rel @p1 .LBB2_6-.Ltmp4, $4  }
0x1e6: {  	v2 =	vadd.f32 v7, v2;
	v3 =	vld.idx.msk [tilespmem:v5+s14+$0x0], $0xffff;
	v1 =	vmov v4  }
0x1e7: {  	v4 =	vand.u32 $0xFFFFFF80, v6;
	v5 =	vshll.u32 v1, $0x7  }
0x1e8: {  	s1 =	sshra.s32 s0, $0x2;
	v6 =	vand.u32 $0x7F, v6;
	v5 =	vadd.s32 v5, v4  }
0x1e9: {  	s0 =	sadd.s32 $0x40, s0;
	v4 =	vld [tilespmem:s1+$0x0];
	v5 =	vor.u32 v6, v5  }
0x1ea: {  	v6 =	vld [tilespmem:s1+$0x6400];
	_ =	sdelay $0x4  }
0x1eb: {  	v8 =	vshll.u32 v4, $0x7;
	v7 =	vand.u32 $0xFFFFFF80, v6  }
0x1ec: {  	v6 =	vand.u32 $0x7F, v6;
	v7 =	vadd.s32 v8, v7  }
0x1ed: {  	v6 =	vor.u32 v6, v7;
	_ =	sdelay $0x1  }
0x1ee: {  	v1 =	vld.idx.msk [tilespmem:v1+s12+$0x0], $0xffff  }
0x1ef: {  	v5 =	vld.idx.msk [tilespmem:v5+s14+$0x0], $0xffff  }
0x1f0: {  	v62 =	vld.idx.msk [tilespmem:v4+s12+$0x0], $0xffff  }
0x1f1: {  	v6 =	vld.idx.msk [tilespmem:v6+s14+$0x0], $0xffff  }
0x1f2: {  	v0 =	vsub.f32 v0, v3;
	_ =	sdelay $0x1  }
0x1f3: {  	v0 =	vadd.f32 v0, v2;
	v1 =	vsub.f32 v1, v5;
	_ =	sdelay $0x1  }
0x1f4: {  	v0 =	vadd.f32 v1, v0;
	v63 =	vsub.f32 v62, v6;
	_ =	sdelay $0x1  }
0x1f5: {  	v0 =	vadd.f32 v63, v0;
	_ =	sdelay $0x1  }
0x1f6: {  	s29 =	simm.s32 $0x0;
	[tilespmem:$0x1BC80] =	vst v0  }
0x1f7: {  	[hbm4b:s7+s29] =	stream.linear.scatter [tilespmem:s16], [sflag:$0x5], $0x80, $0x38;
	[tilespmem:$0x1BF08] =	vst v63  }
0x1f8: {  	_ =	swait.ge [sflag:s13], $0x80  }
0x1f9: {  	[sflag:s13] =	ssyncset.done $0x0  }
0x1fa: {  	[sflag:s13] =	ssyncadd.s32 $0xFFFFFF80  }
0x1fb: {  	[tilespmem:s18], [sflag:$0x1] =	stream.indirect.gather [spmem:s2], $0x80, s29, s17, $0xb8;
	[tilespmem:$0x1BF08] =	vst v63  }
0x1fc: {  	_ = 	snop  }
0x1fd: {  	[tilespmem:s20], [sflag:$0x2] =	stream.indirect.gather [spmem:s2], $0x80, s17, s19, $0xb8;
	[tilespmem:$0x1BF08] =	vst v63  }
.LBB2_8:
0x1fe: {  	p1 =	seq.s32 s29, $0x0  }
0x1ff: {  	s0 =	simm.s32 @!p1 $0x3  }
0x200: {  	_ =	swait.ge @!p1 [sflag:s0], $0x3400  }
0x201: {  	[sflag:s0] =	ssyncset.done @!p1 $0x0  }
0x202: {  	[sflag:s0] =	ssyncadd.s32 @!p1 $0xFFFFCC00;
	s0 =	simm.s32 @!p1 $0x4  }
0x203: {  	_ =	swait.ge @!p1 [sflag:s0], $0x3000  }
0x204: {  	[sflag:s0] =	ssyncset.done @!p1 $0x0  }
0x205: {  	[sflag:s0] =	ssyncadd.s32 @!p1 $0xFFFFD000  }
0x206: {  	_ =	swait.ge [sflag:s21], $0x3400  }
0x207: {  	[sflag:s21] =	ssyncset.done $0x0  }
0x208: {  	s30 =	simm.s32 $0x0;
	[sflag:s21] =	ssyncadd.s32 $0xFFFFCC00  }
0x209: {  	v0 =	vld [tilespmem:s30+$0xF4B0]  }
0x20a: {  	v2 =	vld [tilespmem:s30+$0xF530]  }
0x20b: {  	v4 =	vld [tilespmem:s30+$0xF5B0]  }
0x20c: {  	v1 =	vld [tilespmem:s30+$0xF4B1]  }
0x20d: {  	v5 =	vld [tilespmem:s30+$0xFAB0]  }
0x20e: {  	v3 =	vld [tilespmem:s30+$0xF531];
	[tilespmem:s30+$0x158B0] =	vst v0  }
0x20f: {  	v6 =	vld [tilespmem:s30+$0xFAB1];
	[tilespmem:s30+$0x15930] =	vst v2  }
0x210: {  	v0 =	vld [tilespmem:s30+$0xF5B1];
	[tilespmem:s30+$0x159B0] =	vst v4  }
0x211: {  	[tilespmem:s30+$0x158B1] =	vst v1;
	v1 =	vld [tilespmem:s30+$0xF630]  }
0x212: {  	v2 =	vld [tilespmem:s30+$0xF631];
	[tilespmem:s30+$0x15EB0] =	vst v5  }
0x213: {  	[tilespmem:s30+$0x15931] =	vst v3;
	v3 =	vld [tilespmem:s30+$0xF6B0]  }
0x214: {  	v4 =	vld [tilespmem:s30+$0xF6B1];
	[tilespmem:s30+$0x15EB1] =	vst v6  }
0x215: {  	[tilespmem:s30+$0x159B1] =	vst v0;
	v0 =	vld [tilespmem:s30+$0xF730]  }
0x216: {  	[tilespmem:s30+$0x15A30] =	vst v1;
	v1 =	vld [tilespmem:s30+$0xF731]  }
0x217: {  	[tilespmem:s30+$0x15A31] =	vst v2;
	v2 =	vld [tilespmem:s30+$0xF7B0]  }
0x218: {  	[tilespmem:s30+$0x15AB0] =	vst v3;
	v3 =	vld [tilespmem:s30+$0xF7B1]  }
0x219: {  	[tilespmem:s30+$0x15AB1] =	vst v4;
	v4 =	vld [tilespmem:s30+$0xF830]  }
0x21a: {  	[tilespmem:s30+$0x15B30] =	vst v0;
	v0 =	vld [tilespmem:s30+$0xF831]  }
0x21b: {  	[tilespmem:s30+$0x15B31] =	vst v1;
	v1 =	vld [tilespmem:s30+$0xF8B0]  }
0x21c: {  	[tilespmem:s30+$0x15BB0] =	vst v2;
	v2 =	vld [tilespmem:s30+$0xF8B1]  }
0x21d: {  	[tilespmem:s30+$0x15BB1] =	vst v3;
	v3 =	vld [tilespmem:s30+$0xF930]  }
0x21e: {  	[tilespmem:s30+$0x15C30] =	vst v4;
	v4 =	vld [tilespmem:s30+$0xF931]  }
0x21f: {  	[tilespmem:s30+$0x15C31] =	vst v0;
	v0 =	vld [tilespmem:s30+$0xF9B0]  }
0x220: {  	[tilespmem:s30+$0x15CB0] =	vst v1;
	v1 =	vld [tilespmem:s30+$0xF9B1]  }
0x221: {  	[tilespmem:s30+$0x15CB1] =	vst v2;
	v2 =	vld [tilespmem:s30+$0xFA30]  }
0x222: {  	[tilespmem:s30+$0x15D30] =	vst v3;
	v3 =	vld [tilespmem:s30+$0xFA31]  }
0x223: {  	[tilespmem:s30+$0x15D31] =	vst v4;
	v4 =	vld [tilespmem:s30+$0xFB30]  }
0x224: {  	[tilespmem:s30+$0x15DB0] =	vst v0;
	v0 =	vld [tilespmem:s30+$0xFB31]  }
0x225: {  	[tilespmem:s30+$0x15DB1] =	vst v1;
	v1 =	vld [tilespmem:s30+$0xFBB0]  }
0x226: {  	[tilespmem:s30+$0x15E30] =	vst v2;
	v2 =	vld [tilespmem:s30+$0xFBB1]  }
0x227: {  	s31 =	simm.s32 $0x2000;
	[tilespmem:s30+$0x15E31] =	vst v3;
	v3 =	vld [tilespmem:s30+$0xFC30]  }
.LBB2_9:
0x228: {  	p1 =	sne.s32 s31, $0xA000;
	[tilespmem:s30+$0x15F30] =	vst v4;
	v4 =	vld [tilespmem:s30+$0xFC31]  }
0x229: {  	v5 =	vld [tilespmem:s30+$0xF480];
	[tilespmem:s30+$0x15F31] =	vst v0  }
0x22a: {  	v0 =	vld [tilespmem:s30+$0xF490];
	[tilespmem:s30+$0x15FB0] =	vst v1  }
0x22b: {  	v1 =	vld [tilespmem:s30+$0xF4A0];
	[tilespmem:s30+$0x15FB1] =	vst v2  }
0x22c: {  	v2 =	vld [tilespmem:s30+$0xF500];
	[tilespmem:s30+$0x16030] =	vst v3  }
0x22d: {  	v3 =	vld [tilespmem:s30+$0xF510];
	[tilespmem:s30+$0x16031] =	vst v4  }
0x22e: {  	[tilespmem:s30+$0x15880] =	vst v5;
	v4 =	vld [tilespmem:s30+$0xF520]  }
0x22f: {  	[tilespmem:s30+$0x15890] =	vst v0;
	v0 =	vld [tilespmem:s30+$0xF580]  }
0x230: {  	[tilespmem:s30+$0x158A0] =	vst v1;
	v1 =	vld [tilespmem:s30+$0xF590]  }
0x231: {  	[tilespmem:s30+$0x15900] =	vst v2;
	v2 =	vld [tilespmem:s30+$0xF5A0]  }
0x232: {  	[tilespmem:s30+$0x15910] =	vst v3;
	v3 =	vld [tilespmem:s30+$0xF600]  }
0x233: {  	[tilespmem:s30+$0x15920] =	vst v4;
	v4 =	vld [tilespmem:s30+$0xF610]  }
0x234: {  	[tilespmem:s30+$0x15980] =	vst v0;
	v0 =	vld [tilespmem:s30+$0xF620]  }
0x235: {  	[tilespmem:s30+$0x15990] =	vst v1;
	v1 =	vld [tilespmem:s30+$0xF680]  }
0x236: {  	[tilespmem:s30+$0x159A0] =	vst v2;
	v2 =	vld [tilespmem:s30+$0xF690]  }
0x237: {  	[tilespmem:s30+$0x15A00] =	vst v3;
	v3 =	vld [tilespmem:s30+$0xF6A0]  }
0x238: {  	[tilespmem:s30+$0x15A10] =	vst v4;
	v4 =	vld [tilespmem:s30+$0xF700]  }
0x239: {  	[tilespmem:s30+$0x15A20] =	vst v0;
	v0 =	vld [tilespmem:s30+$0xF710]  }
0x23a: {  	[tilespmem:s30+$0x15A80] =	vst v1;
	v1 =	vld [tilespmem:s30+$0xF720]  }
0x23b: {  	[tilespmem:s30+$0x15A90] =	vst v2;
	v2 =	vld [tilespmem:s30+$0xF780]  }
0x23c: {  	[tilespmem:s30+$0x15AA0] =	vst v3;
	v3 =	vld [tilespmem:s30+$0xF790]  }
0x23d: {  	[tilespmem:s30+$0x15B00] =	vst v4;
	v4 =	vld [tilespmem:s30+$0xF7A0]  }
0x23e: {  	[tilespmem:s30+$0x15B10] =	vst v0;
	v0 =	vld [tilespmem:s30+$0xF800]  }
0x23f: {  	[tilespmem:s30+$0x15B20] =	vst v1;
	v1 =	vld [tilespmem:s30+$0xF810]  }
0x240: {  	[tilespmem:s30+$0x15B80] =	vst v2;
	v2 =	vld [tilespmem:s30+$0xF820]  }
0x241: {  	[tilespmem:s30+$0x15B90] =	vst v3;
	v3 =	vld [tilespmem:s30+$0xF880]  }
0x242: {  	[tilespmem:s30+$0x15BA0] =	vst v4;
	v4 =	vld [tilespmem:s30+$0xF890]  }
0x243: {  	[tilespmem:s30+$0x15C00] =	vst v0;
	v0 =	vld [tilespmem:s30+$0xF8A0]  }
0x244: {  	[tilespmem:s30+$0x15C10] =	vst v1;
	v1 =	vld [tilespmem:s30+$0xF900]  }
0x245: {  	[tilespmem:s30+$0x15C20] =	vst v2;
	v2 =	vld [tilespmem:s30+$0xF910]  }
0x246: {  	[tilespmem:s30+$0x15C80] =	vst v3;
	v3 =	vld [tilespmem:s30+$0xF920]  }
0x247: {  	[tilespmem:s30+$0x15C90] =	vst v4;
	v4 =	vld [tilespmem:s30+$0xF980]  }
0x248: {  	[tilespmem:s30+$0x15CA0] =	vst v0;
	v0 =	vld [tilespmem:s30+$0xF990]  }
0x249: {  	[tilespmem:s30+$0x15D00] =	vst v1;
	v1 =	vld [tilespmem:s30+$0xF9A0]  }
0x24a: {  	[tilespmem:s30+$0x15D10] =	vst v2;
	v2 =	vld [tilespmem:s30+$0xFA00]  }
0x24b: {  	[tilespmem:s30+$0x15D20] =	vst v3;
	v3 =	vld [tilespmem:s30+$0xFA10]  }
0x24c: {  	[tilespmem:s30+$0x15D80] =	vst v4;
	v4 =	vld [tilespmem:s30+$0xFA20]  }
0x24d: {  	[tilespmem:s30+$0x15D90] =	vst v0;
	v0 =	vld [tilespmem:s30+$0xFA80]  }
0x24e: {  	[tilespmem:s30+$0x15DA0] =	vst v1;
	v1 =	vld [tilespmem:s30+$0xFA90]  }
0x24f: {  	[tilespmem:s30+$0x15E00] =	vst v2;
	v2 =	vld [tilespmem:s30+$0xFAA0]  }
0x250: {  	[tilespmem:s30+$0x15E10] =	vst v3;
	v3 =	vld [tilespmem:s30+$0xFB00]  }
0x251: {  	[tilespmem:s30+$0x15E20] =	vst v4;
	v4 =	vld [tilespmem:s30+$0xFB10]  }
0x252: {  	[tilespmem:s30+$0x15E80] =	vst v0;
	v0 =	vld [tilespmem:s30+$0xFB20]  }
0x253: {  	[tilespmem:s30+$0x15E90] =	vst v1;
	v1 =	vld [tilespmem:s30+$0xFB80]  }
0x254: {  	[tilespmem:s30+$0x15EA0] =	vst v2;
	v2 =	vld [tilespmem:s30+$0xFB90]  }
0x255: {  	[tilespmem:s30+$0x15F00] =	vst v3;
	v3 =	vld [tilespmem:s30+$0xFBA0]  }
0x256: {  	[tilespmem:s30+$0x15F10] =	vst v4;
	v4 =	vld [tilespmem:s30+$0xFC00]  }
0x257: {  	[tilespmem:s30+$0x15F20] =	vst v0;
	v0 =	vld [tilespmem:s30+$0xFC10]  }
0x258: {  	s0 =	sshra.s32 s31, $0x2;
	[tilespmem:s30+$0x15F80] =	vst v1;
	v1 =	vld [tilespmem:s30+$0xFC20]  }
0x259: {  	v5 =	vld [tilespmem:s0+$0xF4B0];
	[tilespmem:s30+$0x15F90] =	vst v2  }
0x25a: {  	v2 =	vld [tilespmem:s0+$0xF4B1];
	[tilespmem:s30+$0x15FA0] =	vst v3  }
0x25b: {  	v3 =	vld [tilespmem:s0+$0xF530];
	[tilespmem:s30+$0x16000] =	vst v4  }
0x25c: {  	v4 =	vld [tilespmem:s0+$0xF531];
	[tilespmem:s30+$0x16010] =	vst v0  }
0x25d: {  	v0 =	vld [tilespmem:s0+$0xF5B0];
	[tilespmem:s30+$0x16020] =	vst v1;
	s30 =	smov.u32 s0  }
0x25e: {  	[tilespmem:s30+$0x158B0] =	vst v5;
	v1 =	vld [tilespmem:s30+$0xF5B1]  }
0x25f: {  	[tilespmem:s30+$0x158B1] =	vst v2;
	v2 =	vld [tilespmem:s30+$0xF630]  }
0x260: {  	[tilespmem:s30+$0x15930] =	vst v3;
	v3 =	vld [tilespmem:s30+$0xF631]  }
0x261: {  	[tilespmem:s30+$0x15931] =	vst v4;
	v4 =	vld [tilespmem:s30+$0xF6B0]  }
0x262: {  	[tilespmem:s30+$0x159B0] =	vst v0;
	v0 =	vld [tilespmem:s30+$0xF6B1]  }
0x263: {  	[tilespmem:s30+$0x159B1] =	vst v1;
	v1 =	vld [tilespmem:s30+$0xF730]  }
0x264: {  	[tilespmem:s30+$0x15A30] =	vst v2;
	v2 =	vld [tilespmem:s30+$0xF731]  }
0x265: {  	[tilespmem:s30+$0x15A31] =	vst v3;
	v3 =	vld [tilespmem:s30+$0xF7B0]  }
0x266: {  	[tilespmem:s30+$0x15AB0] =	vst v4;
	v4 =	vld [tilespmem:s30+$0xF7B1]  }
0x267: {  	[tilespmem:s30+$0x15AB1] =	vst v0;
	v0 =	vld [tilespmem:s30+$0xF830]  }
0x268: {  	[tilespmem:s30+$0x15B30] =	vst v1;
	v1 =	vld [tilespmem:s30+$0xF831]  }
0x269: {  	[tilespmem:s30+$0x15B31] =	vst v2;
	v2 =	vld [tilespmem:s30+$0xF8B0]  }
0x26a: {  	[tilespmem:s30+$0x15BB0] =	vst v3;
	v3 =	vld [tilespmem:s30+$0xF8B1]  }
0x26b: {  	[tilespmem:s30+$0x15BB1] =	vst v4;
	v4 =	vld [tilespmem:s30+$0xF930]  }
0x26c: {  	[tilespmem:s30+$0x15C30] =	vst v0;
	v0 =	vld [tilespmem:s30+$0xF931]  }
0x26d: {  	[tilespmem:s30+$0x15C31] =	vst v1;
	v1 =	vld [tilespmem:s30+$0xF9B0]  }
0x26e: {  	[tilespmem:s30+$0x15CB0] =	vst v2;
	v2 =	vld [tilespmem:s30+$0xF9B1]  }
0x26f: {  	[tilespmem:s30+$0x15CB1] =	vst v3;
	v3 =	vld [tilespmem:s30+$0xFA30]  }
0x270: {  	[tilespmem:s30+$0x15D30] =	vst v4;
	v5 =	vld [tilespmem:s30+$0xFA31]  }
0x271: {  	[tilespmem:s30+$0x15D31] =	vst v0;
	v6 =	vld [tilespmem:s30+$0xFAB0]  }
0x272: {  	[tilespmem:s30+$0x15DB0] =	vst v1;
	v7 =	vld [tilespmem:s30+$0xFAB1]  }
.Ltmp5:
0x273: {  	[tilespmem:s30+$0x15DB1] =	vst v2;
	v4 =	vld [tilespmem:s30+$0xFB30];
	(pc) =	sbr.rel @p1 .LBB2_9-.Ltmp5, $4  }
0x274: {  	[tilespmem:s30+$0x15E30] =	vst v3;
	v0 =	vld [tilespmem:s30+$0xFB31]  }
0x275: {  	[tilespmem:s30+$0x15E31] =	vst v5;
	v1 =	vld [tilespmem:s30+$0xFBB0]  }
0x276: {  	[tilespmem:s30+$0x15EB0] =	vst v6;
	v2 =	vld [tilespmem:s30+$0xFBB1]  }
0x277: {  	s31 =	sadd.s32 $0x2000, s31;
	[tilespmem:s30+$0x15EB1] =	vst v7;
	v3 =	vld [tilespmem:s30+$0xFC30]  }
0x278: {  	[tilespmem:s30+$0x15F30] =	vst v4;
	v4 =	vld [tilespmem:s30+$0xFC31]  }
0x279: {  	v5 =	vld [tilespmem:s30+$0xF480];
	[tilespmem:s30+$0x15F31] =	vst v0  }
0x27a: {  	v0 =	vld [tilespmem:s30+$0xF490];
	[tilespmem:s30+$0x15FB0] =	vst v1  }
0x27b: {  	v1 =	vld [tilespmem:s30+$0xF4A0];
	[tilespmem:s30+$0x15FB1] =	vst v2  }
0x27c: {  	v2 =	vld [tilespmem:s30+$0xF500];
	[tilespmem:s30+$0x16030] =	vst v3  }
0x27d: {  	v3 =	vld [tilespmem:s30+$0xF510];
	[tilespmem:s30+$0x16031] =	vst v4  }
0x27e: {  	[tilespmem:s30+$0x15880] =	vst v5;
	v4 =	vld [tilespmem:s30+$0xF520]  }
0x27f: {  	[tilespmem:s30+$0x15890] =	vst v0;
	v0 =	vld [tilespmem:s30+$0xF580]  }
0x280: {  	[tilespmem:s30+$0x158A0] =	vst v1;
	v1 =	vld [tilespmem:s30+$0xF590]  }
0x281: {  	[tilespmem:s30+$0x15900] =	vst v2;
	v2 =	vld [tilespmem:s30+$0xF5A0]  }
0x282: {  	[tilespmem:s30+$0x15910] =	vst v3;
	v3 =	vld [tilespmem:s30+$0xF600]  }
0x283: {  	[tilespmem:s30+$0x15920] =	vst v4;
	v4 =	vld [tilespmem:s30+$0xF610]  }
0x284: {  	[tilespmem:s30+$0x15980] =	vst v0;
	v0 =	vld [tilespmem:s30+$0xF620]  }
0x285: {  	[tilespmem:s30+$0x15990] =	vst v1;
	v1 =	vld [tilespmem:s30+$0xF680]  }
0x286: {  	[tilespmem:s30+$0x159A0] =	vst v2;
	v2 =	vld [tilespmem:s30+$0xF690]  }
0x287: {  	[tilespmem:s30+$0x15A00] =	vst v3;
	v3 =	vld [tilespmem:s30+$0xF6A0]  }
0x288: {  	[tilespmem:s30+$0x15A10] =	vst v4;
	v4 =	vld [tilespmem:s30+$0xF700]  }
0x289: {  	[tilespmem:s30+$0x15A20] =	vst v0;
	v0 =	vld [tilespmem:s30+$0xF710]  }
0x28a: {  	[tilespmem:s30+$0x15A80] =	vst v1;
	v1 =	vld [tilespmem:s30+$0xF720]  }
0x28b: {  	[tilespmem:s30+$0x15A90] =	vst v2;
	v2 =	vld [tilespmem:s30+$0xF780]  }
0x28c: {  	[tilespmem:s30+$0x15AA0] =	vst v3;
	v3 =	vld [tilespmem:s30+$0xF790]  }
0x28d: {  	[tilespmem:s30+$0x15B00] =	vst v4;
	v4 =	vld [tilespmem:s30+$0xF7A0]  }
0x28e: {  	[tilespmem:s30+$0x15B10] =	vst v0;
	v0 =	vld [tilespmem:s30+$0xF800]  }
0x28f: {  	[tilespmem:s30+$0x15B20] =	vst v1;
	v1 =	vld [tilespmem:s30+$0xF810]  }
0x290: {  	[tilespmem:s30+$0x15B80] =	vst v2;
	v2 =	vld [tilespmem:s30+$0xF820]  }
0x291: {  	[tilespmem:s30+$0x15B90] =	vst v3;
	v3 =	vld [tilespmem:s30+$0xF880]  }
0x292: {  	[tilespmem:s30+$0x15BA0] =	vst v4;
	v4 =	vld [tilespmem:s30+$0xF890]  }
0x293: {  	[tilespmem:s30+$0x15C00] =	vst v0;
	v0 =	vld [tilespmem:s30+$0xF8A0]  }
0x294: {  	[tilespmem:s30+$0x15C10] =	vst v1;
	v1 =	vld [tilespmem:s30+$0xF900]  }
0x295: {  	[tilespmem:s30+$0x15C20] =	vst v2;
	v2 =	vld [tilespmem:s30+$0xF910]  }
0x296: {  	[tilespmem:s30+$0x15C80] =	vst v3;
	v3 =	vld [tilespmem:s30+$0xF920]  }
0x297: {  	[tilespmem:s30+$0x15C90] =	vst v4;
	v4 =	vld [tilespmem:s30+$0xF980]  }
0x298: {  	[tilespmem:s30+$0x15CA0] =	vst v0;
	v0 =	vld [tilespmem:s30+$0xF990]  }
0x299: {  	[tilespmem:s30+$0x15D00] =	vst v1;
	v1 =	vld [tilespmem:s30+$0xF9A0]  }
0x29a: {  	[tilespmem:s30+$0x15D10] =	vst v2;
	v2 =	vld [tilespmem:s30+$0xFA00]  }
0x29b: {  	[tilespmem:s30+$0x15D20] =	vst v3;
	v3 =	vld [tilespmem:s30+$0xFA10]  }
0x29c: {  	[tilespmem:s30+$0x15D80] =	vst v4;
	v4 =	vld [tilespmem:s30+$0xFA20]  }
0x29d: {  	[tilespmem:s30+$0x15D90] =	vst v0;
	v0 =	vld [tilespmem:s30+$0xFA80]  }
0x29e: {  	[tilespmem:s30+$0x15DA0] =	vst v1;
	v1 =	vld [tilespmem:s30+$0xFA90]  }
0x29f: {  	[tilespmem:s30+$0x15E00] =	vst v2;
	v2 =	vld [tilespmem:s30+$0xFAA0]  }
0x2a0: {  	[tilespmem:s30+$0x15E10] =	vst v3;
	v3 =	vld [tilespmem:s30+$0xFB00]  }
0x2a1: {  	[tilespmem:s30+$0x15E20] =	vst v4;
	v4 =	vld [tilespmem:s30+$0xFB10]  }
0x2a2: {  	[tilespmem:s30+$0x15E80] =	vst v0;
	v0 =	vld [tilespmem:s30+$0xFB20]  }
0x2a3: {  	[tilespmem:s30+$0x15E90] =	vst v1;
	v1 =	vld [tilespmem:s30+$0xFB80]  }
0x2a4: {  	[tilespmem:s30+$0x15EA0] =	vst v2;
	v2 =	vld [tilespmem:s30+$0xFB90]  }
0x2a5: {  	[tilespmem:s30+$0x15F00] =	vst v3;
	v3 =	vld [tilespmem:s30+$0xFBA0]  }
0x2a6: {  	[tilespmem:s30+$0x15F10] =	vst v4;
	v4 =	vld [tilespmem:s30+$0xFC00]  }
0x2a7: {  	[tilespmem:s30+$0x15F20] =	vst v0;
	v0 =	vld [tilespmem:s30+$0xFC10]  }
0x2a8: {  	[tilespmem:s30+$0x15F80] =	vst v1;
	v1 =	vld [tilespmem:s30+$0xFC20]  }
0x2a9: {  	[tilespmem:s30+$0x15F90] =	vst v2  }
0x2aa: {  	[tilespmem:s30+$0x15FA0] =	vst v3  }
0x2ab: {  	[tilespmem:s30+$0x16000] =	vst v4  }
0x2ac: {  	[tilespmem:s30+$0x16010] =	vst v0  }
0x2ad: {  	[tilespmem:s30+$0x16020] =	vst v1  }
0x2ae: {  	v0 =	vld [tilespmem:$0x12480]  }
0x2af: {  	v1 =	vld [tilespmem:$0x12490]  }
0x2b0: {  	v2 =	vld [tilespmem:$0x124A0]  }
0x2b1: {  	v3 =	vld [tilespmem:$0x124B0]  }
0x2b2: {  	v4 =	vld [tilespmem:$0x124B1]  }
0x2b3: {  	[tilespmem:$0x18880] =	vst v0;
	v0 =	vld [tilespmem:$0x12500]  }
0x2b4: {  	[tilespmem:$0x18890] =	vst v1;
	v1 =	vld [tilespmem:$0x12510]  }
0x2b5: {  	[tilespmem:$0x188A0] =	vst v2;
	v2 =	vld [tilespmem:$0x12520]  }
0x2b6: {  	[tilespmem:$0x188B0] =	vst v3;
	v3 =	vld [tilespmem:$0x12530]  }
0x2b7: {  	[tilespmem:$0x188B1] =	vst v4;
	v4 =	vld [tilespmem:$0x12531]  }
0x2b8: {  	[tilespmem:$0x18900] =	vst v0;
	v0 =	vld [tilespmem:$0x12580]  }
0x2b9: {  	[tilespmem:$0x18910] =	vst v1;
	v1 =	vld [tilespmem:$0x12590]  }
0x2ba: {  	[tilespmem:$0x18920] =	vst v2;
	v2 =	vld [tilespmem:$0x125A0]  }
0x2bb: {  	[tilespmem:$0x18930] =	vst v3;
	v3 =	vld [tilespmem:$0x125B0]  }
0x2bc: {  	[tilespmem:$0x18931] =	vst v4;
	v4 =	vld [tilespmem:$0x125B1]  }
0x2bd: {  	[tilespmem:$0x18980] =	vst v0;
	v0 =	vld [tilespmem:$0x12600]  }
0x2be: {  	[tilespmem:$0x18990] =	vst v1;
	v1 =	vld [tilespmem:$0x12610]  }
0x2bf: {  	[tilespmem:$0x189A0] =	vst v2;
	v2 =	vld [tilespmem:$0x12620]  }
0x2c0: {  	[tilespmem:$0x189B0] =	vst v3;
	v3 =	vld [tilespmem:$0x12630]  }
0x2c1: {  	[tilespmem:$0x189B1] =	vst v4;
	v4 =	vld [tilespmem:$0x12631]  }
0x2c2: {  	[tilespmem:$0x18A00] =	vst v0;
	v0 =	vld [tilespmem:$0x12680]  }
0x2c3: {  	[tilespmem:$0x18A10] =	vst v1;
	v1 =	vld [tilespmem:$0x12690]  }
0x2c4: {  	[tilespmem:$0x18A20] =	vst v2;
	v2 =	vld [tilespmem:$0x126A0]  }
0x2c5: {  	[tilespmem:$0x18A30] =	vst v3;
	v3 =	vld [tilespmem:$0x126B0]  }
0x2c6: {  	[tilespmem:$0x18A31] =	vst v4;
	v4 =	vld [tilespmem:$0x126B1]  }
0x2c7: {  	[tilespmem:$0x18A80] =	vst v0;
	v0 =	vld [tilespmem:$0x12700]  }
0x2c8: {  	[tilespmem:$0x18A90] =	vst v1;
	v1 =	vld [tilespmem:$0x12710]  }
0x2c9: {  	[tilespmem:$0x18AA0] =	vst v2;
	v2 =	vld [tilespmem:$0x12720]  }
0x2ca: {  	[tilespmem:$0x18AB0] =	vst v3;
	v3 =	vld [tilespmem:$0x12730]  }
0x2cb: {  	[tilespmem:$0x18AB1] =	vst v4;
	v4 =	vld [tilespmem:$0x12731]  }
0x2cc: {  	[tilespmem:$0x18B00] =	vst v0;
	v0 =	vld [tilespmem:$0x12780]  }
0x2cd: {  	[tilespmem:$0x18B10] =	vst v1;
	v1 =	vld [tilespmem:$0x12790]  }
0x2ce: {  	[tilespmem:$0x18B20] =	vst v2;
	v2 =	vld [tilespmem:$0x127A0]  }
0x2cf: {  	[tilespmem:$0x18B30] =	vst v3;
	v3 =	vld [tilespmem:$0x127B0]  }
0x2d0: {  	[tilespmem:$0x18B31] =	vst v4;
	v4 =	vld [tilespmem:$0x127B1]  }
0x2d1: {  	[tilespmem:$0x18B80] =	vst v0;
	v0 =	vld [tilespmem:$0x12800]  }
0x2d2: {  	[tilespmem:$0x18B90] =	vst v1;
	v1 =	vld [tilespmem:$0x12810]  }
0x2d3: {  	[tilespmem:$0x18BA0] =	vst v2;
	v2 =	vld [tilespmem:$0x12820]  }
0x2d4: {  	s0 =	sadd.s32 s6, s29;
	[tilespmem:$0x18BB0] =	vst v3;
	v3 =	vld [tilespmem:$0x12830]  }
0x2d5: {  	s0 =	smul.u32 $0x6400, s0;
	[tilespmem:$0x18BB1] =	vst v4;
	v4 =	vld [tilespmem:$0x12831]  }
0x2d6: {  	[tilespmem:$0x18C00] =	vst v0  }
0x2d7: {  	p1 =	seq.s32 s29, $0x7F;
	s0 =	sshrl.u32 s0, $0x3;
	[tilespmem:$0x18C10] =	vst v1  }
0x2d8: {  	s30 =	sadd.s32 s5, s0;
	s0 =	smul.u32 @!p1 $0x320, s29;
	[tilespmem:$0x18C20] =	vst v2  }
0x2d9: {  	[tilespmem:$0x18C30] =	vst v3  }
0x2da: {  	s0 =	sshra.s32 @!p1 s0, $0x2;
	[tilespmem:$0x18C31] =	vst v4  }
0x2db: {  	[hbm4b:s30+s3] =	stream.linear.scatter [tilespmem:s22], [sflag:$0x3], $0x3400, $0x38;
	[tilespmem:$0x1BF08] =	vst v63  }
0x2dc: {  	s1 =	simm.s32 @!p1 $0x68;
	s31 =	simm.s32 @!p1 $0xF480;
	s0 =	sadd.s32 @!p1 $0xC8, s0  }
0x2dd: {  	[tilespmem:s31], [sflag:$0x1] =	stream.indirect.gather @!p1 [spmem:s2], $0x80, s0, s1, $0xb8;
	[tilespmem:$0x1BF08] =	vst v63  }
0x2de: {  	_ =	swait.ge [sflag:s23], $0x3000  }
0x2df: {  	[sflag:s23] =	ssyncset.done $0x0  }
0x2e0: {  	s31 =	simm.s32 $0x0;
	[sflag:s23] =	ssyncadd.s32 $0xFFFFD000  }
0x2e1: {  	v0 =	vld [tilespmem:s31+$0x128B0]  }
0x2e2: {  	v2 =	vld [tilespmem:s31+$0x12930]  }
0x2e3: {  	v4 =	vld [tilespmem:s31+$0x129B0]  }
0x2e4: {  	v1 =	vld [tilespmem:s31+$0x128B1]  }
0x2e5: {  	v5 =	vld [tilespmem:s31+$0x12EB0]  }
0x2e6: {  	v3 =	vld [tilespmem:s31+$0x12931];
	[tilespmem:s31+$0x18CB0] =	vst v0  }
0x2e7: {  	v6 =	vld [tilespmem:s31+$0x12EB1];
	[tilespmem:s31+$0x18D30] =	vst v2  }
0x2e8: {  	v0 =	vld [tilespmem:s31+$0x129B1];
	[tilespmem:s31+$0x18DB0] =	vst v4  }
0x2e9: {  	[tilespmem:s31+$0x18CB1] =	vst v1;
	v1 =	vld [tilespmem:s31+$0x12A30]  }
0x2ea: {  	v2 =	vld [tilespmem:s31+$0x12A31];
	[tilespmem:s31+$0x192B0] =	vst v5  }
0x2eb: {  	[tilespmem:s31+$0x18D31] =	vst v3;
	v3 =	vld [tilespmem:s31+$0x12AB0]  }
0x2ec: {  	v4 =	vld [tilespmem:s31+$0x12AB1];
	[tilespmem:s31+$0x192B1] =	vst v6  }
0x2ed: {  	[tilespmem:s31+$0x18DB1] =	vst v0;
	v0 =	vld [tilespmem:s31+$0x12B30]  }
0x2ee: {  	[tilespmem:s31+$0x18E30] =	vst v1;
	v1 =	vld [tilespmem:s31+$0x12B31]  }
0x2ef: {  	[tilespmem:s31+$0x18E31] =	vst v2;
	v2 =	vld [tilespmem:s31+$0x12BB0]  }
0x2f0: {  	[tilespmem:s31+$0x18EB0] =	vst v3;
	v3 =	vld [tilespmem:s31+$0x12BB1]  }
0x2f1: {  	[tilespmem:s31+$0x18EB1] =	vst v4;
	v4 =	vld [tilespmem:s31+$0x12C30]  }
0x2f2: {  	[tilespmem:s31+$0x18F30] =	vst v0;
	v0 =	vld [tilespmem:s31+$0x12C31]  }
0x2f3: {  	[tilespmem:s31+$0x18F31] =	vst v1;
	v1 =	vld [tilespmem:s31+$0x12CB0]  }
0x2f4: {  	[tilespmem:s31+$0x18FB0] =	vst v2;
	v2 =	vld [tilespmem:s31+$0x12CB1]  }
0x2f5: {  	[tilespmem:s31+$0x18FB1] =	vst v3;
	v3 =	vld [tilespmem:s31+$0x12D30]  }
0x2f6: {  	[tilespmem:s31+$0x19030] =	vst v4;
	v4 =	vld [tilespmem:s31+$0x12D31]  }
0x2f7: {  	[tilespmem:s31+$0x19031] =	vst v0;
	v0 =	vld [tilespmem:s31+$0x12DB0]  }
0x2f8: {  	[tilespmem:s31+$0x190B0] =	vst v1;
	v1 =	vld [tilespmem:s31+$0x12DB1]  }
0x2f9: {  	[tilespmem:s31+$0x190B1] =	vst v2;
	v2 =	vld [tilespmem:s31+$0x12E30]  }
0x2fa: {  	[tilespmem:s31+$0x19130] =	vst v3;
	v3 =	vld [tilespmem:s31+$0x12E31]  }
0x2fb: {  	[tilespmem:s31+$0x19131] =	vst v4;
	v4 =	vld [tilespmem:s31+$0x12F30]  }
0x2fc: {  	[tilespmem:s31+$0x191B0] =	vst v0;
	v0 =	vld [tilespmem:s31+$0x12F31]  }
0x2fd: {  	[tilespmem:s31+$0x191B1] =	vst v1;
	v1 =	vld [tilespmem:s31+$0x12FB0]  }
0x2fe: {  	[tilespmem:s31+$0x19230] =	vst v2;
	v2 =	vld [tilespmem:s31+$0x12FB1]  }
0x2ff: {  	s0 =	simm.s32 $0x2000;
	[tilespmem:s31+$0x19231] =	vst v3;
	v3 =	vld [tilespmem:s31+$0x13030]  }
.LBB2_11:
0x300: {  	p2 =	sne.s32 s0, $0xA000;
	[tilespmem:s31+$0x19330] =	vst v4;
	v4 =	vld [tilespmem:s31+$0x13031]  }
0x301: {  	v5 =	vld [tilespmem:s31+$0x12880];
	[tilespmem:s31+$0x19331] =	vst v0  }
0x302: {  	v0 =	vld [tilespmem:s31+$0x12890];
	[tilespmem:s31+$0x193B0] =	vst v1  }
0x303: {  	v1 =	vld [tilespmem:s31+$0x128A0];
	[tilespmem:s31+$0x193B1] =	vst v2  }
0x304: {  	v2 =	vld [tilespmem:s31+$0x12900];
	[tilespmem:s31+$0x19430] =	vst v3  }
0x305: {  	v3 =	vld [tilespmem:s31+$0x12910];
	[tilespmem:s31+$0x19431] =	vst v4  }
0x306: {  	[tilespmem:s31+$0x18C80] =	vst v5;
	v4 =	vld [tilespmem:s31+$0x12920]  }
0x307: {  	[tilespmem:s31+$0x18C90] =	vst v0;
	v0 =	vld [tilespmem:s31+$0x12980]  }
0x308: {  	[tilespmem:s31+$0x18CA0] =	vst v1;
	v1 =	vld [tilespmem:s31+$0x12990]  }
0x309: {  	[tilespmem:s31+$0x18D00] =	vst v2;
	v2 =	vld [tilespmem:s31+$0x129A0]  }
0x30a: {  	[tilespmem:s31+$0x18D10] =	vst v3;
	v3 =	vld [tilespmem:s31+$0x12A00]  }
0x30b: {  	[tilespmem:s31+$0x18D20] =	vst v4;
	v4 =	vld [tilespmem:s31+$0x12A10]  }
0x30c: {  	[tilespmem:s31+$0x18D80] =	vst v0;
	v0 =	vld [tilespmem:s31+$0x12A20]  }
0x30d: {  	[tilespmem:s31+$0x18D90] =	vst v1;
	v1 =	vld [tilespmem:s31+$0x12A80]  }
0x30e: {  	[tilespmem:s31+$0x18DA0] =	vst v2;
	v2 =	vld [tilespmem:s31+$0x12A90]  }
0x30f: {  	[tilespmem:s31+$0x18E00] =	vst v3;
	v3 =	vld [tilespmem:s31+$0x12AA0]  }
0x310: {  	[tilespmem:s31+$0x18E10] =	vst v4;
	v4 =	vld [tilespmem:s31+$0x12B00]  }
0x311: {  	[tilespmem:s31+$0x18E20] =	vst v0;
	v0 =	vld [tilespmem:s31+$0x12B10]  }
0x312: {  	[tilespmem:s31+$0x18E80] =	vst v1;
	v1 =	vld [tilespmem:s31+$0x12B20]  }
0x313: {  	[tilespmem:s31+$0x18E90] =	vst v2;
	v2 =	vld [tilespmem:s31+$0x12B80]  }
0x314: {  	[tilespmem:s31+$0x18EA0] =	vst v3;
	v3 =	vld [tilespmem:s31+$0x12B90]  }
0x315: {  	[tilespmem:s31+$0x18F00] =	vst v4;
	v4 =	vld [tilespmem:s31+$0x12BA0]  }
0x316: {  	[tilespmem:s31+$0x18F10] =	vst v0;
	v0 =	vld [tilespmem:s31+$0x12C00]  }
0x317: {  	[tilespmem:s31+$0x18F20] =	vst v1;
	v1 =	vld [tilespmem:s31+$0x12C10]  }
0x318: {  	[tilespmem:s31+$0x18F80] =	vst v2;
	v2 =	vld [tilespmem:s31+$0x12C20]  }
0x319: {  	[tilespmem:s31+$0x18F90] =	vst v3;
	v3 =	vld [tilespmem:s31+$0x12C80]  }
0x31a: {  	[tilespmem:s31+$0x18FA0] =	vst v4;
	v4 =	vld [tilespmem:s31+$0x12C90]  }
0x31b: {  	[tilespmem:s31+$0x19000] =	vst v0;
	v0 =	vld [tilespmem:s31+$0x12CA0]  }
0x31c: {  	[tilespmem:s31+$0x19010] =	vst v1;
	v1 =	vld [tilespmem:s31+$0x12D00]  }
0x31d: {  	[tilespmem:s31+$0x19020] =	vst v2;
	v2 =	vld [tilespmem:s31+$0x12D10]  }
0x31e: {  	[tilespmem:s31+$0x19080] =	vst v3;
	v3 =	vld [tilespmem:s31+$0x12D20]  }
0x31f: {  	[tilespmem:s31+$0x19090] =	vst v4;
	v4 =	vld [tilespmem:s31+$0x12D80]  }
0x320: {  	[tilespmem:s31+$0x190A0] =	vst v0;
	v0 =	vld [tilespmem:s31+$0x12D90]  }
0x321: {  	[tilespmem:s31+$0x19100] =	vst v1;
	v1 =	vld [tilespmem:s31+$0x12DA0]  }
0x322: {  	[tilespmem:s31+$0x19110] =	vst v2;
	v2 =	vld [tilespmem:s31+$0x12E00]  }
0x323: {  	[tilespmem:s31+$0x19120] =	vst v3;
	v3 =	vld [tilespmem:s31+$0x12E10]  }
0x324: {  	[tilespmem:s31+$0x19180] =	vst v4;
	v4 =	vld [tilespmem:s31+$0x12E20]  }
0x325: {  	[tilespmem:s31+$0x19190] =	vst v0;
	v0 =	vld [tilespmem:s31+$0x12E80]  }
0x326: {  	[tilespmem:s31+$0x191A0] =	vst v1;
	v1 =	vld [tilespmem:s31+$0x12E90]  }
0x327: {  	[tilespmem:s31+$0x19200] =	vst v2;
	v2 =	vld [tilespmem:s31+$0x12EA0]  }
0x328: {  	[tilespmem:s31+$0x19210] =	vst v3;
	v3 =	vld [tilespmem:s31+$0x12F00]  }
0x329: {  	[tilespmem:s31+$0x19220] =	vst v4;
	v4 =	vld [tilespmem:s31+$0x12F10]  }
0x32a: {  	[tilespmem:s31+$0x19280] =	vst v0;
	v0 =	vld [tilespmem:s31+$0x12F20]  }
0x32b: {  	[tilespmem:s31+$0x19290] =	vst v1;
	v1 =	vld [tilespmem:s31+$0x12F80]  }
0x32c: {  	[tilespmem:s31+$0x192A0] =	vst v2;
	v2 =	vld [tilespmem:s31+$0x12F90]  }
0x32d: {  	[tilespmem:s31+$0x19300] =	vst v3;
	v3 =	vld [tilespmem:s31+$0x12FA0]  }
0x32e: {  	[tilespmem:s31+$0x19310] =	vst v4;
	v4 =	vld [tilespmem:s31+$0x13000]  }
0x32f: {  	[tilespmem:s31+$0x19320] =	vst v0;
	v0 =	vld [tilespmem:s31+$0x13010]  }
0x330: {  	s1 =	sshra.s32 s0, $0x2;
	[tilespmem:s31+$0x19380] =	vst v1;
	v1 =	vld [tilespmem:s31+$0x13020]  }
0x331: {  	v5 =	vld [tilespmem:s1+$0x128B0];
	[tilespmem:s31+$0x19390] =	vst v2  }
0x332: {  	v2 =	vld [tilespmem:s1+$0x128B1];
	[tilespmem:s31+$0x193A0] =	vst v3  }
0x333: {  	v3 =	vld [tilespmem:s1+$0x12930];
	[tilespmem:s31+$0x19400] =	vst v4  }
0x334: {  	v4 =	vld [tilespmem:s1+$0x12931];
	[tilespmem:s31+$0x19410] =	vst v0  }
0x335: {  	v0 =	vld [tilespmem:s1+$0x129B0];
	[tilespmem:s31+$0x19420] =	vst v1;
	s31 =	smov.u32 s1  }
0x336: {  	[tilespmem:s31+$0x18CB0] =	vst v5;
	v1 =	vld [tilespmem:s31+$0x129B1]  }
0x337: {  	[tilespmem:s31+$0x18CB1] =	vst v2;
	v2 =	vld [tilespmem:s31+$0x12A30]  }
0x338: {  	[tilespmem:s31+$0x18D30] =	vst v3;
	v3 =	vld [tilespmem:s31+$0x12A31]  }
0x339: {  	[tilespmem:s31+$0x18D31] =	vst v4;
	v4 =	vld [tilespmem:s31+$0x12AB0]  }
0x33a: {  	[tilespmem:s31+$0x18DB0] =	vst v0;
	v0 =	vld [tilespmem:s31+$0x12AB1]  }
0x33b: {  	[tilespmem:s31+$0x18DB1] =	vst v1;
	v1 =	vld [tilespmem:s31+$0x12B30]  }
0x33c: {  	[tilespmem:s31+$0x18E30] =	vst v2;
	v2 =	vld [tilespmem:s31+$0x12B31]  }
0x33d: {  	[tilespmem:s31+$0x18E31] =	vst v3;
	v3 =	vld [tilespmem:s31+$0x12BB0]  }
0x33e: {  	[tilespmem:s31+$0x18EB0] =	vst v4;
	v4 =	vld [tilespmem:s31+$0x12BB1]  }
0x33f: {  	[tilespmem:s31+$0x18EB1] =	vst v0;
	v0 =	vld [tilespmem:s31+$0x12C30]  }
0x340: {  	[tilespmem:s31+$0x18F30] =	vst v1;
	v1 =	vld [tilespmem:s31+$0x12C31]  }
0x341: {  	[tilespmem:s31+$0x18F31] =	vst v2;
	v2 =	vld [tilespmem:s31+$0x12CB0]  }
0x342: {  	[tilespmem:s31+$0x18FB0] =	vst v3;
	v3 =	vld [tilespmem:s31+$0x12CB1]  }
0x343: {  	[tilespmem:s31+$0x18FB1] =	vst v4;
	v4 =	vld [tilespmem:s31+$0x12D30]  }
0x344: {  	[tilespmem:s31+$0x19030] =	vst v0;
	v0 =	vld [tilespmem:s31+$0x12D31]  }
0x345: {  	[tilespmem:s31+$0x19031] =	vst v1;
	v1 =	vld [tilespmem:s31+$0x12DB0]  }
0x346: {  	[tilespmem:s31+$0x190B0] =	vst v2;
	v2 =	vld [tilespmem:s31+$0x12DB1]  }
0x347: {  	[tilespmem:s31+$0x190B1] =	vst v3;
	v3 =	vld [tilespmem:s31+$0x12E30]  }
0x348: {  	[tilespmem:s31+$0x19130] =	vst v4;
	v5 =	vld [tilespmem:s31+$0x12E31]  }
0x349: {  	[tilespmem:s31+$0x19131] =	vst v0;
	v6 =	vld [tilespmem:s31+$0x12EB0]  }
0x34a: {  	[tilespmem:s31+$0x191B0] =	vst v1;
	v7 =	vld [tilespmem:s31+$0x12EB1]  }
.Ltmp6:
0x34b: {  	[tilespmem:s31+$0x191B1] =	vst v2;
	v4 =	vld [tilespmem:s31+$0x12F30];
	(pc) =	sbr.rel @p2 .LBB2_11-.Ltmp6, $4  }
0x34c: {  	[tilespmem:s31+$0x19230] =	vst v3;
	v0 =	vld [tilespmem:s31+$0x12F31]  }
0x34d: {  	[tilespmem:s31+$0x19231] =	vst v5;
	v1 =	vld [tilespmem:s31+$0x12FB0]  }
0x34e: {  	[tilespmem:s31+$0x192B0] =	vst v6;
	v2 =	vld [tilespmem:s31+$0x12FB1]  }
0x34f: {  	s0 =	sadd.s32 $0x2000, s0;
	[tilespmem:s31+$0x192B1] =	vst v7;
	v3 =	vld [tilespmem:s31+$0x13030]  }
0x350: {  	[tilespmem:s31+$0x19330] =	vst v4;
	v16 =	vld [tilespmem:s31+$0x13031]  }
0x351: {  	v5 =	vld [tilespmem:s31+$0x12880];
	[tilespmem:s31+$0x19331] =	vst v0  }
0x352: {  	v17 =	vld [tilespmem:s31+$0x12890];
	[tilespmem:s31+$0x193B0] =	vst v1  }
0x353: {  	v18 =	vld [tilespmem:s31+$0x128A0];
	[tilespmem:s31+$0x193B1] =	vst v2  }
0x354: {  	v19 =	vld [tilespmem:s31+$0x12900];
	[tilespmem:s31+$0x19430] =	vst v3  }
0x355: {  	v20 =	vld [tilespmem:s31+$0x12910];
	[tilespmem:s31+$0x19431] =	vst v16  }
0x356: {  	v21 =	vld [tilespmem:s31+$0x12920];
	[tilespmem:s31+$0x18C80] =	vst v5  }
0x357: {  	v22 =	vld [tilespmem:s31+$0x12980];
	[tilespmem:s31+$0x18C90] =	vst v17  }
0x358: {  	v23 =	vld [tilespmem:s31+$0x12990];
	[tilespmem:s31+$0x18CA0] =	vst v18  }
0x359: {  	v24 =	vld [tilespmem:s31+$0x129A0];
	[tilespmem:s31+$0x18D00] =	vst v19  }
0x35a: {  	v25 =	vld [tilespmem:s31+$0x12A00];
	[tilespmem:s31+$0x18D10] =	vst v20  }
0x35b: {  	v26 =	vld [tilespmem:s31+$0x12A10];
	[tilespmem:s31+$0x18D20] =	vst v21  }
0x35c: {  	v27 =	vld [tilespmem:s31+$0x12A20];
	[tilespmem:s31+$0x18D80] =	vst v22  }
0x35d: {  	v28 =	vld [tilespmem:s31+$0x12A80];
	[tilespmem:s31+$0x18D90] =	vst v23  }
0x35e: {  	v29 =	vld [tilespmem:s31+$0x12A90];
	[tilespmem:s31+$0x18DA0] =	vst v24  }
0x35f: {  	v30 =	vld [tilespmem:s31+$0x12AA0];
	[tilespmem:s31+$0x18E00] =	vst v25  }
0x360: {  	v31 =	vld [tilespmem:s31+$0x12B00];
	[tilespmem:s31+$0x18E10] =	vst v26  }
0x361: {  	v32 =	vld [tilespmem:s31+$0x12B10];
	[tilespmem:s31+$0x18E20] =	vst v27  }
0x362: {  	v33 =	vld [tilespmem:s31+$0x12B20];
	[tilespmem:s31+$0x18E80] =	vst v28  }
0x363: {  	v34 =	vld [tilespmem:s31+$0x12B80];
	[tilespmem:s31+$0x18E90] =	vst v29  }
0x364: {  	v35 =	vld [tilespmem:s31+$0x12B90];
	[tilespmem:s31+$0x18EA0] =	vst v30  }
0x365: {  	v36 =	vld [tilespmem:s31+$0x12BA0];
	[tilespmem:s31+$0x18F00] =	vst v31  }
0x366: {  	v37 =	vld [tilespmem:s31+$0x12C00];
	[tilespmem:s31+$0x18F10] =	vst v32  }
0x367: {  	v38 =	vld [tilespmem:s31+$0x12C10];
	[tilespmem:s31+$0x18F20] =	vst v33  }
0x368: {  	v39 =	vld [tilespmem:s31+$0x12C20];
	[tilespmem:s31+$0x18F80] =	vst v34  }
0x369: {  	v40 =	vld [tilespmem:s31+$0x12C80];
	[tilespmem:s31+$0x18F90] =	vst v35  }
0x36a: {  	v41 =	vld [tilespmem:s31+$0x12C90];
	[tilespmem:s31+$0x18FA0] =	vst v36  }
0x36b: {  	v42 =	vld [tilespmem:s31+$0x12CA0];
	[tilespmem:s31+$0x19000] =	vst v37  }
0x36c: {  	v43 =	vld [tilespmem:s31+$0x12D00];
	[tilespmem:s31+$0x19010] =	vst v38  }
0x36d: {  	v44 =	vld [tilespmem:s31+$0x12D10];
	[tilespmem:s31+$0x19020] =	vst v39  }
0x36e: {  	v45 =	vld [tilespmem:s31+$0x12D20];
	[tilespmem:s31+$0x19080] =	vst v40  }
0x36f: {  	v46 =	vld [tilespmem:s31+$0x12D80];
	[tilespmem:s31+$0x19090] =	vst v41  }
0x370: {  	v47 =	vld [tilespmem:s31+$0x12D90];
	[tilespmem:s31+$0x190A0] =	vst v42  }
0x371: {  	v48 =	vld [tilespmem:s31+$0x12DA0];
	[tilespmem:s31+$0x19100] =	vst v43  }
0x372: {  	v49 =	vld [tilespmem:s31+$0x12E00];
	[tilespmem:s31+$0x19110] =	vst v44  }
0x373: {  	v50 =	vld [tilespmem:s31+$0x12E10];
	[tilespmem:s31+$0x19120] =	vst v45  }
0x374: {  	v51 =	vld [tilespmem:s31+$0x12E20];
	[tilespmem:s31+$0x19180] =	vst v46  }
0x375: {  	v52 =	vld [tilespmem:s31+$0x12E80];
	[tilespmem:s31+$0x19190] =	vst v47  }
0x376: {  	v53 =	vld [tilespmem:s31+$0x12E90];
	[tilespmem:s31+$0x191A0] =	vst v48  }
0x377: {  	v54 =	vld [tilespmem:s31+$0x12EA0];
	[tilespmem:s31+$0x19200] =	vst v49  }
0x378: {  	v55 =	vld [tilespmem:s31+$0x12F00];
	[tilespmem:s31+$0x19210] =	vst v50  }
0x379: {  	v56 =	vld [tilespmem:s31+$0x12F10];
	[tilespmem:s31+$0x19220] =	vst v51  }
0x37a: {  	v57 =	vld [tilespmem:s31+$0x12F20];
	[tilespmem:s31+$0x19280] =	vst v52  }
0x37b: {  	v58 =	vld [tilespmem:s31+$0x12F80];
	[tilespmem:s31+$0x19290] =	vst v53  }
0x37c: {  	v59 =	vld [tilespmem:s31+$0x12F90];
	[tilespmem:s31+$0x192A0] =	vst v54  }
0x37d: {  	v60 =	vld [tilespmem:s31+$0x12FA0];
	[tilespmem:s31+$0x19300] =	vst v55  }
0x37e: {  	v61 =	vld [tilespmem:s31+$0x13000];
	[tilespmem:s31+$0x19310] =	vst v56  }
0x37f: {  	v62 =	vld [tilespmem:s31+$0x13010];
	[tilespmem:s31+$0x19320] =	vst v57  }
0x380: {  	v63 =	vld [tilespmem:s31+$0x13020];
	[tilespmem:s31+$0x19380] =	vst v58  }
0x381: {  	[tilespmem:s31+$0x19390] =	vst v59  }
.Ltmp7:
0x382: {  	[tilespmem:s31+$0x193A0] =	vst v60;
	(pc) =	sbr.rel @p1 .LBB2_14-.Ltmp7, $4  }
0x383: {  	[tilespmem:s31+$0x19400] =	vst v61  }
0x384: {  	[tilespmem:s31+$0x19410] =	vst v62  }
0x385: {  	s0 =	sadd.s32 $0x680, s30;
	[tilespmem:s31+$0x19420] =	vst v63  }
0x386: {  	[hbm4b:s0+s3] =	stream.linear.scatter [tilespmem:s24], [sflag:$0x4], $0x3000, $0x38;
	[tilespmem:$0x1BF08] =	vst v63  }
0x387: {  	s0 =	smul.u32 $0x320, s29  }
.Ltmp8:
0x388: {  	_ = 	snop;
	(pc) =	sbr.rel .LBB2_8-.Ltmp8, $4  }
0x389: {  	_ = 	snop  }
0x38a: {  	s0 =	sshra.s32 s0, $0x2  }
0x38b: {  	s29 =	sadd.s32 $0x1, s29;
	s0 =	sadd.s32 $0x130, s0  }
0x38c: {  	[tilespmem:s20], [sflag:$0x2] =	stream.indirect.gather [spmem:s2], $0x80, s0, s19, $0xb8;
	[tilespmem:$0x1BF08] =	vst v63  }
.LBB2_15:
0x38d: {  	_ =	sfence.sel $0x180000  }
0x38e: {  	[bflag:$0x0] =	sbarrier.arrive $0xFFFF  }
0x38f: {  	_ =	strace $0x90000047  }
0x390: {  	[bflag:$0x2] =	sbarrier.arrive $0xFFFF  }
0x391: {  	s0 =	rddreg [dreg:$0x4]  }
0x392: {  	s0 =	sadd.s32 @!p0 $0x100000, s0  }
0x393: {  	[sflag:s0] =	ssyncadd.tile.s32 @!p0 $0x1;
	_ =	shalt  }
.Lfunc_end2:
_tile_overlayer_lowered:
.L_overlay_start_2:
0x394: {  	(tag) =	ssettag $0x2  }
0x395: {  	s0 =	rddreg [dreg:$0x0];
	s2 =	stileid.u32  }
0x396: {  	s1 =	rddreg [dreg:$0x1];
	p0 =	sne.s32 s2, $0x0  }
0x397: {  	s3 =	rddreg [dreg:$0x2];
	[bflag:$0x3] =	sbarrier.arrive $0xFFFF;
	s2 =	simm.s32 @!p0 $0x1C05  }
0x398: {  	[timem:s3], [sflag:s2] =	dma.local @!p0 [hbm:s0], s1  }
0x399: {  	s0 =	simm.s32 @!p0 $0x5  }
0x39a: {  	_ =	swait.ge @!p0 [sflag:s0], s1  }
0x39b: {  	s1 =	ssub.s32 @!p0 $0x0, s1;
	[sflag:s0] =	ssyncset.done @!p0 $0x0  }
0x39c: {  	[sflag:s0] =	ssyncadd.s32 @!p0 s1  }
0x39d: {  	[bflag:$0x3] =	sbarrier.arrive $0xFFFF  }
0x39e: {  	_ =	shalt  }

</sc_bundles>
